<compile_context>
chip_gen: v7x
topology: tpu7x:2x2x1
jax: 0.10.2.dev20260603
libtpu: 0.0.44.dev20260713+nightly
codegen_flags: <defaults>
</compile_context>

<pallas_src>
import jax
import jax.numpy as jnp
from jax import lax
from jax.experimental import pallas as pl
from jax.experimental.pallas import tpu as pltpu
from jax.experimental.pallas import tpu_sc as plsc

N = 10000
E = 160000
D = 256
H = 128
L = 16
NS = 16
NPH = 10112
RT = NPH // NS
EROWS = 1280
RPT = EROWS // NS
K8 = H // L


def _scores_body(hs_ref, ht_ref, w_ref, s1_ref, s2_ref):
    w = w_ref[0]
    s1_ref[...] = jnp.dot(hs_ref[...], w[:D], preferred_element_type=jnp.float32)
    s2_ref[...] = jnp.dot(ht_ref[...], w[D:], preferred_element_type=jnp.float32)


def _scores(h_sent, h_type, attn_W):
    return pl.pallas_call(
        _scores_body,
        out_shape=[
            jax.ShapeDtypeStruct((N,), jnp.float32),
            jax.ShapeDtypeStruct((N,), jnp.float32),
        ],
    )(h_sent, h_type, attn_W)


def _full16(v):
    return jnp.full((L,), v, dtype=jnp.int32)


def _gat_sc_body(hs2, ht2, src2, dst2, s1h, s2h, out2,
                 acc_sh, den_sh, s1_sh, s2_sh,
                 dstb, srcc, rowb, s1row, s2row, dnrow, exrow, denbuf,
                 alrow, sem):
    c = lax.axis_index("c")
    s = lax.axis_index("s")
    zero16 = jnp.zeros((L,), jnp.float32)
    coff = c * NPH
    ebase = s * RPT

    def _zrow(i, carry):
        for k in range(K8):
            rowb[0, i, pl.ds(k * L, L)] = zero16
        return carry

    lax.fori_loop(0, H, _zrow, None)
    for k in range(K8):
        denbuf[pl.ds(k * L, L)] = zero16

    for k4 in range(4):
        pltpu.sync_copy(rowb.at[0], acc_sh.at[pl.ds(s * RT + k4 * H, H)])
        pltpu.sync_copy(denbuf, den_sh.at[pl.ds(s * RT + k4 * H, H)])
    pltpu.sync_copy(rowb.at[0, pl.ds(0, RT - 4 * H)],
                    acc_sh.at[pl.ds(s * RT + 4 * H, RT - 4 * H)])
    pltpu.sync_copy(denbuf.at[pl.ds(0, RT - 4 * H)],
                    den_sh.at[pl.ds(s * RT + 4 * H, RT - 4 * H)])

    @pl.when(s < 10)
    def _stage_scores():
        for i8, sz in [(0, H), (1, H), (2, H), (3, H), (4, H), (5, H),
                       (6, H), (7, 1000 - 7 * H)]:
            off = s * 1000 + i8 * H
            pltpu.sync_copy(s1h.at[pl.ds(off, sz)], exrow.at[pl.ds(0, sz)])
            pltpu.sync_copy(exrow.at[pl.ds(0, sz)], s1_sh.at[pl.ds(off, sz)])
            pltpu.sync_copy(s2h.at[pl.ds(off, sz)], exrow.at[pl.ds(0, sz)])
            pltpu.sync_copy(exrow.at[pl.ds(0, sz)], s2_sh.at[pl.ds(off, sz)])

    @pl.when(s == 10)
    def _stage_s2_tail():
        pltpu.sync_copy(denbuf.at[pl.ds(0, L)], s2_sh.at[pl.ds(N, L)])

    pltpu.sync_copy(dst2.at[pl.ds(ebase, RPT)], dstb)

    plsc.subcore_barrier()

    for c5 in range(RPT // L):
        pltpu.sync_copy(src2.at[pl.ds(ebase + c5 * L, L)], srcc.at[pl.ds(0, L)])

        def _erow(j16, carry):
            jj = c5 * L + j16
            pltpu.sync_copy(s1_sh.at[srcc.at[j16]], s1row)
            pltpu.sync_copy(s2_sh.at[dstb.at[jj]], s2row)
            for k in range(K8):
                sl = pl.ds(k * L, L)
                a = s1row[sl] + s2row[sl]
                e = jnp.maximum(a, 0.01 * a)
                exrow[sl] = jnp.exp(e)
            pltpu.sync_copy(exrow, den_sh.at[dstb.at[jj]], add=True)
            return carry

        lax.fori_loop(0, L, _erow, None)

    plsc.subcore_barrier()

    def _p4_step(j, carry):
        b = lax.rem(j, 2)
        bm = lax.rem(j + 1, 2)

        @pl.when(j < RPT)
        def _issue():
            j16 = lax.rem(j, L)
            cbase = pl.multiple_of(lax.rem(lax.div(j, L), 2) * L, L)
            crow = cbase + j16

            @pl.when(j16 == 0)
            def _stage_chunk():
                jm16 = pl.multiple_of(ebase + j, L)
                pltpu.sync_copy(src2.at[pl.ds(jm16, L)],
                                srcc.at[pl.ds(cbase, L)])

            pltpu.sync_copy(s1_sh.at[srcc.at[crow]], s1row)
            pltpu.sync_copy(s2_sh.at[dstb.at[j]], s2row)
            pltpu.sync_copy(den_sh.at[dstb.at[j]], dnrow)
            for k in range(K8):
                sl = pl.ds(k * L, L)
                srcc[crow, sl] = srcc[crow, sl] + coff
                a = s1row[sl] + s2row[sl]
                e = jnp.maximum(a, 0.01 * a)
                alrow[b, sl] = jnp.exp(e) / dnrow[sl]
            pltpu.async_copy(hs2.at[srcc.at[crow]], rowb.at[b], sem.at[b])

        @pl.when(j > 0)
        def _process():
            jm = j - 1
            pltpu.make_async_copy(hs2.at[pl.ds(0, H)], rowb.at[bm],
                                  sem.at[bm]).wait()

            def _scale(r, cr):
                av = plsc.load_gather(alrow, [_full16(bm), _full16(r)])
                for k in range(K8):
                    sl = pl.ds(k * L, L)
                    rowb[bm, r, sl] = rowb[bm, r, sl] * av
                return cr

            lax.fori_loop(0, H, _scale, None)
            pltpu.sync_copy(rowb.at[bm], acc_sh.at[dstb.at[jm]], add=True)

        return carry

    lax.fori_loop(0, RPT + 1, _p4_step, None)

    plsc.subcore_barrier()

    def _epi_chunk(rb, sz):
        pltpu.sync_copy(acc_sh.at[pl.ds(rb, sz)], rowb.at[0, pl.ds(0, sz)])
        pltpu.sync_copy(ht2.at[pl.ds(coff + rb, sz)], rowb.at[1, pl.ds(0, sz)])
        pltpu.sync_copy(den_sh.at[pl.ds(rb, sz)], denbuf.at[pl.ds(0, sz)])

        def _sel(r, cr):
            dn = plsc.load_gather(denbuf, [_full16(r)])
            m = dn > 0.0
            for k in range(K8):
                sl = pl.ds(k * L, L)
                rowb[0, r, sl] = jnp.where(m, rowb[0, r, sl], rowb[1, r, sl])
            return cr

        lax.fori_loop(0, sz, _sel, None)
        pltpu.sync_copy(rowb.at[0, pl.ds(0, sz)], out2.at[pl.ds(coff + rb, sz)])

    for k4 in range(4):
        _epi_chunk(s * RT + k4 * H, H)

    @pl.when(s < NS - 1)
    def _epi_tail():
        _epi_chunk(s * RT + 4 * H, RT - 4 * H)

    @pl.when(s == NS - 1)
    def _epi_last():
        _epi_chunk((NS - 1) * RT + 4 * H, N - ((NS - 1) * RT + 4 * H))


def kernel(h_sent, h_type, edge_index, attn_W):
    s1, s2 = _scores(h_sent, h_type, attn_W)

    zpad = jnp.zeros((NPH - N, H), jnp.float32)
    hs2 = jnp.concatenate([h_sent[:, :H], zpad, h_sent[:, H:], zpad], axis=0)
    ht2 = jnp.concatenate([h_type[:, :H], zpad, h_type[:, H:], zpad], axis=0)

    npad = EROWS * H - E
    pad_src = jnp.arange(npad, dtype=jnp.int32) % N
    pad_dst = N + (jnp.arange(npad, dtype=jnp.int32) % L)
    src2 = jnp.concatenate([edge_index[0], pad_src]).reshape(EROWS, H)
    dst2 = jnp.concatenate([edge_index[1], pad_dst]).reshape(EROWS, H)

    mesh = plsc.VectorSubcoreMesh(core_axis_name="c", subcore_axis_name="s",
                                  num_cores=2, num_subcores=NS)
    out2 = pl.kernel(
        _gat_sc_body,
        out_type=jax.ShapeDtypeStruct((2 * NPH, H), jnp.float32),
        mesh=mesh,
        compiler_params=pltpu.CompilerParams(needs_layout_passes=False),
        scratch_types=[
            pltpu.VMEM_SHARED((NPH, H), jnp.float32),
            pltpu.VMEM_SHARED((NPH,), jnp.float32),
            pltpu.VMEM_SHARED((N,), jnp.float32),
            pltpu.VMEM_SHARED((N + L,), jnp.float32),
            pltpu.VMEM((RPT, H), jnp.int32),
            pltpu.VMEM((2 * L, H), jnp.int32),
            pltpu.VMEM((2, H, H), jnp.float32),
            pltpu.VMEM((H,), jnp.float32),
            pltpu.VMEM((H,), jnp.float32),
            pltpu.VMEM((H,), jnp.float32),
            pltpu.VMEM((H,), jnp.float32),
            pltpu.VMEM((H,), jnp.float32),
            pltpu.VMEM((2, H), jnp.float32),
            pltpu.SemaphoreType.DMA((2,)),
        ],
    )(hs2, ht2, src2, dst2, s1, s2)

    return jnp.concatenate([out2[:N], out2[NPH:NPH + N]], axis=1)

# --- scband reference (transcript-rebuilt; emitter-appended) ---
"""Pipeline reference for scband-gatlayer-25598005084422 (READ-ONLY COPY).

The authoritative reference and input builder live on the scoring server;
editing this copy changes nothing except your own understanding.
"""

import jax, jax.numpy as jnp
import numpy as np

N = 10000
E = 160000
D = 256


def setup_inputs(seed: int = 0) -> dict:
    key = jax.random.key(seed)
    k1, k2, k3, k4 = jax.random.split(key, 4)
    h_sent = jax.random.normal(k1, (N, D), dtype=jnp.float32)
    h_type = jax.random.normal(k2, (N, D), dtype=jnp.float32)
    edge_index = jax.random.randint(k3, (2, E), 0, N, dtype=jnp.int32)
    # nn.Linear(2*D, 1, bias=False) weight, shape [1, 2*D]
    attn_W = jax.random.normal(k4, (1, 2 * D), dtype=jnp.float32) * (1.0 / np.sqrt(2 * D))
    return {"h_sent": h_sent, "h_type": h_type, "edge_index": edge_index, "attn_W": attn_W}


def reference(h_sent, h_type, edge_index, attn_W):
    src = edge_index[0]
    dst = edge_index[1]
    # edge_attention: e = leaky_relu(attn_fc(cat(src_h, dst_h)))
    z2 = jnp.concatenate([h_sent[src], h_type[dst]], axis=1)          # [E, 2D]
    a = z2 @ attn_W.T                                                  # [E, 1]
    e = jax.nn.leaky_relu(a, negative_slope=0.01)[:, 0]               # [E]
    # reduce_func: softmax of e over incoming edges of each dst node,
    # then weighted sum of src h (numerically-stable segment softmax)
    m = jax.ops.segment_max(e, dst, num_segments=N)                   # [N]
    m = jnp.where(jnp.isfinite(m), m, 0.0)
    ex = jnp.exp(e - m[dst])                                           # [E]
    denom = jax.ops.segment_sum(ex, dst, num_segments=N)              # [N]
    alpha = ex / denom[dst]                                            # [E]
    h_new = jax.ops.segment_sum(alpha[:, None] * h_sent[src], dst, num_segments=N)  # [N, D]
    # DGL update_all leaves nodes with no incoming messages untouched
    deg = jax.ops.segment_sum(jnp.ones_like(e), dst, num_segments=N)  # [N]
    h_out = jnp.where(deg[:, None] > 0, h_new, h_type)
    return h_out

if __name__ == "__main__":
    import jax
    _d = setup_inputs()
    print(jax.jit(kernel)(*tuple(_d.values())))

</pallas_src>

<mosaic_0001>
#map = affine_map<(d0, d1) -> (0, 0)>
#map1 = affine_map<(d0, d1) -> (0)>
module attributes {stable_mosaic.version = 14 : i64} {
  func.func @_gat_sc_body(%arg0: i32, %arg1: i32, %arg2: memref<20224x128xf32, #tpu.memory_space<hbm>>, %arg3: memref<20224x128xf32, #tpu.memory_space<hbm>>, %arg4: memref<1280x128xi32, #tpu.memory_space<hbm>>, %arg5: memref<1280x128xi32, #tpu.memory_space<hbm>>, %arg6: memref<10000xf32, #tpu.memory_space<hbm>>, %arg7: memref<10000xf32, #tpu.memory_space<hbm>>, %arg8: memref<20224x128xf32, #tpu.memory_space<hbm>>, %arg9: memref<10112x128xf32, #tpu.memory_space<vmem_shared>>, %arg10: memref<10112xf32, #tpu.memory_space<vmem_shared>>, %arg11: memref<10000xf32, #tpu.memory_space<vmem_shared>>, %arg12: memref<10016xf32, #tpu.memory_space<vmem_shared>>, %arg13: memref<80x128xi32, #tpu.memory_space<vmem>>, %arg14: memref<32x128xi32, #tpu.memory_space<vmem>>, %arg15: memref<2x128x128xf32, #tpu.memory_space<vmem>>, %arg16: memref<128xf32, #tpu.memory_space<vmem>>, %arg17: memref<128xf32, #tpu.memory_space<vmem>>, %arg18: memref<128xf32, #tpu.memory_space<vmem>>, %arg19: memref<128xf32, #tpu.memory_space<vmem>>, %arg20: memref<128xf32, #tpu.memory_space<vmem>>, %arg21: memref<2x128xf32, #tpu.memory_space<vmem>>, %arg22: memref<2x!tpu.dma_semaphore, #tpu.memory_space<semaphore_mem>>) attributes {dimension_semantics = [#tpu.dimension_semantics<core_parallel>, #tpu.dimension_semantics<subcore_parallel>], iteration_bounds = array<i64: 2, 16>, scalar_prefetch = 0 : i64, scratch_operands = 14 : i64, tpu.core_type = #tpu.core_type<sc_vector_subcore>, window_params = [{transform_indices = #map}, {transform_indices = #map}, {transform_indices = #map}, {transform_indices = #map}, {transform_indices = #map1}, {transform_indices = #map1}, {transform_indices = #map}]} {
    %broadcast_in_dim3A = arith.constant 0.000000e+00 : f32
    %broadcast_in_dim3A_0 = vector.broadcast %broadcast_in_dim3A : f32 to vector<16xf32>
    %mul3A = arith.constant 10112 : i32
    %mul3A_1 = arith.muli %arg0, %mul3A : i32
    %mul3A_2 = arith.constant 80 : i32
    %mul3A_3 = arith.muli %arg1, %mul3A_2 : i32
    %scan3A = arith.constant 0 : i32
    %scan3A_4 = arith.constant 128 : i32
    %scan3A_5 = arith.addi %scan3A, %scan3A_4 : i32
    %scan3A_6 = arith.constant 1 : i32
    scf.for %scan3A_180 = %scan3A to %scan3A_5 step %scan3A_6  : i32 {
      %swap3A_181 = arith.constant 0 : i32
      %swap3A_182 = arith.index_cast %swap3A_181 : i32 to index
      %swap3A_183 = arith.index_cast %scan3A_180 : i32 to index
      %swap3A_184 = arith.constant 0 : index
      %swap3A_185 = tpu.vector_load %arg15[%swap3A_182, %swap3A_183, %swap3A_184] {strides = array<i32>} : memref<2x128x128xf32, #tpu.memory_space<vmem>>, vector<16xf32>,
      tpu.vector_store %arg15[%swap3A_182, %swap3A_183, %swap3A_184], %broadcast_in_dim3A_0 {strides = array<i32>} : memref<2x128x128xf32, #tpu.memory_space<vmem>>, vector<16xf32>,
      %swap3A_186 = arith.constant 0 : i32
      %swap3A_187 = arith.index_cast %swap3A_186 : i32 to index
      %swap3A_188 = arith.index_cast %scan3A_180 : i32 to index
      %swap3A_189 = arith.constant 16 : index
      %swap3A_190 = tpu.vector_load %arg15[%swap3A_187, %swap3A_188, %swap3A_189] {strides = array<i32>} : memref<2x128x128xf32, #tpu.memory_space<vmem>>, vector<16xf32>,
      tpu.vector_store %arg15[%swap3A_187, %swap3A_188, %swap3A_189], %broadcast_in_dim3A_0 {strides = array<i32>} : memref<2x128x128xf32, #tpu.memory_space<vmem>>, vector<16xf32>,
      %swap3A_191 = arith.constant 0 : i32
      %swap3A_192 = arith.index_cast %swap3A_191 : i32 to index
      %swap3A_193 = arith.index_cast %scan3A_180 : i32 to index
      %swap3A_194 = arith.constant 32 : index
      %swap3A_195 = tpu.vector_load %arg15[%swap3A_192, %swap3A_193, %swap3A_194] {strides = array<i32>} : memref<2x128x128xf32, #tpu.memory_space<vmem>>, vector<16xf32>,
      tpu.vector_store %arg15[%swap3A_192, %swap3A_193, %swap3A_194], %broadcast_in_dim3A_0 {strides = array<i32>} : memref<2x128x128xf32, #tpu.memory_space<vmem>>, vector<16xf32>,
      %swap3A_196 = arith.constant 0 : i32
      %swap3A_197 = arith.index_cast %swap3A_196 : i32 to index
      %swap3A_198 = arith.index_cast %scan3A_180 : i32 to index
      %swap3A_199 = arith.constant 48 : index
      %swap3A_200 = tpu.vector_load %arg15[%swap3A_197, %swap3A_198, %swap3A_199] {strides = array<i32>} : memref<2x128x128xf32, #tpu.memory_space<vmem>>, vector<16xf32>,
      tpu.vector_store %arg15[%swap3A_197, %swap3A_198, %swap3A_199], %broadcast_in_dim3A_0 {strides = array<i32>} : memref<2x128x128xf32, #tpu.memory_space<vmem>>, vector<16xf32>,
      %swap3A_201 = arith.constant 0 : i32
      %swap3A_202 = arith.index_cast %swap3A_201 : i32 to index
      %swap3A_203 = arith.index_cast %scan3A_180 : i32 to index
      %swap3A_204 = arith.constant 64 : index
      %swap3A_205 = tpu.vector_load %arg15[%swap3A_202, %swap3A_203, %swap3A_204] {strides = array<i32>} : memref<2x128x128xf32, #tpu.memory_space<vmem>>, vector<16xf32>,
      tpu.vector_store %arg15[%swap3A_202, %swap3A_203, %swap3A_204], %broadcast_in_dim3A_0 {strides = array<i32>} : memref<2x128x128xf32, #tpu.memory_space<vmem>>, vector<16xf32>,
      %swap3A_206 = arith.constant 0 : i32
      %swap3A_207 = arith.index_cast %swap3A_206 : i32 to index
      %swap3A_208 = arith.index_cast %scan3A_180 : i32 to index
      %swap3A_209 = arith.constant 80 : index
      %swap3A_210 = tpu.vector_load %arg15[%swap3A_207, %swap3A_208, %swap3A_209] {strides = array<i32>} : memref<2x128x128xf32, #tpu.memory_space<vmem>>, vector<16xf32>,
      tpu.vector_store %arg15[%swap3A_207, %swap3A_208, %swap3A_209], %broadcast_in_dim3A_0 {strides = array<i32>} : memref<2x128x128xf32, #tpu.memory_space<vmem>>, vector<16xf32>,
      %swap3A_211 = arith.constant 0 : i32
      %swap3A_212 = arith.index_cast %swap3A_211 : i32 to index
      %swap3A_213 = arith.index_cast %scan3A_180 : i32 to index
      %swap3A_214 = arith.constant 96 : index
      %swap3A_215 = tpu.vector_load %arg15[%swap3A_212, %swap3A_213, %swap3A_214] {strides = array<i32>} : memref<2x128x128xf32, #tpu.memory_space<vmem>>, vector<16xf32>,
      tpu.vector_store %arg15[%swap3A_212, %swap3A_213, %swap3A_214], %broadcast_in_dim3A_0 {strides = array<i32>} : memref<2x128x128xf32, #tpu.memory_space<vmem>>, vector<16xf32>,
      %swap3A_216 = arith.constant 0 : i32
      %swap3A_217 = arith.index_cast %swap3A_216 : i32 to index
      %swap3A_218 = arith.index_cast %scan3A_180 : i32 to index
      %swap3A_219 = arith.constant 112 : index
      %swap3A_220 = tpu.vector_load %arg15[%swap3A_217, %swap3A_218, %swap3A_219] {strides = array<i32>} : memref<2x128x128xf32, #tpu.memory_space<vmem>>, vector<16xf32>,
      tpu.vector_store %arg15[%swap3A_217, %swap3A_218, %swap3A_219], %broadcast_in_dim3A_0 {strides = array<i32>} : memref<2x128x128xf32, #tpu.memory_space<vmem>>, vector<16xf32>,
    }
    %scan3A_7 = arith.constant 128 : i32
    %swap3A = arith.constant 0 : index
    %swap3A_8 = tpu.vector_load %arg20[%swap3A] {strides = array<i32>} : memref<128xf32, #tpu.memory_space<vmem>>, vector<16xf32>,
    tpu.vector_store %arg20[%swap3A], %broadcast_in_dim3A_0 {strides = array<i32>} : memref<128xf32, #tpu.memory_space<vmem>>, vector<16xf32>,
    %swap3A_9 = arith.constant 16 : index
    %swap3A_10 = tpu.vector_load %arg20[%swap3A_9] {strides = array<i32>} : memref<128xf32, #tpu.memory_space<vmem>>, vector<16xf32>,
    tpu.vector_store %arg20[%swap3A_9], %broadcast_in_dim3A_0 {strides = array<i32>} : memref<128xf32, #tpu.memory_space<vmem>>, vector<16xf32>,
    %swap3A_11 = arith.constant 32 : index
    %swap3A_12 = tpu.vector_load %arg20[%swap3A_11] {strides = array<i32>} : memref<128xf32, #tpu.memory_space<vmem>>, vector<16xf32>,
    tpu.vector_store %arg20[%swap3A_11], %broadcast_in_dim3A_0 {strides = array<i32>} : memref<128xf32, #tpu.memory_space<vmem>>, vector<16xf32>,
    %swap3A_13 = arith.constant 48 : index
    %swap3A_14 = tpu.vector_load %arg20[%swap3A_13] {strides = array<i32>} : memref<128xf32, #tpu.memory_space<vmem>>, vector<16xf32>,
    tpu.vector_store %arg20[%swap3A_13], %broadcast_in_dim3A_0 {strides = array<i32>} : memref<128xf32, #tpu.memory_space<vmem>>, vector<16xf32>,
    %swap3A_15 = arith.constant 64 : index
    %swap3A_16 = tpu.vector_load %arg20[%swap3A_15] {strides = array<i32>} : memref<128xf32, #tpu.memory_space<vmem>>, vector<16xf32>,
    tpu.vector_store %arg20[%swap3A_15], %broadcast_in_dim3A_0 {strides = array<i32>} : memref<128xf32, #tpu.memory_space<vmem>>, vector<16xf32>,
    %swap3A_17 = arith.constant 80 : index
    %swap3A_18 = tpu.vector_load %arg20[%swap3A_17] {strides = array<i32>} : memref<128xf32, #tpu.memory_space<vmem>>, vector<16xf32>,
    tpu.vector_store %arg20[%swap3A_17], %broadcast_in_dim3A_0 {strides = array<i32>} : memref<128xf32, #tpu.memory_space<vmem>>, vector<16xf32>,
    %swap3A_19 = arith.constant 96 : index
    %swap3A_20 = tpu.vector_load %arg20[%swap3A_19] {strides = array<i32>} : memref<128xf32, #tpu.memory_space<vmem>>, vector<16xf32>,
    tpu.vector_store %arg20[%swap3A_19], %broadcast_in_dim3A_0 {strides = array<i32>} : memref<128xf32, #tpu.memory_space<vmem>>, vector<16xf32>,
    %swap3A_21 = arith.constant 112 : index
    %swap3A_22 = tpu.vector_load %arg20[%swap3A_21] {strides = array<i32>} : memref<128xf32, #tpu.memory_space<vmem>>, vector<16xf32>,
    tpu.vector_store %arg20[%swap3A_21], %broadcast_in_dim3A_0 {strides = array<i32>} : memref<128xf32, #tpu.memory_space<vmem>>, vector<16xf32>,
    %mul3A_23 = arith.constant 632 : i32
    %mul3A_24 = arith.muli %arg1, %mul3A_23 : i32
    %add3A = arith.constant 0 : i32
    %add3A_25 = arith.addi %mul3A_24, %add3A : i32
    %run_scoped3A = arith.constant 0 : i32
    "tpu.region"() ({
      %run_scoped3A_180 = tpu.sem_alloc : memref<!tpu.dma_semaphore, #tpu.memory_space<semaphore_mem>>
      %dma_start3A = arith.constant 0 : i32
      %dma_start3A_181 = arith.constant 0 : i32
      %dma_start3A_182 = tpu.memref_slice %arg15[%run_scoped3A, %dma_start3A, %dma_start3A_181] : memref<2x128x128xf32, #tpu.memory_space<vmem>> -> memref<1x128x128xf32, #tpu.memory_space<vmem>>
      %dma_start3A_183 = tpu.memref_squeeze %dma_start3A_182 : memref<1x128x128xf32, #tpu.memory_space<vmem>> -> memref<128x128xf32, #tpu.memory_space<vmem>>
      %dma_start3A_184 = arith.constant 0 : i32
      %dma_start3A_185 = tpu.memref_slice %arg9[%add3A_25, %dma_start3A_184] : memref<10112x128xf32, #tpu.memory_space<vmem_shared>> -> memref<128x128xf32, #tpu.memory_space<vmem_shared>>
      %dma_start3A_186 = arith.constant 0 : i32
      %dma_start3A_187 = tpu.memref_slice %arg9[%add3A_25, %dma_start3A_186] : memref<10112x128xf32, #tpu.memory_space<vmem_shared>> -> memref<128x128xf32, #tpu.memory_space<vmem_shared>>
      %dma_start3A_188 = arith.constant 0 : i32
      %dma_start3A_189 = arith.constant 0 : i32
      %dma_start3A_190 = tpu.memref_slice %arg15[%run_scoped3A, %dma_start3A_188, %dma_start3A_189] : memref<2x128x128xf32, #tpu.memory_space<vmem>> -> memref<1x128x128xf32, #tpu.memory_space<vmem>>
      %dma_start3A_191 = tpu.memref_squeeze %dma_start3A_190 : memref<1x128x128xf32, #tpu.memory_space<vmem>> -> memref<128x128xf32, #tpu.memory_space<vmem>>
      tpu.enqueue_dma source(%dma_start3A_191 : memref<128x128xf32, #tpu.memory_space<vmem>>) target(%dma_start3A_187 : memref<128x128xf32, #tpu.memory_space<vmem_shared>>) target_semaphore(%run_scoped3A_180 : memref<!tpu.dma_semaphore, #tpu.memory_space<semaphore_mem>>)
      %dma_wait3A = arith.constant 0 : i32
      %dma_wait3A_192 = arith.constant 0 : i32
      %dma_wait3A_193 = tpu.memref_slice %arg15[%run_scoped3A, %dma_wait3A, %dma_wait3A_192] : memref<2x128x128xf32, #tpu.memory_space<vmem>> -> memref<1x128x128xf32, #tpu.memory_space<vmem>>
      %dma_wait3A_194 = tpu.memref_squeeze %dma_wait3A_193 : memref<1x128x128xf32, #tpu.memory_space<vmem>> -> memref<128x128xf32, #tpu.memory_space<vmem>>
      %dma_wait3A_195 = arith.constant 0 : i32
      %dma_wait3A_196 = tpu.memref_slice %arg9[%add3A_25, %dma_wait3A_195] : memref<10112x128xf32, #tpu.memory_space<vmem_shared>> -> memref<128x128xf32, #tpu.memory_space<vmem_shared>>
      %dma_wait3A_197 = arith.constant 0 : i32
      %dma_wait3A_198 = tpu.memref_slice %arg9[%add3A_25, %dma_wait3A_197] : memref<10112x128xf32, #tpu.memory_space<vmem_shared>> -> memref<128x128xf32, #tpu.memory_space<vmem_shared>>
      %dma_wait3A_199 = arith.constant 0 : i32
      %dma_wait3A_200 = arith.constant 0 : i32
      %dma_wait3A_201 = tpu.memref_slice %arg15[%run_scoped3A, %dma_wait3A_199, %dma_wait3A_200] : memref<2x128x128xf32, #tpu.memory_space<vmem>> -> memref<1x128x128xf32, #tpu.memory_space<vmem>>
      %dma_wait3A_202 = tpu.memref_squeeze %dma_wait3A_201 : memref<1x128x128xf32, #tpu.memory_space<vmem>> -> memref<128x128xf32, #tpu.memory_space<vmem>>
      tpu.wait_dma2 semaphore(%run_scoped3A_180 : memref<!tpu.dma_semaphore, #tpu.memory_space<semaphore_mem>>) src(%dma_wait3A_202 : memref<128x128xf32, #tpu.memory_space<vmem>>) dst(%dma_wait3A_198 : memref<128x128xf32, #tpu.memory_space<vmem_shared>>)
      tpu.yield
    }) : () -> ()
    %mul3A_26 = arith.constant 632 : i32
    %mul3A_27 = arith.muli %arg1, %mul3A_26 : i32
    %add3A_28 = arith.constant 0 : i32
    %add3A_29 = arith.addi %mul3A_27, %add3A_28 : i32
    "tpu.region"() ({
      %run_scoped3A_180 = tpu.sem_alloc : memref<!tpu.dma_semaphore, #tpu.memory_space<semaphore_mem>>
      %dma_start3A = tpu.memref_slice %arg10[%add3A_29] : memref<10112xf32, #tpu.memory_space<vmem_shared>> -> memref<128xf32, #tpu.memory_space<vmem_shared>>
      %dma_start3A_181 = tpu.memref_slice %arg10[%add3A_29] : memref<10112xf32, #tpu.memory_space<vmem_shared>> -> memref<128xf32, #tpu.memory_space<vmem_shared>>
      tpu.enqueue_dma source(%arg20 : memref<128xf32, #tpu.memory_space<vmem>>) target(%dma_start3A_181 : memref<128xf32, #tpu.memory_space<vmem_shared>>) target_semaphore(%run_scoped3A_180 : memref<!tpu.dma_semaphore, #tpu.memory_space<semaphore_mem>>)
      %dma_wait3A = tpu.memref_slice %arg10[%add3A_29] : memref<10112xf32, #tpu.memory_space<vmem_shared>> -> memref<128xf32, #tpu.memory_space<vmem_shared>>
      %dma_wait3A_182 = tpu.memref_slice %arg10[%add3A_29] : memref<10112xf32, #tpu.memory_space<vmem_shared>> -> memref<128xf32, #tpu.memory_space<vmem_shared>>
      tpu.wait_dma2 semaphore(%run_scoped3A_180 : memref<!tpu.dma_semaphore, #tpu.memory_space<semaphore_mem>>) src(%arg20 : memref<128xf32, #tpu.memory_space<vmem>>) dst(%dma_wait3A_182 : memref<128xf32, #tpu.memory_space<vmem_shared>>)
      tpu.yield
    }) : () -> ()
    %mul3A_30 = arith.constant 632 : i32
    %mul3A_31 = arith.muli %arg1, %mul3A_30 : i32
    %add3A_32 = arith.constant 128 : i32
    %add3A_33 = arith.addi %mul3A_31, %add3A_32 : i32
    %run_scoped3A_34 = arith.constant 0 : i32
    "tpu.region"() ({
      %run_scoped3A_180 = tpu.sem_alloc : memref<!tpu.dma_semaphore, #tpu.memory_space<semaphore_mem>>
      %dma_start3A = arith.constant 0 : i32
      %dma_start3A_181 = arith.constant 0 : i32
      %dma_start3A_182 = tpu.memref_slice %arg15[%run_scoped3A_34, %dma_start3A, %dma_start3A_181] : memref<2x128x128xf32, #tpu.memory_space<vmem>> -> memref<1x128x128xf32, #tpu.memory_space<vmem>>
      %dma_start3A_183 = tpu.memref_squeeze %dma_start3A_182 : memref<1x128x128xf32, #tpu.memory_space<vmem>> -> memref<128x128xf32, #tpu.memory_space<vmem>>
      %dma_start3A_184 = arith.constant 0 : i32
      %dma_start3A_185 = tpu.memref_slice %arg9[%add3A_33, %dma_start3A_184] : memref<10112x128xf32, #tpu.memory_space<vmem_shared>> -> memref<128x128xf32, #tpu.memory_space<vmem_shared>>
      %dma_start3A_186 = arith.constant 0 : i32
      %dma_start3A_187 = tpu.memref_slice %arg9[%add3A_33, %dma_start3A_186] : memref<10112x128xf32, #tpu.memory_space<vmem_shared>> -> memref<128x128xf32, #tpu.memory_space<vmem_shared>>
      %dma_start3A_188 = arith.constant 0 : i32
      %dma_start3A_189 = arith.constant 0 : i32
      %dma_start3A_190 = tpu.memref_slice %arg15[%run_scoped3A_34, %dma_start3A_188, %dma_start3A_189] : memref<2x128x128xf32, #tpu.memory_space<vmem>> -> memref<1x128x128xf32, #tpu.memory_space<vmem>>
      %dma_start3A_191 = tpu.memref_squeeze %dma_start3A_190 : memref<1x128x128xf32, #tpu.memory_space<vmem>> -> memref<128x128xf32, #tpu.memory_space<vmem>>
      tpu.enqueue_dma source(%dma_start3A_191 : memref<128x128xf32, #tpu.memory_space<vmem>>) target(%dma_start3A_187 : memref<128x128xf32, #tpu.memory_space<vmem_shared>>) target_semaphore(%run_scoped3A_180 : memref<!tpu.dma_semaphore, #tpu.memory_space<semaphore_mem>>)
      %dma_wait3A = arith.constant 0 : i32
      %dma_wait3A_192 = arith.constant 0 : i32
      %dma_wait3A_193 = tpu.memref_slice %arg15[%run_scoped3A_34, %dma_wait3A, %dma_wait3A_192] : memref<2x128x128xf32, #tpu.memory_space<vmem>> -> memref<1x128x128xf32, #tpu.memory_space<vmem>>
      %dma_wait3A_194 = tpu.memref_squeeze %dma_wait3A_193 : memref<1x128x128xf32, #tpu.memory_space<vmem>> -> memref<128x128xf32, #tpu.memory_space<vmem>>
      %dma_wait3A_195 = arith.constant 0 : i32
      %dma_wait3A_196 = tpu.memref_slice %arg9[%add3A_33, %dma_wait3A_195] : memref<10112x128xf32, #tpu.memory_space<vmem_shared>> -> memref<128x128xf32, #tpu.memory_space<vmem_shared>>
      %dma_wait3A_197 = arith.constant 0 : i32
      %dma_wait3A_198 = tpu.memref_slice %arg9[%add3A_33, %dma_wait3A_197] : memref<10112x128xf32, #tpu.memory_space<vmem_shared>> -> memref<128x128xf32, #tpu.memory_space<vmem_shared>>
      %dma_wait3A_199 = arith.constant 0 : i32
      %dma_wait3A_200 = arith.constant 0 : i32
      %dma_wait3A_201 = tpu.memref_slice %arg15[%run_scoped3A_34, %dma_wait3A_199, %dma_wait3A_200] : memref<2x128x128xf32, #tpu.memory_space<vmem>> -> memref<1x128x128xf32, #tpu.memory_space<vmem>>
      %dma_wait3A_202 = tpu.memref_squeeze %dma_wait3A_201 : memref<1x128x128xf32, #tpu.memory_space<vmem>> -> memref<128x128xf32, #tpu.memory_space<vmem>>
      tpu.wait_dma2 semaphore(%run_scoped3A_180 : memref<!tpu.dma_semaphore, #tpu.memory_space<semaphore_mem>>) src(%dma_wait3A_202 : memref<128x128xf32, #tpu.memory_space<vmem>>) dst(%dma_wait3A_198 : memref<128x128xf32, #tpu.memory_space<vmem_shared>>)
      tpu.yield
    }) : () -> ()
    %mul3A_35 = arith.constant 632 : i32
    %mul3A_36 = arith.muli %arg1, %mul3A_35 : i32
    %add3A_37 = arith.constant 128 : i32
    %add3A_38 = arith.addi %mul3A_36, %add3A_37 : i32
    "tpu.region"() ({
      %run_scoped3A_180 = tpu.sem_alloc : memref<!tpu.dma_semaphore, #tpu.memory_space<semaphore_mem>>
      %dma_start3A = tpu.memref_slice %arg10[%add3A_38] : memref<10112xf32, #tpu.memory_space<vmem_shared>> -> memref<128xf32, #tpu.memory_space<vmem_shared>>
      %dma_start3A_181 = tpu.memref_slice %arg10[%add3A_38] : memref<10112xf32, #tpu.memory_space<vmem_shared>> -> memref<128xf32, #tpu.memory_space<vmem_shared>>
      tpu.enqueue_dma source(%arg20 : memref<128xf32, #tpu.memory_space<vmem>>) target(%dma_start3A_181 : memref<128xf32, #tpu.memory_space<vmem_shared>>) target_semaphore(%run_scoped3A_180 : memref<!tpu.dma_semaphore, #tpu.memory_space<semaphore_mem>>)
      %dma_wait3A = tpu.memref_slice %arg10[%add3A_38] : memref<10112xf32, #tpu.memory_space<vmem_shared>> -> memref<128xf32, #tpu.memory_space<vmem_shared>>
      %dma_wait3A_182 = tpu.memref_slice %arg10[%add3A_38] : memref<10112xf32, #tpu.memory_space<vmem_shared>> -> memref<128xf32, #tpu.memory_space<vmem_shared>>
      tpu.wait_dma2 semaphore(%run_scoped3A_180 : memref<!tpu.dma_semaphore, #tpu.memory_space<semaphore_mem>>) src(%arg20 : memref<128xf32, #tpu.memory_space<vmem>>) dst(%dma_wait3A_182 : memref<128xf32, #tpu.memory_space<vmem_shared>>)
      tpu.yield
    }) : () -> ()
    %mul3A_39 = arith.constant 632 : i32
    %mul3A_40 = arith.muli %arg1, %mul3A_39 : i32
    %add3A_41 = arith.constant 256 : i32
    %add3A_42 = arith.addi %mul3A_40, %add3A_41 : i32
    %run_scoped3A_43 = arith.constant 0 : i32
    "tpu.region"() ({
      %run_scoped3A_180 = tpu.sem_alloc : memref<!tpu.dma_semaphore, #tpu.memory_space<semaphore_mem>>
      %dma_start3A = arith.constant 0 : i32
      %dma_start3A_181 = arith.constant 0 : i32
      %dma_start3A_182 = tpu.memref_slice %arg15[%run_scoped3A_43, %dma_start3A, %dma_start3A_181] : memref<2x128x128xf32, #tpu.memory_space<vmem>> -> memref<1x128x128xf32, #tpu.memory_space<vmem>>
      %dma_start3A_183 = tpu.memref_squeeze %dma_start3A_182 : memref<1x128x128xf32, #tpu.memory_space<vmem>> -> memref<128x128xf32, #tpu.memory_space<vmem>>
      %dma_start3A_184 = arith.constant 0 : i32
      %dma_start3A_185 = tpu.memref_slice %arg9[%add3A_42, %dma_start3A_184] : memref<10112x128xf32, #tpu.memory_space<vmem_shared>> -> memref<128x128xf32, #tpu.memory_space<vmem_shared>>
      %dma_start3A_186 = arith.constant 0 : i32
      %dma_start3A_187 = tpu.memref_slice %arg9[%add3A_42, %dma_start3A_186] : memref<10112x128xf32, #tpu.memory_space<vmem_shared>> -> memref<128x128xf32, #tpu.memory_space<vmem_shared>>
      %dma_start3A_188 = arith.constant 0 : i32
      %dma_start3A_189 = arith.constant 0 : i32
      %dma_start3A_190 = tpu.memref_slice %arg15[%run_scoped3A_43, %dma_start3A_188, %dma_start3A_189] : memref<2x128x128xf32, #tpu.memory_space<vmem>> -> memref<1x128x128xf32, #tpu.memory_space<vmem>>
      %dma_start3A_191 = tpu.memref_squeeze %dma_start3A_190 : memref<1x128x128xf32, #tpu.memory_space<vmem>> -> memref<128x128xf32, #tpu.memory_space<vmem>>
      tpu.enqueue_dma source(%dma_start3A_191 : memref<128x128xf32, #tpu.memory_space<vmem>>) target(%dma_start3A_187 : memref<128x128xf32, #tpu.memory_space<vmem_shared>>) target_semaphore(%run_scoped3A_180 : memref<!tpu.dma_semaphore, #tpu.memory_space<semaphore_mem>>)
      %dma_wait3A = arith.constant 0 : i32
      %dma_wait3A_192 = arith.constant 0 : i32
      %dma_wait3A_193 = tpu.memref_slice %arg15[%run_scoped3A_43, %dma_wait3A, %dma_wait3A_192] : memref<2x128x128xf32, #tpu.memory_space<vmem>> -> memref<1x128x128xf32, #tpu.memory_space<vmem>>
      %dma_wait3A_194 = tpu.memref_squeeze %dma_wait3A_193 : memref<1x128x128xf32, #tpu.memory_space<vmem>> -> memref<128x128xf32, #tpu.memory_space<vmem>>
      %dma_wait3A_195 = arith.constant 0 : i32
      %dma_wait3A_196 = tpu.memref_slice %arg9[%add3A_42, %dma_wait3A_195] : memref<10112x128xf32, #tpu.memory_space<vmem_shared>> -> memref<128x128xf32, #tpu.memory_space<vmem_shared>>
      %dma_wait3A_197 = arith.constant 0 : i32
      %dma_wait3A_198 = tpu.memref_slice %arg9[%add3A_42, %dma_wait3A_197] : memref<10112x128xf32, #tpu.memory_space<vmem_shared>> -> memref<128x128xf32, #tpu.memory_space<vmem_shared>>
      %dma_wait3A_199 = arith.constant 0 : i32
      %dma_wait3A_200 = arith.constant 0 : i32
      %dma_wait3A_201 = tpu.memref_slice %arg15[%run_scoped3A_43, %dma_wait3A_199, %dma_wait3A_200] : memref<2x128x128xf32, #tpu.memory_space<vmem>> -> memref<1x128x128xf32, #tpu.memory_space<vmem>>
      %dma_wait3A_202 = tpu.memref_squeeze %dma_wait3A_201 : memref<1x128x128xf32, #tpu.memory_space<vmem>> -> memref<128x128xf32, #tpu.memory_space<vmem>>
      tpu.wait_dma2 semaphore(%run_scoped3A_180 : memref<!tpu.dma_semaphore, #tpu.memory_space<semaphore_mem>>) src(%dma_wait3A_202 : memref<128x128xf32, #tpu.memory_space<vmem>>) dst(%dma_wait3A_198 : memref<128x128xf32, #tpu.memory_space<vmem_shared>>)
      tpu.yield
    }) : () -> ()
    %mul3A_44 = arith.constant 632 : i32
    %mul3A_45 = arith.muli %arg1, %mul3A_44 : i32
    %add3A_46 = arith.constant 256 : i32
    %add3A_47 = arith.addi %mul3A_45, %add3A_46 : i32
    "tpu.region"() ({
      %run_scoped3A_180 = tpu.sem_alloc : memref<!tpu.dma_semaphore, #tpu.memory_space<semaphore_mem>>
      %dma_start3A = tpu.memref_slice %arg10[%add3A_47] : memref<10112xf32, #tpu.memory_space<vmem_shared>> -> memref<128xf32, #tpu.memory_space<vmem_shared>>
      %dma_start3A_181 = tpu.memref_slice %arg10[%add3A_47] : memref<10112xf32, #tpu.memory_space<vmem_shared>> -> memref<128xf32, #tpu.memory_space<vmem_shared>>
      tpu.enqueue_dma source(%arg20 : memref<128xf32, #tpu.memory_space<vmem>>) target(%dma_start3A_181 : memref<128xf32, #tpu.memory_space<vmem_shared>>) target_semaphore(%run_scoped3A_180 : memref<!tpu.dma_semaphore, #tpu.memory_space<semaphore_mem>>)
      %dma_wait3A = tpu.memref_slice %arg10[%add3A_47] : memref<10112xf32, #tpu.memory_space<vmem_shared>> -> memref<128xf32, #tpu.memory_space<vmem_shared>>
      %dma_wait3A_182 = tpu.memref_slice %arg10[%add3A_47] : memref<10112xf32, #tpu.memory_space<vmem_shared>> -> memref<128xf32, #tpu.memory_space<vmem_shared>>
      tpu.wait_dma2 semaphore(%run_scoped3A_180 : memref<!tpu.dma_semaphore, #tpu.memory_space<semaphore_mem>>) src(%arg20 : memref<128xf32, #tpu.memory_space<vmem>>) dst(%dma_wait3A_182 : memref<128xf32, #tpu.memory_space<vmem_shared>>)
      tpu.yield
    }) : () -> ()
    %mul3A_48 = arith.constant 632 : i32
    %mul3A_49 = arith.muli %arg1, %mul3A_48 : i32
    %add3A_50 = arith.constant 384 : i32
    %add3A_51 = arith.addi %mul3A_49, %add3A_50 : i32
    %run_scoped3A_52 = arith.constant 0 : i32
    "tpu.region"() ({
      %run_scoped3A_180 = tpu.sem_alloc : memref<!tpu.dma_semaphore, #tpu.memory_space<semaphore_mem>>
      %dma_start3A = arith.constant 0 : i32
      %dma_start3A_181 = arith.constant 0 : i32
      %dma_start3A_182 = tpu.memref_slice %arg15[%run_scoped3A_52, %dma_start3A, %dma_start3A_181] : memref<2x128x128xf32, #tpu.memory_space<vmem>> -> memref<1x128x128xf32, #tpu.memory_space<vmem>>
      %dma_start3A_183 = tpu.memref_squeeze %dma_start3A_182 : memref<1x128x128xf32, #tpu.memory_space<vmem>> -> memref<128x128xf32, #tpu.memory_space<vmem>>
      %dma_start3A_184 = arith.constant 0 : i32
      %dma_start3A_185 = tpu.memref_slice %arg9[%add3A_51, %dma_start3A_184] : memref<10112x128xf32, #tpu.memory_space<vmem_shared>> -> memref<128x128xf32, #tpu.memory_space<vmem_shared>>
      %dma_start3A_186 = arith.constant 0 : i32
      %dma_start3A_187 = tpu.memref_slice %arg9[%add3A_51, %dma_start3A_186] : memref<10112x128xf32, #tpu.memory_space<vmem_shared>> -> memref<128x128xf32, #tpu.memory_space<vmem_shared>>
      %dma_start3A_188 = arith.constant 0 : i32
      %dma_start3A_189 = arith.constant 0 : i32
      %dma_start3A_190 = tpu.memref_slice %arg15[%run_scoped3A_52, %dma_start3A_188, %dma_start3A_189] : memref<2x128x128xf32, #tpu.memory_space<vmem>> -> memref<1x128x128xf32, #tpu.memory_space<vmem>>
      %dma_start3A_191 = tpu.memref_squeeze %dma_start3A_190 : memref<1x128x128xf32, #tpu.memory_space<vmem>> -> memref<128x128xf32, #tpu.memory_space<vmem>>
      tpu.enqueue_dma source(%dma_start3A_191 : memref<128x128xf32, #tpu.memory_space<vmem>>) target(%dma_start3A_187 : memref<128x128xf32, #tpu.memory_space<vmem_shared>>) target_semaphore(%run_scoped3A_180 : memref<!tpu.dma_semaphore, #tpu.memory_space<semaphore_mem>>)
      %dma_wait3A = arith.constant 0 : i32
      %dma_wait3A_192 = arith.constant 0 : i32
      %dma_wait3A_193 = tpu.memref_slice %arg15[%run_scoped3A_52, %dma_wait3A, %dma_wait3A_192] : memref<2x128x128xf32, #tpu.memory_space<vmem>> -> memref<1x128x128xf32, #tpu.memory_space<vmem>>
      %dma_wait3A_194 = tpu.memref_squeeze %dma_wait3A_193 : memref<1x128x128xf32, #tpu.memory_space<vmem>> -> memref<128x128xf32, #tpu.memory_space<vmem>>
      %dma_wait3A_195 = arith.constant 0 : i32
      %dma_wait3A_196 = tpu.memref_slice %arg9[%add3A_51, %dma_wait3A_195] : memref<10112x128xf32, #tpu.memory_space<vmem_shared>> -> memref<128x128xf32, #tpu.memory_space<vmem_shared>>
      %dma_wait3A_197 = arith.constant 0 : i32
      %dma_wait3A_198 = tpu.memref_slice %arg9[%add3A_51, %dma_wait3A_197] : memref<10112x128xf32, #tpu.memory_space<vmem_shared>> -> memref<128x128xf32, #tpu.memory_space<vmem_shared>>
      %dma_wait3A_199 = arith.constant 0 : i32
      %dma_wait3A_200 = arith.constant 0 : i32
      %dma_wait3A_201 = tpu.memref_slice %arg15[%run_scoped3A_52, %dma_wait3A_199, %dma_wait3A_200] : memref<2x128x128xf32, #tpu.memory_space<vmem>> -> memref<1x128x128xf32, #tpu.memory_space<vmem>>
      %dma_wait3A_202 = tpu.memref_squeeze %dma_wait3A_201 : memref<1x128x128xf32, #tpu.memory_space<vmem>> -> memref<128x128xf32, #tpu.memory_space<vmem>>
      tpu.wait_dma2 semaphore(%run_scoped3A_180 : memref<!tpu.dma_semaphore, #tpu.memory_space<semaphore_mem>>) src(%dma_wait3A_202 : memref<128x128xf32, #tpu.memory_space<vmem>>) dst(%dma_wait3A_198 : memref<128x128xf32, #tpu.memory_space<vmem_shared>>)
      tpu.yield
    }) : () -> ()
    %mul3A_53 = arith.constant 632 : i32
    %mul3A_54 = arith.muli %arg1, %mul3A_53 : i32
    %add3A_55 = arith.constant 384 : i32
    %add3A_56 = arith.addi %mul3A_54, %add3A_55 : i32
    "tpu.region"() ({
      %run_scoped3A_180 = tpu.sem_alloc : memref<!tpu.dma_semaphore, #tpu.memory_space<semaphore_mem>>
      %dma_start3A = tpu.memref_slice %arg10[%add3A_56] : memref<10112xf32, #tpu.memory_space<vmem_shared>> -> memref<128xf32, #tpu.memory_space<vmem_shared>>
      %dma_start3A_181 = tpu.memref_slice %arg10[%add3A_56] : memref<10112xf32, #tpu.memory_space<vmem_shared>> -> memref<128xf32, #tpu.memory_space<vmem_shared>>
      tpu.enqueue_dma source(%arg20 : memref<128xf32, #tpu.memory_space<vmem>>) target(%dma_start3A_181 : memref<128xf32, #tpu.memory_space<vmem_shared>>) target_semaphore(%run_scoped3A_180 : memref<!tpu.dma_semaphore, #tpu.memory_space<semaphore_mem>>)
      %dma_wait3A = tpu.memref_slice %arg10[%add3A_56] : memref<10112xf32, #tpu.memory_space<vmem_shared>> -> memref<128xf32, #tpu.memory_space<vmem_shared>>
      %dma_wait3A_182 = tpu.memref_slice %arg10[%add3A_56] : memref<10112xf32, #tpu.memory_space<vmem_shared>> -> memref<128xf32, #tpu.memory_space<vmem_shared>>
      tpu.wait_dma2 semaphore(%run_scoped3A_180 : memref<!tpu.dma_semaphore, #tpu.memory_space<semaphore_mem>>) src(%arg20 : memref<128xf32, #tpu.memory_space<vmem>>) dst(%dma_wait3A_182 : memref<128xf32, #tpu.memory_space<vmem_shared>>)
      tpu.yield
    }) : () -> ()
    %mul3A_57 = arith.constant 632 : i32
    %mul3A_58 = arith.muli %arg1, %mul3A_57 : i32
    %add3A_59 = arith.constant 512 : i32
    %add3A_60 = arith.addi %mul3A_58, %add3A_59 : i32
    %run_scoped3A_61 = arith.constant 0 : i32
    "tpu.region"() ({
      %run_scoped3A_180 = tpu.sem_alloc : memref<!tpu.dma_semaphore, #tpu.memory_space<semaphore_mem>>
      %dma_start3A = arith.constant 0 : i32
      %dma_start3A_181 = arith.constant 0 : i32
      %dma_start3A_182 = tpu.memref_slice %arg15[%run_scoped3A_61, %dma_start3A, %dma_start3A_181] : memref<2x128x128xf32, #tpu.memory_space<vmem>> -> memref<1x120x128xf32, #tpu.memory_space<vmem>>
      %dma_start3A_183 = tpu.memref_squeeze %dma_start3A_182 : memref<1x120x128xf32, #tpu.memory_space<vmem>> -> memref<120x128xf32, #tpu.memory_space<vmem>>
      %dma_start3A_184 = arith.constant 0 : i32
      %dma_start3A_185 = tpu.memref_slice %arg9[%add3A_60, %dma_start3A_184] : memref<10112x128xf32, #tpu.memory_space<vmem_shared>> -> memref<120x128xf32, #tpu.memory_space<vmem_shared>>
      %dma_start3A_186 = arith.constant 0 : i32
      %dma_start3A_187 = tpu.memref_slice %arg9[%add3A_60, %dma_start3A_186] : memref<10112x128xf32, #tpu.memory_space<vmem_shared>> -> memref<120x128xf32, #tpu.memory_space<vmem_shared>>
      %dma_start3A_188 = arith.constant 0 : i32
      %dma_start3A_189 = arith.constant 0 : i32
      %dma_start3A_190 = tpu.memref_slice %arg15[%run_scoped3A_61, %dma_start3A_188, %dma_start3A_189] : memref<2x128x128xf32, #tpu.memory_space<vmem>> -> memref<1x120x128xf32, #tpu.memory_space<vmem>>
      %dma_start3A_191 = tpu.memref_squeeze %dma_start3A_190 : memref<1x120x128xf32, #tpu.memory_space<vmem>> -> memref<120x128xf32, #tpu.memory_space<vmem>>
      tpu.enqueue_dma source(%dma_start3A_191 : memref<120x128xf32, #tpu.memory_space<vmem>>) target(%dma_start3A_187 : memref<120x128xf32, #tpu.memory_space<vmem_shared>>) target_semaphore(%run_scoped3A_180 : memref<!tpu.dma_semaphore, #tpu.memory_space<semaphore_mem>>)
      %dma_wait3A = arith.constant 0 : i32
      %dma_wait3A_192 = arith.constant 0 : i32
      %dma_wait3A_193 = tpu.memref_slice %arg15[%run_scoped3A_61, %dma_wait3A, %dma_wait3A_192] : memref<2x128x128xf32, #tpu.memory_space<vmem>> -> memref<1x120x128xf32, #tpu.memory_space<vmem>>
      %dma_wait3A_194 = tpu.memref_squeeze %dma_wait3A_193 : memref<1x120x128xf32, #tpu.memory_space<vmem>> -> memref<120x128xf32, #tpu.memory_space<vmem>>
      %dma_wait3A_195 = arith.constant 0 : i32
      %dma_wait3A_196 = tpu.memref_slice %arg9[%add3A_60, %dma_wait3A_195] : memref<10112x128xf32, #tpu.memory_space<vmem_shared>> -> memref<120x128xf32, #tpu.memory_space<vmem_shared>>
      %dma_wait3A_197 = arith.constant 0 : i32
      %dma_wait3A_198 = tpu.memref_slice %arg9[%add3A_60, %dma_wait3A_197] : memref<10112x128xf32, #tpu.memory_space<vmem_shared>> -> memref<120x128xf32, #tpu.memory_space<vmem_shared>>
      %dma_wait3A_199 = arith.constant 0 : i32
      %dma_wait3A_200 = arith.constant 0 : i32
      %dma_wait3A_201 = tpu.memref_slice %arg15[%run_scoped3A_61, %dma_wait3A_199, %dma_wait3A_200] : memref<2x128x128xf32, #tpu.memory_space<vmem>> -> memref<1x120x128xf32, #tpu.memory_space<vmem>>
      %dma_wait3A_202 = tpu.memref_squeeze %dma_wait3A_201 : memref<1x120x128xf32, #tpu.memory_space<vmem>> -> memref<120x128xf32, #tpu.memory_space<vmem>>
      tpu.wait_dma2 semaphore(%run_scoped3A_180 : memref<!tpu.dma_semaphore, #tpu.memory_space<semaphore_mem>>) src(%dma_wait3A_202 : memref<120x128xf32, #tpu.memory_space<vmem>>) dst(%dma_wait3A_198 : memref<120x128xf32, #tpu.memory_space<vmem_shared>>)
      tpu.yield
    }) : () -> ()
    %mul3A_62 = arith.constant 632 : i32
    %mul3A_63 = arith.muli %arg1, %mul3A_62 : i32
    %add3A_64 = arith.constant 512 : i32
    %add3A_65 = arith.addi %mul3A_63, %add3A_64 : i32
    "tpu.region"() ({
      %run_scoped3A_180 = tpu.sem_alloc : memref<!tpu.dma_semaphore, #tpu.memory_space<semaphore_mem>>
      %dma_start3A = arith.constant 0 : i32
      %dma_start3A_181 = tpu.memref_slice %arg20[%dma_start3A] : memref<128xf32, #tpu.memory_space<vmem>> -> memref<120xf32, #tpu.memory_space<vmem>>
      %dma_start3A_182 = tpu.memref_slice %arg10[%add3A_65] : memref<10112xf32, #tpu.memory_space<vmem_shared>> -> memref<120xf32, #tpu.memory_space<vmem_shared>>
      %dma_start3A_183 = tpu.memref_slice %arg10[%add3A_65] : memref<10112xf32, #tpu.memory_space<vmem_shared>> -> memref<120xf32, #tpu.memory_space<vmem_shared>>
      %dma_start3A_184 = arith.constant 0 : i32
      %dma_start3A_185 = tpu.memref_slice %arg20[%dma_start3A_184] : memref<128xf32, #tpu.memory_space<vmem>> -> memref<120xf32, #tpu.memory_space<vmem>>
      tpu.enqueue_dma source(%dma_start3A_185 : memref<120xf32, #tpu.memory_space<vmem>>) target(%dma_start3A_183 : memref<120xf32, #tpu.memory_space<vmem_shared>>) target_semaphore(%run_scoped3A_180 : memref<!tpu.dma_semaphore, #tpu.memory_space<semaphore_mem>>)
      %dma_wait3A = arith.constant 0 : i32
      %dma_wait3A_186 = tpu.memref_slice %arg20[%dma_wait3A] : memref<128xf32, #tpu.memory_space<vmem>> -> memref<120xf32, #tpu.memory_space<vmem>>
      %dma_wait3A_187 = tpu.memref_slice %arg10[%add3A_65] : memref<10112xf32, #tpu.memory_space<vmem_shared>> -> memref<120xf32, #tpu.memory_space<vmem_shared>>
      %dma_wait3A_188 = tpu.memref_slice %arg10[%add3A_65] : memref<10112xf32, #tpu.memory_space<vmem_shared>> -> memref<120xf32, #tpu.memory_space<vmem_shared>>
      %dma_wait3A_189 = arith.constant 0 : i32
      %dma_wait3A_190 = tpu.memref_slice %arg20[%dma_wait3A_189] : memref<128xf32, #tpu.memory_space<vmem>> -> memref<120xf32, #tpu.memory_space<vmem>>
      tpu.wait_dma2 semaphore(%run_scoped3A_180 : memref<!tpu.dma_semaphore, #tpu.memory_space<semaphore_mem>>) src(%dma_wait3A_190 : memref<120xf32, #tpu.memory_space<vmem>>) dst(%dma_wait3A_188 : memref<120xf32, #tpu.memory_space<vmem_shared>>)
      tpu.yield
    }) : () -> ()
    %lt3A = arith.constant 10 : i32
    %lt3A_66 = arith.cmpi slt, %arg1, %lt3A : i32
    %convert_element_type3A = arith.extui %lt3A_66 : i1 to i32
    %cond3A = arith.constant 0 : i32
    %cond3A_67 = arith.cmpi ne, %convert_element_type3A, %cond3A : i32
    scf.if %cond3A_67 {
      %mul3A_180 = arith.constant 1000 : i32
      %mul3A_181 = arith.muli %arg1, %mul3A_180 : i32
      %add3A_182 = arith.constant 0 : i32
      %add3A_183 = arith.addi %mul3A_181, %add3A_182 : i32
      "tpu.region"() ({
        %run_scoped3A_212 = tpu.sem_alloc : memref<!tpu.dma_semaphore, #tpu.memory_space<semaphore_mem>>
        %dma_start3A = arith.constant 0 : i32
        %dma_start3A_213 = tpu.memref_slice %arg19[%dma_start3A] : memref<128xf32, #tpu.memory_space<vmem>> -> memref<128xf32, #tpu.memory_space<vmem>>
        %dma_start3A_214 = tpu.memref_slice %arg6[%add3A_183] : memref<10000xf32, #tpu.memory_space<hbm>> -> memref<128xf32, #tpu.memory_space<hbm>>
        %dma_start3A_215 = arith.constant 0 : i32
        %dma_start3A_216 = tpu.memref_slice %arg19[%dma_start3A_215] : memref<128xf32, #tpu.memory_space<vmem>> -> memref<128xf32, #tpu.memory_space<vmem>>
        %dma_start3A_217 = tpu.memref_slice %arg6[%add3A_183] : memref<10000xf32, #tpu.memory_space<hbm>> -> memref<128xf32, #tpu.memory_space<hbm>>
        tpu.enqueue_dma source(%dma_start3A_217 : memref<128xf32, #tpu.memory_space<hbm>>) target(%dma_start3A_216 : memref<128xf32, #tpu.memory_space<vmem>>) target_semaphore(%run_scoped3A_212 : memref<!tpu.dma_semaphore, #tpu.memory_space<semaphore_mem>>)
        %dma_wait3A = arith.constant 0 : i32
        %dma_wait3A_218 = tpu.memref_slice %arg19[%dma_wait3A] : memref<128xf32, #tpu.memory_space<vmem>> -> memref<128xf32, #tpu.memory_space<vmem>>
        %dma_wait3A_219 = tpu.memref_slice %arg6[%add3A_183] : memref<10000xf32, #tpu.memory_space<hbm>> -> memref<128xf32, #tpu.memory_space<hbm>>
        %dma_wait3A_220 = arith.constant 0 : i32
        %dma_wait3A_221 = tpu.memref_slice %arg19[%dma_wait3A_220] : memref<128xf32, #tpu.memory_space<vmem>> -> memref<128xf32, #tpu.memory_space<vmem>>
        %dma_wait3A_222 = tpu.memref_slice %arg6[%add3A_183] : memref<10000xf32, #tpu.memory_space<hbm>> -> memref<128xf32, #tpu.memory_space<hbm>>
        tpu.wait_dma2 semaphore(%run_scoped3A_212 : memref<!tpu.dma_semaphore, #tpu.memory_space<semaphore_mem>>) src(%dma_wait3A_222 : memref<128xf32, #tpu.memory_space<hbm>>) dst(%dma_wait3A_221 : memref<128xf32, #tpu.memory_space<vmem>>)
        tpu.yield
      }) : () -> ()
      "tpu.region"() ({
        %run_scoped3A_212 = tpu.sem_alloc : memref<!tpu.dma_semaphore, #tpu.memory_space<semaphore_mem>>
        %dma_start3A = arith.constant 0 : i32
        %dma_start3A_213 = tpu.memref_slice %arg19[%dma_start3A] : memref<128xf32, #tpu.memory_space<vmem>> -> memref<128xf32, #tpu.memory_space<vmem>>
        %dma_start3A_214 = tpu.memref_slice %arg11[%add3A_183] : memref<10000xf32, #tpu.memory_space<vmem_shared>> -> memref<128xf32, #tpu.memory_space<vmem_shared>>
        %dma_start3A_215 = tpu.memref_slice %arg11[%add3A_183] : memref<10000xf32, #tpu.memory_space<vmem_shared>> -> memref<128xf32, #tpu.memory_space<vmem_shared>>
        %dma_start3A_216 = arith.constant 0 : i32
        %dma_start3A_217 = tpu.memref_slice %arg19[%dma_start3A_216] : memref<128xf32, #tpu.memory_space<vmem>> -> memref<128xf32, #tpu.memory_space<vmem>>
        tpu.enqueue_dma source(%dma_start3A_217 : memref<128xf32, #tpu.memory_space<vmem>>) target(%dma_start3A_215 : memref<128xf32, #tpu.memory_space<vmem_shared>>) target_semaphore(%run_scoped3A_212 : memref<!tpu.dma_semaphore, #tpu.memory_space<semaphore_mem>>)
        %dma_wait3A = arith.constant 0 : i32
        %dma_wait3A_218 = tpu.memref_slice %arg19[%dma_wait3A] : memref<128xf32, #tpu.memory_space<vmem>> -> memref<128xf32, #tpu.memory_space<vmem>>
        %dma_wait3A_219 = tpu.memref_slice %arg11[%add3A_183] : memref<10000xf32, #tpu.memory_space<vmem_shared>> -> memref<128xf32, #tpu.memory_space<vmem_shared>>
        %dma_wait3A_220 = tpu.memref_slice %arg11[%add3A_183] : memref<10000xf32, #tpu.memory_space<vmem_shared>> -> memref<128xf32, #tpu.memory_space<vmem_shared>>
        %dma_wait3A_221 = arith.constant 0 : i32
        %dma_wait3A_222 = tpu.memref_slice %arg19[%dma_wait3A_221] : memref<128xf32, #tpu.memory_space<vmem>> -> memref<128xf32, #tpu.memory_space<vmem>>
        tpu.wait_dma2 semaphore(%run_scoped3A_212 : memref<!tpu.dma_semaphore, #tpu.memory_space<semaphore_mem>>) src(%dma_wait3A_222 : memref<128xf32, #tpu.memory_space<vmem>>) dst(%dma_wait3A_220 : memref<128xf32, #tpu.memory_space<vmem_shared>>)
        tpu.yield
      }) : () -> ()
      "tpu.region"() ({
        %run_scoped3A_212 = tpu.sem_alloc : memref<!tpu.dma_semaphore, #tpu.memory_space<semaphore_mem>>
        %dma_start3A = arith.constant 0 : i32
        %dma_start3A_213 = tpu.memref_slice %arg19[%dma_start3A] : memref<128xf32, #tpu.memory_space<vmem>> -> memref<128xf32, #tpu.memory_space<vmem>>
        %dma_start3A_214 = tpu.memref_slice %arg7[%add3A_183] : memref<10000xf32, #tpu.memory_space<hbm>> -> memref<128xf32, #tpu.memory_space<hbm>>
        %dma_start3A_215 = arith.constant 0 : i32
        %dma_start3A_216 = tpu.memref_slice %arg19[%dma_start3A_215] : memref<128xf32, #tpu.memory_space<vmem>> -> memref<128xf32, #tpu.memory_space<vmem>>
        %dma_start3A_217 = tpu.memref_slice %arg7[%add3A_183] : memref<10000xf32, #tpu.memory_space<hbm>> -> memref<128xf32, #tpu.memory_space<hbm>>
        tpu.enqueue_dma source(%dma_start3A_217 : memref<128xf32, #tpu.memory_space<hbm>>) target(%dma_start3A_216 : memref<128xf32, #tpu.memory_space<vmem>>) target_semaphore(%run_scoped3A_212 : memref<!tpu.dma_semaphore, #tpu.memory_space<semaphore_mem>>)
        %dma_wait3A = arith.constant 0 : i32
        %dma_wait3A_218 = tpu.memref_slice %arg19[%dma_wait3A] : memref<128xf32, #tpu.memory_space<vmem>> -> memref<128xf32, #tpu.memory_space<vmem>>
        %dma_wait3A_219 = tpu.memref_slice %arg7[%add3A_183] : memref<10000xf32, #tpu.memory_space<hbm>> -> memref<128xf32, #tpu.memory_space<hbm>>
        %dma_wait3A_220 = arith.constant 0 : i32
        %dma_wait3A_221 = tpu.memref_slice %arg19[%dma_wait3A_220] : memref<128xf32, #tpu.memory_space<vmem>> -> memref<128xf32, #tpu.memory_space<vmem>>
        %dma_wait3A_222 = tpu.memref_slice %arg7[%add3A_183] : memref<10000xf32, #tpu.memory_space<hbm>> -> memref<128xf32, #tpu.memory_space<hbm>>
        tpu.wait_dma2 semaphore(%run_scoped3A_212 : memref<!tpu.dma_semaphore, #tpu.memory_space<semaphore_mem>>) src(%dma_wait3A_222 : memref<128xf32, #tpu.memory_space<hbm>>) dst(%dma_wait3A_221 : memref<128xf32, #tpu.memory_space<vmem>>)
        tpu.yield
      }) : () -> ()
      "tpu.region"() ({
        %run_scoped3A_212 = tpu.sem_alloc : memref<!tpu.dma_semaphore, #tpu.memory_space<semaphore_mem>>
        %dma_start3A = arith.constant 0 : i32
        %dma_start3A_213 = tpu.memref_slice %arg19[%dma_start3A] : memref<128xf32, #tpu.memory_space<vmem>> -> memref<128xf32, #tpu.memory_space<vmem>>
        %dma_start3A_214 = tpu.memref_slice %arg12[%add3A_183] : memref<10016xf32, #tpu.memory_space<vmem_shared>> -> memref<128xf32, #tpu.memory_space<vmem_shared>>
        %dma_start3A_215 = tpu.memref_slice %arg12[%add3A_183] : memref<10016xf32, #tpu.memory_space<vmem_shared>> -> memref<128xf32, #tpu.memory_space<vmem_shared>>
        %dma_start3A_216 = arith.constant 0 : i32
        %dma_start3A_217 = tpu.memref_slice %arg19[%dma_start3A_216] : memref<128xf32, #tpu.memory_space<vmem>> -> memref<128xf32, #tpu.memory_space<vmem>>
        tpu.enqueue_dma source(%dma_start3A_217 : memref<128xf32, #tpu.memory_space<vmem>>) target(%dma_start3A_215 : memref<128xf32, #tpu.memory_space<vmem_shared>>) target_semaphore(%run_scoped3A_212 : memref<!tpu.dma_semaphore, #tpu.memory_space<semaphore_mem>>)
        %dma_wait3A = arith.constant 0 : i32
        %dma_wait3A_218 = tpu.memref_slice %arg19[%dma_wait3A] : memref<128xf32, #tpu.memory_space<vmem>> -> memref<128xf32, #tpu.memory_space<vmem>>
        %dma_wait3A_219 = tpu.memref_slice %arg12[%add3A_183] : memref<10016xf32, #tpu.memory_space<vmem_shared>> -> memref<128xf32, #tpu.memory_space<vmem_shared>>
        %dma_wait3A_220 = tpu.memref_slice %arg12[%add3A_183] : memref<10016xf32, #tpu.memory_space<vmem_shared>> -> memref<128xf32, #tpu.memory_space<vmem_shared>>
        %dma_wait3A_221 = arith.constant 0 : i32
        %dma_wait3A_222 = tpu.memref_slice %arg19[%dma_wait3A_221] : memref<128xf32, #tpu.memory_space<vmem>> -> memref<128xf32, #tpu.memory_space<vmem>>
        tpu.wait_dma2 semaphore(%run_scoped3A_212 : memref<!tpu.dma_semaphore, #tpu.memory_space<semaphore_mem>>) src(%dma_wait3A_222 : memref<128xf32, #tpu.memory_space<vmem>>) dst(%dma_wait3A_220 : memref<128xf32, #tpu.memory_space<vmem_shared>>)
        tpu.yield
      }) : () -> ()
      %mul3A_184 = arith.constant 1000 : i32
      %mul3A_185 = arith.muli %arg1, %mul3A_184 : i32
      %add3A_186 = arith.constant 128 : i32
      %add3A_187 = arith.addi %mul3A_185, %add3A_186 : i32
      "tpu.region"() ({
        %run_scoped3A_212 = tpu.sem_alloc : memref<!tpu.dma_semaphore, #tpu.memory_space<semaphore_mem>>
        %dma_start3A = arith.constant 0 : i32
        %dma_start3A_213 = tpu.memref_slice %arg19[%dma_start3A] : memref<128xf32, #tpu.memory_space<vmem>> -> memref<128xf32, #tpu.memory_space<vmem>>
        %dma_start3A_214 = tpu.memref_slice %arg6[%add3A_187] : memref<10000xf32, #tpu.memory_space<hbm>> -> memref<128xf32, #tpu.memory_space<hbm>>
        %dma_start3A_215 = arith.constant 0 : i32
        %dma_start3A_216 = tpu.memref_slice %arg19[%dma_start3A_215] : memref<128xf32, #tpu.memory_space<vmem>> -> memref<128xf32, #tpu.memory_space<vmem>>
        %dma_start3A_217 = tpu.memref_slice %arg6[%add3A_187] : memref<10000xf32, #tpu.memory_space<hbm>> -> memref<128xf32, #tpu.memory_space<hbm>>
        tpu.enqueue_dma source(%dma_start3A_217 : memref<128xf32, #tpu.memory_space<hbm>>) target(%dma_start3A_216 : memref<128xf32, #tpu.memory_space<vmem>>) target_semaphore(%run_scoped3A_212 : memref<!tpu.dma_semaphore, #tpu.memory_space<semaphore_mem>>)
        %dma_wait3A = arith.constant 0 : i32
        %dma_wait3A_218 = tpu.memref_slice %arg19[%dma_wait3A] : memref<128xf32, #tpu.memory_space<vmem>> -> memref<128xf32, #tpu.memory_space<vmem>>
        %dma_wait3A_219 = tpu.memref_slice %arg6[%add3A_187] : memref<10000xf32, #tpu.memory_space<hbm>> -> memref<128xf32, #tpu.memory_space<hbm>>
        %dma_wait3A_220 = arith.constant 0 : i32
        %dma_wait3A_221 = tpu.memref_slice %arg19[%dma_wait3A_220] : memref<128xf32, #tpu.memory_space<vmem>> -> memref<128xf32, #tpu.memory_space<vmem>>
        %dma_wait3A_222 = tpu.memref_slice %arg6[%add3A_187] : memref<10000xf32, #tpu.memory_space<hbm>> -> memref<128xf32, #tpu.memory_space<hbm>>
        tpu.wait_dma2 semaphore(%run_scoped3A_212 : memref<!tpu.dma_semaphore, #tpu.memory_space<semaphore_mem>>) src(%dma_wait3A_222 : memref<128xf32, #tpu.memory_space<hbm>>) dst(%dma_wait3A_221 : memref<128xf32, #tpu.memory_space<vmem>>)
        tpu.yield
      }) : () -> ()
      "tpu.region"() ({
        %run_scoped3A_212 = tpu.sem_alloc : memref<!tpu.dma_semaphore, #tpu.memory_space<semaphore_mem>>
        %dma_start3A = arith.constant 0 : i32
        %dma_start3A_213 = tpu.memref_slice %arg19[%dma_start3A] : memref<128xf32, #tpu.memory_space<vmem>> -> memref<128xf32, #tpu.memory_space<vmem>>
        %dma_start3A_214 = tpu.memref_slice %arg11[%add3A_187] : memref<10000xf32, #tpu.memory_space<vmem_shared>> -> memref<128xf32, #tpu.memory_space<vmem_shared>>
        %dma_start3A_215 = tpu.memref_slice %arg11[%add3A_187] : memref<10000xf32, #tpu.memory_space<vmem_shared>> -> memref<128xf32, #tpu.memory_space<vmem_shared>>
        %dma_start3A_216 = arith.constant 0 : i32
        %dma_start3A_217 = tpu.memref_slice %arg19[%dma_start3A_216] : memref<128xf32, #tpu.memory_space<vmem>> -> memref<128xf32, #tpu.memory_space<vmem>>
        tpu.enqueue_dma source(%dma_start3A_217 : memref<128xf32, #tpu.memory_space<vmem>>) target(%dma_start3A_215 : memref<128xf32, #tpu.memory_space<vmem_shared>>) target_semaphore(%run_scoped3A_212 : memref<!tpu.dma_semaphore, #tpu.memory_space<semaphore_mem>>)
        %dma_wait3A = arith.constant 0 : i32
        %dma_wait3A_218 = tpu.memref_slice %arg19[%dma_wait3A] : memref<128xf32, #tpu.memory_space<vmem>> -> memref<128xf32, #tpu.memory_space<vmem>>
        %dma_wait3A_219 = tpu.memref_slice %arg11[%add3A_187] : memref<10000xf32, #tpu.memory_space<vmem_shared>> -> memref<128xf32, #tpu.memory_space<vmem_shared>>
        %dma_wait3A_220 = tpu.memref_slice %arg11[%add3A_187] : memref<10000xf32, #tpu.memory_space<vmem_shared>> -> memref<128xf32, #tpu.memory_space<vmem_shared>>
        %dma_wait3A_221 = arith.constant 0 : i32
        %dma_wait3A_222 = tpu.memref_slice %arg19[%dma_wait3A_221] : memref<128xf32, #tpu.memory_space<vmem>> -> memref<128xf32, #tpu.memory_space<vmem>>
        tpu.wait_dma2 semaphore(%run_scoped3A_212 : memref<!tpu.dma_semaphore, #tpu.memory_space<semaphore_mem>>) src(%dma_wait3A_222 : memref<128xf32, #tpu.memory_space<vmem>>) dst(%dma_wait3A_220 : memref<128xf32, #tpu.memory_space<vmem_shared>>)
        tpu.yield
      }) : () -> ()
      "tpu.region"() ({
        %run_scoped3A_212 = tpu.sem_alloc : memref<!tpu.dma_semaphore, #tpu.memory_space<semaphore_mem>>
        %dma_start3A = arith.constant 0 : i32
        %dma_start3A_213 = tpu.memref_slice %arg19[%dma_start3A] : memref<128xf32, #tpu.memory_space<vmem>> -> memref<128xf32, #tpu.memory_space<vmem>>
        %dma_start3A_214 = tpu.memref_slice %arg7[%add3A_187] : memref<10000xf32, #tpu.memory_space<hbm>> -> memref<128xf32, #tpu.memory_space<hbm>>
        %dma_start3A_215 = arith.constant 0 : i32
        %dma_start3A_216 = tpu.memref_slice %arg19[%dma_start3A_215] : memref<128xf32, #tpu.memory_space<vmem>> -> memref<128xf32, #tpu.memory_space<vmem>>
        %dma_start3A_217 = tpu.memref_slice %arg7[%add3A_187] : memref<10000xf32, #tpu.memory_space<hbm>> -> memref<128xf32, #tpu.memory_space<hbm>>
        tpu.enqueue_dma source(%dma_start3A_217 : memref<128xf32, #tpu.memory_space<hbm>>) target(%dma_start3A_216 : memref<128xf32, #tpu.memory_space<vmem>>) target_semaphore(%run_scoped3A_212 : memref<!tpu.dma_semaphore, #tpu.memory_space<semaphore_mem>>)
        %dma_wait3A = arith.constant 0 : i32
        %dma_wait3A_218 = tpu.memref_slice %arg19[%dma_wait3A] : memref<128xf32, #tpu.memory_space<vmem>> -> memref<128xf32, #tpu.memory_space<vmem>>
        %dma_wait3A_219 = tpu.memref_slice %arg7[%add3A_187] : memref<10000xf32, #tpu.memory_space<hbm>> -> memref<128xf32, #tpu.memory_space<hbm>>
        %dma_wait3A_220 = arith.constant 0 : i32
        %dma_wait3A_221 = tpu.memref_slice %arg19[%dma_wait3A_220] : memref<128xf32, #tpu.memory_space<vmem>> -> memref<128xf32, #tpu.memory_space<vmem>>
        %dma_wait3A_222 = tpu.memref_slice %arg7[%add3A_187] : memref<10000xf32, #tpu.memory_space<hbm>> -> memref<128xf32, #tpu.memory_space<hbm>>
        tpu.wait_dma2 semaphore(%run_scoped3A_212 : memref<!tpu.dma_semaphore, #tpu.memory_space<semaphore_mem>>) src(%dma_wait3A_222 : memref<128xf32, #tpu.memory_space<hbm>>) dst(%dma_wait3A_221 : memref<128xf32, #tpu.memory_space<vmem>>)
        tpu.yield
      }) : () -> ()
      "tpu.region"() ({
        %run_scoped3A_212 = tpu.sem_alloc : memref<!tpu.dma_semaphore, #tpu.memory_space<semaphore_mem>>
        %dma_start3A = arith.constant 0 : i32
        %dma_start3A_213 = tpu.memref_slice %arg19[%dma_start3A] : memref<128xf32, #tpu.memory_space<vmem>> -> memref<128xf32, #tpu.memory_space<vmem>>
        %dma_start3A_214 = tpu.memref_slice %arg12[%add3A_187] : memref<10016xf32, #tpu.memory_space<vmem_shared>> -> memref<128xf32, #tpu.memory_space<vmem_shared>>
        %dma_start3A_215 = tpu.memref_slice %arg12[%add3A_187] : memref<10016xf32, #tpu.memory_space<vmem_shared>> -> memref<128xf32, #tpu.memory_space<vmem_shared>>
        %dma_start3A_216 = arith.constant 0 : i32
        %dma_start3A_217 = tpu.memref_slice %arg19[%dma_start3A_216] : memref<128xf32, #tpu.memory_space<vmem>> -> memref<128xf32, #tpu.memory_space<vmem>>
        tpu.enqueue_dma source(%dma_start3A_217 : memref<128xf32, #tpu.memory_space<vmem>>) target(%dma_start3A_215 : memref<128xf32, #tpu.memory_space<vmem_shared>>) target_semaphore(%run_scoped3A_212 : memref<!tpu.dma_semaphore, #tpu.memory_space<semaphore_mem>>)
        %dma_wait3A = arith.constant 0 : i32
        %dma_wait3A_218 = tpu.memref_slice %arg19[%dma_wait3A] : memref<128xf32, #tpu.memory_space<vmem>> -> memref<128xf32, #tpu.memory_space<vmem>>
        %dma_wait3A_219 = tpu.memref_slice %arg12[%add3A_187] : memref<10016xf32, #tpu.memory_space<vmem_shared>> -> memref<128xf32, #tpu.memory_space<vmem_shared>>
        %dma_wait3A_220 = tpu.memref_slice %arg12[%add3A_187] : memref<10016xf32, #tpu.memory_space<vmem_shared>> -> memref<128xf32, #tpu.memory_space<vmem_shared>>
        %dma_wait3A_221 = arith.constant 0 : i32
        %dma_wait3A_222 = tpu.memref_slice %arg19[%dma_wait3A_221] : memref<128xf32, #tpu.memory_space<vmem>> -> memref<128xf32, #tpu.memory_space<vmem>>
        tpu.wait_dma2 semaphore(%run_scoped3A_212 : memref<!tpu.dma_semaphore, #tpu.memory_space<semaphore_mem>>) src(%dma_wait3A_222 : memref<128xf32, #tpu.memory_space<vmem>>) dst(%dma_wait3A_220 : memref<128xf32, #tpu.memory_space<vmem_shared>>)
        tpu.yield
      }) : () -> ()
      %mul3A_188 = arith.constant 1000 : i32
      %mul3A_189 = arith.muli %arg1, %mul3A_188 : i32
      %add3A_190 = arith.constant 256 : i32
      %add3A_191 = arith.addi %mul3A_189, %add3A_190 : i32
      "tpu.region"() ({
        %run_scoped3A_212 = tpu.sem_alloc : memref<!tpu.dma_semaphore, #tpu.memory_space<semaphore_mem>>
        %dma_start3A = arith.constant 0 : i32
        %dma_start3A_213 = tpu.memref_slice %arg19[%dma_start3A] : memref<128xf32, #tpu.memory_space<vmem>> -> memref<128xf32, #tpu.memory_space<vmem>>
        %dma_start3A_214 = tpu.memref_slice %arg6[%add3A_191] : memref<10000xf32, #tpu.memory_space<hbm>> -> memref<128xf32, #tpu.memory_space<hbm>>
        %dma_start3A_215 = arith.constant 0 : i32
        %dma_start3A_216 = tpu.memref_slice %arg19[%dma_start3A_215] : memref<128xf32, #tpu.memory_space<vmem>> -> memref<128xf32, #tpu.memory_space<vmem>>
        %dma_start3A_217 = tpu.memref_slice %arg6[%add3A_191] : memref<10000xf32, #tpu.memory_space<hbm>> -> memref<128xf32, #tpu.memory_space<hbm>>
        tpu.enqueue_dma source(%dma_start3A_217 : memref<128xf32, #tpu.memory_space<hbm>>) target(%dma_start3A_216 : memref<128xf32, #tpu.memory_space<vmem>>) target_semaphore(%run_scoped3A_212 : memref<!tpu.dma_semaphore, #tpu.memory_space<semaphore_mem>>)
        %dma_wait3A = arith.constant 0 : i32
        %dma_wait3A_218 = tpu.memref_slice %arg19[%dma_wait3A] : memref<128xf32, #tpu.memory_space<vmem>> -> memref<128xf32, #tpu.memory_space<vmem>>
        %dma_wait3A_219 = tpu.memref_slice %arg6[%add3A_191] : memref<10000xf32, #tpu.memory_space<hbm>> -> memref<128xf32, #tpu.memory_space<hbm>>
        %dma_wait3A_220 = arith.constant 0 : i32
        %dma_wait3A_221 = tpu.memref_slice %arg19[%dma_wait3A_220] : memref<128xf32, #tpu.memory_space<vmem>> -> memref<128xf32, #tpu.memory_space<vmem>>
        %dma_wait3A_222 = tpu.memref_slice %arg6[%add3A_191] : memref<10000xf32, #tpu.memory_space<hbm>> -> memref<128xf32, #tpu.memory_space<hbm>>
        tpu.wait_dma2 semaphore(%run_scoped3A_212 : memref<!tpu.dma_semaphore, #tpu.memory_space<semaphore_mem>>) src(%dma_wait3A_222 : memref<128xf32, #tpu.memory_space<hbm>>) dst(%dma_wait3A_221 : memref<128xf32, #tpu.memory_space<vmem>>)
        tpu.yield
      }) : () -> ()
      "tpu.region"() ({
        %run_scoped3A_212 = tpu.sem_alloc : memref<!tpu.dma_semaphore, #tpu.memory_space<semaphore_mem>>
        %dma_start3A = arith.constant 0 : i32
        %dma_start3A_213 = tpu.memref_slice %arg19[%dma_start3A] : memref<128xf32, #tpu.memory_space<vmem>> -> memref<128xf32, #tpu.memory_space<vmem>>
        %dma_start3A_214 = tpu.memref_slice %arg11[%add3A_191] : memref<10000xf32, #tpu.memory_space<vmem_shared>> -> memref<128xf32, #tpu.memory_space<vmem_shared>>
        %dma_start3A_215 = tpu.memref_slice %arg11[%add3A_191] : memref<10000xf32, #tpu.memory_space<vmem_shared>> -> memref<128xf32, #tpu.memory_space<vmem_shared>>
        %dma_start3A_216 = arith.constant 0 : i32
        %dma_start3A_217 = tpu.memref_slice %arg19[%dma_start3A_216] : memref<128xf32, #tpu.memory_space<vmem>> -> memref<128xf32, #tpu.memory_space<vmem>>
        tpu.enqueue_dma source(%dma_start3A_217 : memref<128xf32, #tpu.memory_space<vmem>>) target(%dma_start3A_215 : memref<128xf32, #tpu.memory_space<vmem_shared>>) target_semaphore(%run_scoped3A_212 : memref<!tpu.dma_semaphore, #tpu.memory_space<semaphore_mem>>)
        %dma_wait3A = arith.constant 0 : i32
        %dma_wait3A_218 = tpu.memref_slice %arg19[%dma_wait3A] : memref<128xf32, #tpu.memory_space<vmem>> -> memref<128xf32, #tpu.memory_space<vmem>>
        %dma_wait3A_219 = tpu.memref_slice %arg11[%add3A_191] : memref<10000xf32, #tpu.memory_space<vmem_shared>> -> memref<128xf32, #tpu.memory_space<vmem_shared>>
        %dma_wait3A_220 = tpu.memref_slice %arg11[%add3A_191] : memref<10000xf32, #tpu.memory_space<vmem_shared>> -> memref<128xf32, #tpu.memory_space<vmem_shared>>
        %dma_wait3A_221 = arith.constant 0 : i32
        %dma_wait3A_222 = tpu.memref_slice %arg19[%dma_wait3A_221] : memref<128xf32, #tpu.memory_space<vmem>> -> memref<128xf32, #tpu.memory_space<vmem>>
        tpu.wait_dma2 semaphore(%run_scoped3A_212 : memref<!tpu.dma_semaphore, #tpu.memory_space<semaphore_mem>>) src(%dma_wait3A_222 : memref<128xf32, #tpu.memory_space<vmem>>) dst(%dma_wait3A_220 : memref<128xf32, #tpu.memory_space<vmem_shared>>)
        tpu.yield
      }) : () -> ()
      "tpu.region"() ({
        %run_scoped3A_212 = tpu.sem_alloc : memref<!tpu.dma_semaphore, #tpu.memory_space<semaphore_mem>>
        %dma_start3A = arith.constant 0 : i32
        %dma_start3A_213 = tpu.memref_slice %arg19[%dma_start3A] : memref<128xf32, #tpu.memory_space<vmem>> -> memref<128xf32, #tpu.memory_space<vmem>>
        %dma_start3A_214 = tpu.memref_slice %arg7[%add3A_191] : memref<10000xf32, #tpu.memory_space<hbm>> -> memref<128xf32, #tpu.memory_space<hbm>>
        %dma_start3A_215 = arith.constant 0 : i32
        %dma_start3A_216 = tpu.memref_slice %arg19[%dma_start3A_215] : memref<128xf32, #tpu.memory_space<vmem>> -> memref<128xf32, #tpu.memory_space<vmem>>
        %dma_start3A_217 = tpu.memref_slice %arg7[%add3A_191] : memref<10000xf32, #tpu.memory_space<hbm>> -> memref<128xf32, #tpu.memory_space<hbm>>
        tpu.enqueue_dma source(%dma_start3A_217 : memref<128xf32, #tpu.memory_space<hbm>>) target(%dma_start3A_216 : memref<128xf32, #tpu.memory_space<vmem>>) target_semaphore(%run_scoped3A_212 : memref<!tpu.dma_semaphore, #tpu.memory_space<semaphore_mem>>)
        %dma_wait3A = arith.constant 0 : i32
        %dma_wait3A_218 = tpu.memref_slice %arg19[%dma_wait3A] : memref<128xf32, #tpu.memory_space<vmem>> -> memref<128xf32, #tpu.memory_space<vmem>>
        %dma_wait3A_219 = tpu.memref_slice %arg7[%add3A_191] : memref<10000xf32, #tpu.memory_space<hbm>> -> memref<128xf32, #tpu.memory_space<hbm>>
        %dma_wait3A_220 = arith.constant 0 : i32
        %dma_wait3A_221 = tpu.memref_slice %arg19[%dma_wait3A_220] : memref<128xf32, #tpu.memory_space<vmem>> -> memref<128xf32, #tpu.memory_space<vmem>>
        %dma_wait3A_222 = tpu.memref_slice %arg7[%add3A_191] : memref<10000xf32, #tpu.memory_space<hbm>> -> memref<128xf32, #tpu.memory_space<hbm>>
        tpu.wait_dma2 semaphore(%run_scoped3A_212 : memref<!tpu.dma_semaphore, #tpu.memory_space<semaphore_mem>>) src(%dma_wait3A_222 : memref<128xf32, #tpu.memory_space<hbm>>) dst(%dma_wait3A_221 : memref<128xf32, #tpu.memory_space<vmem>>)
        tpu.yield
      }) : () -> ()
      "tpu.region"() ({
        %run_scoped3A_212 = tpu.sem_alloc : memref<!tpu.dma_semaphore, #tpu.memory_space<semaphore_mem>>
        %dma_start3A = arith.constant 0 : i32
        %dma_start3A_213 = tpu.memref_slice %arg19[%dma_start3A] : memref<128xf32, #tpu.memory_space<vmem>> -> memref<128xf32, #tpu.memory_space<vmem>>
        %dma_start3A_214 = tpu.memref_slice %arg12[%add3A_191] : memref<10016xf32, #tpu.memory_space<vmem_shared>> -> memref<128xf32, #tpu.memory_space<vmem_shared>>
        %dma_start3A_215 = tpu.memref_slice %arg12[%add3A_191] : memref<10016xf32, #tpu.memory_space<vmem_shared>> -> memref<128xf32, #tpu.memory_space<vmem_shared>>
        %dma_start3A_216 = arith.constant 0 : i32
        %dma_start3A_217 = tpu.memref_slice %arg19[%dma_start3A_216] : memref<128xf32, #tpu.memory_space<vmem>> -> memref<128xf32, #tpu.memory_space<vmem>>
        tpu.enqueue_dma source(%dma_start3A_217 : memref<128xf32, #tpu.memory_space<vmem>>) target(%dma_start3A_215 : memref<128xf32, #tpu.memory_space<vmem_shared>>) target_semaphore(%run_scoped3A_212 : memref<!tpu.dma_semaphore, #tpu.memory_space<semaphore_mem>>)
        %dma_wait3A = arith.constant 0 : i32
        %dma_wait3A_218 = tpu.memref_slice %arg19[%dma_wait3A] : memref<128xf32, #tpu.memory_space<vmem>> -> memref<128xf32, #tpu.memory_space<vmem>>
        %dma_wait3A_219 = tpu.memref_slice %arg12[%add3A_191] : memref<10016xf32, #tpu.memory_space<vmem_shared>> -> memref<128xf32, #tpu.memory_space<vmem_shared>>
        %dma_wait3A_220 = tpu.memref_slice %arg12[%add3A_191] : memref<10016xf32, #tpu.memory_space<vmem_shared>> -> memref<128xf32, #tpu.memory_space<vmem_shared>>
        %dma_wait3A_221 = arith.constant 0 : i32
        %dma_wait3A_222 = tpu.memref_slice %arg19[%dma_wait3A_221] : memref<128xf32, #tpu.memory_space<vmem>> -> memref<128xf32, #tpu.memory_space<vmem>>
        tpu.wait_dma2 semaphore(%run_scoped3A_212 : memref<!tpu.dma_semaphore, #tpu.memory_space<semaphore_mem>>) src(%dma_wait3A_222 : memref<128xf32, #tpu.memory_space<vmem>>) dst(%dma_wait3A_220 : memref<128xf32, #tpu.memory_space<vmem_shared>>)
        tpu.yield
      }) : () -> ()
      %mul3A_192 = arith.constant 1000 : i32
      %mul3A_193 = arith.muli %arg1, %mul3A_192 : i32
      %add3A_194 = arith.constant 384 : i32
      %add3A_195 = arith.addi %mul3A_193, %add3A_194 : i32
      "tpu.region"() ({
        %run_scoped3A_212 = tpu.sem_alloc : memref<!tpu.dma_semaphore, #tpu.memory_space<semaphore_mem>>
        %dma_start3A = arith.constant 0 : i32
        %dma_start3A_213 = tpu.memref_slice %arg19[%dma_start3A] : memref<128xf32, #tpu.memory_space<vmem>> -> memref<128xf32, #tpu.memory_space<vmem>>
        %dma_start3A_214 = tpu.memref_slice %arg6[%add3A_195] : memref<10000xf32, #tpu.memory_space<hbm>> -> memref<128xf32, #tpu.memory_space<hbm>>
        %dma_start3A_215 = arith.constant 0 : i32
        %dma_start3A_216 = tpu.memref_slice %arg19[%dma_start3A_215] : memref<128xf32, #tpu.memory_space<vmem>> -> memref<128xf32, #tpu.memory_space<vmem>>
        %dma_start3A_217 = tpu.memref_slice %arg6[%add3A_195] : memref<10000xf32, #tpu.memory_space<hbm>> -> memref<128xf32, #tpu.memory_space<hbm>>
        tpu.enqueue_dma source(%dma_start3A_217 : memref<128xf32, #tpu.memory_space<hbm>>) target(%dma_start3A_216 : memref<128xf32, #tpu.memory_space<vmem>>) target_semaphore(%run_scoped3A_212 : memref<!tpu.dma_semaphore, #tpu.memory_space<semaphore_mem>>)
        %dma_wait3A = arith.constant 0 : i32
        %dma_wait3A_218 = tpu.memref_slice %arg19[%dma_wait3A] : memref<128xf32, #tpu.memory_space<vmem>> -> memref<128xf32, #tpu.memory_space<vmem>>
        %dma_wait3A_219 = tpu.memref_slice %arg6[%add3A_195] : memref<10000xf32, #tpu.memory_space<hbm>> -> memref<128xf32, #tpu.memory_space<hbm>>
        %dma_wait3A_220 = arith.constant 0 : i32
        %dma_wait3A_221 = tpu.memref_slice %arg19[%dma_wait3A_220] : memref<128xf32, #tpu.memory_space<vmem>> -> memref<128xf32, #tpu.memory_space<vmem>>
        %dma_wait3A_222 = tpu.memref_slice %arg6[%add3A_195] : memref<10000xf32, #tpu.memory_space<hbm>> -> memref<128xf32, #tpu.memory_space<hbm>>
        tpu.wait_dma2 semaphore(%run_scoped3A_212 : memref<!tpu.dma_semaphore, #tpu.memory_space<semaphore_mem>>) src(%dma_wait3A_222 : memref<128xf32, #tpu.memory_space<hbm>>) dst(%dma_wait3A_221 : memref<128xf32, #tpu.memory_space<vmem>>)
        tpu.yield
      }) : () -> ()
      "tpu.region"() ({
        %run_scoped3A_212 = tpu.sem_alloc : memref<!tpu.dma_semaphore, #tpu.memory_space<semaphore_mem>>
        %dma_start3A = arith.constant 0 : i32
        %dma_start3A_213 = tpu.memref_slice %arg19[%dma_start3A] : memref<128xf32, #tpu.memory_space<vmem>> -> memref<128xf32, #tpu.memory_space<vmem>>
        %dma_start3A_214 = tpu.memref_slice %arg11[%add3A_195] : memref<10000xf32, #tpu.memory_space<vmem_shared>> -> memref<128xf32, #tpu.memory_space<vmem_shared>>
        %dma_start3A_215 = tpu.memref_slice %arg11[%add3A_195] : memref<10000xf32, #tpu.memory_space<vmem_shared>> -> memref<128xf32, #tpu.memory_space<vmem_shared>>
        %dma_start3A_216 = arith.constant 0 : i32
        %dma_start3A_217 = tpu.memref_slice %arg19[%dma_start3A_216] : memref<128xf32, #tpu.memory_space<vmem>> -> memref<128xf32, #tpu.memory_space<vmem>>
        tpu.enqueue_dma source(%dma_start3A_217 : memref<128xf32, #tpu.memory_space<vmem>>) target(%dma_start3A_215 : memref<128xf32, #tpu.memory_space<vmem_shared>>) target_semaphore(%run_scoped3A_212 : memref<!tpu.dma_semaphore, #tpu.memory_space<semaphore_mem>>)
        %dma_wait3A = arith.constant 0 : i32
        %dma_wait3A_218 = tpu.memref_slice %arg19[%dma_wait3A] : memref<128xf32, #tpu.memory_space<vmem>> -> memref<128xf32, #tpu.memory_space<vmem>>
        %dma_wait3A_219 = tpu.memref_slice %arg11[%add3A_195] : memref<10000xf32, #tpu.memory_space<vmem_shared>> -> memref<128xf32, #tpu.memory_space<vmem_shared>>
        %dma_wait3A_220 = tpu.memref_slice %arg11[%add3A_195] : memref<10000xf32, #tpu.memory_space<vmem_shared>> -> memref<128xf32, #tpu.memory_space<vmem_shared>>
        %dma_wait3A_221 = arith.constant 0 : i32
        %dma_wait3A_222 = tpu.memref_slice %arg19[%dma_wait3A_221] : memref<128xf32, #tpu.memory_space<vmem>> -> memref<128xf32, #tpu.memory_space<vmem>>
        tpu.wait_dma2 semaphore(%run_scoped3A_212 : memref<!tpu.dma_semaphore, #tpu.memory_space<semaphore_mem>>) src(%dma_wait3A_222 : memref<128xf32, #tpu.memory_space<vmem>>) dst(%dma_wait3A_220 : memref<128xf32, #tpu.memory_space<vmem_shared>>)
        tpu.yield
      }) : () -> ()
      "tpu.region"() ({
        %run_scoped3A_212 = tpu.sem_alloc : memref<!tpu.dma_semaphore, #tpu.memory_space<semaphore_mem>>
        %dma_start3A = arith.constant 0 : i32
        %dma_start3A_213 = tpu.memref_slice %arg19[%dma_start3A] : memref<128xf32, #tpu.memory_space<vmem>> -> memref<128xf32, #tpu.memory_space<vmem>>
        %dma_start3A_214 = tpu.memref_slice %arg7[%add3A_195] : memref<10000xf32, #tpu.memory_space<hbm>> -> memref<128xf32, #tpu.memory_space<hbm>>
        %dma_start3A_215 = arith.constant 0 : i32
        %dma_start3A_216 = tpu.memref_slice %arg19[%dma_start3A_215] : memref<128xf32, #tpu.memory_space<vmem>> -> memref<128xf32, #tpu.memory_space<vmem>>
        %dma_start3A_217 = tpu.memref_slice %arg7[%add3A_195] : memref<10000xf32, #tpu.memory_space<hbm>> -> memref<128xf32, #tpu.memory_space<hbm>>
        tpu.enqueue_dma source(%dma_start3A_217 : memref<128xf32, #tpu.memory_space<hbm>>) target(%dma_start3A_216 : memref<128xf32, #tpu.memory_space<vmem>>) target_semaphore(%run_scoped3A_212 : memref<!tpu.dma_semaphore, #tpu.memory_space<semaphore_mem>>)
        %dma_wait3A = arith.constant 0 : i32
        %dma_wait3A_218 = tpu.memref_slice %arg19[%dma_wait3A] : memref<128xf32, #tpu.memory_space<vmem>> -> memref<128xf32, #tpu.memory_space<vmem>>
        %dma_wait3A_219 = tpu.memref_slice %arg7[%add3A_195] : memref<10000xf32, #tpu.memory_space<hbm>> -> memref<128xf32, #tpu.memory_space<hbm>>
        %dma_wait3A_220 = arith.constant 0 : i32
        %dma_wait3A_221 = tpu.memref_slice %arg19[%dma_wait3A_220] : memref<128xf32, #tpu.memory_space<vmem>> -> memref<128xf32, #tpu.memory_space<vmem>>
        %dma_wait3A_222 = tpu.memref_slice %arg7[%add3A_195] : memref<10000xf32, #tpu.memory_space<hbm>> -> memref<128xf32, #tpu.memory_space<hbm>>
        tpu.wait_dma2 semaphore(%run_scoped3A_212 : memref<!tpu.dma_semaphore, #tpu.memory_space<semaphore_mem>>) src(%dma_wait3A_222 : memref<128xf32, #tpu.memory_space<hbm>>) dst(%dma_wait3A_221 : memref<128xf32, #tpu.memory_space<vmem>>)
        tpu.yield
      }) : () -> ()
      "tpu.region"() ({
        %run_scoped3A_212 = tpu.sem_alloc : memref<!tpu.dma_semaphore, #tpu.memory_space<semaphore_mem>>
        %dma_start3A = arith.constant 0 : i32
        %dma_start3A_213 = tpu.memref_slice %arg19[%dma_start3A] : memref<128xf32, #tpu.memory_space<vmem>> -> memref<128xf32, #tpu.memory_space<vmem>>
        %dma_start3A_214 = tpu.memref_slice %arg12[%add3A_195] : memref<10016xf32, #tpu.memory_space<vmem_shared>> -> memref<128xf32, #tpu.memory_space<vmem_shared>>
        %dma_start3A_215 = tpu.memref_slice %arg12[%add3A_195] : memref<10016xf32, #tpu.memory_space<vmem_shared>> -> memref<128xf32, #tpu.memory_space<vmem_shared>>
        %dma_start3A_216 = arith.constant 0 : i32
        %dma_start3A_217 = tpu.memref_slice %arg19[%dma_start3A_216] : memref<128xf32, #tpu.memory_space<vmem>> -> memref<128xf32, #tpu.memory_space<vmem>>
        tpu.enqueue_dma source(%dma_start3A_217 : memref<128xf32, #tpu.memory_space<vmem>>) target(%dma_start3A_215 : memref<128xf32, #tpu.memory_space<vmem_shared>>) target_semaphore(%run_scoped3A_212 : memref<!tpu.dma_semaphore, #tpu.memory_space<semaphore_mem>>)
        %dma_wait3A = arith.constant 0 : i32
        %dma_wait3A_218 = tpu.memref_slice %arg19[%dma_wait3A] : memref<128xf32, #tpu.memory_space<vmem>> -> memref<128xf32, #tpu.memory_space<vmem>>
        %dma_wait3A_219 = tpu.memref_slice %arg12[%add3A_195] : memref<10016xf32, #tpu.memory_space<vmem_shared>> -> memref<128xf32, #tpu.memory_space<vmem_shared>>
        %dma_wait3A_220 = tpu.memref_slice %arg12[%add3A_195] : memref<10016xf32, #tpu.memory_space<vmem_shared>> -> memref<128xf32, #tpu.memory_space<vmem_shared>>
        %dma_wait3A_221 = arith.constant 0 : i32
        %dma_wait3A_222 = tpu.memref_slice %arg19[%dma_wait3A_221] : memref<128xf32, #tpu.memory_space<vmem>> -> memref<128xf32, #tpu.memory_space<vmem>>
        tpu.wait_dma2 semaphore(%run_scoped3A_212 : memref<!tpu.dma_semaphore, #tpu.memory_space<semaphore_mem>>) src(%dma_wait3A_222 : memref<128xf32, #tpu.memory_space<vmem>>) dst(%dma_wait3A_220 : memref<128xf32, #tpu.memory_space<vmem_shared>>)
        tpu.yield
      }) : () -> ()
      %mul3A_196 = arith.constant 1000 : i32
      %mul3A_197 = arith.muli %arg1, %mul3A_196 : i32
      %add3A_198 = arith.constant 512 : i32
      %add3A_199 = arith.addi %mul3A_197, %add3A_198 : i32
      "tpu.region"() ({
        %run_scoped3A_212 = tpu.sem_alloc : memref<!tpu.dma_semaphore, #tpu.memory_space<semaphore_mem>>
        %dma_start3A = arith.constant 0 : i32
        %dma_start3A_213 = tpu.memref_slice %arg19[%dma_start3A] : memref<128xf32, #tpu.memory_space<vmem>> -> memref<128xf32, #tpu.memory_space<vmem>>
        %dma_start3A_214 = tpu.memref_slice %arg6[%add3A_199] : memref<10000xf32, #tpu.memory_space<hbm>> -> memref<128xf32, #tpu.memory_space<hbm>>
        %dma_start3A_215 = arith.constant 0 : i32
        %dma_start3A_216 = tpu.memref_slice %arg19[%dma_start3A_215] : memref<128xf32, #tpu.memory_space<vmem>> -> memref<128xf32, #tpu.memory_space<vmem>>
        %dma_start3A_217 = tpu.memref_slice %arg6[%add3A_199] : memref<10000xf32, #tpu.memory_space<hbm>> -> memref<128xf32, #tpu.memory_space<hbm>>
        tpu.enqueue_dma source(%dma_start3A_217 : memref<128xf32, #tpu.memory_space<hbm>>) target(%dma_start3A_216 : memref<128xf32, #tpu.memory_space<vmem>>) target_semaphore(%run_scoped3A_212 : memref<!tpu.dma_semaphore, #tpu.memory_space<semaphore_mem>>)
        %dma_wait3A = arith.constant 0 : i32
        %dma_wait3A_218 = tpu.memref_slice %arg19[%dma_wait3A] : memref<128xf32, #tpu.memory_space<vmem>> -> memref<128xf32, #tpu.memory_space<vmem>>
        %dma_wait3A_219 = tpu.memref_slice %arg6[%add3A_199] : memref<10000xf32, #tpu.memory_space<hbm>> -> memref<128xf32, #tpu.memory_space<hbm>>
        %dma_wait3A_220 = arith.constant 0 : i32
        %dma_wait3A_221 = tpu.memref_slice %arg19[%dma_wait3A_220] : memref<128xf32, #tpu.memory_space<vmem>> -> memref<128xf32, #tpu.memory_space<vmem>>
        %dma_wait3A_222 = tpu.memref_slice %arg6[%add3A_199] : memref<10000xf32, #tpu.memory_space<hbm>> -> memref<128xf32, #tpu.memory_space<hbm>>
        tpu.wait_dma2 semaphore(%run_scoped3A_212 : memref<!tpu.dma_semaphore, #tpu.memory_space<semaphore_mem>>) src(%dma_wait3A_222 : memref<128xf32, #tpu.memory_space<hbm>>) dst(%dma_wait3A_221 : memref<128xf32, #tpu.memory_space<vmem>>)
        tpu.yield
      }) : () -> ()
      "tpu.region"() ({
        %run_scoped3A_212 = tpu.sem_alloc : memref<!tpu.dma_semaphore, #tpu.memory_space<semaphore_mem>>
        %dma_start3A = arith.constant 0 : i32
        %dma_start3A_213 = tpu.memref_slice %arg19[%dma_start3A] : memref<128xf32, #tpu.memory_space<vmem>> -> memref<128xf32, #tpu.memory_space<vmem>>
        %dma_start3A_214 = tpu.memref_slice %arg11[%add3A_199] : memref<10000xf32, #tpu.memory_space<vmem_shared>> -> memref<128xf32, #tpu.memory_space<vmem_shared>>
        %dma_start3A_215 = tpu.memref_slice %arg11[%add3A_199] : memref<10000xf32, #tpu.memory_space<vmem_shared>> -> memref<128xf32, #tpu.memory_space<vmem_shared>>
        %dma_start3A_216 = arith.constant 0 : i32
        %dma_start3A_217 = tpu.memref_slice %arg19[%dma_start3A_216] : memref<128xf32, #tpu.memory_space<vmem>> -> memref<128xf32, #tpu.memory_space<vmem>>
        tpu.enqueue_dma source(%dma_start3A_217 : memref<128xf32, #tpu.memory_space<vmem>>) target(%dma_start3A_215 : memref<128xf32, #tpu.memory_space<vmem_shared>>) target_semaphore(%run_scoped3A_212 : memref<!tpu.dma_semaphore, #tpu.memory_space<semaphore_mem>>)
        %dma_wait3A = arith.constant 0 : i32
        %dma_wait3A_218 = tpu.memref_slice %arg19[%dma_wait3A] : memref<128xf32, #tpu.memory_space<vmem>> -> memref<128xf32, #tpu.memory_space<vmem>>
        %dma_wait3A_219 = tpu.memref_slice %arg11[%add3A_199] : memref<10000xf32, #tpu.memory_space<vmem_shared>> -> memref<128xf32, #tpu.memory_space<vmem_shared>>
        %dma_wait3A_220 = tpu.memref_slice %arg11[%add3A_199] : memref<10000xf32, #tpu.memory_space<vmem_shared>> -> memref<128xf32, #tpu.memory_space<vmem_shared>>
        %dma_wait3A_221 = arith.constant 0 : i32
        %dma_wait3A_222 = tpu.memref_slice %arg19[%dma_wait3A_221] : memref<128xf32, #tpu.memory_space<vmem>> -> memref<128xf32, #tpu.memory_space<vmem>>
        tpu.wait_dma2 semaphore(%run_scoped3A_212 : memref<!tpu.dma_semaphore, #tpu.memory_space<semaphore_mem>>) src(%dma_wait3A_222 : memref<128xf32, #tpu.memory_space<vmem>>) dst(%dma_wait3A_220 : memref<128xf32, #tpu.memory_space<vmem_shared>>)
        tpu.yield
      }) : () -> ()
      "tpu.region"() ({
        %run_scoped3A_212 = tpu.sem_alloc : memref<!tpu.dma_semaphore, #tpu.memory_space<semaphore_mem>>
        %dma_start3A = arith.constant 0 : i32
        %dma_start3A_213 = tpu.memref_slice %arg19[%dma_start3A] : memref<128xf32, #tpu.memory_space<vmem>> -> memref<128xf32, #tpu.memory_space<vmem>>
        %dma_start3A_214 = tpu.memref_slice %arg7[%add3A_199] : memref<10000xf32, #tpu.memory_space<hbm>> -> memref<128xf32, #tpu.memory_space<hbm>>
        %dma_start3A_215 = arith.constant 0 : i32
        %dma_start3A_216 = tpu.memref_slice %arg19[%dma_start3A_215] : memref<128xf32, #tpu.memory_space<vmem>> -> memref<128xf32, #tpu.memory_space<vmem>>
        %dma_start3A_217 = tpu.memref_slice %arg7[%add3A_199] : memref<10000xf32, #tpu.memory_space<hbm>> -> memref<128xf32, #tpu.memory_space<hbm>>
        tpu.enqueue_dma source(%dma_start3A_217 : memref<128xf32, #tpu.memory_space<hbm>>) target(%dma_start3A_216 : memref<128xf32, #tpu.memory_space<vmem>>) target_semaphore(%run_scoped3A_212 : memref<!tpu.dma_semaphore, #tpu.memory_space<semaphore_mem>>)
        %dma_wait3A = arith.constant 0 : i32
        %dma_wait3A_218 = tpu.memref_slice %arg19[%dma_wait3A] : memref<128xf32, #tpu.memory_space<vmem>> -> memref<128xf32, #tpu.memory_space<vmem>>
        %dma_wait3A_219 = tpu.memref_slice %arg7[%add3A_199] : memref<10000xf32, #tpu.memory_space<hbm>> -> memref<128xf32, #tpu.memory_space<hbm>>
        %dma_wait3A_220 = arith.constant 0 : i32
        %dma_wait3A_221 = tpu.memref_slice %arg19[%dma_wait3A_220] : memref<128xf32, #tpu.memory_space<vmem>> -> memref<128xf32, #tpu.memory_space<vmem>>
        %dma_wait3A_222 = tpu.memref_slice %arg7[%add3A_199] : memref<10000xf32, #tpu.memory_space<hbm>> -> memref<128xf32, #tpu.memory_space<hbm>>
        tpu.wait_dma2 semaphore(%run_scoped3A_212 : memref<!tpu.dma_semaphore, #tpu.memory_space<semaphore_mem>>) src(%dma_wait3A_222 : memref<128xf32, #tpu.memory_space<hbm>>) dst(%dma_wait3A_221 : memref<128xf32, #tpu.memory_space<vmem>>)
        tpu.yield
      }) : () -> ()
      "tpu.region"() ({
        %run_scoped3A_212 = tpu.sem_alloc : memref<!tpu.dma_semaphore, #tpu.memory_space<semaphore_mem>>
        %dma_start3A = arith.constant 0 : i32
        %dma_start3A_213 = tpu.memref_slice %arg19[%dma_start3A] : memref<128xf32, #tpu.memory_space<vmem>> -> memref<128xf32, #tpu.memory_space<vmem>>
        %dma_start3A_214 = tpu.memref_slice %arg12[%add3A_199] : memref<10016xf32, #tpu.memory_space<vmem_shared>> -> memref<128xf32, #tpu.memory_space<vmem_shared>>
        %dma_start3A_215 = tpu.memref_slice %arg12[%add3A_199] : memref<10016xf32, #tpu.memory_space<vmem_shared>> -> memref<128xf32, #tpu.memory_space<vmem_shared>>
        %dma_start3A_216 = arith.constant 0 : i32
        %dma_start3A_217 = tpu.memref_slice %arg19[%dma_start3A_216] : memref<128xf32, #tpu.memory_space<vmem>> -> memref<128xf32, #tpu.memory_space<vmem>>
        tpu.enqueue_dma source(%dma_start3A_217 : memref<128xf32, #tpu.memory_space<vmem>>) target(%dma_start3A_215 : memref<128xf32, #tpu.memory_space<vmem_shared>>) target_semaphore(%run_scoped3A_212 : memref<!tpu.dma_semaphore, #tpu.memory_space<semaphore_mem>>)
        %dma_wait3A = arith.constant 0 : i32
        %dma_wait3A_218 = tpu.memref_slice %arg19[%dma_wait3A] : memref<128xf32, #tpu.memory_space<vmem>> -> memref<128xf32, #tpu.memory_space<vmem>>
        %dma_wait3A_219 = tpu.memref_slice %arg12[%add3A_199] : memref<10016xf32, #tpu.memory_space<vmem_shared>> -> memref<128xf32, #tpu.memory_space<vmem_shared>>
        %dma_wait3A_220 = tpu.memref_slice %arg12[%add3A_199] : memref<10016xf32, #tpu.memory_space<vmem_shared>> -> memref<128xf32, #tpu.memory_space<vmem_shared>>
        %dma_wait3A_221 = arith.constant 0 : i32
        %dma_wait3A_222 = tpu.memref_slice %arg19[%dma_wait3A_221] : memref<128xf32, #tpu.memory_space<vmem>> -> memref<128xf32, #tpu.memory_space<vmem>>
        tpu.wait_dma2 semaphore(%run_scoped3A_212 : memref<!tpu.dma_semaphore, #tpu.memory_space<semaphore_mem>>) src(%dma_wait3A_222 : memref<128xf32, #tpu.memory_space<vmem>>) dst(%dma_wait3A_220 : memref<128xf32, #tpu.memory_space<vmem_shared>>)
        tpu.yield
      }) : () -> ()
      %mul3A_200 = arith.constant 1000 : i32
      %mul3A_201 = arith.muli %arg1, %mul3A_200 : i32
      %add3A_202 = arith.constant 640 : i32
      %add3A_203 = arith.addi %mul3A_201, %add3A_202 : i32
      "tpu.region"() ({
        %run_scoped3A_212 = tpu.sem_alloc : memref<!tpu.dma_semaphore, #tpu.memory_space<semaphore_mem>>
        %dma_start3A = arith.constant 0 : i32
        %dma_start3A_213 = tpu.memref_slice %arg19[%dma_start3A] : memref<128xf32, #tpu.memory_space<vmem>> -> memref<128xf32, #tpu.memory_space<vmem>>
        %dma_start3A_214 = tpu.memref_slice %arg6[%add3A_203] : memref<10000xf32, #tpu.memory_space<hbm>> -> memref<128xf32, #tpu.memory_space<hbm>>
        %dma_start3A_215 = arith.constant 0 : i32
        %dma_start3A_216 = tpu.memref_slice %arg19[%dma_start3A_215] : memref<128xf32, #tpu.memory_space<vmem>> -> memref<128xf32, #tpu.memory_space<vmem>>
        %dma_start3A_217 = tpu.memref_slice %arg6[%add3A_203] : memref<10000xf32, #tpu.memory_space<hbm>> -> memref<128xf32, #tpu.memory_space<hbm>>
        tpu.enqueue_dma source(%dma_start3A_217 : memref<128xf32, #tpu.memory_space<hbm>>) target(%dma_start3A_216 : memref<128xf32, #tpu.memory_space<vmem>>) target_semaphore(%run_scoped3A_212 : memref<!tpu.dma_semaphore, #tpu.memory_space<semaphore_mem>>)
        %dma_wait3A = arith.constant 0 : i32
        %dma_wait3A_218 = tpu.memref_slice %arg19[%dma_wait3A] : memref<128xf32, #tpu.memory_space<vmem>> -> memref<128xf32, #tpu.memory_space<vmem>>
        %dma_wait3A_219 = tpu.memref_slice %arg6[%add3A_203] : memref<10000xf32, #tpu.memory_space<hbm>> -> memref<128xf32, #tpu.memory_space<hbm>>
        %dma_wait3A_220 = arith.constant 0 : i32
        %dma_wait3A_221 = tpu.memref_slice %arg19[%dma_wait3A_220] : memref<128xf32, #tpu.memory_space<vmem>> -> memref<128xf32, #tpu.memory_space<vmem>>
        %dma_wait3A_222 = tpu.memref_slice %arg6[%add3A_203] : memref<10000xf32, #tpu.memory_space<hbm>> -> memref<128xf32, #tpu.memory_space<hbm>>
        tpu.wait_dma2 semaphore(%run_scoped3A_212 : memref<!tpu.dma_semaphore, #tpu.memory_space<semaphore_mem>>) src(%dma_wait3A_222 : memref<128xf32, #tpu.memory_space<hbm>>) dst(%dma_wait3A_221 : memref<128xf32, #tpu.memory_space<vmem>>)
        tpu.yield
      }) : () -> ()
      "tpu.region"() ({
        %run_scoped3A_212 = tpu.sem_alloc : memref<!tpu.dma_semaphore, #tpu.memory_space<semaphore_mem>>
        %dma_start3A = arith.constant 0 : i32
        %dma_start3A_213 = tpu.memref_slice %arg19[%dma_start3A] : memref<128xf32, #tpu.memory_space<vmem>> -> memref<128xf32, #tpu.memory_space<vmem>>
        %dma_start3A_214 = tpu.memref_slice %arg11[%add3A_203] : memref<10000xf32, #tpu.memory_space<vmem_shared>> -> memref<128xf32, #tpu.memory_space<vmem_shared>>
        %dma_start3A_215 = tpu.memref_slice %arg11[%add3A_203] : memref<10000xf32, #tpu.memory_space<vmem_shared>> -> memref<128xf32, #tpu.memory_space<vmem_shared>>
        %dma_start3A_216 = arith.constant 0 : i32
        %dma_start3A_217 = tpu.memref_slice %arg19[%dma_start3A_216] : memref<128xf32, #tpu.memory_space<vmem>> -> memref<128xf32, #tpu.memory_space<vmem>>
        tpu.enqueue_dma source(%dma_start3A_217 : memref<128xf32, #tpu.memory_space<vmem>>) target(%dma_start3A_215 : memref<128xf32, #tpu.memory_space<vmem_shared>>) target_semaphore(%run_scoped3A_212 : memref<!tpu.dma_semaphore, #tpu.memory_space<semaphore_mem>>)
        %dma_wait3A = arith.constant 0 : i32
        %dma_wait3A_218 = tpu.memref_slice %arg19[%dma_wait3A] : memref<128xf32, #tpu.memory_space<vmem>> -> memref<128xf32, #tpu.memory_space<vmem>>
        %dma_wait3A_219 = tpu.memref_slice %arg11[%add3A_203] : memref<10000xf32, #tpu.memory_space<vmem_shared>> -> memref<128xf32, #tpu.memory_space<vmem_shared>>
        %dma_wait3A_220 = tpu.memref_slice %arg11[%add3A_203] : memref<10000xf32, #tpu.memory_space<vmem_shared>> -> memref<128xf32, #tpu.memory_space<vmem_shared>>
        %dma_wait3A_221 = arith.constant 0 : i32
        %dma_wait3A_222 = tpu.memref_slice %arg19[%dma_wait3A_221] : memref<128xf32, #tpu.memory_space<vmem>> -> memref<128xf32, #tpu.memory_space<vmem>>
        tpu.wait_dma2 semaphore(%run_scoped3A_212 : memref<!tpu.dma_semaphore, #tpu.memory_space<semaphore_mem>>) src(%dma_wait3A_222 : memref<128xf32, #tpu.memory_space<vmem>>) dst(%dma_wait3A_220 : memref<128xf32, #tpu.memory_space<vmem_shared>>)
        tpu.yield
      }) : () -> ()
      "tpu.region"() ({
        %run_scoped3A_212 = tpu.sem_alloc : memref<!tpu.dma_semaphore, #tpu.memory_space<semaphore_mem>>
        %dma_start3A = arith.constant 0 : i32
        %dma_start3A_213 = tpu.memref_slice %arg19[%dma_start3A] : memref<128xf32, #tpu.memory_space<vmem>> -> memref<128xf32, #tpu.memory_space<vmem>>
        %dma_start3A_214 = tpu.memref_slice %arg7[%add3A_203] : memref<10000xf32, #tpu.memory_space<hbm>> -> memref<128xf32, #tpu.memory_space<hbm>>
        %dma_start3A_215 = arith.constant 0 : i32
        %dma_start3A_216 = tpu.memref_slice %arg19[%dma_start3A_215] : memref<128xf32, #tpu.memory_space<vmem>> -> memref<128xf32, #tpu.memory_space<vmem>>
        %dma_start3A_217 = tpu.memref_slice %arg7[%add3A_203] : memref<10000xf32, #tpu.memory_space<hbm>> -> memref<128xf32, #tpu.memory_space<hbm>>
        tpu.enqueue_dma source(%dma_start3A_217 : memref<128xf32, #tpu.memory_space<hbm>>) target(%dma_start3A_216 : memref<128xf32, #tpu.memory_space<vmem>>) target_semaphore(%run_scoped3A_212 : memref<!tpu.dma_semaphore, #tpu.memory_space<semaphore_mem>>)
        %dma_wait3A = arith.constant 0 : i32
        %dma_wait3A_218 = tpu.memref_slice %arg19[%dma_wait3A] : memref<128xf32, #tpu.memory_space<vmem>> -> memref<128xf32, #tpu.memory_space<vmem>>
        %dma_wait3A_219 = tpu.memref_slice %arg7[%add3A_203] : memref<10000xf32, #tpu.memory_space<hbm>> -> memref<128xf32, #tpu.memory_space<hbm>>
        %dma_wait3A_220 = arith.constant 0 : i32
        %dma_wait3A_221 = tpu.memref_slice %arg19[%dma_wait3A_220] : memref<128xf32, #tpu.memory_space<vmem>> -> memref<128xf32, #tpu.memory_space<vmem>>
        %dma_wait3A_222 = tpu.memref_slice %arg7[%add3A_203] : memref<10000xf32, #tpu.memory_space<hbm>> -> memref<128xf32, #tpu.memory_space<hbm>>
        tpu.wait_dma2 semaphore(%run_scoped3A_212 : memref<!tpu.dma_semaphore, #tpu.memory_space<semaphore_mem>>) src(%dma_wait3A_222 : memref<128xf32, #tpu.memory_space<hbm>>) dst(%dma_wait3A_221 : memref<128xf32, #tpu.memory_space<vmem>>)
        tpu.yield
      }) : () -> ()
      "tpu.region"() ({
        %run_scoped3A_212 = tpu.sem_alloc : memref<!tpu.dma_semaphore, #tpu.memory_space<semaphore_mem>>
        %dma_start3A = arith.constant 0 : i32
        %dma_start3A_213 = tpu.memref_slice %arg19[%dma_start3A] : memref<128xf32, #tpu.memory_space<vmem>> -> memref<128xf32, #tpu.memory_space<vmem>>
        %dma_start3A_214 = tpu.memref_slice %arg12[%add3A_203] : memref<10016xf32, #tpu.memory_space<vmem_shared>> -> memref<128xf32, #tpu.memory_space<vmem_shared>>
        %dma_start3A_215 = tpu.memref_slice %arg12[%add3A_203] : memref<10016xf32, #tpu.memory_space<vmem_shared>> -> memref<128xf32, #tpu.memory_space<vmem_shared>>
        %dma_start3A_216 = arith.constant 0 : i32
        %dma_start3A_217 = tpu.memref_slice %arg19[%dma_start3A_216] : memref<128xf32, #tpu.memory_space<vmem>> -> memref<128xf32, #tpu.memory_space<vmem>>
        tpu.enqueue_dma source(%dma_start3A_217 : memref<128xf32, #tpu.memory_space<vmem>>) target(%dma_start3A_215 : memref<128xf32, #tpu.memory_space<vmem_shared>>) target_semaphore(%run_scoped3A_212 : memref<!tpu.dma_semaphore, #tpu.memory_space<semaphore_mem>>)
        %dma_wait3A = arith.constant 0 : i32
        %dma_wait3A_218 = tpu.memref_slice %arg19[%dma_wait3A] : memref<128xf32, #tpu.memory_space<vmem>> -> memref<128xf32, #tpu.memory_space<vmem>>
        %dma_wait3A_219 = tpu.memref_slice %arg12[%add3A_203] : memref<10016xf32, #tpu.memory_space<vmem_shared>> -> memref<128xf32, #tpu.memory_space<vmem_shared>>
        %dma_wait3A_220 = tpu.memref_slice %arg12[%add3A_203] : memref<10016xf32, #tpu.memory_space<vmem_shared>> -> memref<128xf32, #tpu.memory_space<vmem_shared>>
        %dma_wait3A_221 = arith.constant 0 : i32
        %dma_wait3A_222 = tpu.memref_slice %arg19[%dma_wait3A_221] : memref<128xf32, #tpu.memory_space<vmem>> -> memref<128xf32, #tpu.memory_space<vmem>>
        tpu.wait_dma2 semaphore(%run_scoped3A_212 : memref<!tpu.dma_semaphore, #tpu.memory_space<semaphore_mem>>) src(%dma_wait3A_222 : memref<128xf32, #tpu.memory_space<vmem>>) dst(%dma_wait3A_220 : memref<128xf32, #tpu.memory_space<vmem_shared>>)
        tpu.yield
      }) : () -> ()
      %mul3A_204 = arith.constant 1000 : i32
      %mul3A_205 = arith.muli %arg1, %mul3A_204 : i32
      %add3A_206 = arith.constant 768 : i32
      %add3A_207 = arith.addi %mul3A_205, %add3A_206 : i32
      "tpu.region"() ({
        %run_scoped3A_212 = tpu.sem_alloc : memref<!tpu.dma_semaphore, #tpu.memory_space<semaphore_mem>>
        %dma_start3A = arith.constant 0 : i32
        %dma_start3A_213 = tpu.memref_slice %arg19[%dma_start3A] : memref<128xf32, #tpu.memory_space<vmem>> -> memref<128xf32, #tpu.memory_space<vmem>>
        %dma_start3A_214 = tpu.memref_slice %arg6[%add3A_207] : memref<10000xf32, #tpu.memory_space<hbm>> -> memref<128xf32, #tpu.memory_space<hbm>>
        %dma_start3A_215 = arith.constant 0 : i32
        %dma_start3A_216 = tpu.memref_slice %arg19[%dma_start3A_215] : memref<128xf32, #tpu.memory_space<vmem>> -> memref<128xf32, #tpu.memory_space<vmem>>
        %dma_start3A_217 = tpu.memref_slice %arg6[%add3A_207] : memref<10000xf32, #tpu.memory_space<hbm>> -> memref<128xf32, #tpu.memory_space<hbm>>
        tpu.enqueue_dma source(%dma_start3A_217 : memref<128xf32, #tpu.memory_space<hbm>>) target(%dma_start3A_216 : memref<128xf32, #tpu.memory_space<vmem>>) target_semaphore(%run_scoped3A_212 : memref<!tpu.dma_semaphore, #tpu.memory_space<semaphore_mem>>)
        %dma_wait3A = arith.constant 0 : i32
        %dma_wait3A_218 = tpu.memref_slice %arg19[%dma_wait3A] : memref<128xf32, #tpu.memory_space<vmem>> -> memref<128xf32, #tpu.memory_space<vmem>>
        %dma_wait3A_219 = tpu.memref_slice %arg6[%add3A_207] : memref<10000xf32, #tpu.memory_space<hbm>> -> memref<128xf32, #tpu.memory_space<hbm>>
        %dma_wait3A_220 = arith.constant 0 : i32
        %dma_wait3A_221 = tpu.memref_slice %arg19[%dma_wait3A_220] : memref<128xf32, #tpu.memory_space<vmem>> -> memref<128xf32, #tpu.memory_space<vmem>>
        %dma_wait3A_222 = tpu.memref_slice %arg6[%add3A_207] : memref<10000xf32, #tpu.memory_space<hbm>> -> memref<128xf32, #tpu.memory_space<hbm>>
        tpu.wait_dma2 semaphore(%run_scoped3A_212 : memref<!tpu.dma_semaphore, #tpu.memory_space<semaphore_mem>>) src(%dma_wait3A_222 : memref<128xf32, #tpu.memory_space<hbm>>) dst(%dma_wait3A_221 : memref<128xf32, #tpu.memory_space<vmem>>)
        tpu.yield
      }) : () -> ()
      "tpu.region"() ({
        %run_scoped3A_212 = tpu.sem_alloc : memref<!tpu.dma_semaphore, #tpu.memory_space<semaphore_mem>>
        %dma_start3A = arith.constant 0 : i32
        %dma_start3A_213 = tpu.memref_slice %arg19[%dma_start3A] : memref<128xf32, #tpu.memory_space<vmem>> -> memref<128xf32, #tpu.memory_space<vmem>>
        %dma_start3A_214 = tpu.memref_slice %arg11[%add3A_207] : memref<10000xf32, #tpu.memory_space<vmem_shared>> -> memref<128xf32, #tpu.memory_space<vmem_shared>>
        %dma_start3A_215 = tpu.memref_slice %arg11[%add3A_207] : memref<10000xf32, #tpu.memory_space<vmem_shared>> -> memref<128xf32, #tpu.memory_space<vmem_shared>>
        %dma_start3A_216 = arith.constant 0 : i32
        %dma_start3A_217 = tpu.memref_slice %arg19[%dma_start3A_216] : memref<128xf32, #tpu.memory_space<vmem>> -> memref<128xf32, #tpu.memory_space<vmem>>
        tpu.enqueue_dma source(%dma_start3A_217 : memref<128xf32, #tpu.memory_space<vmem>>) target(%dma_start3A_215 : memref<128xf32, #tpu.memory_space<vmem_shared>>) target_semaphore(%run_scoped3A_212 : memref<!tpu.dma_semaphore, #tpu.memory_space<semaphore_mem>>)
        %dma_wait3A = arith.constant 0 : i32
        %dma_wait3A_218 = tpu.memref_slice %arg19[%dma_wait3A] : memref<128xf32, #tpu.memory_space<vmem>> -> memref<128xf32, #tpu.memory_space<vmem>>
        %dma_wait3A_219 = tpu.memref_slice %arg11[%add3A_207] : memref<10000xf32, #tpu.memory_space<vmem_shared>> -> memref<128xf32, #tpu.memory_space<vmem_shared>>
        %dma_wait3A_220 = tpu.memref_slice %arg11[%add3A_207] : memref<10000xf32, #tpu.memory_space<vmem_shared>> -> memref<128xf32, #tpu.memory_space<vmem_shared>>
        %dma_wait3A_221 = arith.constant 0 : i32
        %dma_wait3A_222 = tpu.memref_slice %arg19[%dma_wait3A_221] : memref<128xf32, #tpu.memory_space<vmem>> -> memref<128xf32, #tpu.memory_space<vmem>>
        tpu.wait_dma2 semaphore(%run_scoped3A_212 : memref<!tpu.dma_semaphore, #tpu.memory_space<semaphore_mem>>) src(%dma_wait3A_222 : memref<128xf32, #tpu.memory_space<vmem>>) dst(%dma_wait3A_220 : memref<128xf32, #tpu.memory_space<vmem_shared>>)
        tpu.yield
      }) : () -> ()
      "tpu.region"() ({
        %run_scoped3A_212 = tpu.sem_alloc : memref<!tpu.dma_semaphore, #tpu.memory_space<semaphore_mem>>
        %dma_start3A = arith.constant 0 : i32
        %dma_start3A_213 = tpu.memref_slice %arg19[%dma_start3A] : memref<128xf32, #tpu.memory_space<vmem>> -> memref<128xf32, #tpu.memory_space<vmem>>
        %dma_start3A_214 = tpu.memref_slice %arg7[%add3A_207] : memref<10000xf32, #tpu.memory_space<hbm>> -> memref<128xf32, #tpu.memory_space<hbm>>
        %dma_start3A_215 = arith.constant 0 : i32
        %dma_start3A_216 = tpu.memref_slice %arg19[%dma_start3A_215] : memref<128xf32, #tpu.memory_space<vmem>> -> memref<128xf32, #tpu.memory_space<vmem>>
        %dma_start3A_217 = tpu.memref_slice %arg7[%add3A_207] : memref<10000xf32, #tpu.memory_space<hbm>> -> memref<128xf32, #tpu.memory_space<hbm>>
        tpu.enqueue_dma source(%dma_start3A_217 : memref<128xf32, #tpu.memory_space<hbm>>) target(%dma_start3A_216 : memref<128xf32, #tpu.memory_space<vmem>>) target_semaphore(%run_scoped3A_212 : memref<!tpu.dma_semaphore, #tpu.memory_space<semaphore_mem>>)
        %dma_wait3A = arith.constant 0 : i32
        %dma_wait3A_218 = tpu.memref_slice %arg19[%dma_wait3A] : memref<128xf32, #tpu.memory_space<vmem>> -> memref<128xf32, #tpu.memory_space<vmem>>
        %dma_wait3A_219 = tpu.memref_slice %arg7[%add3A_207] : memref<10000xf32, #tpu.memory_space<hbm>> -> memref<128xf32, #tpu.memory_space<hbm>>
        %dma_wait3A_220 = arith.constant 0 : i32
        %dma_wait3A_221 = tpu.memref_slice %arg19[%dma_wait3A_220] : memref<128xf32, #tpu.memory_space<vmem>> -> memref<128xf32, #tpu.memory_space<vmem>>
        %dma_wait3A_222 = tpu.memref_slice %arg7[%add3A_207] : memref<10000xf32, #tpu.memory_space<hbm>> -> memref<128xf32, #tpu.memory_space<hbm>>
        tpu.wait_dma2 semaphore(%run_scoped3A_212 : memref<!tpu.dma_semaphore, #tpu.memory_space<semaphore_mem>>) src(%dma_wait3A_222 : memref<128xf32, #tpu.memory_space<hbm>>) dst(%dma_wait3A_221 : memref<128xf32, #tpu.memory_space<vmem>>)
        tpu.yield
      }) : () -> ()
      "tpu.region"() ({
        %run_scoped3A_212 = tpu.sem_alloc : memref<!tpu.dma_semaphore, #tpu.memory_space<semaphore_mem>>
        %dma_start3A = arith.constant 0 : i32
        %dma_start3A_213 = tpu.memref_slice %arg19[%dma_start3A] : memref<128xf32, #tpu.memory_space<vmem>> -> memref<128xf32, #tpu.memory_space<vmem>>
        %dma_start3A_214 = tpu.memref_slice %arg12[%add3A_207] : memref<10016xf32, #tpu.memory_space<vmem_shared>> -> memref<128xf32, #tpu.memory_space<vmem_shared>>
        %dma_start3A_215 = tpu.memref_slice %arg12[%add3A_207] : memref<10016xf32, #tpu.memory_space<vmem_shared>> -> memref<128xf32, #tpu.memory_space<vmem_shared>>
        %dma_start3A_216 = arith.constant 0 : i32
        %dma_start3A_217 = tpu.memref_slice %arg19[%dma_start3A_216] : memref<128xf32, #tpu.memory_space<vmem>> -> memref<128xf32, #tpu.memory_space<vmem>>
        tpu.enqueue_dma source(%dma_start3A_217 : memref<128xf32, #tpu.memory_space<vmem>>) target(%dma_start3A_215 : memref<128xf32, #tpu.memory_space<vmem_shared>>) target_semaphore(%run_scoped3A_212 : memref<!tpu.dma_semaphore, #tpu.memory_space<semaphore_mem>>)
        %dma_wait3A = arith.constant 0 : i32
        %dma_wait3A_218 = tpu.memref_slice %arg19[%dma_wait3A] : memref<128xf32, #tpu.memory_space<vmem>> -> memref<128xf32, #tpu.memory_space<vmem>>
        %dma_wait3A_219 = tpu.memref_slice %arg12[%add3A_207] : memref<10016xf32, #tpu.memory_space<vmem_shared>> -> memref<128xf32, #tpu.memory_space<vmem_shared>>
        %dma_wait3A_220 = tpu.memref_slice %arg12[%add3A_207] : memref<10016xf32, #tpu.memory_space<vmem_shared>> -> memref<128xf32, #tpu.memory_space<vmem_shared>>
        %dma_wait3A_221 = arith.constant 0 : i32
        %dma_wait3A_222 = tpu.memref_slice %arg19[%dma_wait3A_221] : memref<128xf32, #tpu.memory_space<vmem>> -> memref<128xf32, #tpu.memory_space<vmem>>
        tpu.wait_dma2 semaphore(%run_scoped3A_212 : memref<!tpu.dma_semaphore, #tpu.memory_space<semaphore_mem>>) src(%dma_wait3A_222 : memref<128xf32, #tpu.memory_space<vmem>>) dst(%dma_wait3A_220 : memref<128xf32, #tpu.memory_space<vmem_shared>>)
        tpu.yield
      }) : () -> ()
      %mul3A_208 = arith.constant 1000 : i32
      %mul3A_209 = arith.muli %arg1, %mul3A_208 : i32
      %add3A_210 = arith.constant 896 : i32
      %add3A_211 = arith.addi %mul3A_209, %add3A_210 : i32
      "tpu.region"() ({
        %run_scoped3A_212 = tpu.sem_alloc : memref<!tpu.dma_semaphore, #tpu.memory_space<semaphore_mem>>
        %dma_start3A = arith.constant 0 : i32
        %dma_start3A_213 = tpu.memref_slice %arg19[%dma_start3A] : memref<128xf32, #tpu.memory_space<vmem>> -> memref<104xf32, #tpu.memory_space<vmem>>
        %dma_start3A_214 = tpu.memref_slice %arg6[%add3A_211] : memref<10000xf32, #tpu.memory_space<hbm>> -> memref<104xf32, #tpu.memory_space<hbm>>
        %dma_start3A_215 = arith.constant 0 : i32
        %dma_start3A_216 = tpu.memref_slice %arg19[%dma_start3A_215] : memref<128xf32, #tpu.memory_space<vmem>> -> memref<104xf32, #tpu.memory_space<vmem>>
        %dma_start3A_217 = tpu.memref_slice %arg6[%add3A_211] : memref<10000xf32, #tpu.memory_space<hbm>> -> memref<104xf32, #tpu.memory_space<hbm>>
        tpu.enqueue_dma source(%dma_start3A_217 : memref<104xf32, #tpu.memory_space<hbm>>) target(%dma_start3A_216 : memref<104xf32, #tpu.memory_space<vmem>>) target_semaphore(%run_scoped3A_212 : memref<!tpu.dma_semaphore, #tpu.memory_space<semaphore_mem>>)
        %dma_wait3A = arith.constant 0 : i32
        %dma_wait3A_218 = tpu.memref_slice %arg19[%dma_wait3A] : memref<128xf32, #tpu.memory_space<vmem>> -> memref<104xf32, #tpu.memory_space<vmem>>
        %dma_wait3A_219 = tpu.memref_slice %arg6[%add3A_211] : memref<10000xf32, #tpu.memory_space<hbm>> -> memref<104xf32, #tpu.memory_space<hbm>>
        %dma_wait3A_220 = arith.constant 0 : i32
        %dma_wait3A_221 = tpu.memref_slice %arg19[%dma_wait3A_220] : memref<128xf32, #tpu.memory_space<vmem>> -> memref<104xf32, #tpu.memory_space<vmem>>
        %dma_wait3A_222 = tpu.memref_slice %arg6[%add3A_211] : memref<10000xf32, #tpu.memory_space<hbm>> -> memref<104xf32, #tpu.memory_space<hbm>>
        tpu.wait_dma2 semaphore(%run_scoped3A_212 : memref<!tpu.dma_semaphore, #tpu.memory_space<semaphore_mem>>) src(%dma_wait3A_222 : memref<104xf32, #tpu.memory_space<hbm>>) dst(%dma_wait3A_221 : memref<104xf32, #tpu.memory_space<vmem>>)
        tpu.yield
      }) : () -> ()
      "tpu.region"() ({
        %run_scoped3A_212 = tpu.sem_alloc : memref<!tpu.dma_semaphore, #tpu.memory_space<semaphore_mem>>
        %dma_start3A = arith.constant 0 : i32
        %dma_start3A_213 = tpu.memref_slice %arg19[%dma_start3A] : memref<128xf32, #tpu.memory_space<vmem>> -> memref<104xf32, #tpu.memory_space<vmem>>
        %dma_start3A_214 = tpu.memref_slice %arg11[%add3A_211] : memref<10000xf32, #tpu.memory_space<vmem_shared>> -> memref<104xf32, #tpu.memory_space<vmem_shared>>
        %dma_start3A_215 = tpu.memref_slice %arg11[%add3A_211] : memref<10000xf32, #tpu.memory_space<vmem_shared>> -> memref<104xf32, #tpu.memory_space<vmem_shared>>
        %dma_start3A_216 = arith.constant 0 : i32
        %dma_start3A_217 = tpu.memref_slice %arg19[%dma_start3A_216] : memref<128xf32, #tpu.memory_space<vmem>> -> memref<104xf32, #tpu.memory_space<vmem>>
        tpu.enqueue_dma source(%dma_start3A_217 : memref<104xf32, #tpu.memory_space<vmem>>) target(%dma_start3A_215 : memref<104xf32, #tpu.memory_space<vmem_shared>>) target_semaphore(%run_scoped3A_212 : memref<!tpu.dma_semaphore, #tpu.memory_space<semaphore_mem>>)
        %dma_wait3A = arith.constant 0 : i32
        %dma_wait3A_218 = tpu.memref_slice %arg19[%dma_wait3A] : memref<128xf32, #tpu.memory_space<vmem>> -> memref<104xf32, #tpu.memory_space<vmem>>
        %dma_wait3A_219 = tpu.memref_slice %arg11[%add3A_211] : memref<10000xf32, #tpu.memory_space<vmem_shared>> -> memref<104xf32, #tpu.memory_space<vmem_shared>>
        %dma_wait3A_220 = tpu.memref_slice %arg11[%add3A_211] : memref<10000xf32, #tpu.memory_space<vmem_shared>> -> memref<104xf32, #tpu.memory_space<vmem_shared>>
        %dma_wait3A_221 = arith.constant 0 : i32
        %dma_wait3A_222 = tpu.memref_slice %arg19[%dma_wait3A_221] : memref<128xf32, #tpu.memory_space<vmem>> -> memref<104xf32, #tpu.memory_space<vmem>>
        tpu.wait_dma2 semaphore(%run_scoped3A_212 : memref<!tpu.dma_semaphore, #tpu.memory_space<semaphore_mem>>) src(%dma_wait3A_222 : memref<104xf32, #tpu.memory_space<vmem>>) dst(%dma_wait3A_220 : memref<104xf32, #tpu.memory_space<vmem_shared>>)
        tpu.yield
      }) : () -> ()
      "tpu.region"() ({
        %run_scoped3A_212 = tpu.sem_alloc : memref<!tpu.dma_semaphore, #tpu.memory_space<semaphore_mem>>
        %dma_start3A = arith.constant 0 : i32
        %dma_start3A_213 = tpu.memref_slice %arg19[%dma_start3A] : memref<128xf32, #tpu.memory_space<vmem>> -> memref<104xf32, #tpu.memory_space<vmem>>
        %dma_start3A_214 = tpu.memref_slice %arg7[%add3A_211] : memref<10000xf32, #tpu.memory_space<hbm>> -> memref<104xf32, #tpu.memory_space<hbm>>
        %dma_start3A_215 = arith.constant 0 : i32
        %dma_start3A_216 = tpu.memref_slice %arg19[%dma_start3A_215] : memref<128xf32, #tpu.memory_space<vmem>> -> memref<104xf32, #tpu.memory_space<vmem>>
        %dma_start3A_217 = tpu.memref_slice %arg7[%add3A_211] : memref<10000xf32, #tpu.memory_space<hbm>> -> memref<104xf32, #tpu.memory_space<hbm>>
        tpu.enqueue_dma source(%dma_start3A_217 : memref<104xf32, #tpu.memory_space<hbm>>) target(%dma_start3A_216 : memref<104xf32, #tpu.memory_space<vmem>>) target_semaphore(%run_scoped3A_212 : memref<!tpu.dma_semaphore, #tpu.memory_space<semaphore_mem>>)
        %dma_wait3A = arith.constant 0 : i32
        %dma_wait3A_218 = tpu.memref_slice %arg19[%dma_wait3A] : memref<128xf32, #tpu.memory_space<vmem>> -> memref<104xf32, #tpu.memory_space<vmem>>
        %dma_wait3A_219 = tpu.memref_slice %arg7[%add3A_211] : memref<10000xf32, #tpu.memory_space<hbm>> -> memref<104xf32, #tpu.memory_space<hbm>>
        %dma_wait3A_220 = arith.constant 0 : i32
        %dma_wait3A_221 = tpu.memref_slice %arg19[%dma_wait3A_220] : memref<128xf32, #tpu.memory_space<vmem>> -> memref<104xf32, #tpu.memory_space<vmem>>
        %dma_wait3A_222 = tpu.memref_slice %arg7[%add3A_211] : memref<10000xf32, #tpu.memory_space<hbm>> -> memref<104xf32, #tpu.memory_space<hbm>>
        tpu.wait_dma2 semaphore(%run_scoped3A_212 : memref<!tpu.dma_semaphore, #tpu.memory_space<semaphore_mem>>) src(%dma_wait3A_222 : memref<104xf32, #tpu.memory_space<hbm>>) dst(%dma_wait3A_221 : memref<104xf32, #tpu.memory_space<vmem>>)
        tpu.yield
      }) : () -> ()
      "tpu.region"() ({
        %run_scoped3A_212 = tpu.sem_alloc : memref<!tpu.dma_semaphore, #tpu.memory_space<semaphore_mem>>
        %dma_start3A = arith.constant 0 : i32
        %dma_start3A_213 = tpu.memref_slice %arg19[%dma_start3A] : memref<128xf32, #tpu.memory_space<vmem>> -> memref<104xf32, #tpu.memory_space<vmem>>
        %dma_start3A_214 = tpu.memref_slice %arg12[%add3A_211] : memref<10016xf32, #tpu.memory_space<vmem_shared>> -> memref<104xf32, #tpu.memory_space<vmem_shared>>
        %dma_start3A_215 = tpu.memref_slice %arg12[%add3A_211] : memref<10016xf32, #tpu.memory_space<vmem_shared>> -> memref<104xf32, #tpu.memory_space<vmem_shared>>
        %dma_start3A_216 = arith.constant 0 : i32
        %dma_start3A_217 = tpu.memref_slice %arg19[%dma_start3A_216] : memref<128xf32, #tpu.memory_space<vmem>> -> memref<104xf32, #tpu.memory_space<vmem>>
        tpu.enqueue_dma source(%dma_start3A_217 : memref<104xf32, #tpu.memory_space<vmem>>) target(%dma_start3A_215 : memref<104xf32, #tpu.memory_space<vmem_shared>>) target_semaphore(%run_scoped3A_212 : memref<!tpu.dma_semaphore, #tpu.memory_space<semaphore_mem>>)
        %dma_wait3A = arith.constant 0 : i32
        %dma_wait3A_218 = tpu.memref_slice %arg19[%dma_wait3A] : memref<128xf32, #tpu.memory_space<vmem>> -> memref<104xf32, #tpu.memory_space<vmem>>
        %dma_wait3A_219 = tpu.memref_slice %arg12[%add3A_211] : memref<10016xf32, #tpu.memory_space<vmem_shared>> -> memref<104xf32, #tpu.memory_space<vmem_shared>>
        %dma_wait3A_220 = tpu.memref_slice %arg12[%add3A_211] : memref<10016xf32, #tpu.memory_space<vmem_shared>> -> memref<104xf32, #tpu.memory_space<vmem_shared>>
        %dma_wait3A_221 = arith.constant 0 : i32
        %dma_wait3A_222 = tpu.memref_slice %arg19[%dma_wait3A_221] : memref<128xf32, #tpu.memory_space<vmem>> -> memref<104xf32, #tpu.memory_space<vmem>>
        tpu.wait_dma2 semaphore(%run_scoped3A_212 : memref<!tpu.dma_semaphore, #tpu.memory_space<semaphore_mem>>) src(%dma_wait3A_222 : memref<104xf32, #tpu.memory_space<vmem>>) dst(%dma_wait3A_220 : memref<104xf32, #tpu.memory_space<vmem_shared>>)
        tpu.yield
      }) : () -> ()
    } else {
    }
    %eq3A = arith.constant 10 : i32
    %eq3A_68 = arith.cmpi eq, %arg1, %eq3A : i32
    %convert_element_type3A_69 = arith.extui %eq3A_68 : i1 to i32
    %cond3A_70 = arith.constant 0 : i32
    %cond3A_71 = arith.cmpi ne, %convert_element_type3A_69, %cond3A_70 : i32
    scf.if %cond3A_71 {
      "tpu.region"() ({
        %run_scoped3A_180 = tpu.sem_alloc : memref<!tpu.dma_semaphore, #tpu.memory_space<semaphore_mem>>
        %dma_start3A = arith.constant 0 : i32
        %dma_start3A_181 = tpu.memref_slice %arg20[%dma_start3A] : memref<128xf32, #tpu.memory_space<vmem>> -> memref<16xf32, #tpu.memory_space<vmem>>
        %dma_start3A_182 = arith.constant 10000 : i32
        %dma_start3A_183 = tpu.memref_slice %arg12[%dma_start3A_182] : memref<10016xf32, #tpu.memory_space<vmem_shared>> -> memref<16xf32, #tpu.memory_space<vmem_shared>>
        %dma_start3A_184 = arith.constant 10000 : i32
        %dma_start3A_185 = tpu.memref_slice %arg12[%dma_start3A_184] : memref<10016xf32, #tpu.memory_space<vmem_shared>> -> memref<16xf32, #tpu.memory_space<vmem_shared>>
        %dma_start3A_186 = arith.constant 0 : i32
        %dma_start3A_187 = tpu.memref_slice %arg20[%dma_start3A_186] : memref<128xf32, #tpu.memory_space<vmem>> -> memref<16xf32, #tpu.memory_space<vmem>>
        tpu.enqueue_dma source(%dma_start3A_187 : memref<16xf32, #tpu.memory_space<vmem>>) target(%dma_start3A_185 : memref<16xf32, #tpu.memory_space<vmem_shared>>) target_semaphore(%run_scoped3A_180 : memref<!tpu.dma_semaphore, #tpu.memory_space<semaphore_mem>>)
        %dma_wait3A = arith.constant 0 : i32
        %dma_wait3A_188 = tpu.memref_slice %arg20[%dma_wait3A] : memref<128xf32, #tpu.memory_space<vmem>> -> memref<16xf32, #tpu.memory_space<vmem>>
        %dma_wait3A_189 = arith.constant 10000 : i32
        %dma_wait3A_190 = tpu.memref_slice %arg12[%dma_wait3A_189] : memref<10016xf32, #tpu.memory_space<vmem_shared>> -> memref<16xf32, #tpu.memory_space<vmem_shared>>
        %dma_wait3A_191 = arith.constant 10000 : i32
        %dma_wait3A_192 = tpu.memref_slice %arg12[%dma_wait3A_191] : memref<10016xf32, #tpu.memory_space<vmem_shared>> -> memref<16xf32, #tpu.memory_space<vmem_shared>>
        %dma_wait3A_193 = arith.constant 0 : i32
        %dma_wait3A_194 = tpu.memref_slice %arg20[%dma_wait3A_193] : memref<128xf32, #tpu.memory_space<vmem>> -> memref<16xf32, #tpu.memory_space<vmem>>
        tpu.wait_dma2 semaphore(%run_scoped3A_180 : memref<!tpu.dma_semaphore, #tpu.memory_space<semaphore_mem>>) src(%dma_wait3A_194 : memref<16xf32, #tpu.memory_space<vmem>>) dst(%dma_wait3A_192 : memref<16xf32, #tpu.memory_space<vmem_shared>>)
        tpu.yield
      }) : () -> ()
    } else {
    }
    "tpu.region"() ({
      %run_scoped3A_180 = tpu.sem_alloc : memref<!tpu.dma_semaphore, #tpu.memory_space<semaphore_mem>>
      %dma_start3A = arith.constant 0 : i32
      %dma_start3A_181 = tpu.memref_slice %arg5[%mul3A_3, %dma_start3A] : memref<1280x128xi32, #tpu.memory_space<hbm>> -> memref<80x128xi32, #tpu.memory_space<hbm>>
      %dma_start3A_182 = arith.constant 0 : i32
      %dma_start3A_183 = tpu.memref_slice %arg5[%mul3A_3, %dma_start3A_182] : memref<1280x128xi32, #tpu.memory_space<hbm>> -> memref<80x128xi32, #tpu.memory_space<hbm>>
      tpu.enqueue_dma source(%dma_start3A_183 : memref<80x128xi32, #tpu.memory_space<hbm>>) target(%arg13 : memref<80x128xi32, #tpu.memory_space<vmem>>) target_semaphore(%run_scoped3A_180 : memref<!tpu.dma_semaphore, #tpu.memory_space<semaphore_mem>>)
      %dma_wait3A = arith.constant 0 : i32
      %dma_wait3A_184 = tpu.memref_slice %arg5[%mul3A_3, %dma_wait3A] : memref<1280x128xi32, #tpu.memory_space<hbm>> -> memref<80x128xi32, #tpu.memory_space<hbm>>
      %dma_wait3A_185 = arith.constant 0 : i32
      %dma_wait3A_186 = tpu.memref_slice %arg5[%mul3A_3, %dma_wait3A_185] : memref<1280x128xi32, #tpu.memory_space<hbm>> -> memref<80x128xi32, #tpu.memory_space<hbm>>
      tpu.wait_dma2 semaphore(%run_scoped3A_180 : memref<!tpu.dma_semaphore, #tpu.memory_space<semaphore_mem>>) src(%dma_wait3A_186 : memref<80x128xi32, #tpu.memory_space<hbm>>) dst(%arg13 : memref<80x128xi32, #tpu.memory_space<vmem>>)
      tpu.yield
    }) : () -> ()
    %barrier3A = arith.constant 0 : index
    tpu.barrier barrier_id(%barrier3A)
    %add3A_72 = arith.constant 0 : i32
    %add3A_73 = arith.addi %mul3A_3, %add3A_72 : i32
    "tpu.region"() ({
      %run_scoped3A_180 = tpu.sem_alloc : memref<!tpu.dma_semaphore, #tpu.memory_space<semaphore_mem>>
      %dma_start3A = arith.constant 0 : i32
      %dma_start3A_181 = arith.constant 0 : i32
      %dma_start3A_182 = tpu.memref_slice %arg14[%dma_start3A, %dma_start3A_181] : memref<32x128xi32, #tpu.memory_space<vmem>> -> memref<16x128xi32, #tpu.memory_space<vmem>>
      %dma_start3A_183 = arith.constant 0 : i32
      %dma_start3A_184 = tpu.memref_slice %arg4[%add3A_73, %dma_start3A_183] : memref<1280x128xi32, #tpu.memory_space<hbm>> -> memref<16x128xi32, #tpu.memory_space<hbm>>
      %dma_start3A_185 = arith.constant 0 : i32
      %dma_start3A_186 = arith.constant 0 : i32
      %dma_start3A_187 = tpu.memref_slice %arg14[%dma_start3A_185, %dma_start3A_186] : memref<32x128xi32, #tpu.memory_space<vmem>> -> memref<16x128xi32, #tpu.memory_space<vmem>>
      %dma_start3A_188 = arith.constant 0 : i32
      %dma_start3A_189 = tpu.memref_slice %arg4[%add3A_73, %dma_start3A_188] : memref<1280x128xi32, #tpu.memory_space<hbm>> -> memref<16x128xi32, #tpu.memory_space<hbm>>
      tpu.enqueue_dma source(%dma_start3A_189 : memref<16x128xi32, #tpu.memory_space<hbm>>) target(%dma_start3A_187 : memref<16x128xi32, #tpu.memory_space<vmem>>) target_semaphore(%run_scoped3A_180 : memref<!tpu.dma_semaphore, #tpu.memory_space<semaphore_mem>>)
      %dma_wait3A = arith.constant 0 : i32
      %dma_wait3A_190 = arith.constant 0 : i32
      %dma_wait3A_191 = tpu.memref_slice %arg14[%dma_wait3A, %dma_wait3A_190] : memref<32x128xi32, #tpu.memory_space<vmem>> -> memref<16x128xi32, #tpu.memory_space<vmem>>
      %dma_wait3A_192 = arith.constant 0 : i32
      %dma_wait3A_193 = tpu.memref_slice %arg4[%add3A_73, %dma_wait3A_192] : memref<1280x128xi32, #tpu.memory_space<hbm>> -> memref<16x128xi32, #tpu.memory_space<hbm>>
      %dma_wait3A_194 = arith.constant 0 : i32
      %dma_wait3A_195 = arith.constant 0 : i32
      %dma_wait3A_196 = tpu.memref_slice %arg14[%dma_wait3A_194, %dma_wait3A_195] : memref<32x128xi32, #tpu.memory_space<vmem>> -> memref<16x128xi32, #tpu.memory_space<vmem>>
      %dma_wait3A_197 = arith.constant 0 : i32
      %dma_wait3A_198 = tpu.memref_slice %arg4[%add3A_73, %dma_wait3A_197] : memref<1280x128xi32, #tpu.memory_space<hbm>> -> memref<16x128xi32, #tpu.memory_space<hbm>>
      tpu.wait_dma2 semaphore(%run_scoped3A_180 : memref<!tpu.dma_semaphore, #tpu.memory_space<semaphore_mem>>) src(%dma_wait3A_198 : memref<16x128xi32, #tpu.memory_space<hbm>>) dst(%dma_wait3A_196 : memref<16x128xi32, #tpu.memory_space<vmem>>)
      tpu.yield
    }) : () -> ()
    %scan3A_74 = arith.constant 0 : i32
    %scan3A_75 = arith.constant 16 : i32
    %scan3A_76 = arith.addi %scan3A_74, %scan3A_75 : i32
    %scan3A_77 = arith.constant 1 : i32
    scf.for %scan3A_180 = %scan3A_74 to %scan3A_76 step %scan3A_77  : i32 {
      %add3A_181 = arith.constant 0 : i32
      %add3A_182 = arith.addi %add3A_181, %scan3A_180 : i32
      "tpu.region"() ({
        %run_scoped3A_276 = tpu.sem_alloc : memref<!tpu.dma_semaphore, #tpu.memory_space<semaphore_mem>>
        %dma_start3A = arith.constant 0 : i32
        %dma_start3A_277 = tpu.memref_slice %arg14[%scan3A_180, %dma_start3A] : memref<32x128xi32, #tpu.memory_space<vmem>> -> memref<1x128xi32, #tpu.memory_space<vmem>>
        %dma_start3A_278 = tpu.memref_squeeze %dma_start3A_277 : memref<1x128xi32, #tpu.memory_space<vmem>> -> memref<128xi32, #tpu.memory_space<vmem>>
        %dma_start3A_279 = arith.constant 0 : i32
        %dma_start3A_280 = tpu.memref_slice %arg11[%dma_start3A_279] : memref<10000xf32, #tpu.memory_space<vmem_shared>> -> memref<10000xf32, #tpu.memory_space<vmem_shared>>
        tpu.enqueue_indirect_dma source(%dma_start3A_280 : memref<10000xf32, #tpu.memory_space<vmem_shared>>) target(%arg16 : memref<128xf32, #tpu.memory_space<vmem>>) offsets(%dma_start3A_278 : memref<128xi32, #tpu.memory_space<vmem>>) semaphore(%run_scoped3A_276 : memref<!tpu.dma_semaphore, #tpu.memory_space<semaphore_mem>>)
        %dma_wait3A = arith.constant 0 : i32
        %dma_wait3A_281 = tpu.memref_slice %arg14[%scan3A_180, %dma_wait3A] : memref<32x128xi32, #tpu.memory_space<vmem>> -> memref<1x128xi32, #tpu.memory_space<vmem>>
        %dma_wait3A_282 = tpu.memref_squeeze %dma_wait3A_281 : memref<1x128xi32, #tpu.memory_space<vmem>> -> memref<128xi32, #tpu.memory_space<vmem>>
        %dma_wait3A_283 = arith.constant 0 : i32
        %dma_wait3A_284 = tpu.memref_slice %arg11[%dma_wait3A_283] : memref<10000xf32, #tpu.memory_space<vmem_shared>> -> memref<10000xf32, #tpu.memory_space<vmem_shared>>
        tpu.wait_indirect_dma semaphore(%run_scoped3A_276 : memref<!tpu.dma_semaphore, #tpu.memory_space<semaphore_mem>>) src(%dma_wait3A_284 : memref<10000xf32, #tpu.memory_space<vmem_shared>>) dst(%arg16 : memref<128xf32, #tpu.memory_space<vmem>>)
        tpu.yield
      }) : () -> ()
      "tpu.region"() ({
        %run_scoped3A_276 = tpu.sem_alloc : memref<!tpu.dma_semaphore, #tpu.memory_space<semaphore_mem>>
        %dma_start3A = arith.constant 0 : i32
        %dma_start3A_277 = tpu.memref_slice %arg13[%add3A_182, %dma_start3A] : memref<80x128xi32, #tpu.memory_space<vmem>> -> memref<1x128xi32, #tpu.memory_space<vmem>>
        %dma_start3A_278 = tpu.memref_squeeze %dma_start3A_277 : memref<1x128xi32, #tpu.memory_space<vmem>> -> memref<128xi32, #tpu.memory_space<vmem>>
        %dma_start3A_279 = arith.constant 0 : i32
        %dma_start3A_280 = tpu.memref_slice %arg12[%dma_start3A_279] : memref<10016xf32, #tpu.memory_space<vmem_shared>> -> memref<10016xf32, #tpu.memory_space<vmem_shared>>
        tpu.enqueue_indirect_dma source(%dma_start3A_280 : memref<10016xf32, #tpu.memory_space<vmem_shared>>) target(%arg17 : memref<128xf32, #tpu.memory_space<vmem>>) offsets(%dma_start3A_278 : memref<128xi32, #tpu.memory_space<vmem>>) semaphore(%run_scoped3A_276 : memref<!tpu.dma_semaphore, #tpu.memory_space<semaphore_mem>>)
        %dma_wait3A = arith.constant 0 : i32
        %dma_wait3A_281 = tpu.memref_slice %arg13[%add3A_182, %dma_wait3A] : memref<80x128xi32, #tpu.memory_space<vmem>> -> memref<1x128xi32, #tpu.memory_space<vmem>>
        %dma_wait3A_282 = tpu.memref_squeeze %dma_wait3A_281 : memref<1x128xi32, #tpu.memory_space<vmem>> -> memref<128xi32, #tpu.memory_space<vmem>>
        %dma_wait3A_283 = arith.constant 0 : i32
        %dma_wait3A_284 = tpu.memref_slice %arg12[%dma_wait3A_283] : memref<10016xf32, #tpu.memory_space<vmem_shared>> -> memref<10016xf32, #tpu.memory_space<vmem_shared>>
        tpu.wait_indirect_dma semaphore(%run_scoped3A_276 : memref<!tpu.dma_semaphore, #tpu.memory_space<semaphore_mem>>) src(%dma_wait3A_284 : memref<10016xf32, #tpu.memory_space<vmem_shared>>) dst(%arg17 : memref<128xf32, #tpu.memory_space<vmem>>)
        tpu.yield
      }) : () -> ()
      %get3A = arith.constant 0 : index
      %get3A_183 = tpu.vector_load %arg16[%get3A] {strides = array<i32>} : memref<128xf32, #tpu.memory_space<vmem>>, vector<16xf32>,
      %get3A_184 = arith.constant 0 : index
      %get3A_185 = tpu.vector_load %arg17[%get3A_184] {strides = array<i32>} : memref<128xf32, #tpu.memory_space<vmem>>, vector<16xf32>,
      %add3A_186 = arith.addf %get3A_183, %get3A_185 : vector<16xf32>
      %mul3A_187 = arith.constant 0.00999999977 : f32
      %mul3A_188 = vector.broadcast %mul3A_187 : f32 to vector<16xf32>
      %mul3A_189 = arith.mulf %mul3A_188, %add3A_186 : vector<16xf32>
      %max3A = arith.maximumf %add3A_186, %mul3A_189 : vector<16xf32>
      %exp3A = math.exp %max3A : vector<16xf32>
      %swap3A_190 = arith.constant 0 : index
      %swap3A_191 = tpu.vector_load %arg19[%swap3A_190] {strides = array<i32>} : memref<128xf32, #tpu.memory_space<vmem>>, vector<16xf32>,
      tpu.vector_store %arg19[%swap3A_190], %exp3A {strides = array<i32>} : memref<128xf32, #tpu.memory_space<vmem>>, vector<16xf32>,
      %get3A_192 = arith.constant 16 : index
      %get3A_193 = tpu.vector_load %arg16[%get3A_192] {strides = array<i32>} : memref<128xf32, #tpu.memory_space<vmem>>, vector<16xf32>,
      %get3A_194 = arith.constant 16 : index
      %get3A_195 = tpu.vector_load %arg17[%get3A_194] {strides = array<i32>} : memref<128xf32, #tpu.memory_space<vmem>>, vector<16xf32>,
      %add3A_196 = arith.addf %get3A_193, %get3A_195 : vector<16xf32>
      %mul3A_197 = arith.constant 0.00999999977 : f32
      %mul3A_198 = vector.broadcast %mul3A_197 : f32 to vector<16xf32>
      %mul3A_199 = arith.mulf %mul3A_198, %add3A_196 : vector<16xf32>
      %max3A_200 = arith.maximumf %add3A_196, %mul3A_199 : vector<16xf32>
      %exp3A_201 = math.exp %max3A_200 : vector<16xf32>
      %swap3A_202 = arith.constant 16 : index
      %swap3A_203 = tpu.vector_load %arg19[%swap3A_202] {strides = array<i32>} : memref<128xf32, #tpu.memory_space<vmem>>, vector<16xf32>,
      tpu.vector_store %arg19[%swap3A_202], %exp3A_201 {strides = array<i32>} : memref<128xf32, #tpu.memory_space<vmem>>, vector<16xf32>,
      %get3A_204 = arith.constant 32 : index
      %get3A_205 = tpu.vector_load %arg16[%get3A_204] {strides = array<i32>} : memref<128xf32, #tpu.memory_space<vmem>>, vector<16xf32>,
      %get3A_206 = arith.constant 32 : index
      %get3A_207 = tpu.vector_load %arg17[%get3A_206] {strides = array<i32>} : memref<128xf32, #tpu.memory_space<vmem>>, vector<16xf32>,
      %add3A_208 = arith.addf %get3A_205, %get3A_207 : vector<16xf32>
      %mul3A_209 = arith.constant 0.00999999977 : f32
      %mul3A_210 = vector.broadcast %mul3A_209 : f32 to vector<16xf32>
      %mul3A_211 = arith.mulf %mul3A_210, %add3A_208 : vector<16xf32>
      %max3A_212 = arith.maximumf %add3A_208, %mul3A_211 : vector<16xf32>
      %exp3A_213 = math.exp %max3A_212 : vector<16xf32>
      %swap3A_214 = arith.constant 32 : index
      %swap3A_215 = tpu.vector_load %arg19[%swap3A_214] {strides = array<i32>} : memref<128xf32, #tpu.memory_space<vmem>>, vector<16xf32>,
      tpu.vector_store %arg19[%swap3A_214], %exp3A_213 {strides = array<i32>} : memref<128xf32, #tpu.memory_space<vmem>>, vector<16xf32>,
      %get3A_216 = arith.constant 48 : index
      %get3A_217 = tpu.vector_load %arg16[%get3A_216] {strides = array<i32>} : memref<128xf32, #tpu.memory_space<vmem>>, vector<16xf32>,
      %get3A_218 = arith.constant 48 : index
      %get3A_219 = tpu.vector_load %arg17[%get3A_218] {strides = array<i32>} : memref<128xf32, #tpu.memory_space<vmem>>, vector<16xf32>,
      %add3A_220 = arith.addf %get3A_217, %get3A_219 : vector<16xf32>
      %mul3A_221 = arith.constant 0.00999999977 : f32
      %mul3A_222 = vector.broadcast %mul3A_221 : f32 to vector<16xf32>
      %mul3A_223 = arith.mulf %mul3A_222, %add3A_220 : vector<16xf32>
      %max3A_224 = arith.maximumf %add3A_220, %mul3A_223 : vector<16xf32>
      %exp3A_225 = math.exp %max3A_224 : vector<16xf32>
      %swap3A_226 = arith.constant 48 : index
      %swap3A_227 = tpu.vector_load %arg19[%swap3A_226] {strides = array<i32>} : memref<128xf32, #tpu.memory_space<vmem>>, vector<16xf32>,
      tpu.vector_store %arg19[%swap3A_226], %exp3A_225 {strides = array<i32>} : memref<128xf32, #tpu.memory_space<vmem>>, vector<16xf32>,
      %get3A_228 = arith.constant 64 : index
      %get3A_229 = tpu.vector_load %arg16[%get3A_228] {strides = array<i32>} : memref<128xf32, #tpu.memory_space<vmem>>, vector<16xf32>,
      %get3A_230 = arith.constant 64 : index
      %get3A_231 = tpu.vector_load %arg17[%get3A_230] {strides = array<i32>} : memref<128xf32, #tpu.memory_space<vmem>>, vector<16xf32>,
      %add3A_232 = arith.addf %get3A_229, %get3A_231 : vector<16xf32>
      %mul3A_233 = arith.constant 0.00999999977 : f32
      %mul3A_234 = vector.broadcast %mul3A_233 : f32 to vector<16xf32>
      %mul3A_235 = arith.mulf %mul3A_234, %add3A_232 : vector<16xf32>
      %max3A_236 = arith.maximumf %add3A_232, %mul3A_235 : vector<16xf32>
      %exp3A_237 = math.exp %max3A_236 : vector<16xf32>
      %swap3A_238 = arith.constant 64 : index
      %swap3A_239 = tpu.vector_load %arg19[%swap3A_238] {strides = array<i32>} : memref<128xf32, #tpu.memory_space<vmem>>, vector<16xf32>,
      tpu.vector_store %arg19[%swap3A_238], %exp3A_237 {strides = array<i32>} : memref<128xf32, #tpu.memory_space<vmem>>, vector<16xf32>,
      %get3A_240 = arith.constant 80 : index
      %get3A_241 = tpu.vector_load %arg16[%get3A_240] {strides = array<i32>} : memref<128xf32, #tpu.memory_space<vmem>>, vector<16xf32>,
      %get3A_242 = arith.constant 80 : index
      %get3A_243 = tpu.vector_load %arg17[%get3A_242] {strides = array<i32>} : memref<128xf32, #tpu.memory_space<vmem>>, vector<16xf32>,
      %add3A_244 = arith.addf %get3A_241, %get3A_243 : vector<16xf32>
      %mul3A_245 = arith.constant 0.00999999977 : f32
      %mul3A_246 = vector.broadcast %mul3A_245 : f32 to vector<16xf32>
      %mul3A_247 = arith.mulf %mul3A_246, %add3A_244 : vector<16xf32>
      %max3A_248 = arith.maximumf %add3A_244, %mul3A_247 : vector<16xf32>
      %exp3A_249 = math.exp %max3A_248 : vector<16xf32>
      %swap3A_250 = arith.constant 80 : index
      %swap3A_251 = tpu.vector_load %arg19[%swap3A_250] {strides = array<i32>} : memref<128xf32, #tpu.memory_space<vmem>>, vector<16xf32>,
      tpu.vector_store %arg19[%swap3A_250], %exp3A_249 {strides = array<i32>} : memref<128xf32, #tpu.memory_space<vmem>>, vector<16xf32>,
      %get3A_252 = arith.constant 96 : index
      %get3A_253 = tpu.vector_load %arg16[%get3A_252] {strides = array<i32>} : memref<128xf32, #tpu.memory_space<vmem>>, vector<16xf32>,
      %get3A_254 = arith.constant 96 : index
      %get3A_255 = tpu.vector_load %arg17[%get3A_254] {strides = array<i32>} : memref<128xf32, #tpu.memory_space<vmem>>, vector<16xf32>,
      %add3A_256 = arith.addf %get3A_253, %get3A_255 : vector<16xf32>
      %mul3A_257 = arith.constant 0.00999999977 : f32
      %mul3A_258 = vector.broadcast %mul3A_257 : f32 to vector<16xf32>
      %mul3A_259 = arith.mulf %mul3A_258, %add3A_256 : vector<16xf32>
      %max3A_260 = arith.maximumf %add3A_256, %mul3A_259 : vector<16xf32>
      %exp3A_261 = math.exp %max3A_260 : vector<16xf32>
      %swap3A_262 = arith.constant 96 : index
      %swap3A_263 = tpu.vector_load %arg19[%swap3A_262] {strides = array<i32>} : memref<128xf32, #tpu.memory_space<vmem>>, vector<16xf32>,
      tpu.vector_store %arg19[%swap3A_262], %exp3A_261 {strides = array<i32>} : memref<128xf32, #tpu.memory_space<vmem>>, vector<16xf32>,
      %get3A_264 = arith.constant 112 : index
      %get3A_265 = tpu.vector_load %arg16[%get3A_264] {strides = array<i32>} : memref<128xf32, #tpu.memory_space<vmem>>, vector<16xf32>,
      %get3A_266 = arith.constant 112 : index
      %get3A_267 = tpu.vector_load %arg17[%get3A_266] {strides = array<i32>} : memref<128xf32, #tpu.memory_space<vmem>>, vector<16xf32>,
      %add3A_268 = arith.addf %get3A_265, %get3A_267 : vector<16xf32>
      %mul3A_269 = arith.constant 0.00999999977 : f32
      %mul3A_270 = vector.broadcast %mul3A_269 : f32 to vector<16xf32>
      %mul3A_271 = arith.mulf %mul3A_270, %add3A_268 : vector<16xf32>
      %max3A_272 = arith.maximumf %add3A_268, %mul3A_271 : vector<16xf32>
      %exp3A_273 = math.exp %max3A_272 : vector<16xf32>
      %swap3A_274 = arith.constant 112 : index
      %swap3A_275 = tpu.vector_load %arg19[%swap3A_274] {strides = array<i32>} : memref<128xf32, #tpu.memory_space<vmem>>, vector<16xf32>,
      tpu.vector_store %arg19[%swap3A_274], %exp3A_273 {strides = array<i32>} : memref<128xf32, #tpu.memory_space<vmem>>, vector<16xf32>,
      "tpu.region"() ({
        %run_scoped3A_276 = tpu.sem_alloc : memref<!tpu.dma_semaphore, #tpu.memory_space<semaphore_mem>>
        %dma_start3A = arith.constant 0 : i32
        %dma_start3A_277 = tpu.memref_slice %arg13[%add3A_182, %dma_start3A] : memref<80x128xi32, #tpu.memory_space<vmem>> -> memref<1x128xi32, #tpu.memory_space<vmem>>
        %dma_start3A_278 = tpu.memref_squeeze %dma_start3A_277 : memref<1x128xi32, #tpu.memory_space<vmem>> -> memref<128xi32, #tpu.memory_space<vmem>>
        %dma_start3A_279 = arith.constant 0 : i32
        %dma_start3A_280 = tpu.memref_slice %arg10[%dma_start3A_279] : memref<10112xf32, #tpu.memory_space<vmem_shared>> -> memref<10112xf32, #tpu.memory_space<vmem_shared>>
        tpu.enqueue_indirect_dma source(%arg19 : memref<128xf32, #tpu.memory_space<vmem>>) target(%dma_start3A_280 : memref<10112xf32, #tpu.memory_space<vmem_shared>>) offsets(%dma_start3A_278 : memref<128xi32, #tpu.memory_space<vmem>>) semaphore(%run_scoped3A_276 : memref<!tpu.dma_semaphore, #tpu.memory_space<semaphore_mem>>) {add = true}
        %dma_wait3A = arith.constant 0 : i32
        %dma_wait3A_281 = tpu.memref_slice %arg13[%add3A_182, %dma_wait3A] : memref<80x128xi32, #tpu.memory_space<vmem>> -> memref<1x128xi32, #tpu.memory_space<vmem>>
        %dma_wait3A_282 = tpu.memref_squeeze %dma_wait3A_281 : memref<1x128xi32, #tpu.memory_space<vmem>> -> memref<128xi32, #tpu.memory_space<vmem>>
        %dma_wait3A_283 = arith.constant 0 : i32
        %dma_wait3A_284 = tpu.memref_slice %arg10[%dma_wait3A_283] : memref<10112xf32, #tpu.memory_space<vmem_shared>> -> memref<10112xf32, #tpu.memory_space<vmem_shared>>
        tpu.wait_indirect_dma semaphore(%run_scoped3A_276 : memref<!tpu.dma_semaphore, #tpu.memory_space<semaphore_mem>>) src(%arg19 : memref<128xf32, #tpu.memory_space<vmem>>) dst(%dma_wait3A_284 : memref<10112xf32, #tpu.memory_space<vmem_shared>>)
        tpu.yield
      }) : () -> ()
    }
    %scan3A_78 = arith.constant 16 : i32
    %add3A_79 = arith.constant 16 : i32
    %add3A_80 = arith.addi %mul3A_3, %add3A_79 : i32
    "tpu.region"() ({
      %run_scoped3A_180 = tpu.sem_alloc : memref<!tpu.dma_semaphore, #tpu.memory_space<semaphore_mem>>
      %dma_start3A = arith.constant 0 : i32
      %dma_start3A_181 = arith.constant 0 : i32
      %dma_start3A_182 = tpu.memref_slice %arg14[%dma_start3A, %dma_start3A_181] : memref<32x128xi32, #tpu.memory_space<vmem>> -> memref<16x128xi32, #tpu.memory_space<vmem>>
      %dma_start3A_183 = arith.constant 0 : i32
      %dma_start3A_184 = tpu.memref_slice %arg4[%add3A_80, %dma_start3A_183] : memref<1280x128xi32, #tpu.memory_space<hbm>> -> memref<16x128xi32, #tpu.memory_space<hbm>>
      %dma_start3A_185 = arith.constant 0 : i32
      %dma_start3A_186 = arith.constant 0 : i32
      %dma_start3A_187 = tpu.memref_slice %arg14[%dma_start3A_185, %dma_start3A_186] : memref<32x128xi32, #tpu.memory_space<vmem>> -> memref<16x128xi32, #tpu.memory_space<vmem>>
      %dma_start3A_188 = arith.constant 0 : i32
      %dma_start3A_189 = tpu.memref_slice %arg4[%add3A_80, %dma_start3A_188] : memref<1280x128xi32, #tpu.memory_space<hbm>> -> memref<16x128xi32, #tpu.memory_space<hbm>>
      tpu.enqueue_dma source(%dma_start3A_189 : memref<16x128xi32, #tpu.memory_space<hbm>>) target(%dma_start3A_187 : memref<16x128xi32, #tpu.memory_space<vmem>>) target_semaphore(%run_scoped3A_180 : memref<!tpu.dma_semaphore, #tpu.memory_space<semaphore_mem>>)
      %dma_wait3A = arith.constant 0 : i32
      %dma_wait3A_190 = arith.constant 0 : i32
      %dma_wait3A_191 = tpu.memref_slice %arg14[%dma_wait3A, %dma_wait3A_190] : memref<32x128xi32, #tpu.memory_space<vmem>> -> memref<16x128xi32, #tpu.memory_space<vmem>>
      %dma_wait3A_192 = arith.constant 0 : i32
      %dma_wait3A_193 = tpu.memref_slice %arg4[%add3A_80, %dma_wait3A_192] : memref<1280x128xi32, #tpu.memory_space<hbm>> -> memref<16x128xi32, #tpu.memory_space<hbm>>
      %dma_wait3A_194 = arith.constant 0 : i32
      %dma_wait3A_195 = arith.constant 0 : i32
      %dma_wait3A_196 = tpu.memref_slice %arg14[%dma_wait3A_194, %dma_wait3A_195] : memref<32x128xi32, #tpu.memory_space<vmem>> -> memref<16x128xi32, #tpu.memory_space<vmem>>
      %dma_wait3A_197 = arith.constant 0 : i32
      %dma_wait3A_198 = tpu.memref_slice %arg4[%add3A_80, %dma_wait3A_197] : memref<1280x128xi32, #tpu.memory_space<hbm>> -> memref<16x128xi32, #tpu.memory_space<hbm>>
      tpu.wait_dma2 semaphore(%run_scoped3A_180 : memref<!tpu.dma_semaphore, #tpu.memory_space<semaphore_mem>>) src(%dma_wait3A_198 : memref<16x128xi32, #tpu.memory_space<hbm>>) dst(%dma_wait3A_196 : memref<16x128xi32, #tpu.memory_space<vmem>>)
      tpu.yield
    }) : () -> ()
    %scan3A_81 = arith.constant 0 : i32
    %scan3A_82 = arith.constant 16 : i32
    %scan3A_83 = arith.addi %scan3A_81, %scan3A_82 : i32
    %scan3A_84 = arith.constant 1 : i32
    scf.for %scan3A_180 = %scan3A_81 to %scan3A_83 step %scan3A_84  : i32 {
      %add3A_181 = arith.constant 16 : i32
      %add3A_182 = arith.addi %add3A_181, %scan3A_180 : i32
      "tpu.region"() ({
        %run_scoped3A_276 = tpu.sem_alloc : memref<!tpu.dma_semaphore, #tpu.memory_space<semaphore_mem>>
        %dma_start3A = arith.constant 0 : i32
        %dma_start3A_277 = tpu.memref_slice %arg14[%scan3A_180, %dma_start3A] : memref<32x128xi32, #tpu.memory_space<vmem>> -> memref<1x128xi32, #tpu.memory_space<vmem>>
        %dma_start3A_278 = tpu.memref_squeeze %dma_start3A_277 : memref<1x128xi32, #tpu.memory_space<vmem>> -> memref<128xi32, #tpu.memory_space<vmem>>
        %dma_start3A_279 = arith.constant 0 : i32
        %dma_start3A_280 = tpu.memref_slice %arg11[%dma_start3A_279] : memref<10000xf32, #tpu.memory_space<vmem_shared>> -> memref<10000xf32, #tpu.memory_space<vmem_shared>>
        tpu.enqueue_indirect_dma source(%dma_start3A_280 : memref<10000xf32, #tpu.memory_space<vmem_shared>>) target(%arg16 : memref<128xf32, #tpu.memory_space<vmem>>) offsets(%dma_start3A_278 : memref<128xi32, #tpu.memory_space<vmem>>) semaphore(%run_scoped3A_276 : memref<!tpu.dma_semaphore, #tpu.memory_space<semaphore_mem>>)
        %dma_wait3A = arith.constant 0 : i32
        %dma_wait3A_281 = tpu.memref_slice %arg14[%scan3A_180, %dma_wait3A] : memref<32x128xi32, #tpu.memory_space<vmem>> -> memref<1x128xi32, #tpu.memory_space<vmem>>
        %dma_wait3A_282 = tpu.memref_squeeze %dma_wait3A_281 : memref<1x128xi32, #tpu.memory_space<vmem>> -> memref<128xi32, #tpu.memory_space<vmem>>
        %dma_wait3A_283 = arith.constant 0 : i32
        %dma_wait3A_284 = tpu.memref_slice %arg11[%dma_wait3A_283] : memref<10000xf32, #tpu.memory_space<vmem_shared>> -> memref<10000xf32, #tpu.memory_space<vmem_shared>>
        tpu.wait_indirect_dma semaphore(%run_scoped3A_276 : memref<!tpu.dma_semaphore, #tpu.memory_space<semaphore_mem>>) src(%dma_wait3A_284 : memref<10000xf32, #tpu.memory_space<vmem_shared>>) dst(%arg16 : memref<128xf32, #tpu.memory_space<vmem>>)
        tpu.yield
      }) : () -> ()
      "tpu.region"() ({
        %run_scoped3A_276 = tpu.sem_alloc : memref<!tpu.dma_semaphore, #tpu.memory_space<semaphore_mem>>
        %dma_start3A = arith.constant 0 : i32
        %dma_start3A_277 = tpu.memref_slice %arg13[%add3A_182, %dma_start3A] : memref<80x128xi32, #tpu.memory_space<vmem>> -> memref<1x128xi32, #tpu.memory_space<vmem>>
        %dma_start3A_278 = tpu.memref_squeeze %dma_start3A_277 : memref<1x128xi32, #tpu.memory_space<vmem>> -> memref<128xi32, #tpu.memory_space<vmem>>
        %dma_start3A_279 = arith.constant 0 : i32
        %dma_start3A_280 = tpu.memref_slice %arg12[%dma_start3A_279] : memref<10016xf32, #tpu.memory_space<vmem_shared>> -> memref<10016xf32, #tpu.memory_space<vmem_shared>>
        tpu.enqueue_indirect_dma source(%dma_start3A_280 : memref<10016xf32, #tpu.memory_space<vmem_shared>>) target(%arg17 : memref<128xf32, #tpu.memory_space<vmem>>) offsets(%dma_start3A_278 : memref<128xi32, #tpu.memory_space<vmem>>) semaphore(%run_scoped3A_276 : memref<!tpu.dma_semaphore, #tpu.memory_space<semaphore_mem>>)
        %dma_wait3A = arith.constant 0 : i32
        %dma_wait3A_281 = tpu.memref_slice %arg13[%add3A_182, %dma_wait3A] : memref<80x128xi32, #tpu.memory_space<vmem>> -> memref<1x128xi32, #tpu.memory_space<vmem>>
        %dma_wait3A_282 = tpu.memref_squeeze %dma_wait3A_281 : memref<1x128xi32, #tpu.memory_space<vmem>> -> memref<128xi32, #tpu.memory_space<vmem>>
        %dma_wait3A_283 = arith.constant 0 : i32
        %dma_wait3A_284 = tpu.memref_slice %arg12[%dma_wait3A_283] : memref<10016xf32, #tpu.memory_space<vmem_shared>> -> memref<10016xf32, #tpu.memory_space<vmem_shared>>
        tpu.wait_indirect_dma semaphore(%run_scoped3A_276 : memref<!tpu.dma_semaphore, #tpu.memory_space<semaphore_mem>>) src(%dma_wait3A_284 : memref<10016xf32, #tpu.memory_space<vmem_shared>>) dst(%arg17 : memref<128xf32, #tpu.memory_space<vmem>>)
        tpu.yield
      }) : () -> ()
      %get3A = arith.constant 0 : index
      %get3A_183 = tpu.vector_load %arg16[%get3A] {strides = array<i32>} : memref<128xf32, #tpu.memory_space<vmem>>, vector<16xf32>,
      %get3A_184 = arith.constant 0 : index
      %get3A_185 = tpu.vector_load %arg17[%get3A_184] {strides = array<i32>} : memref<128xf32, #tpu.memory_space<vmem>>, vector<16xf32>,
      %add3A_186 = arith.addf %get3A_183, %get3A_185 : vector<16xf32>
      %mul3A_187 = arith.constant 0.00999999977 : f32
      %mul3A_188 = vector.broadcast %mul3A_187 : f32 to vector<16xf32>
      %mul3A_189 = arith.mulf %mul3A_188, %add3A_186 : vector<16xf32>
      %max3A = arith.maximumf %add3A_186, %mul3A_189 : vector<16xf32>
      %exp3A = math.exp %max3A : vector<16xf32>
      %swap3A_190 = arith.constant 0 : index
      %swap3A_191 = tpu.vector_load %arg19[%swap3A_190] {strides = array<i32>} : memref<128xf32, #tpu.memory_space<vmem>>, vector<16xf32>,
      tpu.vector_store %arg19[%swap3A_190], %exp3A {strides = array<i32>} : memref<128xf32, #tpu.memory_space<vmem>>, vector<16xf32>,
      %get3A_192 = arith.constant 16 : index
      %get3A_193 = tpu.vector_load %arg16[%get3A_192] {strides = array<i32>} : memref<128xf32, #tpu.memory_space<vmem>>, vector<16xf32>,
      %get3A_194 = arith.constant 16 : index
      %get3A_195 = tpu.vector_load %arg17[%get3A_194] {strides = array<i32>} : memref<128xf32, #tpu.memory_space<vmem>>, vector<16xf32>,
      %add3A_196 = arith.addf %get3A_193, %get3A_195 : vector<16xf32>
      %mul3A_197 = arith.constant 0.00999999977 : f32
      %mul3A_198 = vector.broadcast %mul3A_197 : f32 to vector<16xf32>
      %mul3A_199 = arith.mulf %mul3A_198, %add3A_196 : vector<16xf32>
      %max3A_200 = arith.maximumf %add3A_196, %mul3A_199 : vector<16xf32>
      %exp3A_201 = math.exp %max3A_200 : vector<16xf32>
      %swap3A_202 = arith.constant 16 : index
      %swap3A_203 = tpu.vector_load %arg19[%swap3A_202] {strides = array<i32>} : memref<128xf32, #tpu.memory_space<vmem>>, vector<16xf32>,
      tpu.vector_store %arg19[%swap3A_202], %exp3A_201 {strides = array<i32>} : memref<128xf32, #tpu.memory_space<vmem>>, vector<16xf32>,
      %get3A_204 = arith.constant 32 : index
      %get3A_205 = tpu.vector_load %arg16[%get3A_204] {strides = array<i32>} : memref<128xf32, #tpu.memory_space<vmem>>, vector<16xf32>,
      %get3A_206 = arith.constant 32 : index
      %get3A_207 = tpu.vector_load %arg17[%get3A_206] {strides = array<i32>} : memref<128xf32, #tpu.memory_space<vmem>>, vector<16xf32>,
      %add3A_208 = arith.addf %get3A_205, %get3A_207 : vector<16xf32>
      %mul3A_209 = arith.constant 0.00999999977 : f32
      %mul3A_210 = vector.broadcast %mul3A_209 : f32 to vector<16xf32>
      %mul3A_211 = arith.mulf %mul3A_210, %add3A_208 : vector<16xf32>
      %max3A_212 = arith.maximumf %add3A_208, %mul3A_211 : vector<16xf32>
      %exp3A_213 = math.exp %max3A_212 : vector<16xf32>
      %swap3A_214 = arith.constant 32 : index
      %swap3A_215 = tpu.vector_load %arg19[%swap3A_214] {strides = array<i32>} : memref<128xf32, #tpu.memory_space<vmem>>, vector<16xf32>,
      tpu.vector_store %arg19[%swap3A_214], %exp3A_213 {strides = array<i32>} : memref<128xf32, #tpu.memory_space<vmem>>, vector<16xf32>,
      %get3A_216 = arith.constant 48 : index
      %get3A_217 = tpu.vector_load %arg16[%get3A_216] {strides = array<i32>} : memref<128xf32, #tpu.memory_space<vmem>>, vector<16xf32>,
      %get3A_218 = arith.constant 48 : index
      %get3A_219 = tpu.vector_load %arg17[%get3A_218] {strides = array<i32>} : memref<128xf32, #tpu.memory_space<vmem>>, vector<16xf32>,
      %add3A_220 = arith.addf %get3A_217, %get3A_219 : vector<16xf32>
      %mul3A_221 = arith.constant 0.00999999977 : f32
      %mul3A_222 = vector.broadcast %mul3A_221 : f32 to vector<16xf32>
      %mul3A_223 = arith.mulf %mul3A_222, %add3A_220 : vector<16xf32>
      %max3A_224 = arith.maximumf %add3A_220, %mul3A_223 : vector<16xf32>
      %exp3A_225 = math.exp %max3A_224 : vector<16xf32>
      %swap3A_226 = arith.constant 48 : index
      %swap3A_227 = tpu.vector_load %arg19[%swap3A_226] {strides = array<i32>} : memref<128xf32, #tpu.memory_space<vmem>>, vector<16xf32>,
      tpu.vector_store %arg19[%swap3A_226], %exp3A_225 {strides = array<i32>} : memref<128xf32, #tpu.memory_space<vmem>>, vector<16xf32>,
      %get3A_228 = arith.constant 64 : index
      %get3A_229 = tpu.vector_load %arg16[%get3A_228] {strides = array<i32>} : memref<128xf32, #tpu.memory_space<vmem>>, vector<16xf32>,
      %get3A_230 = arith.constant 64 : index
      %get3A_231 = tpu.vector_load %arg17[%get3A_230] {strides = array<i32>} : memref<128xf32, #tpu.memory_space<vmem>>, vector<16xf32>,
      %add3A_232 = arith.addf %get3A_229, %get3A_231 : vector<16xf32>
      %mul3A_233 = arith.constant 0.00999999977 : f32
      %mul3A_234 = vector.broadcast %mul3A_233 : f32 to vector<16xf32>
      %mul3A_235 = arith.mulf %mul3A_234, %add3A_232 : vector<16xf32>
      %max3A_236 = arith.maximumf %add3A_232, %mul3A_235 : vector<16xf32>
      %exp3A_237 = math.exp %max3A_236 : vector<16xf32>
      %swap3A_238 = arith.constant 64 : index
      %swap3A_239 = tpu.vector_load %arg19[%swap3A_238] {strides = array<i32>} : memref<128xf32, #tpu.memory_space<vmem>>, vector<16xf32>,
      tpu.vector_store %arg19[%swap3A_238], %exp3A_237 {strides = array<i32>} : memref<128xf32, #tpu.memory_space<vmem>>, vector<16xf32>,
      %get3A_240 = arith.constant 80 : index
      %get3A_241 = tpu.vector_load %arg16[%get3A_240] {strides = array<i32>} : memref<128xf32, #tpu.memory_space<vmem>>, vector<16xf32>,
      %get3A_242 = arith.constant 80 : index
      %get3A_243 = tpu.vector_load %arg17[%get3A_242] {strides = array<i32>} : memref<128xf32, #tpu.memory_space<vmem>>, vector<16xf32>,
      %add3A_244 = arith.addf %get3A_241, %get3A_243 : vector<16xf32>
      %mul3A_245 = arith.constant 0.00999999977 : f32
      %mul3A_246 = vector.broadcast %mul3A_245 : f32 to vector<16xf32>
      %mul3A_247 = arith.mulf %mul3A_246, %add3A_244 : vector<16xf32>
      %max3A_248 = arith.maximumf %add3A_244, %mul3A_247 : vector<16xf32>
      %exp3A_249 = math.exp %max3A_248 : vector<16xf32>
      %swap3A_250 = arith.constant 80 : index
      %swap3A_251 = tpu.vector_load %arg19[%swap3A_250] {strides = array<i32>} : memref<128xf32, #tpu.memory_space<vmem>>, vector<16xf32>,
      tpu.vector_store %arg19[%swap3A_250], %exp3A_249 {strides = array<i32>} : memref<128xf32, #tpu.memory_space<vmem>>, vector<16xf32>,
      %get3A_252 = arith.constant 96 : index
      %get3A_253 = tpu.vector_load %arg16[%get3A_252] {strides = array<i32>} : memref<128xf32, #tpu.memory_space<vmem>>, vector<16xf32>,
      %get3A_254 = arith.constant 96 : index
      %get3A_255 = tpu.vector_load %arg17[%get3A_254] {strides = array<i32>} : memref<128xf32, #tpu.memory_space<vmem>>, vector<16xf32>,
      %add3A_256 = arith.addf %get3A_253, %get3A_255 : vector<16xf32>
      %mul3A_257 = arith.constant 0.00999999977 : f32
      %mul3A_258 = vector.broadcast %mul3A_257 : f32 to vector<16xf32>
      %mul3A_259 = arith.mulf %mul3A_258, %add3A_256 : vector<16xf32>
      %max3A_260 = arith.maximumf %add3A_256, %mul3A_259 : vector<16xf32>
      %exp3A_261 = math.exp %max3A_260 : vector<16xf32>
      %swap3A_262 = arith.constant 96 : index
      %swap3A_263 = tpu.vector_load %arg19[%swap3A_262] {strides = array<i32>} : memref<128xf32, #tpu.memory_space<vmem>>, vector<16xf32>,
      tpu.vector_store %arg19[%swap3A_262], %exp3A_261 {strides = array<i32>} : memref<128xf32, #tpu.memory_space<vmem>>, vector<16xf32>,
      %get3A_264 = arith.constant 112 : index
      %get3A_265 = tpu.vector_load %arg16[%get3A_264] {strides = array<i32>} : memref<128xf32, #tpu.memory_space<vmem>>, vector<16xf32>,
      %get3A_266 = arith.constant 112 : index
      %get3A_267 = tpu.vector_load %arg17[%get3A_266] {strides = array<i32>} : memref<128xf32, #tpu.memory_space<vmem>>, vector<16xf32>,
      %add3A_268 = arith.addf %get3A_265, %get3A_267 : vector<16xf32>
      %mul3A_269 = arith.constant 0.00999999977 : f32
      %mul3A_270 = vector.broadcast %mul3A_269 : f32 to vector<16xf32>
      %mul3A_271 = arith.mulf %mul3A_270, %add3A_268 : vector<16xf32>
      %max3A_272 = arith.maximumf %add3A_268, %mul3A_271 : vector<16xf32>
      %exp3A_273 = math.exp %max3A_272 : vector<16xf32>
      %swap3A_274 = arith.constant 112 : index
      %swap3A_275 = tpu.vector_load %arg19[%swap3A_274] {strides = array<i32>} : memref<128xf32, #tpu.memory_space<vmem>>, vector<16xf32>,
      tpu.vector_store %arg19[%swap3A_274], %exp3A_273 {strides = array<i32>} : memref<128xf32, #tpu.memory_space<vmem>>, vector<16xf32>,
      "tpu.region"() ({
        %run_scoped3A_276 = tpu.sem_alloc : memref<!tpu.dma_semaphore, #tpu.memory_space<semaphore_mem>>
        %dma_start3A = arith.constant 0 : i32
        %dma_start3A_277 = tpu.memref_slice %arg13[%add3A_182, %dma_start3A] : memref<80x128xi32, #tpu.memory_space<vmem>> -> memref<1x128xi32, #tpu.memory_space<vmem>>
        %dma_start3A_278 = tpu.memref_squeeze %dma_start3A_277 : memref<1x128xi32, #tpu.memory_space<vmem>> -> memref<128xi32, #tpu.memory_space<vmem>>
        %dma_start3A_279 = arith.constant 0 : i32
        %dma_start3A_280 = tpu.memref_slice %arg10[%dma_start3A_279] : memref<10112xf32, #tpu.memory_space<vmem_shared>> -> memref<10112xf32, #tpu.memory_space<vmem_shared>>
        tpu.enqueue_indirect_dma source(%arg19 : memref<128xf32, #tpu.memory_space<vmem>>) target(%dma_start3A_280 : memref<10112xf32, #tpu.memory_space<vmem_shared>>) offsets(%dma_start3A_278 : memref<128xi32, #tpu.memory_space<vmem>>) semaphore(%run_scoped3A_276 : memref<!tpu.dma_semaphore, #tpu.memory_space<semaphore_mem>>) {add = true}
        %dma_wait3A = arith.constant 0 : i32
        %dma_wait3A_281 = tpu.memref_slice %arg13[%add3A_182, %dma_wait3A] : memref<80x128xi32, #tpu.memory_space<vmem>> -> memref<1x128xi32, #tpu.memory_space<vmem>>
        %dma_wait3A_282 = tpu.memref_squeeze %dma_wait3A_281 : memref<1x128xi32, #tpu.memory_space<vmem>> -> memref<128xi32, #tpu.memory_space<vmem>>
        %dma_wait3A_283 = arith.constant 0 : i32
        %dma_wait3A_284 = tpu.memref_slice %arg10[%dma_wait3A_283] : memref<10112xf32, #tpu.memory_space<vmem_shared>> -> memref<10112xf32, #tpu.memory_space<vmem_shared>>
        tpu.wait_indirect_dma semaphore(%run_scoped3A_276 : memref<!tpu.dma_semaphore, #tpu.memory_space<semaphore_mem>>) src(%arg19 : memref<128xf32, #tpu.memory_space<vmem>>) dst(%dma_wait3A_284 : memref<10112xf32, #tpu.memory_space<vmem_shared>>)
        tpu.yield
      }) : () -> ()
    }
    %scan3A_85 = arith.constant 16 : i32
    %add3A_86 = arith.constant 32 : i32
    %add3A_87 = arith.addi %mul3A_3, %add3A_86 : i32
    "tpu.region"() ({
      %run_scoped3A_180 = tpu.sem_alloc : memref<!tpu.dma_semaphore, #tpu.memory_space<semaphore_mem>>
      %dma_start3A = arith.constant 0 : i32
      %dma_start3A_181 = arith.constant 0 : i32
      %dma_start3A_182 = tpu.memref_slice %arg14[%dma_start3A, %dma_start3A_181] : memref<32x128xi32, #tpu.memory_space<vmem>> -> memref<16x128xi32, #tpu.memory_space<vmem>>
      %dma_start3A_183 = arith.constant 0 : i32
      %dma_start3A_184 = tpu.memref_slice %arg4[%add3A_87, %dma_start3A_183] : memref<1280x128xi32, #tpu.memory_space<hbm>> -> memref<16x128xi32, #tpu.memory_space<hbm>>
      %dma_start3A_185 = arith.constant 0 : i32
      %dma_start3A_186 = arith.constant 0 : i32
      %dma_start3A_187 = tpu.memref_slice %arg14[%dma_start3A_185, %dma_start3A_186] : memref<32x128xi32, #tpu.memory_space<vmem>> -> memref<16x128xi32, #tpu.memory_space<vmem>>
      %dma_start3A_188 = arith.constant 0 : i32
      %dma_start3A_189 = tpu.memref_slice %arg4[%add3A_87, %dma_start3A_188] : memref<1280x128xi32, #tpu.memory_space<hbm>> -> memref<16x128xi32, #tpu.memory_space<hbm>>
      tpu.enqueue_dma source(%dma_start3A_189 : memref<16x128xi32, #tpu.memory_space<hbm>>) target(%dma_start3A_187 : memref<16x128xi32, #tpu.memory_space<vmem>>) target_semaphore(%run_scoped3A_180 : memref<!tpu.dma_semaphore, #tpu.memory_space<semaphore_mem>>)
      %dma_wait3A = arith.constant 0 : i32
      %dma_wait3A_190 = arith.constant 0 : i32
      %dma_wait3A_191 = tpu.memref_slice %arg14[%dma_wait3A, %dma_wait3A_190] : memref<32x128xi32, #tpu.memory_space<vmem>> -> memref<16x128xi32, #tpu.memory_space<vmem>>
      %dma_wait3A_192 = arith.constant 0 : i32
      %dma_wait3A_193 = tpu.memref_slice %arg4[%add3A_87, %dma_wait3A_192] : memref<1280x128xi32, #tpu.memory_space<hbm>> -> memref<16x128xi32, #tpu.memory_space<hbm>>
      %dma_wait3A_194 = arith.constant 0 : i32
      %dma_wait3A_195 = arith.constant 0 : i32
      %dma_wait3A_196 = tpu.memref_slice %arg14[%dma_wait3A_194, %dma_wait3A_195] : memref<32x128xi32, #tpu.memory_space<vmem>> -> memref<16x128xi32, #tpu.memory_space<vmem>>
      %dma_wait3A_197 = arith.constant 0 : i32
      %dma_wait3A_198 = tpu.memref_slice %arg4[%add3A_87, %dma_wait3A_197] : memref<1280x128xi32, #tpu.memory_space<hbm>> -> memref<16x128xi32, #tpu.memory_space<hbm>>
      tpu.wait_dma2 semaphore(%run_scoped3A_180 : memref<!tpu.dma_semaphore, #tpu.memory_space<semaphore_mem>>) src(%dma_wait3A_198 : memref<16x128xi32, #tpu.memory_space<hbm>>) dst(%dma_wait3A_196 : memref<16x128xi32, #tpu.memory_space<vmem>>)
      tpu.yield
    }) : () -> ()
    %scan3A_88 = arith.constant 0 : i32
    %scan3A_89 = arith.constant 16 : i32
    %scan3A_90 = arith.addi %scan3A_88, %scan3A_89 : i32
    %scan3A_91 = arith.constant 1 : i32
    scf.for %scan3A_180 = %scan3A_88 to %scan3A_90 step %scan3A_91  : i32 {
      %add3A_181 = arith.constant 32 : i32
      %add3A_182 = arith.addi %add3A_181, %scan3A_180 : i32
      "tpu.region"() ({
        %run_scoped3A_276 = tpu.sem_alloc : memref<!tpu.dma_semaphore, #tpu.memory_space<semaphore_mem>>
        %dma_start3A = arith.constant 0 : i32
        %dma_start3A_277 = tpu.memref_slice %arg14[%scan3A_180, %dma_start3A] : memref<32x128xi32, #tpu.memory_space<vmem>> -> memref<1x128xi32, #tpu.memory_space<vmem>>
        %dma_start3A_278 = tpu.memref_squeeze %dma_start3A_277 : memref<1x128xi32, #tpu.memory_space<vmem>> -> memref<128xi32, #tpu.memory_space<vmem>>
        %dma_start3A_279 = arith.constant 0 : i32
        %dma_start3A_280 = tpu.memref_slice %arg11[%dma_start3A_279] : memref<10000xf32, #tpu.memory_space<vmem_shared>> -> memref<10000xf32, #tpu.memory_space<vmem_shared>>
        tpu.enqueue_indirect_dma source(%dma_start3A_280 : memref<10000xf32, #tpu.memory_space<vmem_shared>>) target(%arg16 : memref<128xf32, #tpu.memory_space<vmem>>) offsets(%dma_start3A_278 : memref<128xi32, #tpu.memory_space<vmem>>) semaphore(%run_scoped3A_276 : memref<!tpu.dma_semaphore, #tpu.memory_space<semaphore_mem>>)
        %dma_wait3A = arith.constant 0 : i32
        %dma_wait3A_281 = tpu.memref_slice %arg14[%scan3A_180, %dma_wait3A] : memref<32x128xi32, #tpu.memory_space<vmem>> -> memref<1x128xi32, #tpu.memory_space<vmem>>
        %dma_wait3A_282 = tpu.memref_squeeze %dma_wait3A_281 : memref<1x128xi32, #tpu.memory_space<vmem>> -> memref<128xi32, #tpu.memory_space<vmem>>
        %dma_wait3A_283 = arith.constant 0 : i32
        %dma_wait3A_284 = tpu.memref_slice %arg11[%dma_wait3A_283] : memref<10000xf32, #tpu.memory_space<vmem_shared>> -> memref<10000xf32, #tpu.memory_space<vmem_shared>>
        tpu.wait_indirect_dma semaphore(%run_scoped3A_276 : memref<!tpu.dma_semaphore, #tpu.memory_space<semaphore_mem>>) src(%dma_wait3A_284 : memref<10000xf32, #tpu.memory_space<vmem_shared>>) dst(%arg16 : memref<128xf32, #tpu.memory_space<vmem>>)
        tpu.yield
      }) : () -> ()
      "tpu.region"() ({
        %run_scoped3A_276 = tpu.sem_alloc : memref<!tpu.dma_semaphore, #tpu.memory_space<semaphore_mem>>
        %dma_start3A = arith.constant 0 : i32
        %dma_start3A_277 = tpu.memref_slice %arg13[%add3A_182, %dma_start3A] : memref<80x128xi32, #tpu.memory_space<vmem>> -> memref<1x128xi32, #tpu.memory_space<vmem>>
        %dma_start3A_278 = tpu.memref_squeeze %dma_start3A_277 : memref<1x128xi32, #tpu.memory_space<vmem>> -> memref<128xi32, #tpu.memory_space<vmem>>
        %dma_start3A_279 = arith.constant 0 : i32
        %dma_start3A_280 = tpu.memref_slice %arg12[%dma_start3A_279] : memref<10016xf32, #tpu.memory_space<vmem_shared>> -> memref<10016xf32, #tpu.memory_space<vmem_shared>>
        tpu.enqueue_indirect_dma source(%dma_start3A_280 : memref<10016xf32, #tpu.memory_space<vmem_shared>>) target(%arg17 : memref<128xf32, #tpu.memory_space<vmem>>) offsets(%dma_start3A_278 : memref<128xi32, #tpu.memory_space<vmem>>) semaphore(%run_scoped3A_276 : memref<!tpu.dma_semaphore, #tpu.memory_space<semaphore_mem>>)
        %dma_wait3A = arith.constant 0 : i32
        %dma_wait3A_281 = tpu.memref_slice %arg13[%add3A_182, %dma_wait3A] : memref<80x128xi32, #tpu.memory_space<vmem>> -> memref<1x128xi32, #tpu.memory_space<vmem>>
        %dma_wait3A_282 = tpu.memref_squeeze %dma_wait3A_281 : memref<1x128xi32, #tpu.memory_space<vmem>> -> memref<128xi32, #tpu.memory_space<vmem>>
        %dma_wait3A_283 = arith.constant 0 : i32
        %dma_wait3A_284 = tpu.memref_slice %arg12[%dma_wait3A_283] : memref<10016xf32, #tpu.memory_space<vmem_shared>> -> memref<10016xf32, #tpu.memory_space<vmem_shared>>
        tpu.wait_indirect_dma semaphore(%run_scoped3A_276 : memref<!tpu.dma_semaphore, #tpu.memory_space<semaphore_mem>>) src(%dma_wait3A_284 : memref<10016xf32, #tpu.memory_space<vmem_shared>>) dst(%arg17 : memref<128xf32, #tpu.memory_space<vmem>>)
        tpu.yield
      }) : () -> ()
      %get3A = arith.constant 0 : index
      %get3A_183 = tpu.vector_load %arg16[%get3A] {strides = array<i32>} : memref<128xf32, #tpu.memory_space<vmem>>, vector<16xf32>,
      %get3A_184 = arith.constant 0 : index
      %get3A_185 = tpu.vector_load %arg17[%get3A_184] {strides = array<i32>} : memref<128xf32, #tpu.memory_space<vmem>>, vector<16xf32>,
      %add3A_186 = arith.addf %get3A_183, %get3A_185 : vector<16xf32>
      %mul3A_187 = arith.constant 0.00999999977 : f32
      %mul3A_188 = vector.broadcast %mul3A_187 : f32 to vector<16xf32>
      %mul3A_189 = arith.mulf %mul3A_188, %add3A_186 : vector<16xf32>
      %max3A = arith.maximumf %add3A_186, %mul3A_189 : vector<16xf32>
      %exp3A = math.exp %max3A : vector<16xf32>
      %swap3A_190 = arith.constant 0 : index
      %swap3A_191 = tpu.vector_load %arg19[%swap3A_190] {strides = array<i32>} : memref<128xf32, #tpu.memory_space<vmem>>, vector<16xf32>,
      tpu.vector_store %arg19[%swap3A_190], %exp3A {strides = array<i32>} : memref<128xf32, #tpu.memory_space<vmem>>, vector<16xf32>,
      %get3A_192 = arith.constant 16 : index
      %get3A_193 = tpu.vector_load %arg16[%get3A_192] {strides = array<i32>} : memref<128xf32, #tpu.memory_space<vmem>>, vector<16xf32>,
      %get3A_194 = arith.constant 16 : index
      %get3A_195 = tpu.vector_load %arg17[%get3A_194] {strides = array<i32>} : memref<128xf32, #tpu.memory_space<vmem>>, vector<16xf32>,
      %add3A_196 = arith.addf %get3A_193, %get3A_195 : vector<16xf32>
      %mul3A_197 = arith.constant 0.00999999977 : f32
      %mul3A_198 = vector.broadcast %mul3A_197 : f32 to vector<16xf32>
      %mul3A_199 = arith.mulf %mul3A_198, %add3A_196 : vector<16xf32>
      %max3A_200 = arith.maximumf %add3A_196, %mul3A_199 : vector<16xf32>
      %exp3A_201 = math.exp %max3A_200 : vector<16xf32>
      %swap3A_202 = arith.constant 16 : index
      %swap3A_203 = tpu.vector_load %arg19[%swap3A_202] {strides = array<i32>} : memref<128xf32, #tpu.memory_space<vmem>>, vector<16xf32>,
      tpu.vector_store %arg19[%swap3A_202], %exp3A_201 {strides = array<i32>} : memref<128xf32, #tpu.memory_space<vmem>>, vector<16xf32>,
      %get3A_204 = arith.constant 32 : index
      %get3A_205 = tpu.vector_load %arg16[%get3A_204] {strides = array<i32>} : memref<128xf32, #tpu.memory_space<vmem>>, vector<16xf32>,
      %get3A_206 = arith.constant 32 : index
      %get3A_207 = tpu.vector_load %arg17[%get3A_206] {strides = array<i32>} : memref<128xf32, #tpu.memory_space<vmem>>, vector<16xf32>,
      %add3A_208 = arith.addf %get3A_205, %get3A_207 : vector<16xf32>
      %mul3A_209 = arith.constant 0.00999999977 : f32
      %mul3A_210 = vector.broadcast %mul3A_209 : f32 to vector<16xf32>
      %mul3A_211 = arith.mulf %mul3A_210, %add3A_208 : vector<16xf32>
      %max3A_212 = arith.maximumf %add3A_208, %mul3A_211 : vector<16xf32>
      %exp3A_213 = math.exp %max3A_212 : vector<16xf32>
      %swap3A_214 = arith.constant 32 : index
      %swap3A_215 = tpu.vector_load %arg19[%swap3A_214] {strides = array<i32>} : memref<128xf32, #tpu.memory_space<vmem>>, vector<16xf32>,
      tpu.vector_store %arg19[%swap3A_214], %exp3A_213 {strides = array<i32>} : memref<128xf32, #tpu.memory_space<vmem>>, vector<16xf32>,
      %get3A_216 = arith.constant 48 : index
      %get3A_217 = tpu.vector_load %arg16[%get3A_216] {strides = array<i32>} : memref<128xf32, #tpu.memory_space<vmem>>, vector<16xf32>,
      %get3A_218 = arith.constant 48 : index
      %get3A_219 = tpu.vector_load %arg17[%get3A_218] {strides = array<i32>} : memref<128xf32, #tpu.memory_space<vmem>>, vector<16xf32>,
      %add3A_220 = arith.addf %get3A_217, %get3A_219 : vector<16xf32>
      %mul3A_221 = arith.constant 0.00999999977 : f32
      %mul3A_222 = vector.broadcast %mul3A_221 : f32 to vector<16xf32>
      %mul3A_223 = arith.mulf %mul3A_222, %add3A_220 : vector<16xf32>
      %max3A_224 = arith.maximumf %add3A_220, %mul3A_223 : vector<16xf32>
      %exp3A_225 = math.exp %max3A_224 : vector<16xf32>
      %swap3A_226 = arith.constant 48 : index
      %swap3A_227 = tpu.vector_load %arg19[%swap3A_226] {strides = array<i32>} : memref<128xf32, #tpu.memory_space<vmem>>, vector<16xf32>,
      tpu.vector_store %arg19[%swap3A_226], %exp3A_225 {strides = array<i32>} : memref<128xf32, #tpu.memory_space<vmem>>, vector<16xf32>,
      %get3A_228 = arith.constant 64 : index
      %get3A_229 = tpu.vector_load %arg16[%get3A_228] {strides = array<i32>} : memref<128xf32, #tpu.memory_space<vmem>>, vector<16xf32>,
      %get3A_230 = arith.constant 64 : index
      %get3A_231 = tpu.vector_load %arg17[%get3A_230] {strides = array<i32>} : memref<128xf32, #tpu.memory_space<vmem>>, vector<16xf32>,
      %add3A_232 = arith.addf %get3A_229, %get3A_231 : vector<16xf32>
      %mul3A_233 = arith.constant 0.00999999977 : f32
      %mul3A_234 = vector.broadcast %mul3A_233 : f32 to vector<16xf32>
      %mul3A_235 = arith.mulf %mul3A_234, %add3A_232 : vector<16xf32>
      %max3A_236 = arith.maximumf %add3A_232, %mul3A_235 : vector<16xf32>
      %exp3A_237 = math.exp %max3A_236 : vector<16xf32>
      %swap3A_238 = arith.constant 64 : index
      %swap3A_239 = tpu.vector_load %arg19[%swap3A_238] {strides = array<i32>} : memref<128xf32, #tpu.memory_space<vmem>>, vector<16xf32>,
      tpu.vector_store %arg19[%swap3A_238], %exp3A_237 {strides = array<i32>} : memref<128xf32, #tpu.memory_space<vmem>>, vector<16xf32>,
      %get3A_240 = arith.constant 80 : index
      %get3A_241 = tpu.vector_load %arg16[%get3A_240] {strides = array<i32>} : memref<128xf32, #tpu.memory_space<vmem>>, vector<16xf32>,
      %get3A_242 = arith.constant 80 : index
      %get3A_243 = tpu.vector_load %arg17[%get3A_242] {strides = array<i32>} : memref<128xf32, #tpu.memory_space<vmem>>, vector<16xf32>,
      %add3A_244 = arith.addf %get3A_241, %get3A_243 : vector<16xf32>
      %mul3A_245 = arith.constant 0.00999999977 : f32
      %mul3A_246 = vector.broadcast %mul3A_245 : f32 to vector<16xf32>
      %mul3A_247 = arith.mulf %mul3A_246, %add3A_244 : vector<16xf32>
      %max3A_248 = arith.maximumf %add3A_244, %mul3A_247 : vector<16xf32>
      %exp3A_249 = math.exp %max3A_248 : vector<16xf32>
      %swap3A_250 = arith.constant 80 : index
      %swap3A_251 = tpu.vector_load %arg19[%swap3A_250] {strides = array<i32>} : memref<128xf32, #tpu.memory_space<vmem>>, vector<16xf32>,
      tpu.vector_store %arg19[%swap3A_250], %exp3A_249 {strides = array<i32>} : memref<128xf32, #tpu.memory_space<vmem>>, vector<16xf32>,
      %get3A_252 = arith.constant 96 : index
      %get3A_253 = tpu.vector_load %arg16[%get3A_252] {strides = array<i32>} : memref<128xf32, #tpu.memory_space<vmem>>, vector<16xf32>,
      %get3A_254 = arith.constant 96 : index
      %get3A_255 = tpu.vector_load %arg17[%get3A_254] {strides = array<i32>} : memref<128xf32, #tpu.memory_space<vmem>>, vector<16xf32>,
      %add3A_256 = arith.addf %get3A_253, %get3A_255 : vector<16xf32>
      %mul3A_257 = arith.constant 0.00999999977 : f32
      %mul3A_258 = vector.broadcast %mul3A_257 : f32 to vector<16xf32>
      %mul3A_259 = arith.mulf %mul3A_258, %add3A_256 : vector<16xf32>
      %max3A_260 = arith.maximumf %add3A_256, %mul3A_259 : vector<16xf32>
      %exp3A_261 = math.exp %max3A_260 : vector<16xf32>
      %swap3A_262 = arith.constant 96 : index
      %swap3A_263 = tpu.vector_load %arg19[%swap3A_262] {strides = array<i32>} : memref<128xf32, #tpu.memory_space<vmem>>, vector<16xf32>,
      tpu.vector_store %arg19[%swap3A_262], %exp3A_261 {strides = array<i32>} : memref<128xf32, #tpu.memory_space<vmem>>, vector<16xf32>,
      %get3A_264 = arith.constant 112 : index
      %get3A_265 = tpu.vector_load %arg16[%get3A_264] {strides = array<i32>} : memref<128xf32, #tpu.memory_space<vmem>>, vector<16xf32>,
      %get3A_266 = arith.constant 112 : index
      %get3A_267 = tpu.vector_load %arg17[%get3A_266] {strides = array<i32>} : memref<128xf32, #tpu.memory_space<vmem>>, vector<16xf32>,
      %add3A_268 = arith.addf %get3A_265, %get3A_267 : vector<16xf32>
      %mul3A_269 = arith.constant 0.00999999977 : f32
      %mul3A_270 = vector.broadcast %mul3A_269 : f32 to vector<16xf32>
      %mul3A_271 = arith.mulf %mul3A_270, %add3A_268 : vector<16xf32>
      %max3A_272 = arith.maximumf %add3A_268, %mul3A_271 : vector<16xf32>
      %exp3A_273 = math.exp %max3A_272 : vector<16xf32>
      %swap3A_274 = arith.constant 112 : index
      %swap3A_275 = tpu.vector_load %arg19[%swap3A_274] {strides = array<i32>} : memref<128xf32, #tpu.memory_space<vmem>>, vector<16xf32>,
      tpu.vector_store %arg19[%swap3A_274], %exp3A_273 {strides = array<i32>} : memref<128xf32, #tpu.memory_space<vmem>>, vector<16xf32>,
      "tpu.region"() ({
        %run_scoped3A_276 = tpu.sem_alloc : memref<!tpu.dma_semaphore, #tpu.memory_space<semaphore_mem>>
        %dma_start3A = arith.constant 0 : i32
        %dma_start3A_277 = tpu.memref_slice %arg13[%add3A_182, %dma_start3A] : memref<80x128xi32, #tpu.memory_space<vmem>> -> memref<1x128xi32, #tpu.memory_space<vmem>>
        %dma_start3A_278 = tpu.memref_squeeze %dma_start3A_277 : memref<1x128xi32, #tpu.memory_space<vmem>> -> memref<128xi32, #tpu.memory_space<vmem>>
        %dma_start3A_279 = arith.constant 0 : i32
        %dma_start3A_280 = tpu.memref_slice %arg10[%dma_start3A_279] : memref<10112xf32, #tpu.memory_space<vmem_shared>> -> memref<10112xf32, #tpu.memory_space<vmem_shared>>
        tpu.enqueue_indirect_dma source(%arg19 : memref<128xf32, #tpu.memory_space<vmem>>) target(%dma_start3A_280 : memref<10112xf32, #tpu.memory_space<vmem_shared>>) offsets(%dma_start3A_278 : memref<128xi32, #tpu.memory_space<vmem>>) semaphore(%run_scoped3A_276 : memref<!tpu.dma_semaphore, #tpu.memory_space<semaphore_mem>>) {add = true}
        %dma_wait3A = arith.constant 0 : i32
        %dma_wait3A_281 = tpu.memref_slice %arg13[%add3A_182, %dma_wait3A] : memref<80x128xi32, #tpu.memory_space<vmem>> -> memref<1x128xi32, #tpu.memory_space<vmem>>
        %dma_wait3A_282 = tpu.memref_squeeze %dma_wait3A_281 : memref<1x128xi32, #tpu.memory_space<vmem>> -> memref<128xi32, #tpu.memory_space<vmem>>
        %dma_wait3A_283 = arith.constant 0 : i32
        %dma_wait3A_284 = tpu.memref_slice %arg10[%dma_wait3A_283] : memref<10112xf32, #tpu.memory_space<vmem_shared>> -> memref<10112xf32, #tpu.memory_space<vmem_shared>>
        tpu.wait_indirect_dma semaphore(%run_scoped3A_276 : memref<!tpu.dma_semaphore, #tpu.memory_space<semaphore_mem>>) src(%arg19 : memref<128xf32, #tpu.memory_space<vmem>>) dst(%dma_wait3A_284 : memref<10112xf32, #tpu.memory_space<vmem_shared>>)
        tpu.yield
      }) : () -> ()
    }
    %scan3A_92 = arith.constant 16 : i32
    %add3A_93 = arith.constant 48 : i32
    %add3A_94 = arith.addi %mul3A_3, %add3A_93 : i32
    "tpu.region"() ({
      %run_scoped3A_180 = tpu.sem_alloc : memref<!tpu.dma_semaphore, #tpu.memory_space<semaphore_mem>>
      %dma_start3A = arith.constant 0 : i32
      %dma_start3A_181 = arith.constant 0 : i32
      %dma_start3A_182 = tpu.memref_slice %arg14[%dma_start3A, %dma_start3A_181] : memref<32x128xi32, #tpu.memory_space<vmem>> -> memref<16x128xi32, #tpu.memory_space<vmem>>
      %dma_start3A_183 = arith.constant 0 : i32
      %dma_start3A_184 = tpu.memref_slice %arg4[%add3A_94, %dma_start3A_183] : memref<1280x128xi32, #tpu.memory_space<hbm>> -> memref<16x128xi32, #tpu.memory_space<hbm>>
      %dma_start3A_185 = arith.constant 0 : i32
      %dma_start3A_186 = arith.constant 0 : i32
      %dma_start3A_187 = tpu.memref_slice %arg14[%dma_start3A_185, %dma_start3A_186] : memref<32x128xi32, #tpu.memory_space<vmem>> -> memref<16x128xi32, #tpu.memory_space<vmem>>
      %dma_start3A_188 = arith.constant 0 : i32
      %dma_start3A_189 = tpu.memref_slice %arg4[%add3A_94, %dma_start3A_188] : memref<1280x128xi32, #tpu.memory_space<hbm>> -> memref<16x128xi32, #tpu.memory_space<hbm>>
      tpu.enqueue_dma source(%dma_start3A_189 : memref<16x128xi32, #tpu.memory_space<hbm>>) target(%dma_start3A_187 : memref<16x128xi32, #tpu.memory_space<vmem>>) target_semaphore(%run_scoped3A_180 : memref<!tpu.dma_semaphore, #tpu.memory_space<semaphore_mem>>)
      %dma_wait3A = arith.constant 0 : i32
      %dma_wait3A_190 = arith.constant 0 : i32
      %dma_wait3A_191 = tpu.memref_slice %arg14[%dma_wait3A, %dma_wait3A_190] : memref<32x128xi32, #tpu.memory_space<vmem>> -> memref<16x128xi32, #tpu.memory_space<vmem>>
      %dma_wait3A_192 = arith.constant 0 : i32
      %dma_wait3A_193 = tpu.memref_slice %arg4[%add3A_94, %dma_wait3A_192] : memref<1280x128xi32, #tpu.memory_space<hbm>> -> memref<16x128xi32, #tpu.memory_space<hbm>>
      %dma_wait3A_194 = arith.constant 0 : i32
      %dma_wait3A_195 = arith.constant 0 : i32
      %dma_wait3A_196 = tpu.memref_slice %arg14[%dma_wait3A_194, %dma_wait3A_195] : memref<32x128xi32, #tpu.memory_space<vmem>> -> memref<16x128xi32, #tpu.memory_space<vmem>>
      %dma_wait3A_197 = arith.constant 0 : i32
      %dma_wait3A_198 = tpu.memref_slice %arg4[%add3A_94, %dma_wait3A_197] : memref<1280x128xi32, #tpu.memory_space<hbm>> -> memref<16x128xi32, #tpu.memory_space<hbm>>
      tpu.wait_dma2 semaphore(%run_scoped3A_180 : memref<!tpu.dma_semaphore, #tpu.memory_space<semaphore_mem>>) src(%dma_wait3A_198 : memref<16x128xi32, #tpu.memory_space<hbm>>) dst(%dma_wait3A_196 : memref<16x128xi32, #tpu.memory_space<vmem>>)
      tpu.yield
    }) : () -> ()
    %scan3A_95 = arith.constant 0 : i32
    %scan3A_96 = arith.constant 16 : i32
    %scan3A_97 = arith.addi %scan3A_95, %scan3A_96 : i32
    %scan3A_98 = arith.constant 1 : i32
    scf.for %scan3A_180 = %scan3A_95 to %scan3A_97 step %scan3A_98  : i32 {
      %add3A_181 = arith.constant 48 : i32
      %add3A_182 = arith.addi %add3A_181, %scan3A_180 : i32
      "tpu.region"() ({
        %run_scoped3A_276 = tpu.sem_alloc : memref<!tpu.dma_semaphore, #tpu.memory_space<semaphore_mem>>
        %dma_start3A = arith.constant 0 : i32
        %dma_start3A_277 = tpu.memref_slice %arg14[%scan3A_180, %dma_start3A] : memref<32x128xi32, #tpu.memory_space<vmem>> -> memref<1x128xi32, #tpu.memory_space<vmem>>
        %dma_start3A_278 = tpu.memref_squeeze %dma_start3A_277 : memref<1x128xi32, #tpu.memory_space<vmem>> -> memref<128xi32, #tpu.memory_space<vmem>>
        %dma_start3A_279 = arith.constant 0 : i32
        %dma_start3A_280 = tpu.memref_slice %arg11[%dma_start3A_279] : memref<10000xf32, #tpu.memory_space<vmem_shared>> -> memref<10000xf32, #tpu.memory_space<vmem_shared>>
        tpu.enqueue_indirect_dma source(%dma_start3A_280 : memref<10000xf32, #tpu.memory_space<vmem_shared>>) target(%arg16 : memref<128xf32, #tpu.memory_space<vmem>>) offsets(%dma_start3A_278 : memref<128xi32, #tpu.memory_space<vmem>>) semaphore(%run_scoped3A_276 : memref<!tpu.dma_semaphore, #tpu.memory_space<semaphore_mem>>)
        %dma_wait3A = arith.constant 0 : i32
        %dma_wait3A_281 = tpu.memref_slice %arg14[%scan3A_180, %dma_wait3A] : memref<32x128xi32, #tpu.memory_space<vmem>> -> memref<1x128xi32, #tpu.memory_space<vmem>>
        %dma_wait3A_282 = tpu.memref_squeeze %dma_wait3A_281 : memref<1x128xi32, #tpu.memory_space<vmem>> -> memref<128xi32, #tpu.memory_space<vmem>>
        %dma_wait3A_283 = arith.constant 0 : i32
        %dma_wait3A_284 = tpu.memref_slice %arg11[%dma_wait3A_283] : memref<10000xf32, #tpu.memory_space<vmem_shared>> -> memref<10000xf32, #tpu.memory_space<vmem_shared>>
        tpu.wait_indirect_dma semaphore(%run_scoped3A_276 : memref<!tpu.dma_semaphore, #tpu.memory_space<semaphore_mem>>) src(%dma_wait3A_284 : memref<10000xf32, #tpu.memory_space<vmem_shared>>) dst(%arg16 : memref<128xf32, #tpu.memory_space<vmem>>)
        tpu.yield
      }) : () -> ()
      "tpu.region"() ({
        %run_scoped3A_276 = tpu.sem_alloc : memref<!tpu.dma_semaphore, #tpu.memory_space<semaphore_mem>>
        %dma_start3A = arith.constant 0 : i32
        %dma_start3A_277 = tpu.memref_slice %arg13[%add3A_182, %dma_start3A] : memref<80x128xi32, #tpu.memory_space<vmem>> -> memref<1x128xi32, #tpu.memory_space<vmem>>
        %dma_start3A_278 = tpu.memref_squeeze %dma_start3A_277 : memref<1x128xi32, #tpu.memory_space<vmem>> -> memref<128xi32, #tpu.memory_space<vmem>>
        %dma_start3A_279 = arith.constant 0 : i32
        %dma_start3A_280 = tpu.memref_slice %arg12[%dma_start3A_279] : memref<10016xf32, #tpu.memory_space<vmem_shared>> -> memref<10016xf32, #tpu.memory_space<vmem_shared>>
        tpu.enqueue_indirect_dma source(%dma_start3A_280 : memref<10016xf32, #tpu.memory_space<vmem_shared>>) target(%arg17 : memref<128xf32, #tpu.memory_space<vmem>>) offsets(%dma_start3A_278 : memref<128xi32, #tpu.memory_space<vmem>>) semaphore(%run_scoped3A_276 : memref<!tpu.dma_semaphore, #tpu.memory_space<semaphore_mem>>)
        %dma_wait3A = arith.constant 0 : i32
        %dma_wait3A_281 = tpu.memref_slice %arg13[%add3A_182, %dma_wait3A] : memref<80x128xi32, #tpu.memory_space<vmem>> -> memref<1x128xi32, #tpu.memory_space<vmem>>
        %dma_wait3A_282 = tpu.memref_squeeze %dma_wait3A_281 : memref<1x128xi32, #tpu.memory_space<vmem>> -> memref<128xi32, #tpu.memory_space<vmem>>
        %dma_wait3A_283 = arith.constant 0 : i32
        %dma_wait3A_284 = tpu.memref_slice %arg12[%dma_wait3A_283] : memref<10016xf32, #tpu.memory_space<vmem_shared>> -> memref<10016xf32, #tpu.memory_space<vmem_shared>>
        tpu.wait_indirect_dma semaphore(%run_scoped3A_276 : memref<!tpu.dma_semaphore, #tpu.memory_space<semaphore_mem>>) src(%dma_wait3A_284 : memref<10016xf32, #tpu.memory_space<vmem_shared>>) dst(%arg17 : memref<128xf32, #tpu.memory_space<vmem>>)
        tpu.yield
      }) : () -> ()
      %get3A = arith.constant 0 : index
      %get3A_183 = tpu.vector_load %arg16[%get3A] {strides = array<i32>} : memref<128xf32, #tpu.memory_space<vmem>>, vector<16xf32>,
      %get3A_184 = arith.constant 0 : index
      %get3A_185 = tpu.vector_load %arg17[%get3A_184] {strides = array<i32>} : memref<128xf32, #tpu.memory_space<vmem>>, vector<16xf32>,
      %add3A_186 = arith.addf %get3A_183, %get3A_185 : vector<16xf32>
      %mul3A_187 = arith.constant 0.00999999977 : f32
      %mul3A_188 = vector.broadcast %mul3A_187 : f32 to vector<16xf32>
      %mul3A_189 = arith.mulf %mul3A_188, %add3A_186 : vector<16xf32>
      %max3A = arith.maximumf %add3A_186, %mul3A_189 : vector<16xf32>
      %exp3A = math.exp %max3A : vector<16xf32>
      %swap3A_190 = arith.constant 0 : index
      %swap3A_191 = tpu.vector_load %arg19[%swap3A_190] {strides = array<i32>} : memref<128xf32, #tpu.memory_space<vmem>>, vector<16xf32>,
      tpu.vector_store %arg19[%swap3A_190], %exp3A {strides = array<i32>} : memref<128xf32, #tpu.memory_space<vmem>>, vector<16xf32>,
      %get3A_192 = arith.constant 16 : index
      %get3A_193 = tpu.vector_load %arg16[%get3A_192] {strides = array<i32>} : memref<128xf32, #tpu.memory_space<vmem>>, vector<16xf32>,
      %get3A_194 = arith.constant 16 : index
      %get3A_195 = tpu.vector_load %arg17[%get3A_194] {strides = array<i32>} : memref<128xf32, #tpu.memory_space<vmem>>, vector<16xf32>,
      %add3A_196 = arith.addf %get3A_193, %get3A_195 : vector<16xf32>
      %mul3A_197 = arith.constant 0.00999999977 : f32
      %mul3A_198 = vector.broadcast %mul3A_197 : f32 to vector<16xf32>
      %mul3A_199 = arith.mulf %mul3A_198, %add3A_196 : vector<16xf32>
      %max3A_200 = arith.maximumf %add3A_196, %mul3A_199 : vector<16xf32>
      %exp3A_201 = math.exp %max3A_200 : vector<16xf32>
      %swap3A_202 = arith.constant 16 : index
      %swap3A_203 = tpu.vector_load %arg19[%swap3A_202] {strides = array<i32>} : memref<128xf32, #tpu.memory_space<vmem>>, vector<16xf32>,
      tpu.vector_store %arg19[%swap3A_202], %exp3A_201 {strides = array<i32>} : memref<128xf32, #tpu.memory_space<vmem>>, vector<16xf32>,
      %get3A_204 = arith.constant 32 : index
      %get3A_205 = tpu.vector_load %arg16[%get3A_204] {strides = array<i32>} : memref<128xf32, #tpu.memory_space<vmem>>, vector<16xf32>,
      %get3A_206 = arith.constant 32 : index
      %get3A_207 = tpu.vector_load %arg17[%get3A_206] {strides = array<i32>} : memref<128xf32, #tpu.memory_space<vmem>>, vector<16xf32>,
      %add3A_208 = arith.addf %get3A_205, %get3A_207 : vector<16xf32>
      %mul3A_209 = arith.constant 0.00999999977 : f32
      %mul3A_210 = vector.broadcast %mul3A_209 : f32 to vector<16xf32>
      %mul3A_211 = arith.mulf %mul3A_210, %add3A_208 : vector<16xf32>
      %max3A_212 = arith.maximumf %add3A_208, %mul3A_211 : vector<16xf32>
      %exp3A_213 = math.exp %max3A_212 : vector<16xf32>
      %swap3A_214 = arith.constant 32 : index
      %swap3A_215 = tpu.vector_load %arg19[%swap3A_214] {strides = array<i32>} : memref<128xf32, #tpu.memory_space<vmem>>, vector<16xf32>,
      tpu.vector_store %arg19[%swap3A_214], %exp3A_213 {strides = array<i32>} : memref<128xf32, #tpu.memory_space<vmem>>, vector<16xf32>,
      %get3A_216 = arith.constant 48 : index
      %get3A_217 = tpu.vector_load %arg16[%get3A_216] {strides = array<i32>} : memref<128xf32, #tpu.memory_space<vmem>>, vector<16xf32>,
      %get3A_218 = arith.constant 48 : index
      %get3A_219 = tpu.vector_load %arg17[%get3A_218] {strides = array<i32>} : memref<128xf32, #tpu.memory_space<vmem>>, vector<16xf32>,
      %add3A_220 = arith.addf %get3A_217, %get3A_219 : vector<16xf32>
      %mul3A_221 = arith.constant 0.00999999977 : f32
      %mul3A_222 = vector.broadcast %mul3A_221 : f32 to vector<16xf32>
      %mul3A_223 = arith.mulf %mul3A_222, %add3A_220 : vector<16xf32>
      %max3A_224 = arith.maximumf %add3A_220, %mul3A_223 : vector<16xf32>
      %exp3A_225 = math.exp %max3A_224 : vector<16xf32>
      %swap3A_226 = arith.constant 48 : index
      %swap3A_227 = tpu.vector_load %arg19[%swap3A_226] {strides = array<i32>} : memref<128xf32, #tpu.memory_space<vmem>>, vector<16xf32>,
      tpu.vector_store %arg19[%swap3A_226], %exp3A_225 {strides = array<i32>} : memref<128xf32, #tpu.memory_space<vmem>>, vector<16xf32>,
      %get3A_228 = arith.constant 64 : index
      %get3A_229 = tpu.vector_load %arg16[%get3A_228] {strides = array<i32>} : memref<128xf32, #tpu.memory_space<vmem>>, vector<16xf32>,
      %get3A_230 = arith.constant 64 : index
      %get3A_231 = tpu.vector_load %arg17[%get3A_230] {strides = array<i32>} : memref<128xf32, #tpu.memory_space<vmem>>, vector<16xf32>,
      %add3A_232 = arith.addf %get3A_229, %get3A_231 : vector<16xf32>
      %mul3A_233 = arith.constant 0.00999999977 : f32
      %mul3A_234 = vector.broadcast %mul3A_233 : f32 to vector<16xf32>
      %mul3A_235 = arith.mulf %mul3A_234, %add3A_232 : vector<16xf32>
      %max3A_236 = arith.maximumf %add3A_232, %mul3A_235 : vector<16xf32>
      %exp3A_237 = math.exp %max3A_236 : vector<16xf32>
      %swap3A_238 = arith.constant 64 : index
      %swap3A_239 = tpu.vector_load %arg19[%swap3A_238] {strides = array<i32>} : memref<128xf32, #tpu.memory_space<vmem>>, vector<16xf32>,
      tpu.vector_store %arg19[%swap3A_238], %exp3A_237 {strides = array<i32>} : memref<128xf32, #tpu.memory_space<vmem>>, vector<16xf32>,
      %get3A_240 = arith.constant 80 : index
      %get3A_241 = tpu.vector_load %arg16[%get3A_240] {strides = array<i32>} : memref<128xf32, #tpu.memory_space<vmem>>, vector<16xf32>,
      %get3A_242 = arith.constant 80 : index
      %get3A_243 = tpu.vector_load %arg17[%get3A_242] {strides = array<i32>} : memref<128xf32, #tpu.memory_space<vmem>>, vector<16xf32>,
      %add3A_244 = arith.addf %get3A_241, %get3A_243 : vector<16xf32>
      %mul3A_245 = arith.constant 0.00999999977 : f32
      %mul3A_246 = vector.broadcast %mul3A_245 : f32 to vector<16xf32>
      %mul3A_247 = arith.mulf %mul3A_246, %add3A_244 : vector<16xf32>
      %max3A_248 = arith.maximumf %add3A_244, %mul3A_247 : vector<16xf32>
      %exp3A_249 = math.exp %max3A_248 : vector<16xf32>
      %swap3A_250 = arith.constant 80 : index
      %swap3A_251 = tpu.vector_load %arg19[%swap3A_250] {strides = array<i32>} : memref<128xf32, #tpu.memory_space<vmem>>, vector<16xf32>,
      tpu.vector_store %arg19[%swap3A_250], %exp3A_249 {strides = array<i32>} : memref<128xf32, #tpu.memory_space<vmem>>, vector<16xf32>,
      %get3A_252 = arith.constant 96 : index
      %get3A_253 = tpu.vector_load %arg16[%get3A_252] {strides = array<i32>} : memref<128xf32, #tpu.memory_space<vmem>>, vector<16xf32>,
      %get3A_254 = arith.constant 96 : index
      %get3A_255 = tpu.vector_load %arg17[%get3A_254] {strides = array<i32>} : memref<128xf32, #tpu.memory_space<vmem>>, vector<16xf32>,
      %add3A_256 = arith.addf %get3A_253, %get3A_255 : vector<16xf32>
      %mul3A_257 = arith.constant 0.00999999977 : f32
      %mul3A_258 = vector.broadcast %mul3A_257 : f32 to vector<16xf32>
      %mul3A_259 = arith.mulf %mul3A_258, %add3A_256 : vector<16xf32>
      %max3A_260 = arith.maximumf %add3A_256, %mul3A_259 : vector<16xf32>
      %exp3A_261 = math.exp %max3A_260 : vector<16xf32>
      %swap3A_262 = arith.constant 96 : index
      %swap3A_263 = tpu.vector_load %arg19[%swap3A_262] {strides = array<i32>} : memref<128xf32, #tpu.memory_space<vmem>>, vector<16xf32>,
      tpu.vector_store %arg19[%swap3A_262], %exp3A_261 {strides = array<i32>} : memref<128xf32, #tpu.memory_space<vmem>>, vector<16xf32>,
      %get3A_264 = arith.constant 112 : index
      %get3A_265 = tpu.vector_load %arg16[%get3A_264] {strides = array<i32>} : memref<128xf32, #tpu.memory_space<vmem>>, vector<16xf32>,
      %get3A_266 = arith.constant 112 : index
      %get3A_267 = tpu.vector_load %arg17[%get3A_266] {strides = array<i32>} : memref<128xf32, #tpu.memory_space<vmem>>, vector<16xf32>,
      %add3A_268 = arith.addf %get3A_265, %get3A_267 : vector<16xf32>
      %mul3A_269 = arith.constant 0.00999999977 : f32
      %mul3A_270 = vector.broadcast %mul3A_269 : f32 to vector<16xf32>
      %mul3A_271 = arith.mulf %mul3A_270, %add3A_268 : vector<16xf32>
      %max3A_272 = arith.maximumf %add3A_268, %mul3A_271 : vector<16xf32>
      %exp3A_273 = math.exp %max3A_272 : vector<16xf32>
      %swap3A_274 = arith.constant 112 : index
      %swap3A_275 = tpu.vector_load %arg19[%swap3A_274] {strides = array<i32>} : memref<128xf32, #tpu.memory_space<vmem>>, vector<16xf32>,
      tpu.vector_store %arg19[%swap3A_274], %exp3A_273 {strides = array<i32>} : memref<128xf32, #tpu.memory_space<vmem>>, vector<16xf32>,
      "tpu.region"() ({
        %run_scoped3A_276 = tpu.sem_alloc : memref<!tpu.dma_semaphore, #tpu.memory_space<semaphore_mem>>
        %dma_start3A = arith.constant 0 : i32
        %dma_start3A_277 = tpu.memref_slice %arg13[%add3A_182, %dma_start3A] : memref<80x128xi32, #tpu.memory_space<vmem>> -> memref<1x128xi32, #tpu.memory_space<vmem>>
        %dma_start3A_278 = tpu.memref_squeeze %dma_start3A_277 : memref<1x128xi32, #tpu.memory_space<vmem>> -> memref<128xi32, #tpu.memory_space<vmem>>
        %dma_start3A_279 = arith.constant 0 : i32
        %dma_start3A_280 = tpu.memref_slice %arg10[%dma_start3A_279] : memref<10112xf32, #tpu.memory_space<vmem_shared>> -> memref<10112xf32, #tpu.memory_space<vmem_shared>>
        tpu.enqueue_indirect_dma source(%arg19 : memref<128xf32, #tpu.memory_space<vmem>>) target(%dma_start3A_280 : memref<10112xf32, #tpu.memory_space<vmem_shared>>) offsets(%dma_start3A_278 : memref<128xi32, #tpu.memory_space<vmem>>) semaphore(%run_scoped3A_276 : memref<!tpu.dma_semaphore, #tpu.memory_space<semaphore_mem>>) {add = true}
        %dma_wait3A = arith.constant 0 : i32
        %dma_wait3A_281 = tpu.memref_slice %arg13[%add3A_182, %dma_wait3A] : memref<80x128xi32, #tpu.memory_space<vmem>> -> memref<1x128xi32, #tpu.memory_space<vmem>>
        %dma_wait3A_282 = tpu.memref_squeeze %dma_wait3A_281 : memref<1x128xi32, #tpu.memory_space<vmem>> -> memref<128xi32, #tpu.memory_space<vmem>>
        %dma_wait3A_283 = arith.constant 0 : i32
        %dma_wait3A_284 = tpu.memref_slice %arg10[%dma_wait3A_283] : memref<10112xf32, #tpu.memory_space<vmem_shared>> -> memref<10112xf32, #tpu.memory_space<vmem_shared>>
        tpu.wait_indirect_dma semaphore(%run_scoped3A_276 : memref<!tpu.dma_semaphore, #tpu.memory_space<semaphore_mem>>) src(%arg19 : memref<128xf32, #tpu.memory_space<vmem>>) dst(%dma_wait3A_284 : memref<10112xf32, #tpu.memory_space<vmem_shared>>)
        tpu.yield
      }) : () -> ()
    }
    %scan3A_99 = arith.constant 16 : i32
    %add3A_100 = arith.constant 64 : i32
    %add3A_101 = arith.addi %mul3A_3, %add3A_100 : i32
    "tpu.region"() ({
      %run_scoped3A_180 = tpu.sem_alloc : memref<!tpu.dma_semaphore, #tpu.memory_space<semaphore_mem>>
      %dma_start3A = arith.constant 0 : i32
      %dma_start3A_181 = arith.constant 0 : i32
      %dma_start3A_182 = tpu.memref_slice %arg14[%dma_start3A, %dma_start3A_181] : memref<32x128xi32, #tpu.memory_space<vmem>> -> memref<16x128xi32, #tpu.memory_space<vmem>>
      %dma_start3A_183 = arith.constant 0 : i32
      %dma_start3A_184 = tpu.memref_slice %arg4[%add3A_101, %dma_start3A_183] : memref<1280x128xi32, #tpu.memory_space<hbm>> -> memref<16x128xi32, #tpu.memory_space<hbm>>
      %dma_start3A_185 = arith.constant 0 : i32
      %dma_start3A_186 = arith.constant 0 : i32
      %dma_start3A_187 = tpu.memref_slice %arg14[%dma_start3A_185, %dma_start3A_186] : memref<32x128xi32, #tpu.memory_space<vmem>> -> memref<16x128xi32, #tpu.memory_space<vmem>>
      %dma_start3A_188 = arith.constant 0 : i32
      %dma_start3A_189 = tpu.memref_slice %arg4[%add3A_101, %dma_start3A_188] : memref<1280x128xi32, #tpu.memory_space<hbm>> -> memref<16x128xi32, #tpu.memory_space<hbm>>
      tpu.enqueue_dma source(%dma_start3A_189 : memref<16x128xi32, #tpu.memory_space<hbm>>) target(%dma_start3A_187 : memref<16x128xi32, #tpu.memory_space<vmem>>) target_semaphore(%run_scoped3A_180 : memref<!tpu.dma_semaphore, #tpu.memory_space<semaphore_mem>>)
      %dma_wait3A = arith.constant 0 : i32
      %dma_wait3A_190 = arith.constant 0 : i32
      %dma_wait3A_191 = tpu.memref_slice %arg14[%dma_wait3A, %dma_wait3A_190] : memref<32x128xi32, #tpu.memory_space<vmem>> -> memref<16x128xi32, #tpu.memory_space<vmem>>
      %dma_wait3A_192 = arith.constant 0 : i32
      %dma_wait3A_193 = tpu.memref_slice %arg4[%add3A_101, %dma_wait3A_192] : memref<1280x128xi32, #tpu.memory_space<hbm>> -> memref<16x128xi32, #tpu.memory_space<hbm>>
      %dma_wait3A_194 = arith.constant 0 : i32
      %dma_wait3A_195 = arith.constant 0 : i32
      %dma_wait3A_196 = tpu.memref_slice %arg14[%dma_wait3A_194, %dma_wait3A_195] : memref<32x128xi32, #tpu.memory_space<vmem>> -> memref<16x128xi32, #tpu.memory_space<vmem>>
      %dma_wait3A_197 = arith.constant 0 : i32
      %dma_wait3A_198 = tpu.memref_slice %arg4[%add3A_101, %dma_wait3A_197] : memref<1280x128xi32, #tpu.memory_space<hbm>> -> memref<16x128xi32, #tpu.memory_space<hbm>>
      tpu.wait_dma2 semaphore(%run_scoped3A_180 : memref<!tpu.dma_semaphore, #tpu.memory_space<semaphore_mem>>) src(%dma_wait3A_198 : memref<16x128xi32, #tpu.memory_space<hbm>>) dst(%dma_wait3A_196 : memref<16x128xi32, #tpu.memory_space<vmem>>)
      tpu.yield
    }) : () -> ()
    %scan3A_102 = arith.constant 0 : i32
    %scan3A_103 = arith.constant 16 : i32
    %scan3A_104 = arith.addi %scan3A_102, %scan3A_103 : i32
    %scan3A_105 = arith.constant 1 : i32
    scf.for %scan3A_180 = %scan3A_102 to %scan3A_104 step %scan3A_105  : i32 {
      %add3A_181 = arith.constant 64 : i32
      %add3A_182 = arith.addi %add3A_181, %scan3A_180 : i32
      "tpu.region"() ({
        %run_scoped3A_276 = tpu.sem_alloc : memref<!tpu.dma_semaphore, #tpu.memory_space<semaphore_mem>>
        %dma_start3A = arith.constant 0 : i32
        %dma_start3A_277 = tpu.memref_slice %arg14[%scan3A_180, %dma_start3A] : memref<32x128xi32, #tpu.memory_space<vmem>> -> memref<1x128xi32, #tpu.memory_space<vmem>>
        %dma_start3A_278 = tpu.memref_squeeze %dma_start3A_277 : memref<1x128xi32, #tpu.memory_space<vmem>> -> memref<128xi32, #tpu.memory_space<vmem>>
        %dma_start3A_279 = arith.constant 0 : i32
        %dma_start3A_280 = tpu.memref_slice %arg11[%dma_start3A_279] : memref<10000xf32, #tpu.memory_space<vmem_shared>> -> memref<10000xf32, #tpu.memory_space<vmem_shared>>
        tpu.enqueue_indirect_dma source(%dma_start3A_280 : memref<10000xf32, #tpu.memory_space<vmem_shared>>) target(%arg16 : memref<128xf32, #tpu.memory_space<vmem>>) offsets(%dma_start3A_278 : memref<128xi32, #tpu.memory_space<vmem>>) semaphore(%run_scoped3A_276 : memref<!tpu.dma_semaphore, #tpu.memory_space<semaphore_mem>>)
        %dma_wait3A = arith.constant 0 : i32
        %dma_wait3A_281 = tpu.memref_slice %arg14[%scan3A_180, %dma_wait3A] : memref<32x128xi32, #tpu.memory_space<vmem>> -> memref<1x128xi32, #tpu.memory_space<vmem>>
        %dma_wait3A_282 = tpu.memref_squeeze %dma_wait3A_281 : memref<1x128xi32, #tpu.memory_space<vmem>> -> memref<128xi32, #tpu.memory_space<vmem>>
        %dma_wait3A_283 = arith.constant 0 : i32
        %dma_wait3A_284 = tpu.memref_slice %arg11[%dma_wait3A_283] : memref<10000xf32, #tpu.memory_space<vmem_shared>> -> memref<10000xf32, #tpu.memory_space<vmem_shared>>
        tpu.wait_indirect_dma semaphore(%run_scoped3A_276 : memref<!tpu.dma_semaphore, #tpu.memory_space<semaphore_mem>>) src(%dma_wait3A_284 : memref<10000xf32, #tpu.memory_space<vmem_shared>>) dst(%arg16 : memref<128xf32, #tpu.memory_space<vmem>>)
        tpu.yield
      }) : () -> ()
      "tpu.region"() ({
        %run_scoped3A_276 = tpu.sem_alloc : memref<!tpu.dma_semaphore, #tpu.memory_space<semaphore_mem>>
        %dma_start3A = arith.constant 0 : i32
        %dma_start3A_277 = tpu.memref_slice %arg13[%add3A_182, %dma_start3A] : memref<80x128xi32, #tpu.memory_space<vmem>> -> memref<1x128xi32, #tpu.memory_space<vmem>>
        %dma_start3A_278 = tpu.memref_squeeze %dma_start3A_277 : memref<1x128xi32, #tpu.memory_space<vmem>> -> memref<128xi32, #tpu.memory_space<vmem>>
        %dma_start3A_279 = arith.constant 0 : i32
        %dma_start3A_280 = tpu.memref_slice %arg12[%dma_start3A_279] : memref<10016xf32, #tpu.memory_space<vmem_shared>> -> memref<10016xf32, #tpu.memory_space<vmem_shared>>
        tpu.enqueue_indirect_dma source(%dma_start3A_280 : memref<10016xf32, #tpu.memory_space<vmem_shared>>) target(%arg17 : memref<128xf32, #tpu.memory_space<vmem>>) offsets(%dma_start3A_278 : memref<128xi32, #tpu.memory_space<vmem>>) semaphore(%run_scoped3A_276 : memref<!tpu.dma_semaphore, #tpu.memory_space<semaphore_mem>>)
        %dma_wait3A = arith.constant 0 : i32
        %dma_wait3A_281 = tpu.memref_slice %arg13[%add3A_182, %dma_wait3A] : memref<80x128xi32, #tpu.memory_space<vmem>> -> memref<1x128xi32, #tpu.memory_space<vmem>>
        %dma_wait3A_282 = tpu.memref_squeeze %dma_wait3A_281 : memref<1x128xi32, #tpu.memory_space<vmem>> -> memref<128xi32, #tpu.memory_space<vmem>>
        %dma_wait3A_283 = arith.constant 0 : i32
        %dma_wait3A_284 = tpu.memref_slice %arg12[%dma_wait3A_283] : memref<10016xf32, #tpu.memory_space<vmem_shared>> -> memref<10016xf32, #tpu.memory_space<vmem_shared>>
        tpu.wait_indirect_dma semaphore(%run_scoped3A_276 : memref<!tpu.dma_semaphore, #tpu.memory_space<semaphore_mem>>) src(%dma_wait3A_284 : memref<10016xf32, #tpu.memory_space<vmem_shared>>) dst(%arg17 : memref<128xf32, #tpu.memory_space<vmem>>)
        tpu.yield
      }) : () -> ()
      %get3A = arith.constant 0 : index
      %get3A_183 = tpu.vector_load %arg16[%get3A] {strides = array<i32>} : memref<128xf32, #tpu.memory_space<vmem>>, vector<16xf32>,
      %get3A_184 = arith.constant 0 : index
      %get3A_185 = tpu.vector_load %arg17[%get3A_184] {strides = array<i32>} : memref<128xf32, #tpu.memory_space<vmem>>, vector<16xf32>,
      %add3A_186 = arith.addf %get3A_183, %get3A_185 : vector<16xf32>
      %mul3A_187 = arith.constant 0.00999999977 : f32
      %mul3A_188 = vector.broadcast %mul3A_187 : f32 to vector<16xf32>
      %mul3A_189 = arith.mulf %mul3A_188, %add3A_186 : vector<16xf32>
      %max3A = arith.maximumf %add3A_186, %mul3A_189 : vector<16xf32>
      %exp3A = math.exp %max3A : vector<16xf32>
      %swap3A_190 = arith.constant 0 : index
      %swap3A_191 = tpu.vector_load %arg19[%swap3A_190] {strides = array<i32>} : memref<128xf32, #tpu.memory_space<vmem>>, vector<16xf32>,
      tpu.vector_store %arg19[%swap3A_190], %exp3A {strides = array<i32>} : memref<128xf32, #tpu.memory_space<vmem>>, vector<16xf32>,
      %get3A_192 = arith.constant 16 : index
      %get3A_193 = tpu.vector_load %arg16[%get3A_192] {strides = array<i32>} : memref<128xf32, #tpu.memory_space<vmem>>, vector<16xf32>,
      %get3A_194 = arith.constant 16 : index
      %get3A_195 = tpu.vector_load %arg17[%get3A_194] {strides = array<i32>} : memref<128xf32, #tpu.memory_space<vmem>>, vector<16xf32>,
      %add3A_196 = arith.addf %get3A_193, %get3A_195 : vector<16xf32>
      %mul3A_197 = arith.constant 0.00999999977 : f32
      %mul3A_198 = vector.broadcast %mul3A_197 : f32 to vector<16xf32>
      %mul3A_199 = arith.mulf %mul3A_198, %add3A_196 : vector<16xf32>
      %max3A_200 = arith.maximumf %add3A_196, %mul3A_199 : vector<16xf32>
      %exp3A_201 = math.exp %max3A_200 : vector<16xf32>
      %swap3A_202 = arith.constant 16 : index
      %swap3A_203 = tpu.vector_load %arg19[%swap3A_202] {strides = array<i32>} : memref<128xf32, #tpu.memory_space<vmem>>, vector<16xf32>,
      tpu.vector_store %arg19[%swap3A_202], %exp3A_201 {strides = array<i32>} : memref<128xf32, #tpu.memory_space<vmem>>, vector<16xf32>,
      %get3A_204 = arith.constant 32 : index
      %get3A_205 = tpu.vector_load %arg16[%get3A_204] {strides = array<i32>} : memref<128xf32, #tpu.memory_space<vmem>>, vector<16xf32>,
      %get3A_206 = arith.constant 32 : index
      %get3A_207 = tpu.vector_load %arg17[%get3A_206] {strides = array<i32>} : memref<128xf32, #tpu.memory_space<vmem>>, vector<16xf32>,
      %add3A_208 = arith.addf %get3A_205, %get3A_207 : vector<16xf32>
      %mul3A_209 = arith.constant 0.00999999977 : f32
      %mul3A_210 = vector.broadcast %mul3A_209 : f32 to vector<16xf32>
      %mul3A_211 = arith.mulf %mul3A_210, %add3A_208 : vector<16xf32>
      %max3A_212 = arith.maximumf %add3A_208, %mul3A_211 : vector<16xf32>
      %exp3A_213 = math.exp %max3A_212 : vector<16xf32>
      %swap3A_214 = arith.constant 32 : index
      %swap3A_215 = tpu.vector_load %arg19[%swap3A_214] {strides = array<i32>} : memref<128xf32, #tpu.memory_space<vmem>>, vector<16xf32>,
      tpu.vector_store %arg19[%swap3A_214], %exp3A_213 {strides = array<i32>} : memref<128xf32, #tpu.memory_space<vmem>>, vector<16xf32>,
      %get3A_216 = arith.constant 48 : index
      %get3A_217 = tpu.vector_load %arg16[%get3A_216] {strides = array<i32>} : memref<128xf32, #tpu.memory_space<vmem>>, vector<16xf32>,
      %get3A_218 = arith.constant 48 : index
      %get3A_219 = tpu.vector_load %arg17[%get3A_218] {strides = array<i32>} : memref<128xf32, #tpu.memory_space<vmem>>, vector<16xf32>,
      %add3A_220 = arith.addf %get3A_217, %get3A_219 : vector<16xf32>
      %mul3A_221 = arith.constant 0.00999999977 : f32
      %mul3A_222 = vector.broadcast %mul3A_221 : f32 to vector<16xf32>
      %mul3A_223 = arith.mulf %mul3A_222, %add3A_220 : vector<16xf32>
      %max3A_224 = arith.maximumf %add3A_220, %mul3A_223 : vector<16xf32>
      %exp3A_225 = math.exp %max3A_224 : vector<16xf32>
      %swap3A_226 = arith.constant 48 : index
      %swap3A_227 = tpu.vector_load %arg19[%swap3A_226] {strides = array<i32>} : memref<128xf32, #tpu.memory_space<vmem>>, vector<16xf32>,
      tpu.vector_store %arg19[%swap3A_226], %exp3A_225 {strides = array<i32>} : memref<128xf32, #tpu.memory_space<vmem>>, vector<16xf32>,
      %get3A_228 = arith.constant 64 : index
      %get3A_229 = tpu.vector_load %arg16[%get3A_228] {strides = array<i32>} : memref<128xf32, #tpu.memory_space<vmem>>, vector<16xf32>,
      %get3A_230 = arith.constant 64 : index
      %get3A_231 = tpu.vector_load %arg17[%get3A_230] {strides = array<i32>} : memref<128xf32, #tpu.memory_space<vmem>>, vector<16xf32>,
      %add3A_232 = arith.addf %get3A_229, %get3A_231 : vector<16xf32>
      %mul3A_233 = arith.constant 0.00999999977 : f32
      %mul3A_234 = vector.broadcast %mul3A_233 : f32 to vector<16xf32>
      %mul3A_235 = arith.mulf %mul3A_234, %add3A_232 : vector<16xf32>
      %max3A_236 = arith.maximumf %add3A_232, %mul3A_235 : vector<16xf32>
      %exp3A_237 = math.exp %max3A_236 : vector<16xf32>
      %swap3A_238 = arith.constant 64 : index
      %swap3A_239 = tpu.vector_load %arg19[%swap3A_238] {strides = array<i32>} : memref<128xf32, #tpu.memory_space<vmem>>, vector<16xf32>,
      tpu.vector_store %arg19[%swap3A_238], %exp3A_237 {strides = array<i32>} : memref<128xf32, #tpu.memory_space<vmem>>, vector<16xf32>,
      %get3A_240 = arith.constant 80 : index
      %get3A_241 = tpu.vector_load %arg16[%get3A_240] {strides = array<i32>} : memref<128xf32, #tpu.memory_space<vmem>>, vector<16xf32>,
      %get3A_242 = arith.constant 80 : index
      %get3A_243 = tpu.vector_load %arg17[%get3A_242] {strides = array<i32>} : memref<128xf32, #tpu.memory_space<vmem>>, vector<16xf32>,
      %add3A_244 = arith.addf %get3A_241, %get3A_243 : vector<16xf32>
      %mul3A_245 = arith.constant 0.00999999977 : f32
      %mul3A_246 = vector.broadcast %mul3A_245 : f32 to vector<16xf32>
      %mul3A_247 = arith.mulf %mul3A_246, %add3A_244 : vector<16xf32>
      %max3A_248 = arith.maximumf %add3A_244, %mul3A_247 : vector<16xf32>
      %exp3A_249 = math.exp %max3A_248 : vector<16xf32>
      %swap3A_250 = arith.constant 80 : index
      %swap3A_251 = tpu.vector_load %arg19[%swap3A_250] {strides = array<i32>} : memref<128xf32, #tpu.memory_space<vmem>>, vector<16xf32>,
      tpu.vector_store %arg19[%swap3A_250], %exp3A_249 {strides = array<i32>} : memref<128xf32, #tpu.memory_space<vmem>>, vector<16xf32>,
      %get3A_252 = arith.constant 96 : index
      %get3A_253 = tpu.vector_load %arg16[%get3A_252] {strides = array<i32>} : memref<128xf32, #tpu.memory_space<vmem>>, vector<16xf32>,
      %get3A_254 = arith.constant 96 : index
      %get3A_255 = tpu.vector_load %arg17[%get3A_254] {strides = array<i32>} : memref<128xf32, #tpu.memory_space<vmem>>, vector<16xf32>,
      %add3A_256 = arith.addf %get3A_253, %get3A_255 : vector<16xf32>
      %mul3A_257 = arith.constant 0.00999999977 : f32
      %mul3A_258 = vector.broadcast %mul3A_257 : f32 to vector<16xf32>
      %mul3A_259 = arith.mulf %mul3A_258, %add3A_256 : vector<16xf32>
      %max3A_260 = arith.maximumf %add3A_256, %mul3A_259 : vector<16xf32>
      %exp3A_261 = math.exp %max3A_260 : vector<16xf32>
      %swap3A_262 = arith.constant 96 : index
      %swap3A_263 = tpu.vector_load %arg19[%swap3A_262] {strides = array<i32>} : memref<128xf32, #tpu.memory_space<vmem>>, vector<16xf32>,
      tpu.vector_store %arg19[%swap3A_262], %exp3A_261 {strides = array<i32>} : memref<128xf32, #tpu.memory_space<vmem>>, vector<16xf32>,
      %get3A_264 = arith.constant 112 : index
      %get3A_265 = tpu.vector_load %arg16[%get3A_264] {strides = array<i32>} : memref<128xf32, #tpu.memory_space<vmem>>, vector<16xf32>,
      %get3A_266 = arith.constant 112 : index
      %get3A_267 = tpu.vector_load %arg17[%get3A_266] {strides = array<i32>} : memref<128xf32, #tpu.memory_space<vmem>>, vector<16xf32>,
      %add3A_268 = arith.addf %get3A_265, %get3A_267 : vector<16xf32>
      %mul3A_269 = arith.constant 0.00999999977 : f32
      %mul3A_270 = vector.broadcast %mul3A_269 : f32 to vector<16xf32>
      %mul3A_271 = arith.mulf %mul3A_270, %add3A_268 : vector<16xf32>
      %max3A_272 = arith.maximumf %add3A_268, %mul3A_271 : vector<16xf32>
      %exp3A_273 = math.exp %max3A_272 : vector<16xf32>
      %swap3A_274 = arith.constant 112 : index
      %swap3A_275 = tpu.vector_load %arg19[%swap3A_274] {strides = array<i32>} : memref<128xf32, #tpu.memory_space<vmem>>, vector<16xf32>,
      tpu.vector_store %arg19[%swap3A_274], %exp3A_273 {strides = array<i32>} : memref<128xf32, #tpu.memory_space<vmem>>, vector<16xf32>,
      "tpu.region"() ({
        %run_scoped3A_276 = tpu.sem_alloc : memref<!tpu.dma_semaphore, #tpu.memory_space<semaphore_mem>>
        %dma_start3A = arith.constant 0 : i32
        %dma_start3A_277 = tpu.memref_slice %arg13[%add3A_182, %dma_start3A] : memref<80x128xi32, #tpu.memory_space<vmem>> -> memref<1x128xi32, #tpu.memory_space<vmem>>
        %dma_start3A_278 = tpu.memref_squeeze %dma_start3A_277 : memref<1x128xi32, #tpu.memory_space<vmem>> -> memref<128xi32, #tpu.memory_space<vmem>>
        %dma_start3A_279 = arith.constant 0 : i32
        %dma_start3A_280 = tpu.memref_slice %arg10[%dma_start3A_279] : memref<10112xf32, #tpu.memory_space<vmem_shared>> -> memref<10112xf32, #tpu.memory_space<vmem_shared>>
        tpu.enqueue_indirect_dma source(%arg19 : memref<128xf32, #tpu.memory_space<vmem>>) target(%dma_start3A_280 : memref<10112xf32, #tpu.memory_space<vmem_shared>>) offsets(%dma_start3A_278 : memref<128xi32, #tpu.memory_space<vmem>>) semaphore(%run_scoped3A_276 : memref<!tpu.dma_semaphore, #tpu.memory_space<semaphore_mem>>) {add = true}
        %dma_wait3A = arith.constant 0 : i32
        %dma_wait3A_281 = tpu.memref_slice %arg13[%add3A_182, %dma_wait3A] : memref<80x128xi32, #tpu.memory_space<vmem>> -> memref<1x128xi32, #tpu.memory_space<vmem>>
        %dma_wait3A_282 = tpu.memref_squeeze %dma_wait3A_281 : memref<1x128xi32, #tpu.memory_space<vmem>> -> memref<128xi32, #tpu.memory_space<vmem>>
        %dma_wait3A_283 = arith.constant 0 : i32
        %dma_wait3A_284 = tpu.memref_slice %arg10[%dma_wait3A_283] : memref<10112xf32, #tpu.memory_space<vmem_shared>> -> memref<10112xf32, #tpu.memory_space<vmem_shared>>
        tpu.wait_indirect_dma semaphore(%run_scoped3A_276 : memref<!tpu.dma_semaphore, #tpu.memory_space<semaphore_mem>>) src(%arg19 : memref<128xf32, #tpu.memory_space<vmem>>) dst(%dma_wait3A_284 : memref<10112xf32, #tpu.memory_space<vmem_shared>>)
        tpu.yield
      }) : () -> ()
    }
    %scan3A_106 = arith.constant 16 : i32
    %barrier3A_107 = arith.constant 0 : index
    tpu.barrier barrier_id(%barrier3A_107)
    %scan3A_108 = arith.constant 0 : i32
    %scan3A_109 = arith.constant 81 : i32
    %scan3A_110 = arith.addi %scan3A_108, %scan3A_109 : i32
    %scan3A_111 = arith.constant 1 : i32
    scf.for %scan3A_180 = %scan3A_108 to %scan3A_110 step %scan3A_111  : i32 {
      %rem3A = arith.constant 2 : i32
      %rem3A_181 = arith.remsi %scan3A_180, %rem3A : i32
      %add3A_182 = arith.constant 1 : i32
      %add3A_183 = arith.addi %scan3A_180, %add3A_182 : i32
      %rem3A_184 = arith.constant 2 : i32
      %rem3A_185 = arith.remsi %add3A_183, %rem3A_184 : i32
      %lt3A_186 = arith.constant 80 : i32
      %lt3A_187 = arith.cmpi slt, %scan3A_180, %lt3A_186 : i32
      %convert_element_type3A_188 = arith.extui %lt3A_187 : i1 to i32
      %cond3A_189 = arith.constant 0 : i32
      %cond3A_190 = arith.cmpi ne, %convert_element_type3A_188, %cond3A_189 : i32
      scf.if %cond3A_190 {
        %rem3A_195 = arith.constant 16 : i32
        %rem3A_196 = arith.remsi %scan3A_180, %rem3A_195 : i32
        %div3A = arith.constant 16 : i32
        %div3A_197 = arith.divsi %scan3A_180, %div3A : i32
        %rem3A_198 = arith.constant 2 : i32
        %rem3A_199 = arith.remsi %div3A_197, %rem3A_198 : i32
        %mul3A_200 = arith.constant 16 : i32
        %mul3A_201 = arith.muli %rem3A_199, %mul3A_200 : i32
        %multiple_of3A = tpu.assume_multiple %mul3A_201, 16 : i32
        %add3A_202 = arith.addi %multiple_of3A, %rem3A_196 : i32
        %eq3A_203 = arith.constant 0 : i32
        %eq3A_204 = arith.cmpi eq, %rem3A_196, %eq3A_203 : i32
        %convert_element_type3A_205 = arith.extui %eq3A_204 : i1 to i32
        %cond3A_206 = arith.constant 0 : i32
        %cond3A_207 = arith.cmpi ne, %convert_element_type3A_205, %cond3A_206 : i32
        scf.if %cond3A_207 {
          %add3A_408 = arith.addi %mul3A_3, %scan3A_180 : i32
          %multiple_of3A_409 = tpu.assume_multiple %add3A_408, 16 : i32
          "tpu.region"() ({
            %run_scoped3A_410 = tpu.sem_alloc : memref<!tpu.dma_semaphore, #tpu.memory_space<semaphore_mem>>
            %dma_start3A_411 = arith.constant 0 : i32
            %dma_start3A_412 = tpu.memref_slice %arg14[%multiple_of3A, %dma_start3A_411] : memref<32x128xi32, #tpu.memory_space<vmem>> -> memref<16x128xi32, #tpu.memory_space<vmem>>
            %dma_start3A_413 = arith.constant 0 : i32
            %dma_start3A_414 = tpu.memref_slice %arg4[%multiple_of3A_409, %dma_start3A_413] : memref<1280x128xi32, #tpu.memory_space<hbm>> -> memref<16x128xi32, #tpu.memory_space<hbm>>
            %dma_start3A_415 = arith.constant 0 : i32
            %dma_start3A_416 = tpu.memref_slice %arg14[%multiple_of3A, %dma_start3A_415] : memref<32x128xi32, #tpu.memory_space<vmem>> -> memref<16x128xi32, #tpu.memory_space<vmem>>
            %dma_start3A_417 = arith.constant 0 : i32
            %dma_start3A_418 = tpu.memref_slice %arg4[%multiple_of3A_409, %dma_start3A_417] : memref<1280x128xi32, #tpu.memory_space<hbm>> -> memref<16x128xi32, #tpu.memory_space<hbm>>
            tpu.enqueue_dma source(%dma_start3A_418 : memref<16x128xi32, #tpu.memory_space<hbm>>) target(%dma_start3A_416 : memref<16x128xi32, #tpu.memory_space<vmem>>) target_semaphore(%run_scoped3A_410 : memref<!tpu.dma_semaphore, #tpu.memory_space<semaphore_mem>>)
            %dma_wait3A = arith.constant 0 : i32
            %dma_wait3A_419 = tpu.memref_slice %arg14[%multiple_of3A, %dma_wait3A] : memref<32x128xi32, #tpu.memory_space<vmem>> -> memref<16x128xi32, #tpu.memory_space<vmem>>
            %dma_wait3A_420 = arith.constant 0 : i32
            %dma_wait3A_421 = tpu.memref_slice %arg4[%multiple_of3A_409, %dma_wait3A_420] : memref<1280x128xi32, #tpu.memory_space<hbm>> -> memref<16x128xi32, #tpu.memory_space<hbm>>
            %dma_wait3A_422 = arith.constant 0 : i32
            %dma_wait3A_423 = tpu.memref_slice %arg14[%multiple_of3A, %dma_wait3A_422] : memref<32x128xi32, #tpu.memory_space<vmem>> -> memref<16x128xi32, #tpu.memory_space<vmem>>
            %dma_wait3A_424 = arith.constant 0 : i32
            %dma_wait3A_425 = tpu.memref_slice %arg4[%multiple_of3A_409, %dma_wait3A_424] : memref<1280x128xi32, #tpu.memory_space<hbm>> -> memref<16x128xi32, #tpu.memory_space<hbm>>
            tpu.wait_dma2 semaphore(%run_scoped3A_410 : memref<!tpu.dma_semaphore, #tpu.memory_space<semaphore_mem>>) src(%dma_wait3A_425 : memref<16x128xi32, #tpu.memory_space<hbm>>) dst(%dma_wait3A_423 : memref<16x128xi32, #tpu.memory_space<vmem>>)
            tpu.yield
          }) : () -> ()
        } else {
        }
        "tpu.region"() ({
          %run_scoped3A_408 = tpu.sem_alloc : memref<!tpu.dma_semaphore, #tpu.memory_space<semaphore_mem>>
          %dma_start3A_409 = arith.constant 0 : i32
          %dma_start3A_410 = tpu.memref_slice %arg14[%add3A_202, %dma_start3A_409] : memref<32x128xi32, #tpu.memory_space<vmem>> -> memref<1x128xi32, #tpu.memory_space<vmem>>
          %dma_start3A_411 = tpu.memref_squeeze %dma_start3A_410 : memref<1x128xi32, #tpu.memory_space<vmem>> -> memref<128xi32, #tpu.memory_space<vmem>>
          %dma_start3A_412 = arith.constant 0 : i32
          %dma_start3A_413 = tpu.memref_slice %arg11[%dma_start3A_412] : memref<10000xf32, #tpu.memory_space<vmem_shared>> -> memref<10000xf32, #tpu.memory_space<vmem_shared>>
          tpu.enqueue_indirect_dma source(%dma_start3A_413 : memref<10000xf32, #tpu.memory_space<vmem_shared>>) target(%arg16 : memref<128xf32, #tpu.memory_space<vmem>>) offsets(%dma_start3A_411 : memref<128xi32, #tpu.memory_space<vmem>>) semaphore(%run_scoped3A_408 : memref<!tpu.dma_semaphore, #tpu.memory_space<semaphore_mem>>)
          %dma_wait3A = arith.constant 0 : i32
          %dma_wait3A_414 = tpu.memref_slice %arg14[%add3A_202, %dma_wait3A] : memref<32x128xi32, #tpu.memory_space<vmem>> -> memref<1x128xi32, #tpu.memory_space<vmem>>
          %dma_wait3A_415 = tpu.memref_squeeze %dma_wait3A_414 : memref<1x128xi32, #tpu.memory_space<vmem>> -> memref<128xi32, #tpu.memory_space<vmem>>
          %dma_wait3A_416 = arith.constant 0 : i32
          %dma_wait3A_417 = tpu.memref_slice %arg11[%dma_wait3A_416] : memref<10000xf32, #tpu.memory_space<vmem_shared>> -> memref<10000xf32, #tpu.memory_space<vmem_shared>>
          tpu.wait_indirect_dma semaphore(%run_scoped3A_408 : memref<!tpu.dma_semaphore, #tpu.memory_space<semaphore_mem>>) src(%dma_wait3A_417 : memref<10000xf32, #tpu.memory_space<vmem_shared>>) dst(%arg16 : memref<128xf32, #tpu.memory_space<vmem>>)
          tpu.yield
        }) : () -> ()
        "tpu.region"() ({
          %run_scoped3A_408 = tpu.sem_alloc : memref<!tpu.dma_semaphore, #tpu.memory_space<semaphore_mem>>
          %dma_start3A_409 = arith.constant 0 : i32
          %dma_start3A_410 = tpu.memref_slice %arg13[%scan3A_180, %dma_start3A_409] : memref<80x128xi32, #tpu.memory_space<vmem>> -> memref<1x128xi32, #tpu.memory_space<vmem>>
          %dma_start3A_411 = tpu.memref_squeeze %dma_start3A_410 : memref<1x128xi32, #tpu.memory_space<vmem>> -> memref<128xi32, #tpu.memory_space<vmem>>
          %dma_start3A_412 = arith.constant 0 : i32
          %dma_start3A_413 = tpu.memref_slice %arg12[%dma_start3A_412] : memref<10016xf32, #tpu.memory_space<vmem_shared>> -> memref<10016xf32, #tpu.memory_space<vmem_shared>>
          tpu.enqueue_indirect_dma source(%dma_start3A_413 : memref<10016xf32, #tpu.memory_space<vmem_shared>>) target(%arg17 : memref<128xf32, #tpu.memory_space<vmem>>) offsets(%dma_start3A_411 : memref<128xi32, #tpu.memory_space<vmem>>) semaphore(%run_scoped3A_408 : memref<!tpu.dma_semaphore, #tpu.memory_space<semaphore_mem>>)
          %dma_wait3A = arith.constant 0 : i32
          %dma_wait3A_414 = tpu.memref_slice %arg13[%scan3A_180, %dma_wait3A] : memref<80x128xi32, #tpu.memory_space<vmem>> -> memref<1x128xi32, #tpu.memory_space<vmem>>
          %dma_wait3A_415 = tpu.memref_squeeze %dma_wait3A_414 : memref<1x128xi32, #tpu.memory_space<vmem>> -> memref<128xi32, #tpu.memory_space<vmem>>
          %dma_wait3A_416 = arith.constant 0 : i32
          %dma_wait3A_417 = tpu.memref_slice %arg12[%dma_wait3A_416] : memref<10016xf32, #tpu.memory_space<vmem_shared>> -> memref<10016xf32, #tpu.memory_space<vmem_shared>>
          tpu.wait_indirect_dma semaphore(%run_scoped3A_408 : memref<!tpu.dma_semaphore, #tpu.memory_space<semaphore_mem>>) src(%dma_wait3A_417 : memref<10016xf32, #tpu.memory_space<vmem_shared>>) dst(%arg17 : memref<128xf32, #tpu.memory_space<vmem>>)
          tpu.yield
        }) : () -> ()
        "tpu.region"() ({
          %run_scoped3A_408 = tpu.sem_alloc : memref<!tpu.dma_semaphore, #tpu.memory_space<semaphore_mem>>
          %dma_start3A_409 = arith.constant 0 : i32
          %dma_start3A_410 = tpu.memref_slice %arg13[%scan3A_180, %dma_start3A_409] : memref<80x128xi32, #tpu.memory_space<vmem>> -> memref<1x128xi32, #tpu.memory_space<vmem>>
          %dma_start3A_411 = tpu.memref_squeeze %dma_start3A_410 : memref<1x128xi32, #tpu.memory_space<vmem>> -> memref<128xi32, #tpu.memory_space<vmem>>
          %dma_start3A_412 = arith.constant 0 : i32
          %dma_start3A_413 = tpu.memref_slice %arg10[%dma_start3A_412] : memref<10112xf32, #tpu.memory_space<vmem_shared>> -> memref<10112xf32, #tpu.memory_space<vmem_shared>>
          tpu.enqueue_indirect_dma source(%dma_start3A_413 : memref<10112xf32, #tpu.memory_space<vmem_shared>>) target(%arg18 : memref<128xf32, #tpu.memory_space<vmem>>) offsets(%dma_start3A_411 : memref<128xi32, #tpu.memory_space<vmem>>) semaphore(%run_scoped3A_408 : memref<!tpu.dma_semaphore, #tpu.memory_space<semaphore_mem>>)
          %dma_wait3A = arith.constant 0 : i32
          %dma_wait3A_414 = tpu.memref_slice %arg13[%scan3A_180, %dma_wait3A] : memref<80x128xi32, #tpu.memory_space<vmem>> -> memref<1x128xi32, #tpu.memory_space<vmem>>
          %dma_wait3A_415 = tpu.memref_squeeze %dma_wait3A_414 : memref<1x128xi32, #tpu.memory_space<vmem>> -> memref<128xi32, #tpu.memory_space<vmem>>
          %dma_wait3A_416 = arith.constant 0 : i32
          %dma_wait3A_417 = tpu.memref_slice %arg10[%dma_wait3A_416] : memref<10112xf32, #tpu.memory_space<vmem_shared>> -> memref<10112xf32, #tpu.memory_space<vmem_shared>>
          tpu.wait_indirect_dma semaphore(%run_scoped3A_408 : memref<!tpu.dma_semaphore, #tpu.memory_space<semaphore_mem>>) src(%dma_wait3A_417 : memref<10112xf32, #tpu.memory_space<vmem_shared>>) dst(%arg18 : memref<128xf32, #tpu.memory_space<vmem>>)
          tpu.yield
        }) : () -> ()
        %get3A = arith.index_cast %add3A_202 : i32 to index
        %get3A_208 = arith.constant 0 : index
        %get3A_209 = tpu.vector_load %arg14[%get3A, %get3A_208] {strides = array<i32>} : memref<32x128xi32, #tpu.memory_space<vmem>>, vector<16xi32>,
        %add3A_210 = vector.broadcast %mul3A_1 : i32 to vector<16xi32>
        %add3A_211 = arith.addi %get3A_209, %add3A_210 : vector<16xi32>
        %swap3A_212 = arith.index_cast %add3A_202 : i32 to index
        %swap3A_213 = arith.constant 0 : index
        %swap3A_214 = tpu.vector_load %arg14[%swap3A_212, %swap3A_213] {strides = array<i32>} : memref<32x128xi32, #tpu.memory_space<vmem>>, vector<16xi32>,
        tpu.vector_store %arg14[%swap3A_212, %swap3A_213], %add3A_211 {strides = array<i32>} : memref<32x128xi32, #tpu.memory_space<vmem>>, vector<16xi32>,
        %get3A_215 = arith.constant 0 : index
        %get3A_216 = tpu.vector_load %arg16[%get3A_215] {strides = array<i32>} : memref<128xf32, #tpu.memory_space<vmem>>, vector<16xf32>,
        %get3A_217 = arith.constant 0 : index
        %get3A_218 = tpu.vector_load %arg17[%get3A_217] {strides = array<i32>} : memref<128xf32, #tpu.memory_space<vmem>>, vector<16xf32>,
        %add3A_219 = arith.addf %get3A_216, %get3A_218 : vector<16xf32>
        %mul3A_220 = arith.constant 0.00999999977 : f32
        %mul3A_221 = vector.broadcast %mul3A_220 : f32 to vector<16xf32>
        %mul3A_222 = arith.mulf %mul3A_221, %add3A_219 : vector<16xf32>
        %max3A = arith.maximumf %add3A_219, %mul3A_222 : vector<16xf32>
        %exp3A = math.exp %max3A : vector<16xf32>
        %get3A_223 = arith.constant 0 : index
        %get3A_224 = tpu.vector_load %arg18[%get3A_223] {strides = array<i32>} : memref<128xf32, #tpu.memory_space<vmem>>, vector<16xf32>,
        %div3A_225 = arith.divf %exp3A, %get3A_224 : vector<16xf32>
        %swap3A_226 = arith.index_cast %rem3A_181 : i32 to index
        %swap3A_227 = arith.constant 0 : index
        %swap3A_228 = tpu.vector_load %arg21[%swap3A_226, %swap3A_227] {strides = array<i32>} : memref<2x128xf32, #tpu.memory_space<vmem>>, vector<16xf32>,
        tpu.vector_store %arg21[%swap3A_226, %swap3A_227], %div3A_225 {strides = array<i32>} : memref<2x128xf32, #tpu.memory_space<vmem>>, vector<16xf32>,
        %get3A_229 = arith.index_cast %add3A_202 : i32 to index
        %get3A_230 = arith.constant 16 : index
        %get3A_231 = tpu.vector_load %arg14[%get3A_229, %get3A_230] {strides = array<i32>} : memref<32x128xi32, #tpu.memory_space<vmem>>, vector<16xi32>,
        %add3A_232 = vector.broadcast %mul3A_1 : i32 to vector<16xi32>
        %add3A_233 = arith.addi %get3A_231, %add3A_232 : vector<16xi32>
        %swap3A_234 = arith.index_cast %add3A_202 : i32 to index
        %swap3A_235 = arith.constant 16 : index
        %swap3A_236 = tpu.vector_load %arg14[%swap3A_234, %swap3A_235] {strides = array<i32>} : memref<32x128xi32, #tpu.memory_space<vmem>>, vector<16xi32>,
        tpu.vector_store %arg14[%swap3A_234, %swap3A_235], %add3A_233 {strides = array<i32>} : memref<32x128xi32, #tpu.memory_space<vmem>>, vector<16xi32>,
        %get3A_237 = arith.constant 16 : index
        %get3A_238 = tpu.vector_load %arg16[%get3A_237] {strides = array<i32>} : memref<128xf32, #tpu.memory_space<vmem>>, vector<16xf32>,
        %get3A_239 = arith.constant 16 : index
        %get3A_240 = tpu.vector_load %arg17[%get3A_239] {strides = array<i32>} : memref<128xf32, #tpu.memory_space<vmem>>, vector<16xf32>,
        %add3A_241 = arith.addf %get3A_238, %get3A_240 : vector<16xf32>
        %mul3A_242 = arith.constant 0.00999999977 : f32
        %mul3A_243 = vector.broadcast %mul3A_242 : f32 to vector<16xf32>
        %mul3A_244 = arith.mulf %mul3A_243, %add3A_241 : vector<16xf32>
        %max3A_245 = arith.maximumf %add3A_241, %mul3A_244 : vector<16xf32>
        %exp3A_246 = math.exp %max3A_245 : vector<16xf32>
        %get3A_247 = arith.constant 16 : index
        %get3A_248 = tpu.vector_load %arg18[%get3A_247] {strides = array<i32>} : memref<128xf32, #tpu.memory_space<vmem>>, vector<16xf32>,
        %div3A_249 = arith.divf %exp3A_246, %get3A_248 : vector<16xf32>
        %swap3A_250 = arith.index_cast %rem3A_181 : i32 to index
        %swap3A_251 = arith.constant 16 : index
        %swap3A_252 = tpu.vector_load %arg21[%swap3A_250, %swap3A_251] {strides = array<i32>} : memref<2x128xf32, #tpu.memory_space<vmem>>, vector<16xf32>,
        tpu.vector_store %arg21[%swap3A_250, %swap3A_251], %div3A_249 {strides = array<i32>} : memref<2x128xf32, #tpu.memory_space<vmem>>, vector<16xf32>,
        %get3A_253 = arith.index_cast %add3A_202 : i32 to index
        %get3A_254 = arith.constant 32 : index
        %get3A_255 = tpu.vector_load %arg14[%get3A_253, %get3A_254] {strides = array<i32>} : memref<32x128xi32, #tpu.memory_space<vmem>>, vector<16xi32>,
        %add3A_256 = vector.broadcast %mul3A_1 : i32 to vector<16xi32>
        %add3A_257 = arith.addi %get3A_255, %add3A_256 : vector<16xi32>
        %swap3A_258 = arith.index_cast %add3A_202 : i32 to index
        %swap3A_259 = arith.constant 32 : index
        %swap3A_260 = tpu.vector_load %arg14[%swap3A_258, %swap3A_259] {strides = array<i32>} : memref<32x128xi32, #tpu.memory_space<vmem>>, vector<16xi32>,
        tpu.vector_store %arg14[%swap3A_258, %swap3A_259], %add3A_257 {strides = array<i32>} : memref<32x128xi32, #tpu.memory_space<vmem>>, vector<16xi32>,
        %get3A_261 = arith.constant 32 : index
        %get3A_262 = tpu.vector_load %arg16[%get3A_261] {strides = array<i32>} : memref<128xf32, #tpu.memory_space<vmem>>, vector<16xf32>,
        %get3A_263 = arith.constant 32 : index
        %get3A_264 = tpu.vector_load %arg17[%get3A_263] {strides = array<i32>} : memref<128xf32, #tpu.memory_space<vmem>>, vector<16xf32>,
        %add3A_265 = arith.addf %get3A_262, %get3A_264 : vector<16xf32>
        %mul3A_266 = arith.constant 0.00999999977 : f32
        %mul3A_267 = vector.broadcast %mul3A_266 : f32 to vector<16xf32>
        %mul3A_268 = arith.mulf %mul3A_267, %add3A_265 : vector<16xf32>
        %max3A_269 = arith.maximumf %add3A_265, %mul3A_268 : vector<16xf32>
        %exp3A_270 = math.exp %max3A_269 : vector<16xf32>
        %get3A_271 = arith.constant 32 : index
        %get3A_272 = tpu.vector_load %arg18[%get3A_271] {strides = array<i32>} : memref<128xf32, #tpu.memory_space<vmem>>, vector<16xf32>,
        %div3A_273 = arith.divf %exp3A_270, %get3A_272 : vector<16xf32>
        %swap3A_274 = arith.index_cast %rem3A_181 : i32 to index
        %swap3A_275 = arith.constant 32 : index
        %swap3A_276 = tpu.vector_load %arg21[%swap3A_274, %swap3A_275] {strides = array<i32>} : memref<2x128xf32, #tpu.memory_space<vmem>>, vector<16xf32>,
        tpu.vector_store %arg21[%swap3A_274, %swap3A_275], %div3A_273 {strides = array<i32>} : memref<2x128xf32, #tpu.memory_space<vmem>>, vector<16xf32>,
        %get3A_277 = arith.index_cast %add3A_202 : i32 to index
        %get3A_278 = arith.constant 48 : index
        %get3A_279 = tpu.vector_load %arg14[%get3A_277, %get3A_278] {strides = array<i32>} : memref<32x128xi32, #tpu.memory_space<vmem>>, vector<16xi32>,
        %add3A_280 = vector.broadcast %mul3A_1 : i32 to vector<16xi32>
        %add3A_281 = arith.addi %get3A_279, %add3A_280 : vector<16xi32>
        %swap3A_282 = arith.index_cast %add3A_202 : i32 to index
        %swap3A_283 = arith.constant 48 : index
        %swap3A_284 = tpu.vector_load %arg14[%swap3A_282, %swap3A_283] {strides = array<i32>} : memref<32x128xi32, #tpu.memory_space<vmem>>, vector<16xi32>,
        tpu.vector_store %arg14[%swap3A_282, %swap3A_283], %add3A_281 {strides = array<i32>} : memref<32x128xi32, #tpu.memory_space<vmem>>, vector<16xi32>,
        %get3A_285 = arith.constant 48 : index
        %get3A_286 = tpu.vector_load %arg16[%get3A_285] {strides = array<i32>} : memref<128xf32, #tpu.memory_space<vmem>>, vector<16xf32>,
        %get3A_287 = arith.constant 48 : index
        %get3A_288 = tpu.vector_load %arg17[%get3A_287] {strides = array<i32>} : memref<128xf32, #tpu.memory_space<vmem>>, vector<16xf32>,
        %add3A_289 = arith.addf %get3A_286, %get3A_288 : vector<16xf32>
        %mul3A_290 = arith.constant 0.00999999977 : f32
        %mul3A_291 = vector.broadcast %mul3A_290 : f32 to vector<16xf32>
        %mul3A_292 = arith.mulf %mul3A_291, %add3A_289 : vector<16xf32>
        %max3A_293 = arith.maximumf %add3A_289, %mul3A_292 : vector<16xf32>
        %exp3A_294 = math.exp %max3A_293 : vector<16xf32>
        %get3A_295 = arith.constant 48 : index
        %get3A_296 = tpu.vector_load %arg18[%get3A_295] {strides = array<i32>} : memref<128xf32, #tpu.memory_space<vmem>>, vector<16xf32>,
        %div3A_297 = arith.divf %exp3A_294, %get3A_296 : vector<16xf32>
        %swap3A_298 = arith.index_cast %rem3A_181 : i32 to index
        %swap3A_299 = arith.constant 48 : index
        %swap3A_300 = tpu.vector_load %arg21[%swap3A_298, %swap3A_299] {strides = array<i32>} : memref<2x128xf32, #tpu.memory_space<vmem>>, vector<16xf32>,
        tpu.vector_store %arg21[%swap3A_298, %swap3A_299], %div3A_297 {strides = array<i32>} : memref<2x128xf32, #tpu.memory_space<vmem>>, vector<16xf32>,
        %get3A_301 = arith.index_cast %add3A_202 : i32 to index
        %get3A_302 = arith.constant 64 : index
        %get3A_303 = tpu.vector_load %arg14[%get3A_301, %get3A_302] {strides = array<i32>} : memref<32x128xi32, #tpu.memory_space<vmem>>, vector<16xi32>,
        %add3A_304 = vector.broadcast %mul3A_1 : i32 to vector<16xi32>
        %add3A_305 = arith.addi %get3A_303, %add3A_304 : vector<16xi32>
        %swap3A_306 = arith.index_cast %add3A_202 : i32 to index
        %swap3A_307 = arith.constant 64 : index
        %swap3A_308 = tpu.vector_load %arg14[%swap3A_306, %swap3A_307] {strides = array<i32>} : memref<32x128xi32, #tpu.memory_space<vmem>>, vector<16xi32>,
        tpu.vector_store %arg14[%swap3A_306, %swap3A_307], %add3A_305 {strides = array<i32>} : memref<32x128xi32, #tpu.memory_space<vmem>>, vector<16xi32>,
        %get3A_309 = arith.constant 64 : index
        %get3A_310 = tpu.vector_load %arg16[%get3A_309] {strides = array<i32>} : memref<128xf32, #tpu.memory_space<vmem>>, vector<16xf32>,
        %get3A_311 = arith.constant 64 : index
        %get3A_312 = tpu.vector_load %arg17[%get3A_311] {strides = array<i32>} : memref<128xf32, #tpu.memory_space<vmem>>, vector<16xf32>,
        %add3A_313 = arith.addf %get3A_310, %get3A_312 : vector<16xf32>
        %mul3A_314 = arith.constant 0.00999999977 : f32
        %mul3A_315 = vector.broadcast %mul3A_314 : f32 to vector<16xf32>
        %mul3A_316 = arith.mulf %mul3A_315, %add3A_313 : vector<16xf32>
        %max3A_317 = arith.maximumf %add3A_313, %mul3A_316 : vector<16xf32>
        %exp3A_318 = math.exp %max3A_317 : vector<16xf32>
        %get3A_319 = arith.constant 64 : index
        %get3A_320 = tpu.vector_load %arg18[%get3A_319] {strides = array<i32>} : memref<128xf32, #tpu.memory_space<vmem>>, vector<16xf32>,
        %div3A_321 = arith.divf %exp3A_318, %get3A_320 : vector<16xf32>
        %swap3A_322 = arith.index_cast %rem3A_181 : i32 to index
        %swap3A_323 = arith.constant 64 : index
        %swap3A_324 = tpu.vector_load %arg21[%swap3A_322, %swap3A_323] {strides = array<i32>} : memref<2x128xf32, #tpu.memory_space<vmem>>, vector<16xf32>,
        tpu.vector_store %arg21[%swap3A_322, %swap3A_323], %div3A_321 {strides = array<i32>} : memref<2x128xf32, #tpu.memory_space<vmem>>, vector<16xf32>,
        %get3A_325 = arith.index_cast %add3A_202 : i32 to index
        %get3A_326 = arith.constant 80 : index
        %get3A_327 = tpu.vector_load %arg14[%get3A_325, %get3A_326] {strides = array<i32>} : memref<32x128xi32, #tpu.memory_space<vmem>>, vector<16xi32>,
        %add3A_328 = vector.broadcast %mul3A_1 : i32 to vector<16xi32>
        %add3A_329 = arith.addi %get3A_327, %add3A_328 : vector<16xi32>
        %swap3A_330 = arith.index_cast %add3A_202 : i32 to index
        %swap3A_331 = arith.constant 80 : index
        %swap3A_332 = tpu.vector_load %arg14[%swap3A_330, %swap3A_331] {strides = array<i32>} : memref<32x128xi32, #tpu.memory_space<vmem>>, vector<16xi32>,
        tpu.vector_store %arg14[%swap3A_330, %swap3A_331], %add3A_329 {strides = array<i32>} : memref<32x128xi32, #tpu.memory_space<vmem>>, vector<16xi32>,
        %get3A_333 = arith.constant 80 : index
        %get3A_334 = tpu.vector_load %arg16[%get3A_333] {strides = array<i32>} : memref<128xf32, #tpu.memory_space<vmem>>, vector<16xf32>,
        %get3A_335 = arith.constant 80 : index
        %get3A_336 = tpu.vector_load %arg17[%get3A_335] {strides = array<i32>} : memref<128xf32, #tpu.memory_space<vmem>>, vector<16xf32>,
        %add3A_337 = arith.addf %get3A_334, %get3A_336 : vector<16xf32>
        %mul3A_338 = arith.constant 0.00999999977 : f32
        %mul3A_339 = vector.broadcast %mul3A_338 : f32 to vector<16xf32>
        %mul3A_340 = arith.mulf %mul3A_339, %add3A_337 : vector<16xf32>
        %max3A_341 = arith.maximumf %add3A_337, %mul3A_340 : vector<16xf32>
        %exp3A_342 = math.exp %max3A_341 : vector<16xf32>
        %get3A_343 = arith.constant 80 : index
        %get3A_344 = tpu.vector_load %arg18[%get3A_343] {strides = array<i32>} : memref<128xf32, #tpu.memory_space<vmem>>, vector<16xf32>,
        %div3A_345 = arith.divf %exp3A_342, %get3A_344 : vector<16xf32>
        %swap3A_346 = arith.index_cast %rem3A_181 : i32 to index
        %swap3A_347 = arith.constant 80 : index
        %swap3A_348 = tpu.vector_load %arg21[%swap3A_346, %swap3A_347] {strides = array<i32>} : memref<2x128xf32, #tpu.memory_space<vmem>>, vector<16xf32>,
        tpu.vector_store %arg21[%swap3A_346, %swap3A_347], %div3A_345 {strides = array<i32>} : memref<2x128xf32, #tpu.memory_space<vmem>>, vector<16xf32>,
        %get3A_349 = arith.index_cast %add3A_202 : i32 to index
        %get3A_350 = arith.constant 96 : index
        %get3A_351 = tpu.vector_load %arg14[%get3A_349, %get3A_350] {strides = array<i32>} : memref<32x128xi32, #tpu.memory_space<vmem>>, vector<16xi32>,
        %add3A_352 = vector.broadcast %mul3A_1 : i32 to vector<16xi32>
        %add3A_353 = arith.addi %get3A_351, %add3A_352 : vector<16xi32>
        %swap3A_354 = arith.index_cast %add3A_202 : i32 to index
        %swap3A_355 = arith.constant 96 : index
        %swap3A_356 = tpu.vector_load %arg14[%swap3A_354, %swap3A_355] {strides = array<i32>} : memref<32x128xi32, #tpu.memory_space<vmem>>, vector<16xi32>,
        tpu.vector_store %arg14[%swap3A_354, %swap3A_355], %add3A_353 {strides = array<i32>} : memref<32x128xi32, #tpu.memory_space<vmem>>, vector<16xi32>,
        %get3A_357 = arith.constant 96 : index
        %get3A_358 = tpu.vector_load %arg16[%get3A_357] {strides = array<i32>} : memref<128xf32, #tpu.memory_space<vmem>>, vector<16xf32>,
        %get3A_359 = arith.constant 96 : index
        %get3A_360 = tpu.vector_load %arg17[%get3A_359] {strides = array<i32>} : memref<128xf32, #tpu.memory_space<vmem>>, vector<16xf32>,
        %add3A_361 = arith.addf %get3A_358, %get3A_360 : vector<16xf32>
        %mul3A_362 = arith.constant 0.00999999977 : f32
        %mul3A_363 = vector.broadcast %mul3A_362 : f32 to vector<16xf32>
        %mul3A_364 = arith.mulf %mul3A_363, %add3A_361 : vector<16xf32>
        %max3A_365 = arith.maximumf %add3A_361, %mul3A_364 : vector<16xf32>
        %exp3A_366 = math.exp %max3A_365 : vector<16xf32>
        %get3A_367 = arith.constant 96 : index
        %get3A_368 = tpu.vector_load %arg18[%get3A_367] {strides = array<i32>} : memref<128xf32, #tpu.memory_space<vmem>>, vector<16xf32>,
        %div3A_369 = arith.divf %exp3A_366, %get3A_368 : vector<16xf32>
        %swap3A_370 = arith.index_cast %rem3A_181 : i32 to index
        %swap3A_371 = arith.constant 96 : index
        %swap3A_372 = tpu.vector_load %arg21[%swap3A_370, %swap3A_371] {strides = array<i32>} : memref<2x128xf32, #tpu.memory_space<vmem>>, vector<16xf32>,
        tpu.vector_store %arg21[%swap3A_370, %swap3A_371], %div3A_369 {strides = array<i32>} : memref<2x128xf32, #tpu.memory_space<vmem>>, vector<16xf32>,
        %get3A_373 = arith.index_cast %add3A_202 : i32 to index
        %get3A_374 = arith.constant 112 : index
        %get3A_375 = tpu.vector_load %arg14[%get3A_373, %get3A_374] {strides = array<i32>} : memref<32x128xi32, #tpu.memory_space<vmem>>, vector<16xi32>,
        %add3A_376 = vector.broadcast %mul3A_1 : i32 to vector<16xi32>
        %add3A_377 = arith.addi %get3A_375, %add3A_376 : vector<16xi32>
        %swap3A_378 = arith.index_cast %add3A_202 : i32 to index
        %swap3A_379 = arith.constant 112 : index
        %swap3A_380 = tpu.vector_load %arg14[%swap3A_378, %swap3A_379] {strides = array<i32>} : memref<32x128xi32, #tpu.memory_space<vmem>>, vector<16xi32>,
        tpu.vector_store %arg14[%swap3A_378, %swap3A_379], %add3A_377 {strides = array<i32>} : memref<32x128xi32, #tpu.memory_space<vmem>>, vector<16xi32>,
        %get3A_381 = arith.constant 112 : index
        %get3A_382 = tpu.vector_load %arg16[%get3A_381] {strides = array<i32>} : memref<128xf32, #tpu.memory_space<vmem>>, vector<16xf32>,
        %get3A_383 = arith.constant 112 : index
        %get3A_384 = tpu.vector_load %arg17[%get3A_383] {strides = array<i32>} : memref<128xf32, #tpu.memory_space<vmem>>, vector<16xf32>,
        %add3A_385 = arith.addf %get3A_382, %get3A_384 : vector<16xf32>
        %mul3A_386 = arith.constant 0.00999999977 : f32
        %mul3A_387 = vector.broadcast %mul3A_386 : f32 to vector<16xf32>
        %mul3A_388 = arith.mulf %mul3A_387, %add3A_385 : vector<16xf32>
        %max3A_389 = arith.maximumf %add3A_385, %mul3A_388 : vector<16xf32>
        %exp3A_390 = math.exp %max3A_389 : vector<16xf32>
        %get3A_391 = arith.constant 112 : index
        %get3A_392 = tpu.vector_load %arg18[%get3A_391] {strides = array<i32>} : memref<128xf32, #tpu.memory_space<vmem>>, vector<16xf32>,
        %div3A_393 = arith.divf %exp3A_390, %get3A_392 : vector<16xf32>
        %swap3A_394 = arith.index_cast %rem3A_181 : i32 to index
        %swap3A_395 = arith.constant 112 : index
        %swap3A_396 = tpu.vector_load %arg21[%swap3A_394, %swap3A_395] {strides = array<i32>} : memref<2x128xf32, #tpu.memory_space<vmem>>, vector<16xf32>,
        tpu.vector_store %arg21[%swap3A_394, %swap3A_395], %div3A_393 {strides = array<i32>} : memref<2x128xf32, #tpu.memory_space<vmem>>, vector<16xf32>,
        %dma_start3A = arith.constant 0 : i32
        %dma_start3A_397 = arith.constant 0 : i32
        %dma_start3A_398 = tpu.memref_slice %arg15[%rem3A_181, %dma_start3A, %dma_start3A_397] : memref<2x128x128xf32, #tpu.memory_space<vmem>> -> memref<1x128x128xf32, #tpu.memory_space<vmem>>
        %dma_start3A_399 = tpu.memref_squeeze %dma_start3A_398 : memref<1x128x128xf32, #tpu.memory_space<vmem>> -> memref<128x128xf32, #tpu.memory_space<vmem>>
        %dma_start3A_400 = arith.constant 0 : i32
        %dma_start3A_401 = tpu.memref_slice %arg14[%add3A_202, %dma_start3A_400] : memref<32x128xi32, #tpu.memory_space<vmem>> -> memref<1x128xi32, #tpu.memory_space<vmem>>
        %dma_start3A_402 = tpu.memref_squeeze %dma_start3A_401 : memref<1x128xi32, #tpu.memory_space<vmem>> -> memref<128xi32, #tpu.memory_space<vmem>>
        %dma_start3A_403 = arith.constant 0 : i32
        %dma_start3A_404 = arith.constant 0 : i32
        %dma_start3A_405 = tpu.memref_slice %arg2[%dma_start3A_403, %dma_start3A_404] : memref<20224x128xf32, #tpu.memory_space<hbm>> -> memref<20224x128xf32, #tpu.memory_space<hbm>>
        %dma_start3A_406 = tpu.memref_slice %arg22[%rem3A_181] : memref<2x!tpu.dma_semaphore, #tpu.memory_space<semaphore_mem>> -> memref<1x!tpu.dma_semaphore, #tpu.memory_space<semaphore_mem>>
        %dma_start3A_407 = tpu.memref_squeeze %dma_start3A_406 : memref<1x!tpu.dma_semaphore, #tpu.memory_space<semaphore_mem>> -> memref<!tpu.dma_semaphore, #tpu.memory_space<semaphore_mem>>
        tpu.enqueue_indirect_dma source(%dma_start3A_405 : memref<20224x128xf32, #tpu.memory_space<hbm>>) target(%dma_start3A_399 : memref<128x128xf32, #tpu.memory_space<vmem>>) offsets(%dma_start3A_402 : memref<128xi32, #tpu.memory_space<vmem>>) semaphore(%dma_start3A_407 : memref<!tpu.dma_semaphore, #tpu.memory_space<semaphore_mem>>)
      } else {
      }
      %gt3A = arith.constant 0 : i32
      %gt3A_191 = arith.cmpi sgt, %scan3A_180, %gt3A : i32
      %convert_element_type3A_192 = arith.extui %gt3A_191 : i1 to i32
      %cond3A_193 = arith.constant 0 : i32
      %cond3A_194 = arith.cmpi ne, %convert_element_type3A_192, %cond3A_193 : i32
      scf.if %cond3A_194 {
        %sub3A = arith.constant 1 : i32
        %sub3A_195 = arith.subi %scan3A_180, %sub3A : i32
        %dma_wait3A = arith.constant 0 : i32
        %dma_wait3A_196 = arith.constant 0 : i32
        %dma_wait3A_197 = tpu.memref_slice %arg15[%rem3A_185, %dma_wait3A, %dma_wait3A_196] : memref<2x128x128xf32, #tpu.memory_space<vmem>> -> memref<1x128x128xf32, #tpu.memory_space<vmem>>
        %dma_wait3A_198 = tpu.memref_squeeze %dma_wait3A_197 : memref<1x128x128xf32, #tpu.memory_space<vmem>> -> memref<128x128xf32, #tpu.memory_space<vmem>>
        %dma_wait3A_199 = arith.constant 0 : i32
        %dma_wait3A_200 = arith.constant 0 : i32
        %dma_wait3A_201 = tpu.memref_slice %arg2[%dma_wait3A_199, %dma_wait3A_200] : memref<20224x128xf32, #tpu.memory_space<hbm>> -> memref<128x128xf32, #tpu.memory_space<hbm>>
        %dma_wait3A_202 = tpu.memref_slice %arg22[%rem3A_185] : memref<2x!tpu.dma_semaphore, #tpu.memory_space<semaphore_mem>> -> memref<1x!tpu.dma_semaphore, #tpu.memory_space<semaphore_mem>>
        %dma_wait3A_203 = tpu.memref_squeeze %dma_wait3A_202 : memref<1x!tpu.dma_semaphore, #tpu.memory_space<semaphore_mem>> -> memref<!tpu.dma_semaphore, #tpu.memory_space<semaphore_mem>>
        %dma_wait3A_204 = arith.constant 0 : i32
        %dma_wait3A_205 = arith.constant 0 : i32
        %dma_wait3A_206 = tpu.memref_slice %arg15[%rem3A_185, %dma_wait3A_204, %dma_wait3A_205] : memref<2x128x128xf32, #tpu.memory_space<vmem>> -> memref<1x128x128xf32, #tpu.memory_space<vmem>>
        %dma_wait3A_207 = tpu.memref_squeeze %dma_wait3A_206 : memref<1x128x128xf32, #tpu.memory_space<vmem>> -> memref<128x128xf32, #tpu.memory_space<vmem>>
        %dma_wait3A_208 = arith.constant 0 : i32
        %dma_wait3A_209 = arith.constant 0 : i32
        %dma_wait3A_210 = tpu.memref_slice %arg2[%dma_wait3A_208, %dma_wait3A_209] : memref<20224x128xf32, #tpu.memory_space<hbm>> -> memref<128x128xf32, #tpu.memory_space<hbm>>
        tpu.wait_dma2 semaphore(%dma_wait3A_203 : memref<!tpu.dma_semaphore, #tpu.memory_space<semaphore_mem>>) src(%dma_wait3A_210 : memref<128x128xf32, #tpu.memory_space<hbm>>) dst(%dma_wait3A_207 : memref<128x128xf32, #tpu.memory_space<vmem>>)
        %scan3A_211 = arith.constant 0 : i32
        %scan3A_212 = arith.constant 128 : i32
        %scan3A_213 = arith.addi %scan3A_211, %scan3A_212 : i32
        %scan3A_214 = arith.constant 1 : i32
        scf.for %scan3A_216 = %scan3A_211 to %scan3A_213 step %scan3A_214  : i32 {
          %broadcast_in_dim3A_217 = vector.broadcast %rem3A_185 : i32 to vector<16xi32>
          %broadcast_in_dim3A_218 = vector.broadcast %scan3A_216 : i32 to vector<16xi32>
          %gather3A = tpu.vector_load_idx %arg21[%broadcast_in_dim3A_217, %broadcast_in_dim3A_218] : memref<2x128xf32, #tpu.memory_space<vmem>>[vector<16xi32>, vector<16xi32>], vector<16xf32>,
          %get3A = arith.index_cast %rem3A_185 : i32 to index
          %get3A_219 = arith.index_cast %scan3A_216 : i32 to index
          %get3A_220 = arith.constant 0 : index
          %get3A_221 = tpu.vector_load %arg15[%get3A, %get3A_219, %get3A_220] {strides = array<i32>} : memref<2x128x128xf32, #tpu.memory_space<vmem>>, vector<16xf32>,
          %mul3A_222 = arith.mulf %get3A_221, %gather3A : vector<16xf32>
          %swap3A_223 = arith.index_cast %rem3A_185 : i32 to index
          %swap3A_224 = arith.index_cast %scan3A_216 : i32 to index
          %swap3A_225 = arith.constant 0 : index
          %swap3A_226 = tpu.vector_load %arg15[%swap3A_223, %swap3A_224, %swap3A_225] {strides = array<i32>} : memref<2x128x128xf32, #tpu.memory_space<vmem>>, vector<16xf32>,
          tpu.vector_store %arg15[%swap3A_223, %swap3A_224, %swap3A_225], %mul3A_222 {strides = array<i32>} : memref<2x128x128xf32, #tpu.memory_space<vmem>>, vector<16xf32>,
          %get3A_227 = arith.index_cast %rem3A_185 : i32 to index
          %get3A_228 = arith.index_cast %scan3A_216 : i32 to index
          %get3A_229 = arith.constant 16 : index
          %get3A_230 = tpu.vector_load %arg15[%get3A_227, %get3A_228, %get3A_229] {strides = array<i32>} : memref<2x128x128xf32, #tpu.memory_space<vmem>>, vector<16xf32>,
          %mul3A_231 = arith.mulf %get3A_230, %gather3A : vector<16xf32>
          %swap3A_232 = arith.index_cast %rem3A_185 : i32 to index
          %swap3A_233 = arith.index_cast %scan3A_216 : i32 to index
          %swap3A_234 = arith.constant 16 : index
          %swap3A_235 = tpu.vector_load %arg15[%swap3A_232, %swap3A_233, %swap3A_234] {strides = array<i32>} : memref<2x128x128xf32, #tpu.memory_space<vmem>>, vector<16xf32>,
          tpu.vector_store %arg15[%swap3A_232, %swap3A_233, %swap3A_234], %mul3A_231 {strides = array<i32>} : memref<2x128x128xf32, #tpu.memory_space<vmem>>, vector<16xf32>,
          %get3A_236 = arith.index_cast %rem3A_185 : i32 to index
          %get3A_237 = arith.index_cast %scan3A_216 : i32 to index
          %get3A_238 = arith.constant 32 : index
          %get3A_239 = tpu.vector_load %arg15[%get3A_236, %get3A_237, %get3A_238] {strides = array<i32>} : memref<2x128x128xf32, #tpu.memory_space<vmem>>, vector<16xf32>,
          %mul3A_240 = arith.mulf %get3A_239, %gather3A : vector<16xf32>
          %swap3A_241 = arith.index_cast %rem3A_185 : i32 to index
          %swap3A_242 = arith.index_cast %scan3A_216 : i32 to index
          %swap3A_243 = arith.constant 32 : index
          %swap3A_244 = tpu.vector_load %arg15[%swap3A_241, %swap3A_242, %swap3A_243] {strides = array<i32>} : memref<2x128x128xf32, #tpu.memory_space<vmem>>, vector<16xf32>,
          tpu.vector_store %arg15[%swap3A_241, %swap3A_242, %swap3A_243], %mul3A_240 {strides = array<i32>} : memref<2x128x128xf32, #tpu.memory_space<vmem>>, vector<16xf32>,
          %get3A_245 = arith.index_cast %rem3A_185 : i32 to index
          %get3A_246 = arith.index_cast %scan3A_216 : i32 to index
          %get3A_247 = arith.constant 48 : index
          %get3A_248 = tpu.vector_load %arg15[%get3A_245, %get3A_246, %get3A_247] {strides = array<i32>} : memref<2x128x128xf32, #tpu.memory_space<vmem>>, vector<16xf32>,
          %mul3A_249 = arith.mulf %get3A_248, %gather3A : vector<16xf32>
          %swap3A_250 = arith.index_cast %rem3A_185 : i32 to index
          %swap3A_251 = arith.index_cast %scan3A_216 : i32 to index
          %swap3A_252 = arith.constant 48 : index
          %swap3A_253 = tpu.vector_load %arg15[%swap3A_250, %swap3A_251, %swap3A_252] {strides = array<i32>} : memref<2x128x128xf32, #tpu.memory_space<vmem>>, vector<16xf32>,
          tpu.vector_store %arg15[%swap3A_250, %swap3A_251, %swap3A_252], %mul3A_249 {strides = array<i32>} : memref<2x128x128xf32, #tpu.memory_space<vmem>>, vector<16xf32>,
          %get3A_254 = arith.index_cast %rem3A_185 : i32 to index
          %get3A_255 = arith.index_cast %scan3A_216 : i32 to index
          %get3A_256 = arith.constant 64 : index
          %get3A_257 = tpu.vector_load %arg15[%get3A_254, %get3A_255, %get3A_256] {strides = array<i32>} : memref<2x128x128xf32, #tpu.memory_space<vmem>>, vector<16xf32>,
          %mul3A_258 = arith.mulf %get3A_257, %gather3A : vector<16xf32>
          %swap3A_259 = arith.index_cast %rem3A_185 : i32 to index
          %swap3A_260 = arith.index_cast %scan3A_216 : i32 to index
          %swap3A_261 = arith.constant 64 : index
          %swap3A_262 = tpu.vector_load %arg15[%swap3A_259, %swap3A_260, %swap3A_261] {strides = array<i32>} : memref<2x128x128xf32, #tpu.memory_space<vmem>>, vector<16xf32>,
          tpu.vector_store %arg15[%swap3A_259, %swap3A_260, %swap3A_261], %mul3A_258 {strides = array<i32>} : memref<2x128x128xf32, #tpu.memory_space<vmem>>, vector<16xf32>,
          %get3A_263 = arith.index_cast %rem3A_185 : i32 to index
          %get3A_264 = arith.index_cast %scan3A_216 : i32 to index
          %get3A_265 = arith.constant 80 : index
          %get3A_266 = tpu.vector_load %arg15[%get3A_263, %get3A_264, %get3A_265] {strides = array<i32>} : memref<2x128x128xf32, #tpu.memory_space<vmem>>, vector<16xf32>,
          %mul3A_267 = arith.mulf %get3A_266, %gather3A : vector<16xf32>
          %swap3A_268 = arith.index_cast %rem3A_185 : i32 to index
          %swap3A_269 = arith.index_cast %scan3A_216 : i32 to index
          %swap3A_270 = arith.constant 80 : index
          %swap3A_271 = tpu.vector_load %arg15[%swap3A_268, %swap3A_269, %swap3A_270] {strides = array<i32>} : memref<2x128x128xf32, #tpu.memory_space<vmem>>, vector<16xf32>,
          tpu.vector_store %arg15[%swap3A_268, %swap3A_269, %swap3A_270], %mul3A_267 {strides = array<i32>} : memref<2x128x128xf32, #tpu.memory_space<vmem>>, vector<16xf32>,
          %get3A_272 = arith.index_cast %rem3A_185 : i32 to index
          %get3A_273 = arith.index_cast %scan3A_216 : i32 to index
          %get3A_274 = arith.constant 96 : index
          %get3A_275 = tpu.vector_load %arg15[%get3A_272, %get3A_273, %get3A_274] {strides = array<i32>} : memref<2x128x128xf32, #tpu.memory_space<vmem>>, vector<16xf32>,
          %mul3A_276 = arith.mulf %get3A_275, %gather3A : vector<16xf32>
          %swap3A_277 = arith.index_cast %rem3A_185 : i32 to index
          %swap3A_278 = arith.index_cast %scan3A_216 : i32 to index
          %swap3A_279 = arith.constant 96 : index
          %swap3A_280 = tpu.vector_load %arg15[%swap3A_277, %swap3A_278, %swap3A_279] {strides = array<i32>} : memref<2x128x128xf32, #tpu.memory_space<vmem>>, vector<16xf32>,
          tpu.vector_store %arg15[%swap3A_277, %swap3A_278, %swap3A_279], %mul3A_276 {strides = array<i32>} : memref<2x128x128xf32, #tpu.memory_space<vmem>>, vector<16xf32>,
          %get3A_281 = arith.index_cast %rem3A_185 : i32 to index
          %get3A_282 = arith.index_cast %scan3A_216 : i32 to index
          %get3A_283 = arith.constant 112 : index
          %get3A_284 = tpu.vector_load %arg15[%get3A_281, %get3A_282, %get3A_283] {strides = array<i32>} : memref<2x128x128xf32, #tpu.memory_space<vmem>>, vector<16xf32>,
          %mul3A_285 = arith.mulf %get3A_284, %gather3A : vector<16xf32>
          %swap3A_286 = arith.index_cast %rem3A_185 : i32 to index
          %swap3A_287 = arith.index_cast %scan3A_216 : i32 to index
          %swap3A_288 = arith.constant 112 : index
          %swap3A_289 = tpu.vector_load %arg15[%swap3A_286, %swap3A_287, %swap3A_288] {strides = array<i32>} : memref<2x128x128xf32, #tpu.memory_space<vmem>>, vector<16xf32>,
          tpu.vector_store %arg15[%swap3A_286, %swap3A_287, %swap3A_288], %mul3A_285 {strides = array<i32>} : memref<2x128x128xf32, #tpu.memory_space<vmem>>, vector<16xf32>,
        }
        %scan3A_215 = arith.constant 128 : i32
        "tpu.region"() ({
          %run_scoped3A_216 = tpu.sem_alloc : memref<!tpu.dma_semaphore, #tpu.memory_space<semaphore_mem>>
          %dma_start3A = arith.constant 0 : i32
          %dma_start3A_217 = arith.constant 0 : i32
          %dma_start3A_218 = tpu.memref_slice %arg15[%rem3A_185, %dma_start3A, %dma_start3A_217] : memref<2x128x128xf32, #tpu.memory_space<vmem>> -> memref<1x128x128xf32, #tpu.memory_space<vmem>>
          %dma_start3A_219 = tpu.memref_squeeze %dma_start3A_218 : memref<1x128x128xf32, #tpu.memory_space<vmem>> -> memref<128x128xf32, #tpu.memory_space<vmem>>
          %dma_start3A_220 = arith.constant 0 : i32
          %dma_start3A_221 = tpu.memref_slice %arg13[%sub3A_195, %dma_start3A_220] : memref<80x128xi32, #tpu.memory_space<vmem>> -> memref<1x128xi32, #tpu.memory_space<vmem>>
          %dma_start3A_222 = tpu.memref_squeeze %dma_start3A_221 : memref<1x128xi32, #tpu.memory_space<vmem>> -> memref<128xi32, #tpu.memory_space<vmem>>
          %dma_start3A_223 = arith.constant 0 : i32
          %dma_start3A_224 = arith.constant 0 : i32
          %dma_start3A_225 = tpu.memref_slice %arg9[%dma_start3A_223, %dma_start3A_224] : memref<10112x128xf32, #tpu.memory_space<vmem_shared>> -> memref<10112x128xf32, #tpu.memory_space<vmem_shared>>
          tpu.enqueue_indirect_dma source(%dma_start3A_219 : memref<128x128xf32, #tpu.memory_space<vmem>>) target(%dma_start3A_225 : memref<10112x128xf32, #tpu.memory_space<vmem_shared>>) offsets(%dma_start3A_222 : memref<128xi32, #tpu.memory_space<vmem>>) semaphore(%run_scoped3A_216 : memref<!tpu.dma_semaphore, #tpu.memory_space<semaphore_mem>>) {add = true}
          %dma_wait3A_226 = arith.constant 0 : i32
          %dma_wait3A_227 = arith.constant 0 : i32
          %dma_wait3A_228 = tpu.memref_slice %arg15[%rem3A_185, %dma_wait3A_226, %dma_wait3A_227] : memref<2x128x128xf32, #tpu.memory_space<vmem>> -> memref<1x128x128xf32, #tpu.memory_space<vmem>>
          %dma_wait3A_229 = tpu.memref_squeeze %dma_wait3A_228 : memref<1x128x128xf32, #tpu.memory_space<vmem>> -> memref<128x128xf32, #tpu.memory_space<vmem>>
          %dma_wait3A_230 = arith.constant 0 : i32
          %dma_wait3A_231 = tpu.memref_slice %arg13[%sub3A_195, %dma_wait3A_230] : memref<80x128xi32, #tpu.memory_space<vmem>> -> memref<1x128xi32, #tpu.memory_space<vmem>>
          %dma_wait3A_232 = tpu.memref_squeeze %dma_wait3A_231 : memref<1x128xi32, #tpu.memory_space<vmem>> -> memref<128xi32, #tpu.memory_space<vmem>>
          %dma_wait3A_233 = arith.constant 0 : i32
          %dma_wait3A_234 = arith.constant 0 : i32
          %dma_wait3A_235 = tpu.memref_slice %arg9[%dma_wait3A_233, %dma_wait3A_234] : memref<10112x128xf32, #tpu.memory_space<vmem_shared>> -> memref<10112x128xf32, #tpu.memory_space<vmem_shared>>
          tpu.wait_indirect_dma semaphore(%run_scoped3A_216 : memref<!tpu.dma_semaphore, #tpu.memory_space<semaphore_mem>>) src(%dma_wait3A_229 : memref<128x128xf32, #tpu.memory_space<vmem>>) dst(%dma_wait3A_235 : memref<10112x128xf32, #tpu.memory_space<vmem_shared>>)
          tpu.yield
        }) : () -> ()
      } else {
      }
    }
    %scan3A_112 = arith.constant 81 : i32
    %barrier3A_113 = arith.constant 0 : index
    tpu.barrier barrier_id(%barrier3A_113)
    %mul3A_114 = arith.constant 632 : i32
    %mul3A_115 = arith.muli %arg1, %mul3A_114 : i32
    %add3A_116 = arith.constant 0 : i32
    %add3A_117 = arith.addi %mul3A_115, %add3A_116 : i32
    %run_scoped3A_118 = arith.constant 0 : i32
    "tpu.region"() ({
      %run_scoped3A_180 = tpu.sem_alloc : memref<!tpu.dma_semaphore, #tpu.memory_space<semaphore_mem>>
      %dma_start3A = arith.constant 0 : i32
      %dma_start3A_181 = arith.constant 0 : i32
      %dma_start3A_182 = tpu.memref_slice %arg15[%run_scoped3A_118, %dma_start3A, %dma_start3A_181] : memref<2x128x128xf32, #tpu.memory_space<vmem>> -> memref<1x128x128xf32, #tpu.memory_space<vmem>>
      %dma_start3A_183 = tpu.memref_squeeze %dma_start3A_182 : memref<1x128x128xf32, #tpu.memory_space<vmem>> -> memref<128x128xf32, #tpu.memory_space<vmem>>
      %dma_start3A_184 = arith.constant 0 : i32
      %dma_start3A_185 = tpu.memref_slice %arg9[%add3A_117, %dma_start3A_184] : memref<10112x128xf32, #tpu.memory_space<vmem_shared>> -> memref<128x128xf32, #tpu.memory_space<vmem_shared>>
      %dma_start3A_186 = arith.constant 0 : i32
      %dma_start3A_187 = arith.constant 0 : i32
      %dma_start3A_188 = tpu.memref_slice %arg15[%run_scoped3A_118, %dma_start3A_186, %dma_start3A_187] : memref<2x128x128xf32, #tpu.memory_space<vmem>> -> memref<1x128x128xf32, #tpu.memory_space<vmem>>
      %dma_start3A_189 = tpu.memref_squeeze %dma_start3A_188 : memref<1x128x128xf32, #tpu.memory_space<vmem>> -> memref<128x128xf32, #tpu.memory_space<vmem>>
      %dma_start3A_190 = arith.constant 0 : i32
      %dma_start3A_191 = tpu.memref_slice %arg9[%add3A_117, %dma_start3A_190] : memref<10112x128xf32, #tpu.memory_space<vmem_shared>> -> memref<128x128xf32, #tpu.memory_space<vmem_shared>>
      tpu.enqueue_dma source(%dma_start3A_191 : memref<128x128xf32, #tpu.memory_space<vmem_shared>>) target(%dma_start3A_189 : memref<128x128xf32, #tpu.memory_space<vmem>>) target_semaphore(%run_scoped3A_180 : memref<!tpu.dma_semaphore, #tpu.memory_space<semaphore_mem>>)
      %dma_wait3A = arith.constant 0 : i32
      %dma_wait3A_192 = arith.constant 0 : i32
      %dma_wait3A_193 = tpu.memref_slice %arg15[%run_scoped3A_118, %dma_wait3A, %dma_wait3A_192] : memref<2x128x128xf32, #tpu.memory_space<vmem>> -> memref<1x128x128xf32, #tpu.memory_space<vmem>>
      %dma_wait3A_194 = tpu.memref_squeeze %dma_wait3A_193 : memref<1x128x128xf32, #tpu.memory_space<vmem>> -> memref<128x128xf32, #tpu.memory_space<vmem>>
      %dma_wait3A_195 = arith.constant 0 : i32
      %dma_wait3A_196 = tpu.memref_slice %arg9[%add3A_117, %dma_wait3A_195] : memref<10112x128xf32, #tpu.memory_space<vmem_shared>> -> memref<128x128xf32, #tpu.memory_space<vmem_shared>>
      %dma_wait3A_197 = arith.constant 0 : i32
      %dma_wait3A_198 = arith.constant 0 : i32
      %dma_wait3A_199 = tpu.memref_slice %arg15[%run_scoped3A_118, %dma_wait3A_197, %dma_wait3A_198] : memref<2x128x128xf32, #tpu.memory_space<vmem>> -> memref<1x128x128xf32, #tpu.memory_space<vmem>>
      %dma_wait3A_200 = tpu.memref_squeeze %dma_wait3A_199 : memref<1x128x128xf32, #tpu.memory_space<vmem>> -> memref<128x128xf32, #tpu.memory_space<vmem>>
      %dma_wait3A_201 = arith.constant 0 : i32
      %dma_wait3A_202 = tpu.memref_slice %arg9[%add3A_117, %dma_wait3A_201] : memref<10112x128xf32, #tpu.memory_space<vmem_shared>> -> memref<128x128xf32, #tpu.memory_space<vmem_shared>>
      tpu.wait_dma2 semaphore(%run_scoped3A_180 : memref<!tpu.dma_semaphore, #tpu.memory_space<semaphore_mem>>) src(%dma_wait3A_202 : memref<128x128xf32, #tpu.memory_space<vmem_shared>>) dst(%dma_wait3A_200 : memref<128x128xf32, #tpu.memory_space<vmem>>)
      tpu.yield
    }) : () -> ()
    %add3A_119 = arith.addi %mul3A_1, %add3A_117 : i32
    %run_scoped3A_120 = arith.constant 1 : i32
    "tpu.region"() ({
      %run_scoped3A_180 = tpu.sem_alloc : memref<!tpu.dma_semaphore, #tpu.memory_space<semaphore_mem>>
      %dma_start3A = arith.constant 0 : i32
      %dma_start3A_181 = arith.constant 0 : i32
      %dma_start3A_182 = tpu.memref_slice %arg15[%run_scoped3A_120, %dma_start3A, %dma_start3A_181] : memref<2x128x128xf32, #tpu.memory_space<vmem>> -> memref<1x128x128xf32, #tpu.memory_space<vmem>>
      %dma_start3A_183 = tpu.memref_squeeze %dma_start3A_182 : memref<1x128x128xf32, #tpu.memory_space<vmem>> -> memref<128x128xf32, #tpu.memory_space<vmem>>
      %dma_start3A_184 = arith.constant 0 : i32
      %dma_start3A_185 = tpu.memref_slice %arg3[%add3A_119, %dma_start3A_184] : memref<20224x128xf32, #tpu.memory_space<hbm>> -> memref<128x128xf32, #tpu.memory_space<hbm>>
      %dma_start3A_186 = arith.constant 0 : i32
      %dma_start3A_187 = arith.constant 0 : i32
      %dma_start3A_188 = tpu.memref_slice %arg15[%run_scoped3A_120, %dma_start3A_186, %dma_start3A_187] : memref<2x128x128xf32, #tpu.memory_space<vmem>> -> memref<1x128x128xf32, #tpu.memory_space<vmem>>
      %dma_start3A_189 = tpu.memref_squeeze %dma_start3A_188 : memref<1x128x128xf32, #tpu.memory_space<vmem>> -> memref<128x128xf32, #tpu.memory_space<vmem>>
      %dma_start3A_190 = arith.constant 0 : i32
      %dma_start3A_191 = tpu.memref_slice %arg3[%add3A_119, %dma_start3A_190] : memref<20224x128xf32, #tpu.memory_space<hbm>> -> memref<128x128xf32, #tpu.memory_space<hbm>>
      tpu.enqueue_dma source(%dma_start3A_191 : memref<128x128xf32, #tpu.memory_space<hbm>>) target(%dma_start3A_189 : memref<128x128xf32, #tpu.memory_space<vmem>>) target_semaphore(%run_scoped3A_180 : memref<!tpu.dma_semaphore, #tpu.memory_space<semaphore_mem>>)
      %dma_wait3A = arith.constant 0 : i32
      %dma_wait3A_192 = arith.constant 0 : i32
      %dma_wait3A_193 = tpu.memref_slice %arg15[%run_scoped3A_120, %dma_wait3A, %dma_wait3A_192] : memref<2x128x128xf32, #tpu.memory_space<vmem>> -> memref<1x128x128xf32, #tpu.memory_space<vmem>>
      %dma_wait3A_194 = tpu.memref_squeeze %dma_wait3A_193 : memref<1x128x128xf32, #tpu.memory_space<vmem>> -> memref<128x128xf32, #tpu.memory_space<vmem>>
      %dma_wait3A_195 = arith.constant 0 : i32
      %dma_wait3A_196 = tpu.memref_slice %arg3[%add3A_119, %dma_wait3A_195] : memref<20224x128xf32, #tpu.memory_space<hbm>> -> memref<128x128xf32, #tpu.memory_space<hbm>>
      %dma_wait3A_197 = arith.constant 0 : i32
      %dma_wait3A_198 = arith.constant 0 : i32
      %dma_wait3A_199 = tpu.memref_slice %arg15[%run_scoped3A_120, %dma_wait3A_197, %dma_wait3A_198] : memref<2x128x128xf32, #tpu.memory_space<vmem>> -> memref<1x128x128xf32, #tpu.memory_space<vmem>>
      %dma_wait3A_200 = tpu.memref_squeeze %dma_wait3A_199 : memref<1x128x128xf32, #tpu.memory_space<vmem>> -> memref<128x128xf32, #tpu.memory_space<vmem>>
      %dma_wait3A_201 = arith.constant 0 : i32
      %dma_wait3A_202 = tpu.memref_slice %arg3[%add3A_119, %dma_wait3A_201] : memref<20224x128xf32, #tpu.memory_space<hbm>> -> memref<128x128xf32, #tpu.memory_space<hbm>>
      tpu.wait_dma2 semaphore(%run_scoped3A_180 : memref<!tpu.dma_semaphore, #tpu.memory_space<semaphore_mem>>) src(%dma_wait3A_202 : memref<128x128xf32, #tpu.memory_space<hbm>>) dst(%dma_wait3A_200 : memref<128x128xf32, #tpu.memory_space<vmem>>)
      tpu.yield
    }) : () -> ()
    "tpu.region"() ({
      %run_scoped3A_180 = tpu.sem_alloc : memref<!tpu.dma_semaphore, #tpu.memory_space<semaphore_mem>>
      %dma_start3A = arith.constant 0 : i32
      %dma_start3A_181 = tpu.memref_slice %arg20[%dma_start3A] : memref<128xf32, #tpu.memory_space<vmem>> -> memref<128xf32, #tpu.memory_space<vmem>>
      %dma_start3A_182 = tpu.memref_slice %arg10[%add3A_117] : memref<10112xf32, #tpu.memory_space<vmem_shared>> -> memref<128xf32, #tpu.memory_space<vmem_shared>>
      %dma_start3A_183 = arith.constant 0 : i32
      %dma_start3A_184 = tpu.memref_slice %arg20[%dma_start3A_183] : memref<128xf32, #tpu.memory_space<vmem>> -> memref<128xf32, #tpu.memory_space<vmem>>
      %dma_start3A_185 = tpu.memref_slice %arg10[%add3A_117] : memref<10112xf32, #tpu.memory_space<vmem_shared>> -> memref<128xf32, #tpu.memory_space<vmem_shared>>
      tpu.enqueue_dma source(%dma_start3A_185 : memref<128xf32, #tpu.memory_space<vmem_shared>>) target(%dma_start3A_184 : memref<128xf32, #tpu.memory_space<vmem>>) target_semaphore(%run_scoped3A_180 : memref<!tpu.dma_semaphore, #tpu.memory_space<semaphore_mem>>)
      %dma_wait3A = arith.constant 0 : i32
      %dma_wait3A_186 = tpu.memref_slice %arg20[%dma_wait3A] : memref<128xf32, #tpu.memory_space<vmem>> -> memref<128xf32, #tpu.memory_space<vmem>>
      %dma_wait3A_187 = tpu.memref_slice %arg10[%add3A_117] : memref<10112xf32, #tpu.memory_space<vmem_shared>> -> memref<128xf32, #tpu.memory_space<vmem_shared>>
      %dma_wait3A_188 = arith.constant 0 : i32
      %dma_wait3A_189 = tpu.memref_slice %arg20[%dma_wait3A_188] : memref<128xf32, #tpu.memory_space<vmem>> -> memref<128xf32, #tpu.memory_space<vmem>>
      %dma_wait3A_190 = tpu.memref_slice %arg10[%add3A_117] : memref<10112xf32, #tpu.memory_space<vmem_shared>> -> memref<128xf32, #tpu.memory_space<vmem_shared>>
      tpu.wait_dma2 semaphore(%run_scoped3A_180 : memref<!tpu.dma_semaphore, #tpu.memory_space<semaphore_mem>>) src(%dma_wait3A_190 : memref<128xf32, #tpu.memory_space<vmem_shared>>) dst(%dma_wait3A_189 : memref<128xf32, #tpu.memory_space<vmem>>)
      tpu.yield
    }) : () -> ()
    %scan3A_121 = arith.constant 0 : i32
    %scan3A_122 = arith.constant 128 : i32
    %scan3A_123 = arith.addi %scan3A_121, %scan3A_122 : i32
    %scan3A_124 = arith.constant 1 : i32
    scf.for %scan3A_180 = %scan3A_121 to %scan3A_123 step %scan3A_124  : i32 {
      %broadcast_in_dim3A_181 = vector.broadcast %scan3A_180 : i32 to vector<16xi32>
      %gather3A = tpu.vector_load_idx %arg20[%broadcast_in_dim3A_181] : memref<128xf32, #tpu.memory_space<vmem>>[vector<16xi32>], vector<16xf32>,
      %gt3A = arith.constant 0.000000e+00 : f32
      %gt3A_182 = vector.broadcast %gt3A : f32 to vector<16xf32>
      %gt3A_183 = arith.cmpf ogt, %gather3A, %gt3A_182 : vector<16xf32>
      %get3A = arith.constant 0 : i32
      %get3A_184 = arith.index_cast %get3A : i32 to index
      %get3A_185 = arith.index_cast %scan3A_180 : i32 to index
      %get3A_186 = arith.constant 0 : index
      %get3A_187 = tpu.vector_load %arg15[%get3A_184, %get3A_185, %get3A_186] {strides = array<i32>} : memref<2x128x128xf32, #tpu.memory_space<vmem>>, vector<16xf32>,
      %get3A_188 = arith.constant 1 : i32
      %get3A_189 = arith.index_cast %get3A_188 : i32 to index
      %get3A_190 = arith.index_cast %scan3A_180 : i32 to index
      %get3A_191 = arith.constant 0 : index
      %get3A_192 = tpu.vector_load %arg15[%get3A_189, %get3A_190, %get3A_191] {strides = array<i32>} : memref<2x128x128xf32, #tpu.memory_space<vmem>>, vector<16xf32>,
      %select_n3A = arith.select %gt3A_183, %get3A_187, %get3A_192 : vector<16xi1>, vector<16xf32>
      %swap3A_193 = arith.constant 0 : i32
      %swap3A_194 = arith.index_cast %swap3A_193 : i32 to index
      %swap3A_195 = arith.index_cast %scan3A_180 : i32 to index
      %swap3A_196 = arith.constant 0 : index
      %swap3A_197 = tpu.vector_load %arg15[%swap3A_194, %swap3A_195, %swap3A_196] {strides = array<i32>} : memref<2x128x128xf32, #tpu.memory_space<vmem>>, vector<16xf32>,
      tpu.vector_store %arg15[%swap3A_194, %swap3A_195, %swap3A_196], %select_n3A {strides = array<i32>} : memref<2x128x128xf32, #tpu.memory_space<vmem>>, vector<16xf32>,
      %get3A_198 = arith.constant 0 : i32
      %get3A_199 = arith.index_cast %get3A_198 : i32 to index
      %get3A_200 = arith.index_cast %scan3A_180 : i32 to index
      %get3A_201 = arith.constant 16 : index
      %get3A_202 = tpu.vector_load %arg15[%get3A_199, %get3A_200, %get3A_201] {strides = array<i32>} : memref<2x128x128xf32, #tpu.memory_space<vmem>>, vector<16xf32>,
      %get3A_203 = arith.constant 1 : i32
      %get3A_204 = arith.index_cast %get3A_203 : i32 to index
      %get3A_205 = arith.index_cast %scan3A_180 : i32 to index
      %get3A_206 = arith.constant 16 : index
      %get3A_207 = tpu.vector_load %arg15[%get3A_204, %get3A_205, %get3A_206] {strides = array<i32>} : memref<2x128x128xf32, #tpu.memory_space<vmem>>, vector<16xf32>,
      %select_n3A_208 = arith.select %gt3A_183, %get3A_202, %get3A_207 : vector<16xi1>, vector<16xf32>
      %swap3A_209 = arith.constant 0 : i32
      %swap3A_210 = arith.index_cast %swap3A_209 : i32 to index
      %swap3A_211 = arith.index_cast %scan3A_180 : i32 to index
      %swap3A_212 = arith.constant 16 : index
      %swap3A_213 = tpu.vector_load %arg15[%swap3A_210, %swap3A_211, %swap3A_212] {strides = array<i32>} : memref<2x128x128xf32, #tpu.memory_space<vmem>>, vector<16xf32>,
      tpu.vector_store %arg15[%swap3A_210, %swap3A_211, %swap3A_212], %select_n3A_208 {strides = array<i32>} : memref<2x128x128xf32, #tpu.memory_space<vmem>>, vector<16xf32>,
      %get3A_214 = arith.constant 0 : i32
      %get3A_215 = arith.index_cast %get3A_214 : i32 to index
      %get3A_216 = arith.index_cast %scan3A_180 : i32 to index
      %get3A_217 = arith.constant 32 : index
      %get3A_218 = tpu.vector_load %arg15[%get3A_215, %get3A_216, %get3A_217] {strides = array<i32>} : memref<2x128x128xf32, #tpu.memory_space<vmem>>, vector<16xf32>,
      %get3A_219 = arith.constant 1 : i32
      %get3A_220 = arith.index_cast %get3A_219 : i32 to index
      %get3A_221 = arith.index_cast %scan3A_180 : i32 to index
      %get3A_222 = arith.constant 32 : index
      %get3A_223 = tpu.vector_load %arg15[%get3A_220, %get3A_221, %get3A_222] {strides = array<i32>} : memref<2x128x128xf32, #tpu.memory_space<vmem>>, vector<16xf32>,
      %select_n3A_224 = arith.select %gt3A_183, %get3A_218, %get3A_223 : vector<16xi1>, vector<16xf32>
      %swap3A_225 = arith.constant 0 : i32
      %swap3A_226 = arith.index_cast %swap3A_225 : i32 to index
      %swap3A_227 = arith.index_cast %scan3A_180 : i32 to index
      %swap3A_228 = arith.constant 32 : index
      %swap3A_229 = tpu.vector_load %arg15[%swap3A_226, %swap3A_227, %swap3A_228] {strides = array<i32>} : memref<2x128x128xf32, #tpu.memory_space<vmem>>, vector<16xf32>,
      tpu.vector_store %arg15[%swap3A_226, %swap3A_227, %swap3A_228], %select_n3A_224 {strides = array<i32>} : memref<2x128x128xf32, #tpu.memory_space<vmem>>, vector<16xf32>,
      %get3A_230 = arith.constant 0 : i32
      %get3A_231 = arith.index_cast %get3A_230 : i32 to index
      %get3A_232 = arith.index_cast %scan3A_180 : i32 to index
      %get3A_233 = arith.constant 48 : index
      %get3A_234 = tpu.vector_load %arg15[%get3A_231, %get3A_232, %get3A_233] {strides = array<i32>} : memref<2x128x128xf32, #tpu.memory_space<vmem>>, vector<16xf32>,
      %get3A_235 = arith.constant 1 : i32
      %get3A_236 = arith.index_cast %get3A_235 : i32 to index
      %get3A_237 = arith.index_cast %scan3A_180 : i32 to index
      %get3A_238 = arith.constant 48 : index
      %get3A_239 = tpu.vector_load %arg15[%get3A_236, %get3A_237, %get3A_238] {strides = array<i32>} : memref<2x128x128xf32, #tpu.memory_space<vmem>>, vector<16xf32>,
      %select_n3A_240 = arith.select %gt3A_183, %get3A_234, %get3A_239 : vector<16xi1>, vector<16xf32>
      %swap3A_241 = arith.constant 0 : i32
      %swap3A_242 = arith.index_cast %swap3A_241 : i32 to index
      %swap3A_243 = arith.index_cast %scan3A_180 : i32 to index
      %swap3A_244 = arith.constant 48 : index
      %swap3A_245 = tpu.vector_load %arg15[%swap3A_242, %swap3A_243, %swap3A_244] {strides = array<i32>} : memref<2x128x128xf32, #tpu.memory_space<vmem>>, vector<16xf32>,
      tpu.vector_store %arg15[%swap3A_242, %swap3A_243, %swap3A_244], %select_n3A_240 {strides = array<i32>} : memref<2x128x128xf32, #tpu.memory_space<vmem>>, vector<16xf32>,
      %get3A_246 = arith.constant 0 : i32
      %get3A_247 = arith.index_cast %get3A_246 : i32 to index
      %get3A_248 = arith.index_cast %scan3A_180 : i32 to index
      %get3A_249 = arith.constant 64 : index
      %get3A_250 = tpu.vector_load %arg15[%get3A_247, %get3A_248, %get3A_249] {strides = array<i32>} : memref<2x128x128xf32, #tpu.memory_space<vmem>>, vector<16xf32>,
      %get3A_251 = arith.constant 1 : i32
      %get3A_252 = arith.index_cast %get3A_251 : i32 to index
      %get3A_253 = arith.index_cast %scan3A_180 : i32 to index
      %get3A_254 = arith.constant 64 : index
      %get3A_255 = tpu.vector_load %arg15[%get3A_252, %get3A_253, %get3A_254] {strides = array<i32>} : memref<2x128x128xf32, #tpu.memory_space<vmem>>, vector<16xf32>,
      %select_n3A_256 = arith.select %gt3A_183, %get3A_250, %get3A_255 : vector<16xi1>, vector<16xf32>
      %swap3A_257 = arith.constant 0 : i32
      %swap3A_258 = arith.index_cast %swap3A_257 : i32 to index
      %swap3A_259 = arith.index_cast %scan3A_180 : i32 to index
      %swap3A_260 = arith.constant 64 : index
      %swap3A_261 = tpu.vector_load %arg15[%swap3A_258, %swap3A_259, %swap3A_260] {strides = array<i32>} : memref<2x128x128xf32, #tpu.memory_space<vmem>>, vector<16xf32>,
      tpu.vector_store %arg15[%swap3A_258, %swap3A_259, %swap3A_260], %select_n3A_256 {strides = array<i32>} : memref<2x128x128xf32, #tpu.memory_space<vmem>>, vector<16xf32>,
      %get3A_262 = arith.constant 0 : i32
      %get3A_263 = arith.index_cast %get3A_262 : i32 to index
      %get3A_264 = arith.index_cast %scan3A_180 : i32 to index
      %get3A_265 = arith.constant 80 : index
      %get3A_266 = tpu.vector_load %arg15[%get3A_263, %get3A_264, %get3A_265] {strides = array<i32>} : memref<2x128x128xf32, #tpu.memory_space<vmem>>, vector<16xf32>,
      %get3A_267 = arith.constant 1 : i32
      %get3A_268 = arith.index_cast %get3A_267 : i32 to index
      %get3A_269 = arith.index_cast %scan3A_180 : i32 to index
      %get3A_270 = arith.constant 80 : index
      %get3A_271 = tpu.vector_load %arg15[%get3A_268, %get3A_269, %get3A_270] {strides = array<i32>} : memref<2x128x128xf32, #tpu.memory_space<vmem>>, vector<16xf32>,
      %select_n3A_272 = arith.select %gt3A_183, %get3A_266, %get3A_271 : vector<16xi1>, vector<16xf32>
      %swap3A_273 = arith.constant 0 : i32
      %swap3A_274 = arith.index_cast %swap3A_273 : i32 to index
      %swap3A_275 = arith.index_cast %scan3A_180 : i32 to index
      %swap3A_276 = arith.constant 80 : index
      %swap3A_277 = tpu.vector_load %arg15[%swap3A_274, %swap3A_275, %swap3A_276] {strides = array<i32>} : memref<2x128x128xf32, #tpu.memory_space<vmem>>, vector<16xf32>,
      tpu.vector_store %arg15[%swap3A_274, %swap3A_275, %swap3A_276], %select_n3A_272 {strides = array<i32>} : memref<2x128x128xf32, #tpu.memory_space<vmem>>, vector<16xf32>,
      %get3A_278 = arith.constant 0 : i32
      %get3A_279 = arith.index_cast %get3A_278 : i32 to index
      %get3A_280 = arith.index_cast %scan3A_180 : i32 to index
      %get3A_281 = arith.constant 96 : index
      %get3A_282 = tpu.vector_load %arg15[%get3A_279, %get3A_280, %get3A_281] {strides = array<i32>} : memref<2x128x128xf32, #tpu.memory_space<vmem>>, vector<16xf32>,
      %get3A_283 = arith.constant 1 : i32
      %get3A_284 = arith.index_cast %get3A_283 : i32 to index
      %get3A_285 = arith.index_cast %scan3A_180 : i32 to index
      %get3A_286 = arith.constant 96 : index
      %get3A_287 = tpu.vector_load %arg15[%get3A_284, %get3A_285, %get3A_286] {strides = array<i32>} : memref<2x128x128xf32, #tpu.memory_space<vmem>>, vector<16xf32>,
      %select_n3A_288 = arith.select %gt3A_183, %get3A_282, %get3A_287 : vector<16xi1>, vector<16xf32>
      %swap3A_289 = arith.constant 0 : i32
      %swap3A_290 = arith.index_cast %swap3A_289 : i32 to index
      %swap3A_291 = arith.index_cast %scan3A_180 : i32 to index
      %swap3A_292 = arith.constant 96 : index
      %swap3A_293 = tpu.vector_load %arg15[%swap3A_290, %swap3A_291, %swap3A_292] {strides = array<i32>} : memref<2x128x128xf32, #tpu.memory_space<vmem>>, vector<16xf32>,
      tpu.vector_store %arg15[%swap3A_290, %swap3A_291, %swap3A_292], %select_n3A_288 {strides = array<i32>} : memref<2x128x128xf32, #tpu.memory_space<vmem>>, vector<16xf32>,
      %get3A_294 = arith.constant 0 : i32
      %get3A_295 = arith.index_cast %get3A_294 : i32 to index
      %get3A_296 = arith.index_cast %scan3A_180 : i32 to index
      %get3A_297 = arith.constant 112 : index
      %get3A_298 = tpu.vector_load %arg15[%get3A_295, %get3A_296, %get3A_297] {strides = array<i32>} : memref<2x128x128xf32, #tpu.memory_space<vmem>>, vector<16xf32>,
      %get3A_299 = arith.constant 1 : i32
      %get3A_300 = arith.index_cast %get3A_299 : i32 to index
      %get3A_301 = arith.index_cast %scan3A_180 : i32 to index
      %get3A_302 = arith.constant 112 : index
      %get3A_303 = tpu.vector_load %arg15[%get3A_300, %get3A_301, %get3A_302] {strides = array<i32>} : memref<2x128x128xf32, #tpu.memory_space<vmem>>, vector<16xf32>,
      %select_n3A_304 = arith.select %gt3A_183, %get3A_298, %get3A_303 : vector<16xi1>, vector<16xf32>
      %swap3A_305 = arith.constant 0 : i32
      %swap3A_306 = arith.index_cast %swap3A_305 : i32 to index
      %swap3A_307 = arith.index_cast %scan3A_180 : i32 to index
      %swap3A_308 = arith.constant 112 : index
      %swap3A_309 = tpu.vector_load %arg15[%swap3A_306, %swap3A_307, %swap3A_308] {strides = array<i32>} : memref<2x128x128xf32, #tpu.memory_space<vmem>>, vector<16xf32>,
      tpu.vector_store %arg15[%swap3A_306, %swap3A_307, %swap3A_308], %select_n3A_304 {strides = array<i32>} : memref<2x128x128xf32, #tpu.memory_space<vmem>>, vector<16xf32>,
    }
    %scan3A_125 = arith.constant 128 : i32
    %add3A_126 = arith.addi %mul3A_1, %add3A_117 : i32
    %run_scoped3A_127 = arith.constant 0 : i32
    "tpu.region"() ({
      %run_scoped3A_180 = tpu.sem_alloc : memref<!tpu.dma_semaphore, #tpu.memory_space<semaphore_mem>>
      %dma_start3A = arith.constant 0 : i32
      %dma_start3A_181 = arith.constant 0 : i32
      %dma_start3A_182 = tpu.memref_slice %arg15[%run_scoped3A_127, %dma_start3A, %dma_start3A_181] : memref<2x128x128xf32, #tpu.memory_space<vmem>> -> memref<1x128x128xf32, #tpu.memory_space<vmem>>
      %dma_start3A_183 = tpu.memref_squeeze %dma_start3A_182 : memref<1x128x128xf32, #tpu.memory_space<vmem>> -> memref<128x128xf32, #tpu.memory_space<vmem>>
      %dma_start3A_184 = arith.constant 0 : i32
      %dma_start3A_185 = tpu.memref_slice %arg8[%add3A_126, %dma_start3A_184] : memref<20224x128xf32, #tpu.memory_space<hbm>> -> memref<128x128xf32, #tpu.memory_space<hbm>>
      %dma_start3A_186 = arith.constant 0 : i32
      %dma_start3A_187 = tpu.memref_slice %arg8[%add3A_126, %dma_start3A_186] : memref<20224x128xf32, #tpu.memory_space<hbm>> -> memref<128x128xf32, #tpu.memory_space<hbm>>
      %dma_start3A_188 = arith.constant 0 : i32
      %dma_start3A_189 = arith.constant 0 : i32
      %dma_start3A_190 = tpu.memref_slice %arg15[%run_scoped3A_127, %dma_start3A_188, %dma_start3A_189] : memref<2x128x128xf32, #tpu.memory_space<vmem>> -> memref<1x128x128xf32, #tpu.memory_space<vmem>>
      %dma_start3A_191 = tpu.memref_squeeze %dma_start3A_190 : memref<1x128x128xf32, #tpu.memory_space<vmem>> -> memref<128x128xf32, #tpu.memory_space<vmem>>
      tpu.enqueue_dma source(%dma_start3A_191 : memref<128x128xf32, #tpu.memory_space<vmem>>) target(%dma_start3A_187 : memref<128x128xf32, #tpu.memory_space<hbm>>) target_semaphore(%run_scoped3A_180 : memref<!tpu.dma_semaphore, #tpu.memory_space<semaphore_mem>>)
      %dma_wait3A = arith.constant 0 : i32
      %dma_wait3A_192 = arith.constant 0 : i32
      %dma_wait3A_193 = tpu.memref_slice %arg15[%run_scoped3A_127, %dma_wait3A, %dma_wait3A_192] : memref<2x128x128xf32, #tpu.memory_space<vmem>> -> memref<1x128x128xf32, #tpu.memory_space<vmem>>
      %dma_wait3A_194 = tpu.memref_squeeze %dma_wait3A_193 : memref<1x128x128xf32, #tpu.memory_space<vmem>> -> memref<128x128xf32, #tpu.memory_space<vmem>>
      %dma_wait3A_195 = arith.constant 0 : i32
      %dma_wait3A_196 = tpu.memref_slice %arg8[%add3A_126, %dma_wait3A_195] : memref<20224x128xf32, #tpu.memory_space<hbm>> -> memref<128x128xf32, #tpu.memory_space<hbm>>
      %dma_wait3A_197 = arith.constant 0 : i32
      %dma_wait3A_198 = tpu.memref_slice %arg8[%add3A_126, %dma_wait3A_197] : memref<20224x128xf32, #tpu.memory_space<hbm>> -> memref<128x128xf32, #tpu.memory_space<hbm>>
      %dma_wait3A_199 = arith.constant 0 : i32
      %dma_wait3A_200 = arith.constant 0 : i32
      %dma_wait3A_201 = tpu.memref_slice %arg15[%run_scoped3A_127, %dma_wait3A_199, %dma_wait3A_200] : memref<2x128x128xf32, #tpu.memory_space<vmem>> -> memref<1x128x128xf32, #tpu.memory_space<vmem>>
      %dma_wait3A_202 = tpu.memref_squeeze %dma_wait3A_201 : memref<1x128x128xf32, #tpu.memory_space<vmem>> -> memref<128x128xf32, #tpu.memory_space<vmem>>
      tpu.wait_dma2 semaphore(%run_scoped3A_180 : memref<!tpu.dma_semaphore, #tpu.memory_space<semaphore_mem>>) src(%dma_wait3A_202 : memref<128x128xf32, #tpu.memory_space<vmem>>) dst(%dma_wait3A_198 : memref<128x128xf32, #tpu.memory_space<hbm>>)
      tpu.yield
    }) : () -> ()
    %mul3A_128 = arith.constant 632 : i32
    %mul3A_129 = arith.muli %arg1, %mul3A_128 : i32
    %add3A_130 = arith.constant 128 : i32
    %add3A_131 = arith.addi %mul3A_129, %add3A_130 : i32
    %run_scoped3A_132 = arith.constant 0 : i32
    "tpu.region"() ({
      %run_scoped3A_180 = tpu.sem_alloc : memref<!tpu.dma_semaphore, #tpu.memory_space<semaphore_mem>>
      %dma_start3A = arith.constant 0 : i32
      %dma_start3A_181 = arith.constant 0 : i32
      %dma_start3A_182 = tpu.memref_slice %arg15[%run_scoped3A_132, %dma_start3A, %dma_start3A_181] : memref<2x128x128xf32, #tpu.memory_space<vmem>> -> memref<1x128x128xf32, #tpu.memory_space<vmem>>
      %dma_start3A_183 = tpu.memref_squeeze %dma_start3A_182 : memref<1x128x128xf32, #tpu.memory_space<vmem>> -> memref<128x128xf32, #tpu.memory_space<vmem>>
      %dma_start3A_184 = arith.constant 0 : i32
      %dma_start3A_185 = tpu.memref_slice %arg9[%add3A_131, %dma_start3A_184] : memref<10112x128xf32, #tpu.memory_space<vmem_shared>> -> memref<128x128xf32, #tpu.memory_space<vmem_shared>>
      %dma_start3A_186 = arith.constant 0 : i32
      %dma_start3A_187 = arith.constant 0 : i32
      %dma_start3A_188 = tpu.memref_slice %arg15[%run_scoped3A_132, %dma_start3A_186, %dma_start3A_187] : memref<2x128x128xf32, #tpu.memory_space<vmem>> -> memref<1x128x128xf32, #tpu.memory_space<vmem>>
      %dma_start3A_189 = tpu.memref_squeeze %dma_start3A_188 : memref<1x128x128xf32, #tpu.memory_space<vmem>> -> memref<128x128xf32, #tpu.memory_space<vmem>>
      %dma_start3A_190 = arith.constant 0 : i32
      %dma_start3A_191 = tpu.memref_slice %arg9[%add3A_131, %dma_start3A_190] : memref<10112x128xf32, #tpu.memory_space<vmem_shared>> -> memref<128x128xf32, #tpu.memory_space<vmem_shared>>
      tpu.enqueue_dma source(%dma_start3A_191 : memref<128x128xf32, #tpu.memory_space<vmem_shared>>) target(%dma_start3A_189 : memref<128x128xf32, #tpu.memory_space<vmem>>) target_semaphore(%run_scoped3A_180 : memref<!tpu.dma_semaphore, #tpu.memory_space<semaphore_mem>>)
      %dma_wait3A = arith.constant 0 : i32
      %dma_wait3A_192 = arith.constant 0 : i32
      %dma_wait3A_193 = tpu.memref_slice %arg15[%run_scoped3A_132, %dma_wait3A, %dma_wait3A_192] : memref<2x128x128xf32, #tpu.memory_space<vmem>> -> memref<1x128x128xf32, #tpu.memory_space<vmem>>
      %dma_wait3A_194 = tpu.memref_squeeze %dma_wait3A_193 : memref<1x128x128xf32, #tpu.memory_space<vmem>> -> memref<128x128xf32, #tpu.memory_space<vmem>>
      %dma_wait3A_195 = arith.constant 0 : i32
      %dma_wait3A_196 = tpu.memref_slice %arg9[%add3A_131, %dma_wait3A_195] : memref<10112x128xf32, #tpu.memory_space<vmem_shared>> -> memref<128x128xf32, #tpu.memory_space<vmem_shared>>
      %dma_wait3A_197 = arith.constant 0 : i32
      %dma_wait3A_198 = arith.constant 0 : i32
      %dma_wait3A_199 = tpu.memref_slice %arg15[%run_scoped3A_132, %dma_wait3A_197, %dma_wait3A_198] : memref<2x128x128xf32, #tpu.memory_space<vmem>> -> memref<1x128x128xf32, #tpu.memory_space<vmem>>
      %dma_wait3A_200 = tpu.memref_squeeze %dma_wait3A_199 : memref<1x128x128xf32, #tpu.memory_space<vmem>> -> memref<128x128xf32, #tpu.memory_space<vmem>>
      %dma_wait3A_201 = arith.constant 0 : i32
      %dma_wait3A_202 = tpu.memref_slice %arg9[%add3A_131, %dma_wait3A_201] : memref<10112x128xf32, #tpu.memory_space<vmem_shared>> -> memref<128x128xf32, #tpu.memory_space<vmem_shared>>
      tpu.wait_dma2 semaphore(%run_scoped3A_180 : memref<!tpu.dma_semaphore, #tpu.memory_space<semaphore_mem>>) src(%dma_wait3A_202 : memref<128x128xf32, #tpu.memory_space<vmem_shared>>) dst(%dma_wait3A_200 : memref<128x128xf32, #tpu.memory_space<vmem>>)
      tpu.yield
    }) : () -> ()
    %add3A_133 = arith.addi %mul3A_1, %add3A_131 : i32
    %run_scoped3A_134 = arith.constant 1 : i32
    "tpu.region"() ({
      %run_scoped3A_180 = tpu.sem_alloc : memref<!tpu.dma_semaphore, #tpu.memory_space<semaphore_mem>>
      %dma_start3A = arith.constant 0 : i32
      %dma_start3A_181 = arith.constant 0 : i32
      %dma_start3A_182 = tpu.memref_slice %arg15[%run_scoped3A_134, %dma_start3A, %dma_start3A_181] : memref<2x128x128xf32, #tpu.memory_space<vmem>> -> memref<1x128x128xf32, #tpu.memory_space<vmem>>
      %dma_start3A_183 = tpu.memref_squeeze %dma_start3A_182 : memref<1x128x128xf32, #tpu.memory_space<vmem>> -> memref<128x128xf32, #tpu.memory_space<vmem>>
      %dma_start3A_184 = arith.constant 0 : i32
      %dma_start3A_185 = tpu.memref_slice %arg3[%add3A_133, %dma_start3A_184] : memref<20224x128xf32, #tpu.memory_space<hbm>> -> memref<128x128xf32, #tpu.memory_space<hbm>>
      %dma_start3A_186 = arith.constant 0 : i32
      %dma_start3A_187 = arith.constant 0 : i32
      %dma_start3A_188 = tpu.memref_slice %arg15[%run_scoped3A_134, %dma_start3A_186, %dma_start3A_187] : memref<2x128x128xf32, #tpu.memory_space<vmem>> -> memref<1x128x128xf32, #tpu.memory_space<vmem>>
      %dma_start3A_189 = tpu.memref_squeeze %dma_start3A_188 : memref<1x128x128xf32, #tpu.memory_space<vmem>> -> memref<128x128xf32, #tpu.memory_space<vmem>>
      %dma_start3A_190 = arith.constant 0 : i32
      %dma_start3A_191 = tpu.memref_slice %arg3[%add3A_133, %dma_start3A_190] : memref<20224x128xf32, #tpu.memory_space<hbm>> -> memref<128x128xf32, #tpu.memory_space<hbm>>
      tpu.enqueue_dma source(%dma_start3A_191 : memref<128x128xf32, #tpu.memory_space<hbm>>) target(%dma_start3A_189 : memref<128x128xf32, #tpu.memory_space<vmem>>) target_semaphore(%run_scoped3A_180 : memref<!tpu.dma_semaphore, #tpu.memory_space<semaphore_mem>>)
      %dma_wait3A = arith.constant 0 : i32
      %dma_wait3A_192 = arith.constant 0 : i32
      %dma_wait3A_193 = tpu.memref_slice %arg15[%run_scoped3A_134, %dma_wait3A, %dma_wait3A_192] : memref<2x128x128xf32, #tpu.memory_space<vmem>> -> memref<1x128x128xf32, #tpu.memory_space<vmem>>
      %dma_wait3A_194 = tpu.memref_squeeze %dma_wait3A_193 : memref<1x128x128xf32, #tpu.memory_space<vmem>> -> memref<128x128xf32, #tpu.memory_space<vmem>>
      %dma_wait3A_195 = arith.constant 0 : i32
      %dma_wait3A_196 = tpu.memref_slice %arg3[%add3A_133, %dma_wait3A_195] : memref<20224x128xf32, #tpu.memory_space<hbm>> -> memref<128x128xf32, #tpu.memory_space<hbm>>
      %dma_wait3A_197 = arith.constant 0 : i32
      %dma_wait3A_198 = arith.constant 0 : i32
      %dma_wait3A_199 = tpu.memref_slice %arg15[%run_scoped3A_134, %dma_wait3A_197, %dma_wait3A_198] : memref<2x128x128xf32, #tpu.memory_space<vmem>> -> memref<1x128x128xf32, #tpu.memory_space<vmem>>
      %dma_wait3A_200 = tpu.memref_squeeze %dma_wait3A_199 : memref<1x128x128xf32, #tpu.memory_space<vmem>> -> memref<128x128xf32, #tpu.memory_space<vmem>>
      %dma_wait3A_201 = arith.constant 0 : i32
      %dma_wait3A_202 = tpu.memref_slice %arg3[%add3A_133, %dma_wait3A_201] : memref<20224x128xf32, #tpu.memory_space<hbm>> -> memref<128x128xf32, #tpu.memory_space<hbm>>
      tpu.wait_dma2 semaphore(%run_scoped3A_180 : memref<!tpu.dma_semaphore, #tpu.memory_space<semaphore_mem>>) src(%dma_wait3A_202 : memref<128x128xf32, #tpu.memory_space<hbm>>) dst(%dma_wait3A_200 : memref<128x128xf32, #tpu.memory_space<vmem>>)
      tpu.yield
    }) : () -> ()
    "tpu.region"() ({
      %run_scoped3A_180 = tpu.sem_alloc : memref<!tpu.dma_semaphore, #tpu.memory_space<semaphore_mem>>
      %dma_start3A = arith.constant 0 : i32
      %dma_start3A_181 = tpu.memref_slice %arg20[%dma_start3A] : memref<128xf32, #tpu.memory_space<vmem>> -> memref<128xf32, #tpu.memory_space<vmem>>
      %dma_start3A_182 = tpu.memref_slice %arg10[%add3A_131] : memref<10112xf32, #tpu.memory_space<vmem_shared>> -> memref<128xf32, #tpu.memory_space<vmem_shared>>
      %dma_start3A_183 = arith.constant 0 : i32
      %dma_start3A_184 = tpu.memref_slice %arg20[%dma_start3A_183] : memref<128xf32, #tpu.memory_space<vmem>> -> memref<128xf32, #tpu.memory_space<vmem>>
      %dma_start3A_185 = tpu.memref_slice %arg10[%add3A_131] : memref<10112xf32, #tpu.memory_space<vmem_shared>> -> memref<128xf32, #tpu.memory_space<vmem_shared>>
      tpu.enqueue_dma source(%dma_start3A_185 : memref<128xf32, #tpu.memory_space<vmem_shared>>) target(%dma_start3A_184 : memref<128xf32, #tpu.memory_space<vmem>>) target_semaphore(%run_scoped3A_180 : memref<!tpu.dma_semaphore, #tpu.memory_space<semaphore_mem>>)
      %dma_wait3A = arith.constant 0 : i32
      %dma_wait3A_186 = tpu.memref_slice %arg20[%dma_wait3A] : memref<128xf32, #tpu.memory_space<vmem>> -> memref<128xf32, #tpu.memory_space<vmem>>
      %dma_wait3A_187 = tpu.memref_slice %arg10[%add3A_131] : memref<10112xf32, #tpu.memory_space<vmem_shared>> -> memref<128xf32, #tpu.memory_space<vmem_shared>>
      %dma_wait3A_188 = arith.constant 0 : i32
      %dma_wait3A_189 = tpu.memref_slice %arg20[%dma_wait3A_188] : memref<128xf32, #tpu.memory_space<vmem>> -> memref<128xf32, #tpu.memory_space<vmem>>
      %dma_wait3A_190 = tpu.memref_slice %arg10[%add3A_131] : memref<10112xf32, #tpu.memory_space<vmem_shared>> -> memref<128xf32, #tpu.memory_space<vmem_shared>>
      tpu.wait_dma2 semaphore(%run_scoped3A_180 : memref<!tpu.dma_semaphore, #tpu.memory_space<semaphore_mem>>) src(%dma_wait3A_190 : memref<128xf32, #tpu.memory_space<vmem_shared>>) dst(%dma_wait3A_189 : memref<128xf32, #tpu.memory_space<vmem>>)
      tpu.yield
    }) : () -> ()
    %scan3A_135 = arith.constant 0 : i32
    %scan3A_136 = arith.constant 128 : i32
    %scan3A_137 = arith.addi %scan3A_135, %scan3A_136 : i32
    %scan3A_138 = arith.constant 1 : i32
    scf.for %scan3A_180 = %scan3A_135 to %scan3A_137 step %scan3A_138  : i32 {
      %broadcast_in_dim3A_181 = vector.broadcast %scan3A_180 : i32 to vector<16xi32>
      %gather3A = tpu.vector_load_idx %arg20[%broadcast_in_dim3A_181] : memref<128xf32, #tpu.memory_space<vmem>>[vector<16xi32>], vector<16xf32>,
      %gt3A = arith.constant 0.000000e+00 : f32
      %gt3A_182 = vector.broadcast %gt3A : f32 to vector<16xf32>
      %gt3A_183 = arith.cmpf ogt, %gather3A, %gt3A_182 : vector<16xf32>
      %get3A = arith.constant 0 : i32
      %get3A_184 = arith.index_cast %get3A : i32 to index
      %get3A_185 = arith.index_cast %scan3A_180 : i32 to index
      %get3A_186 = arith.constant 0 : index
      %get3A_187 = tpu.vector_load %arg15[%get3A_184, %get3A_185, %get3A_186] {strides = array<i32>} : memref<2x128x128xf32, #tpu.memory_space<vmem>>, vector<16xf32>,
      %get3A_188 = arith.constant 1 : i32
      %get3A_189 = arith.index_cast %get3A_188 : i32 to index
      %get3A_190 = arith.index_cast %scan3A_180 : i32 to index
      %get3A_191 = arith.constant 0 : index
      %get3A_192 = tpu.vector_load %arg15[%get3A_189, %get3A_190, %get3A_191] {strides = array<i32>} : memref<2x128x128xf32, #tpu.memory_space<vmem>>, vector<16xf32>,
      %select_n3A = arith.select %gt3A_183, %get3A_187, %get3A_192 : vector<16xi1>, vector<16xf32>
      %swap3A_193 = arith.constant 0 : i32
      %swap3A_194 = arith.index_cast %swap3A_193 : i32 to index
      %swap3A_195 = arith.index_cast %scan3A_180 : i32 to index
      %swap3A_196 = arith.constant 0 : index
      %swap3A_197 = tpu.vector_load %arg15[%swap3A_194, %swap3A_195, %swap3A_196] {strides = array<i32>} : memref<2x128x128xf32, #tpu.memory_space<vmem>>, vector<16xf32>,
      tpu.vector_store %arg15[%swap3A_194, %swap3A_195, %swap3A_196], %select_n3A {strides = array<i32>} : memref<2x128x128xf32, #tpu.memory_space<vmem>>, vector<16xf32>,
      %get3A_198 = arith.constant 0 : i32
      %get3A_199 = arith.index_cast %get3A_198 : i32 to index
      %get3A_200 = arith.index_cast %scan3A_180 : i32 to index
      %get3A_201 = arith.constant 16 : index
      %get3A_202 = tpu.vector_load %arg15[%get3A_199, %get3A_200, %get3A_201] {strides = array<i32>} : memref<2x128x128xf32, #tpu.memory_space<vmem>>, vector<16xf32>,
      %get3A_203 = arith.constant 1 : i32
      %get3A_204 = arith.index_cast %get3A_203 : i32 to index
      %get3A_205 = arith.index_cast %scan3A_180 : i32 to index
      %get3A_206 = arith.constant 16 : index
      %get3A_207 = tpu.vector_load %arg15[%get3A_204, %get3A_205, %get3A_206] {strides = array<i32>} : memref<2x128x128xf32, #tpu.memory_space<vmem>>, vector<16xf32>,
      %select_n3A_208 = arith.select %gt3A_183, %get3A_202, %get3A_207 : vector<16xi1>, vector<16xf32>
      %swap3A_209 = arith.constant 0 : i32
      %swap3A_210 = arith.index_cast %swap3A_209 : i32 to index
      %swap3A_211 = arith.index_cast %scan3A_180 : i32 to index
      %swap3A_212 = arith.constant 16 : index
      %swap3A_213 = tpu.vector_load %arg15[%swap3A_210, %swap3A_211, %swap3A_212] {strides = array<i32>} : memref<2x128x128xf32, #tpu.memory_space<vmem>>, vector<16xf32>,
      tpu.vector_store %arg15[%swap3A_210, %swap3A_211, %swap3A_212], %select_n3A_208 {strides = array<i32>} : memref<2x128x128xf32, #tpu.memory_space<vmem>>, vector<16xf32>,
      %get3A_214 = arith.constant 0 : i32
      %get3A_215 = arith.index_cast %get3A_214 : i32 to index
      %get3A_216 = arith.index_cast %scan3A_180 : i32 to index
      %get3A_217 = arith.constant 32 : index
      %get3A_218 = tpu.vector_load %arg15[%get3A_215, %get3A_216, %get3A_217] {strides = array<i32>} : memref<2x128x128xf32, #tpu.memory_space<vmem>>, vector<16xf32>,
      %get3A_219 = arith.constant 1 : i32
      %get3A_220 = arith.index_cast %get3A_219 : i32 to index
      %get3A_221 = arith.index_cast %scan3A_180 : i32 to index
      %get3A_222 = arith.constant 32 : index
      %get3A_223 = tpu.vector_load %arg15[%get3A_220, %get3A_221, %get3A_222] {strides = array<i32>} : memref<2x128x128xf32, #tpu.memory_space<vmem>>, vector<16xf32>,
      %select_n3A_224 = arith.select %gt3A_183, %get3A_218, %get3A_223 : vector<16xi1>, vector<16xf32>
      %swap3A_225 = arith.constant 0 : i32
      %swap3A_226 = arith.index_cast %swap3A_225 : i32 to index
      %swap3A_227 = arith.index_cast %scan3A_180 : i32 to index
      %swap3A_228 = arith.constant 32 : index
      %swap3A_229 = tpu.vector_load %arg15[%swap3A_226, %swap3A_227, %swap3A_228] {strides = array<i32>} : memref<2x128x128xf32, #tpu.memory_space<vmem>>, vector<16xf32>,
      tpu.vector_store %arg15[%swap3A_226, %swap3A_227, %swap3A_228], %select_n3A_224 {strides = array<i32>} : memref<2x128x128xf32, #tpu.memory_space<vmem>>, vector<16xf32>,
      %get3A_230 = arith.constant 0 : i32
      %get3A_231 = arith.index_cast %get3A_230 : i32 to index
      %get3A_232 = arith.index_cast %scan3A_180 : i32 to index
      %get3A_233 = arith.constant 48 : index
      %get3A_234 = tpu.vector_load %arg15[%get3A_231, %get3A_232, %get3A_233] {strides = array<i32>} : memref<2x128x128xf32, #tpu.memory_space<vmem>>, vector<16xf32>,
      %get3A_235 = arith.constant 1 : i32
      %get3A_236 = arith.index_cast %get3A_235 : i32 to index
      %get3A_237 = arith.index_cast %scan3A_180 : i32 to index
      %get3A_238 = arith.constant 48 : index
      %get3A_239 = tpu.vector_load %arg15[%get3A_236, %get3A_237, %get3A_238] {strides = array<i32>} : memref<2x128x128xf32, #tpu.memory_space<vmem>>, vector<16xf32>,
      %select_n3A_240 = arith.select %gt3A_183, %get3A_234, %get3A_239 : vector<16xi1>, vector<16xf32>
      %swap3A_241 = arith.constant 0 : i32
      %swap3A_242 = arith.index_cast %swap3A_241 : i32 to index
      %swap3A_243 = arith.index_cast %scan3A_180 : i32 to index
      %swap3A_244 = arith.constant 48 : index
      %swap3A_245 = tpu.vector_load %arg15[%swap3A_242, %swap3A_243, %swap3A_244] {strides = array<i32>} : memref<2x128x128xf32, #tpu.memory_space<vmem>>, vector<16xf32>,
      tpu.vector_store %arg15[%swap3A_242, %swap3A_243, %swap3A_244], %select_n3A_240 {strides = array<i32>} : memref<2x128x128xf32, #tpu.memory_space<vmem>>, vector<16xf32>,
      %get3A_246 = arith.constant 0 : i32
      %get3A_247 = arith.index_cast %get3A_246 : i32 to index
      %get3A_248 = arith.index_cast %scan3A_180 : i32 to index
      %get3A_249 = arith.constant 64 : index
      %get3A_250 = tpu.vector_load %arg15[%get3A_247, %get3A_248, %get3A_249] {strides = array<i32>} : memref<2x128x128xf32, #tpu.memory_space<vmem>>, vector<16xf32>,
      %get3A_251 = arith.constant 1 : i32
      %get3A_252 = arith.index_cast %get3A_251 : i32 to index
      %get3A_253 = arith.index_cast %scan3A_180 : i32 to index
      %get3A_254 = arith.constant 64 : index
      %get3A_255 = tpu.vector_load %arg15[%get3A_252, %get3A_253, %get3A_254] {strides = array<i32>} : memref<2x128x128xf32, #tpu.memory_space<vmem>>, vector<16xf32>,
      %select_n3A_256 = arith.select %gt3A_183, %get3A_250, %get3A_255 : vector<16xi1>, vector<16xf32>
      %swap3A_257 = arith.constant 0 : i32
      %swap3A_258 = arith.index_cast %swap3A_257 : i32 to index
      %swap3A_259 = arith.index_cast %scan3A_180 : i32 to index
      %swap3A_260 = arith.constant 64 : index
      %swap3A_261 = tpu.vector_load %arg15[%swap3A_258, %swap3A_259, %swap3A_260] {strides = array<i32>} : memref<2x128x128xf32, #tpu.memory_space<vmem>>, vector<16xf32>,
      tpu.vector_store %arg15[%swap3A_258, %swap3A_259, %swap3A_260], %select_n3A_256 {strides = array<i32>} : memref<2x128x128xf32, #tpu.memory_space<vmem>>, vector<16xf32>,
      %get3A_262 = arith.constant 0 : i32
      %get3A_263 = arith.index_cast %get3A_262 : i32 to index
      %get3A_264 = arith.index_cast %scan3A_180 : i32 to index
      %get3A_265 = arith.constant 80 : index
      %get3A_266 = tpu.vector_load %arg15[%get3A_263, %get3A_264, %get3A_265] {strides = array<i32>} : memref<2x128x128xf32, #tpu.memory_space<vmem>>, vector<16xf32>,
      %get3A_267 = arith.constant 1 : i32
      %get3A_268 = arith.index_cast %get3A_267 : i32 to index
      %get3A_269 = arith.index_cast %scan3A_180 : i32 to index
      %get3A_270 = arith.constant 80 : index
      %get3A_271 = tpu.vector_load %arg15[%get3A_268, %get3A_269, %get3A_270] {strides = array<i32>} : memref<2x128x128xf32, #tpu.memory_space<vmem>>, vector<16xf32>,
      %select_n3A_272 = arith.select %gt3A_183, %get3A_266, %get3A_271 : vector<16xi1>, vector<16xf32>
      %swap3A_273 = arith.constant 0 : i32
      %swap3A_274 = arith.index_cast %swap3A_273 : i32 to index
      %swap3A_275 = arith.index_cast %scan3A_180 : i32 to index
      %swap3A_276 = arith.constant 80 : index
      %swap3A_277 = tpu.vector_load %arg15[%swap3A_274, %swap3A_275, %swap3A_276] {strides = array<i32>} : memref<2x128x128xf32, #tpu.memory_space<vmem>>, vector<16xf32>,
      tpu.vector_store %arg15[%swap3A_274, %swap3A_275, %swap3A_276], %select_n3A_272 {strides = array<i32>} : memref<2x128x128xf32, #tpu.memory_space<vmem>>, vector<16xf32>,
      %get3A_278 = arith.constant 0 : i32
      %get3A_279 = arith.index_cast %get3A_278 : i32 to index
      %get3A_280 = arith.index_cast %scan3A_180 : i32 to index
      %get3A_281 = arith.constant 96 : index
      %get3A_282 = tpu.vector_load %arg15[%get3A_279, %get3A_280, %get3A_281] {strides = array<i32>} : memref<2x128x128xf32, #tpu.memory_space<vmem>>, vector<16xf32>,
      %get3A_283 = arith.constant 1 : i32
      %get3A_284 = arith.index_cast %get3A_283 : i32 to index
      %get3A_285 = arith.index_cast %scan3A_180 : i32 to index
      %get3A_286 = arith.constant 96 : index
      %get3A_287 = tpu.vector_load %arg15[%get3A_284, %get3A_285, %get3A_286] {strides = array<i32>} : memref<2x128x128xf32, #tpu.memory_space<vmem>>, vector<16xf32>,
      %select_n3A_288 = arith.select %gt3A_183, %get3A_282, %get3A_287 : vector<16xi1>, vector<16xf32>
      %swap3A_289 = arith.constant 0 : i32
      %swap3A_290 = arith.index_cast %swap3A_289 : i32 to index
      %swap3A_291 = arith.index_cast %scan3A_180 : i32 to index
      %swap3A_292 = arith.constant 96 : index
      %swap3A_293 = tpu.vector_load %arg15[%swap3A_290, %swap3A_291, %swap3A_292] {strides = array<i32>} : memref<2x128x128xf32, #tpu.memory_space<vmem>>, vector<16xf32>,
      tpu.vector_store %arg15[%swap3A_290, %swap3A_291, %swap3A_292], %select_n3A_288 {strides = array<i32>} : memref<2x128x128xf32, #tpu.memory_space<vmem>>, vector<16xf32>,
      %get3A_294 = arith.constant 0 : i32
      %get3A_295 = arith.index_cast %get3A_294 : i32 to index
      %get3A_296 = arith.index_cast %scan3A_180 : i32 to index
      %get3A_297 = arith.constant 112 : index
      %get3A_298 = tpu.vector_load %arg15[%get3A_295, %get3A_296, %get3A_297] {strides = array<i32>} : memref<2x128x128xf32, #tpu.memory_space<vmem>>, vector<16xf32>,
      %get3A_299 = arith.constant 1 : i32
      %get3A_300 = arith.index_cast %get3A_299 : i32 to index
      %get3A_301 = arith.index_cast %scan3A_180 : i32 to index
      %get3A_302 = arith.constant 112 : index
      %get3A_303 = tpu.vector_load %arg15[%get3A_300, %get3A_301, %get3A_302] {strides = array<i32>} : memref<2x128x128xf32, #tpu.memory_space<vmem>>, vector<16xf32>,
      %select_n3A_304 = arith.select %gt3A_183, %get3A_298, %get3A_303 : vector<16xi1>, vector<16xf32>
      %swap3A_305 = arith.constant 0 : i32
      %swap3A_306 = arith.index_cast %swap3A_305 : i32 to index
      %swap3A_307 = arith.index_cast %scan3A_180 : i32 to index
      %swap3A_308 = arith.constant 112 : index
      %swap3A_309 = tpu.vector_load %arg15[%swap3A_306, %swap3A_307, %swap3A_308] {strides = array<i32>} : memref<2x128x128xf32, #tpu.memory_space<vmem>>, vector<16xf32>,
      tpu.vector_store %arg15[%swap3A_306, %swap3A_307, %swap3A_308], %select_n3A_304 {strides = array<i32>} : memref<2x128x128xf32, #tpu.memory_space<vmem>>, vector<16xf32>,
    }
    %scan3A_139 = arith.constant 128 : i32
    %add3A_140 = arith.addi %mul3A_1, %add3A_131 : i32
    %run_scoped3A_141 = arith.constant 0 : i32
    "tpu.region"() ({
      %run_scoped3A_180 = tpu.sem_alloc : memref<!tpu.dma_semaphore, #tpu.memory_space<semaphore_mem>>
      %dma_start3A = arith.constant 0 : i32
      %dma_start3A_181 = arith.constant 0 : i32
      %dma_start3A_182 = tpu.memref_slice %arg15[%run_scoped3A_141, %dma_start3A, %dma_start3A_181] : memref<2x128x128xf32, #tpu.memory_space<vmem>> -> memref<1x128x128xf32, #tpu.memory_space<vmem>>
      %dma_start3A_183 = tpu.memref_squeeze %dma_start3A_182 : memref<1x128x128xf32, #tpu.memory_space<vmem>> -> memref<128x128xf32, #tpu.memory_space<vmem>>
      %dma_start3A_184 = arith.constant 0 : i32
      %dma_start3A_185 = tpu.memref_slice %arg8[%add3A_140, %dma_start3A_184] : memref<20224x128xf32, #tpu.memory_space<hbm>> -> memref<128x128xf32, #tpu.memory_space<hbm>>
      %dma_start3A_186 = arith.constant 0 : i32
      %dma_start3A_187 = tpu.memref_slice %arg8[%add3A_140, %dma_start3A_186] : memref<20224x128xf32, #tpu.memory_space<hbm>> -> memref<128x128xf32, #tpu.memory_space<hbm>>
      %dma_start3A_188 = arith.constant 0 : i32
      %dma_start3A_189 = arith.constant 0 : i32
      %dma_start3A_190 = tpu.memref_slice %arg15[%run_scoped3A_141, %dma_start3A_188, %dma_start3A_189] : memref<2x128x128xf32, #tpu.memory_space<vmem>> -> memref<1x128x128xf32, #tpu.memory_space<vmem>>
      %dma_start3A_191 = tpu.memref_squeeze %dma_start3A_190 : memref<1x128x128xf32, #tpu.memory_space<vmem>> -> memref<128x128xf32, #tpu.memory_space<vmem>>
      tpu.enqueue_dma source(%dma_start3A_191 : memref<128x128xf32, #tpu.memory_space<vmem>>) target(%dma_start3A_187 : memref<128x128xf32, #tpu.memory_space<hbm>>) target_semaphore(%run_scoped3A_180 : memref<!tpu.dma_semaphore, #tpu.memory_space<semaphore_mem>>)
      %dma_wait3A = arith.constant 0 : i32
      %dma_wait3A_192 = arith.constant 0 : i32
      %dma_wait3A_193 = tpu.memref_slice %arg15[%run_scoped3A_141, %dma_wait3A, %dma_wait3A_192] : memref<2x128x128xf32, #tpu.memory_space<vmem>> -> memref<1x128x128xf32, #tpu.memory_space<vmem>>
      %dma_wait3A_194 = tpu.memref_squeeze %dma_wait3A_193 : memref<1x128x128xf32, #tpu.memory_space<vmem>> -> memref<128x128xf32, #tpu.memory_space<vmem>>
      %dma_wait3A_195 = arith.constant 0 : i32
      %dma_wait3A_196 = tpu.memref_slice %arg8[%add3A_140, %dma_wait3A_195] : memref<20224x128xf32, #tpu.memory_space<hbm>> -> memref<128x128xf32, #tpu.memory_space<hbm>>
      %dma_wait3A_197 = arith.constant 0 : i32
      %dma_wait3A_198 = tpu.memref_slice %arg8[%add3A_140, %dma_wait3A_197] : memref<20224x128xf32, #tpu.memory_space<hbm>> -> memref<128x128xf32, #tpu.memory_space<hbm>>
      %dma_wait3A_199 = arith.constant 0 : i32
      %dma_wait3A_200 = arith.constant 0 : i32
      %dma_wait3A_201 = tpu.memref_slice %arg15[%run_scoped3A_141, %dma_wait3A_199, %dma_wait3A_200] : memref<2x128x128xf32, #tpu.memory_space<vmem>> -> memref<1x128x128xf32, #tpu.memory_space<vmem>>
      %dma_wait3A_202 = tpu.memref_squeeze %dma_wait3A_201 : memref<1x128x128xf32, #tpu.memory_space<vmem>> -> memref<128x128xf32, #tpu.memory_space<vmem>>
      tpu.wait_dma2 semaphore(%run_scoped3A_180 : memref<!tpu.dma_semaphore, #tpu.memory_space<semaphore_mem>>) src(%dma_wait3A_202 : memref<128x128xf32, #tpu.memory_space<vmem>>) dst(%dma_wait3A_198 : memref<128x128xf32, #tpu.memory_space<hbm>>)
      tpu.yield
    }) : () -> ()
    %mul3A_142 = arith.constant 632 : i32
    %mul3A_143 = arith.muli %arg1, %mul3A_142 : i32
    %add3A_144 = arith.constant 256 : i32
    %add3A_145 = arith.addi %mul3A_143, %add3A_144 : i32
    %run_scoped3A_146 = arith.constant 0 : i32
    "tpu.region"() ({
      %run_scoped3A_180 = tpu.sem_alloc : memref<!tpu.dma_semaphore, #tpu.memory_space<semaphore_mem>>
      %dma_start3A = arith.constant 0 : i32
      %dma_start3A_181 = arith.constant 0 : i32
      %dma_start3A_182 = tpu.memref_slice %arg15[%run_scoped3A_146, %dma_start3A, %dma_start3A_181] : memref<2x128x128xf32, #tpu.memory_space<vmem>> -> memref<1x128x128xf32, #tpu.memory_space<vmem>>
      %dma_start3A_183 = tpu.memref_squeeze %dma_start3A_182 : memref<1x128x128xf32, #tpu.memory_space<vmem>> -> memref<128x128xf32, #tpu.memory_space<vmem>>
      %dma_start3A_184 = arith.constant 0 : i32
      %dma_start3A_185 = tpu.memref_slice %arg9[%add3A_145, %dma_start3A_184] : memref<10112x128xf32, #tpu.memory_space<vmem_shared>> -> memref<128x128xf32, #tpu.memory_space<vmem_shared>>
      %dma_start3A_186 = arith.constant 0 : i32
      %dma_start3A_187 = arith.constant 0 : i32
      %dma_start3A_188 = tpu.memref_slice %arg15[%run_scoped3A_146, %dma_start3A_186, %dma_start3A_187] : memref<2x128x128xf32, #tpu.memory_space<vmem>> -> memref<1x128x128xf32, #tpu.memory_space<vmem>>
      %dma_start3A_189 = tpu.memref_squeeze %dma_start3A_188 : memref<1x128x128xf32, #tpu.memory_space<vmem>> -> memref<128x128xf32, #tpu.memory_space<vmem>>
      %dma_start3A_190 = arith.constant 0 : i32
      %dma_start3A_191 = tpu.memref_slice %arg9[%add3A_145, %dma_start3A_190] : memref<10112x128xf32, #tpu.memory_space<vmem_shared>> -> memref<128x128xf32, #tpu.memory_space<vmem_shared>>
      tpu.enqueue_dma source(%dma_start3A_191 : memref<128x128xf32, #tpu.memory_space<vmem_shared>>) target(%dma_start3A_189 : memref<128x128xf32, #tpu.memory_space<vmem>>) target_semaphore(%run_scoped3A_180 : memref<!tpu.dma_semaphore, #tpu.memory_space<semaphore_mem>>)
      %dma_wait3A = arith.constant 0 : i32
      %dma_wait3A_192 = arith.constant 0 : i32
      %dma_wait3A_193 = tpu.memref_slice %arg15[%run_scoped3A_146, %dma_wait3A, %dma_wait3A_192] : memref<2x128x128xf32, #tpu.memory_space<vmem>> -> memref<1x128x128xf32, #tpu.memory_space<vmem>>
      %dma_wait3A_194 = tpu.memref_squeeze %dma_wait3A_193 : memref<1x128x128xf32, #tpu.memory_space<vmem>> -> memref<128x128xf32, #tpu.memory_space<vmem>>
      %dma_wait3A_195 = arith.constant 0 : i32
      %dma_wait3A_196 = tpu.memref_slice %arg9[%add3A_145, %dma_wait3A_195] : memref<10112x128xf32, #tpu.memory_space<vmem_shared>> -> memref<128x128xf32, #tpu.memory_space<vmem_shared>>
      %dma_wait3A_197 = arith.constant 0 : i32
      %dma_wait3A_198 = arith.constant 0 : i32
      %dma_wait3A_199 = tpu.memref_slice %arg15[%run_scoped3A_146, %dma_wait3A_197, %dma_wait3A_198] : memref<2x128x128xf32, #tpu.memory_space<vmem>> -> memref<1x128x128xf32, #tpu.memory_space<vmem>>
      %dma_wait3A_200 = tpu.memref_squeeze %dma_wait3A_199 : memref<1x128x128xf32, #tpu.memory_space<vmem>> -> memref<128x128xf32, #tpu.memory_space<vmem>>
      %dma_wait3A_201 = arith.constant 0 : i32
      %dma_wait3A_202 = tpu.memref_slice %arg9[%add3A_145, %dma_wait3A_201] : memref<10112x128xf32, #tpu.memory_space<vmem_shared>> -> memref<128x128xf32, #tpu.memory_space<vmem_shared>>
      tpu.wait_dma2 semaphore(%run_scoped3A_180 : memref<!tpu.dma_semaphore, #tpu.memory_space<semaphore_mem>>) src(%dma_wait3A_202 : memref<128x128xf32, #tpu.memory_space<vmem_shared>>) dst(%dma_wait3A_200 : memref<128x128xf32, #tpu.memory_space<vmem>>)
      tpu.yield
    }) : () -> ()
    %add3A_147 = arith.addi %mul3A_1, %add3A_145 : i32
    %run_scoped3A_148 = arith.constant 1 : i32
    "tpu.region"() ({
      %run_scoped3A_180 = tpu.sem_alloc : memref<!tpu.dma_semaphore, #tpu.memory_space<semaphore_mem>>
      %dma_start3A = arith.constant 0 : i32
      %dma_start3A_181 = arith.constant 0 : i32
      %dma_start3A_182 = tpu.memref_slice %arg15[%run_scoped3A_148, %dma_start3A, %dma_start3A_181] : memref<2x128x128xf32, #tpu.memory_space<vmem>> -> memref<1x128x128xf32, #tpu.memory_space<vmem>>
      %dma_start3A_183 = tpu.memref_squeeze %dma_start3A_182 : memref<1x128x128xf32, #tpu.memory_space<vmem>> -> memref<128x128xf32, #tpu.memory_space<vmem>>
      %dma_start3A_184 = arith.constant 0 : i32
      %dma_start3A_185 = tpu.memref_slice %arg3[%add3A_147, %dma_start3A_184] : memref<20224x128xf32, #tpu.memory_space<hbm>> -> memref<128x128xf32, #tpu.memory_space<hbm>>
      %dma_start3A_186 = arith.constant 0 : i32
      %dma_start3A_187 = arith.constant 0 : i32
      %dma_start3A_188 = tpu.memref_slice %arg15[%run_scoped3A_148, %dma_start3A_186, %dma_start3A_187] : memref<2x128x128xf32, #tpu.memory_space<vmem>> -> memref<1x128x128xf32, #tpu.memory_space<vmem>>
      %dma_start3A_189 = tpu.memref_squeeze %dma_start3A_188 : memref<1x128x128xf32, #tpu.memory_space<vmem>> -> memref<128x128xf32, #tpu.memory_space<vmem>>
      %dma_start3A_190 = arith.constant 0 : i32
      %dma_start3A_191 = tpu.memref_slice %arg3[%add3A_147, %dma_start3A_190] : memref<20224x128xf32, #tpu.memory_space<hbm>> -> memref<128x128xf32, #tpu.memory_space<hbm>>
      tpu.enqueue_dma source(%dma_start3A_191 : memref<128x128xf32, #tpu.memory_space<hbm>>) target(%dma_start3A_189 : memref<128x128xf32, #tpu.memory_space<vmem>>) target_semaphore(%run_scoped3A_180 : memref<!tpu.dma_semaphore, #tpu.memory_space<semaphore_mem>>)
      %dma_wait3A = arith.constant 0 : i32
      %dma_wait3A_192 = arith.constant 0 : i32
      %dma_wait3A_193 = tpu.memref_slice %arg15[%run_scoped3A_148, %dma_wait3A, %dma_wait3A_192] : memref<2x128x128xf32, #tpu.memory_space<vmem>> -> memref<1x128x128xf32, #tpu.memory_space<vmem>>
      %dma_wait3A_194 = tpu.memref_squeeze %dma_wait3A_193 : memref<1x128x128xf32, #tpu.memory_space<vmem>> -> memref<128x128xf32, #tpu.memory_space<vmem>>
      %dma_wait3A_195 = arith.constant 0 : i32
      %dma_wait3A_196 = tpu.memref_slice %arg3[%add3A_147, %dma_wait3A_195] : memref<20224x128xf32, #tpu.memory_space<hbm>> -> memref<128x128xf32, #tpu.memory_space<hbm>>
      %dma_wait3A_197 = arith.constant 0 : i32
      %dma_wait3A_198 = arith.constant 0 : i32
      %dma_wait3A_199 = tpu.memref_slice %arg15[%run_scoped3A_148, %dma_wait3A_197, %dma_wait3A_198] : memref<2x128x128xf32, #tpu.memory_space<vmem>> -> memref<1x128x128xf32, #tpu.memory_space<vmem>>
      %dma_wait3A_200 = tpu.memref_squeeze %dma_wait3A_199 : memref<1x128x128xf32, #tpu.memory_space<vmem>> -> memref<128x128xf32, #tpu.memory_space<vmem>>
      %dma_wait3A_201 = arith.constant 0 : i32
      %dma_wait3A_202 = tpu.memref_slice %arg3[%add3A_147, %dma_wait3A_201] : memref<20224x128xf32, #tpu.memory_space<hbm>> -> memref<128x128xf32, #tpu.memory_space<hbm>>
      tpu.wait_dma2 semaphore(%run_scoped3A_180 : memref<!tpu.dma_semaphore, #tpu.memory_space<semaphore_mem>>) src(%dma_wait3A_202 : memref<128x128xf32, #tpu.memory_space<hbm>>) dst(%dma_wait3A_200 : memref<128x128xf32, #tpu.memory_space<vmem>>)
      tpu.yield
    }) : () -> ()
    "tpu.region"() ({
      %run_scoped3A_180 = tpu.sem_alloc : memref<!tpu.dma_semaphore, #tpu.memory_space<semaphore_mem>>
      %dma_start3A = arith.constant 0 : i32
      %dma_start3A_181 = tpu.memref_slice %arg20[%dma_start3A] : memref<128xf32, #tpu.memory_space<vmem>> -> memref<128xf32, #tpu.memory_space<vmem>>
      %dma_start3A_182 = tpu.memref_slice %arg10[%add3A_145] : memref<10112xf32, #tpu.memory_space<vmem_shared>> -> memref<128xf32, #tpu.memory_space<vmem_shared>>
      %dma_start3A_183 = arith.constant 0 : i32
      %dma_start3A_184 = tpu.memref_slice %arg20[%dma_start3A_183] : memref<128xf32, #tpu.memory_space<vmem>> -> memref<128xf32, #tpu.memory_space<vmem>>
      %dma_start3A_185 = tpu.memref_slice %arg10[%add3A_145] : memref<10112xf32, #tpu.memory_space<vmem_shared>> -> memref<128xf32, #tpu.memory_space<vmem_shared>>
      tpu.enqueue_dma source(%dma_start3A_185 : memref<128xf32, #tpu.memory_space<vmem_shared>>) target(%dma_start3A_184 : memref<128xf32, #tpu.memory_space<vmem>>) target_semaphore(%run_scoped3A_180 : memref<!tpu.dma_semaphore, #tpu.memory_space<semaphore_mem>>)
      %dma_wait3A = arith.constant 0 : i32
      %dma_wait3A_186 = tpu.memref_slice %arg20[%dma_wait3A] : memref<128xf32, #tpu.memory_space<vmem>> -> memref<128xf32, #tpu.memory_space<vmem>>
      %dma_wait3A_187 = tpu.memref_slice %arg10[%add3A_145] : memref<10112xf32, #tpu.memory_space<vmem_shared>> -> memref<128xf32, #tpu.memory_space<vmem_shared>>
      %dma_wait3A_188 = arith.constant 0 : i32
      %dma_wait3A_189 = tpu.memref_slice %arg20[%dma_wait3A_188] : memref<128xf32, #tpu.memory_space<vmem>> -> memref<128xf32, #tpu.memory_space<vmem>>
      %dma_wait3A_190 = tpu.memref_slice %arg10[%add3A_145] : memref<10112xf32, #tpu.memory_space<vmem_shared>> -> memref<128xf32, #tpu.memory_space<vmem_shared>>
      tpu.wait_dma2 semaphore(%run_scoped3A_180 : memref<!tpu.dma_semaphore, #tpu.memory_space<semaphore_mem>>) src(%dma_wait3A_190 : memref<128xf32, #tpu.memory_space<vmem_shared>>) dst(%dma_wait3A_189 : memref<128xf32, #tpu.memory_space<vmem>>)
      tpu.yield
    }) : () -> ()
    %scan3A_149 = arith.constant 0 : i32
    %scan3A_150 = arith.constant 128 : i32
    %scan3A_151 = arith.addi %scan3A_149, %scan3A_150 : i32
    %scan3A_152 = arith.constant 1 : i32
    scf.for %scan3A_180 = %scan3A_149 to %scan3A_151 step %scan3A_152  : i32 {
      %broadcast_in_dim3A_181 = vector.broadcast %scan3A_180 : i32 to vector<16xi32>
      %gather3A = tpu.vector_load_idx %arg20[%broadcast_in_dim3A_181] : memref<128xf32, #tpu.memory_space<vmem>>[vector<16xi32>], vector<16xf32>,
      %gt3A = arith.constant 0.000000e+00 : f32
      %gt3A_182 = vector.broadcast %gt3A : f32 to vector<16xf32>
      %gt3A_183 = arith.cmpf ogt, %gather3A, %gt3A_182 : vector<16xf32>
      %get3A = arith.constant 0 : i32
      %get3A_184 = arith.index_cast %get3A : i32 to index
      %get3A_185 = arith.index_cast %scan3A_180 : i32 to index
      %get3A_186 = arith.constant 0 : index
      %get3A_187 = tpu.vector_load %arg15[%get3A_184, %get3A_185, %get3A_186] {strides = array<i32>} : memref<2x128x128xf32, #tpu.memory_space<vmem>>, vector<16xf32>,
      %get3A_188 = arith.constant 1 : i32
      %get3A_189 = arith.index_cast %get3A_188 : i32 to index
      %get3A_190 = arith.index_cast %scan3A_180 : i32 to index
      %get3A_191 = arith.constant 0 : index
      %get3A_192 = tpu.vector_load %arg15[%get3A_189, %get3A_190, %get3A_191] {strides = array<i32>} : memref<2x128x128xf32, #tpu.memory_space<vmem>>, vector<16xf32>,
      %select_n3A = arith.select %gt3A_183, %get3A_187, %get3A_192 : vector<16xi1>, vector<16xf32>
      %swap3A_193 = arith.constant 0 : i32
      %swap3A_194 = arith.index_cast %swap3A_193 : i32 to index
      %swap3A_195 = arith.index_cast %scan3A_180 : i32 to index
      %swap3A_196 = arith.constant 0 : index
      %swap3A_197 = tpu.vector_load %arg15[%swap3A_194, %swap3A_195, %swap3A_196] {strides = array<i32>} : memref<2x128x128xf32, #tpu.memory_space<vmem>>, vector<16xf32>,
      tpu.vector_store %arg15[%swap3A_194, %swap3A_195, %swap3A_196], %select_n3A {strides = array<i32>} : memref<2x128x128xf32, #tpu.memory_space<vmem>>, vector<16xf32>,
      %get3A_198 = arith.constant 0 : i32
      %get3A_199 = arith.index_cast %get3A_198 : i32 to index
      %get3A_200 = arith.index_cast %scan3A_180 : i32 to index
      %get3A_201 = arith.constant 16 : index
      %get3A_202 = tpu.vector_load %arg15[%get3A_199, %get3A_200, %get3A_201] {strides = array<i32>} : memref<2x128x128xf32, #tpu.memory_space<vmem>>, vector<16xf32>,
      %get3A_203 = arith.constant 1 : i32
      %get3A_204 = arith.index_cast %get3A_203 : i32 to index
      %get3A_205 = arith.index_cast %scan3A_180 : i32 to index
      %get3A_206 = arith.constant 16 : index
      %get3A_207 = tpu.vector_load %arg15[%get3A_204, %get3A_205, %get3A_206] {strides = array<i32>} : memref<2x128x128xf32, #tpu.memory_space<vmem>>, vector<16xf32>,
      %select_n3A_208 = arith.select %gt3A_183, %get3A_202, %get3A_207 : vector<16xi1>, vector<16xf32>
      %swap3A_209 = arith.constant 0 : i32
      %swap3A_210 = arith.index_cast %swap3A_209 : i32 to index
      %swap3A_211 = arith.index_cast %scan3A_180 : i32 to index
      %swap3A_212 = arith.constant 16 : index
      %swap3A_213 = tpu.vector_load %arg15[%swap3A_210, %swap3A_211, %swap3A_212] {strides = array<i32>} : memref<2x128x128xf32, #tpu.memory_space<vmem>>, vector<16xf32>,
      tpu.vector_store %arg15[%swap3A_210, %swap3A_211, %swap3A_212], %select_n3A_208 {strides = array<i32>} : memref<2x128x128xf32, #tpu.memory_space<vmem>>, vector<16xf32>,
      %get3A_214 = arith.constant 0 : i32
      %get3A_215 = arith.index_cast %get3A_214 : i32 to index
      %get3A_216 = arith.index_cast %scan3A_180 : i32 to index
      %get3A_217 = arith.constant 32 : index
      %get3A_218 = tpu.vector_load %arg15[%get3A_215, %get3A_216, %get3A_217] {strides = array<i32>} : memref<2x128x128xf32, #tpu.memory_space<vmem>>, vector<16xf32>,
      %get3A_219 = arith.constant 1 : i32
      %get3A_220 = arith.index_cast %get3A_219 : i32 to index
      %get3A_221 = arith.index_cast %scan3A_180 : i32 to index
      %get3A_222 = arith.constant 32 : index
      %get3A_223 = tpu.vector_load %arg15[%get3A_220, %get3A_221, %get3A_222] {strides = array<i32>} : memref<2x128x128xf32, #tpu.memory_space<vmem>>, vector<16xf32>,
      %select_n3A_224 = arith.select %gt3A_183, %get3A_218, %get3A_223 : vector<16xi1>, vector<16xf32>
      %swap3A_225 = arith.constant 0 : i32
      %swap3A_226 = arith.index_cast %swap3A_225 : i32 to index
      %swap3A_227 = arith.index_cast %scan3A_180 : i32 to index
      %swap3A_228 = arith.constant 32 : index
      %swap3A_229 = tpu.vector_load %arg15[%swap3A_226, %swap3A_227, %swap3A_228] {strides = array<i32>} : memref<2x128x128xf32, #tpu.memory_space<vmem>>, vector<16xf32>,
      tpu.vector_store %arg15[%swap3A_226, %swap3A_227, %swap3A_228], %select_n3A_224 {strides = array<i32>} : memref<2x128x128xf32, #tpu.memory_space<vmem>>, vector<16xf32>,
      %get3A_230 = arith.constant 0 : i32
      %get3A_231 = arith.index_cast %get3A_230 : i32 to index
      %get3A_232 = arith.index_cast %scan3A_180 : i32 to index
      %get3A_233 = arith.constant 48 : index
      %get3A_234 = tpu.vector_load %arg15[%get3A_231, %get3A_232, %get3A_233] {strides = array<i32>} : memref<2x128x128xf32, #tpu.memory_space<vmem>>, vector<16xf32>,
      %get3A_235 = arith.constant 1 : i32
      %get3A_236 = arith.index_cast %get3A_235 : i32 to index
      %get3A_237 = arith.index_cast %scan3A_180 : i32 to index
      %get3A_238 = arith.constant 48 : index
      %get3A_239 = tpu.vector_load %arg15[%get3A_236, %get3A_237, %get3A_238] {strides = array<i32>} : memref<2x128x128xf32, #tpu.memory_space<vmem>>, vector<16xf32>,
      %select_n3A_240 = arith.select %gt3A_183, %get3A_234, %get3A_239 : vector<16xi1>, vector<16xf32>
      %swap3A_241 = arith.constant 0 : i32
      %swap3A_242 = arith.index_cast %swap3A_241 : i32 to index
      %swap3A_243 = arith.index_cast %scan3A_180 : i32 to index
      %swap3A_244 = arith.constant 48 : index
      %swap3A_245 = tpu.vector_load %arg15[%swap3A_242, %swap3A_243, %swap3A_244] {strides = array<i32>} : memref<2x128x128xf32, #tpu.memory_space<vmem>>, vector<16xf32>,
      tpu.vector_store %arg15[%swap3A_242, %swap3A_243, %swap3A_244], %select_n3A_240 {strides = array<i32>} : memref<2x128x128xf32, #tpu.memory_space<vmem>>, vector<16xf32>,
      %get3A_246 = arith.constant 0 : i32
      %get3A_247 = arith.index_cast %get3A_246 : i32 to index
      %get3A_248 = arith.index_cast %scan3A_180 : i32 to index
      %get3A_249 = arith.constant 64 : index
      %get3A_250 = tpu.vector_load %arg15[%get3A_247, %get3A_248, %get3A_249] {strides = array<i32>} : memref<2x128x128xf32, #tpu.memory_space<vmem>>, vector<16xf32>,
      %get3A_251 = arith.constant 1 : i32
      %get3A_252 = arith.index_cast %get3A_251 : i32 to index
      %get3A_253 = arith.index_cast %scan3A_180 : i32 to index
      %get3A_254 = arith.constant 64 : index
      %get3A_255 = tpu.vector_load %arg15[%get3A_252, %get3A_253, %get3A_254] {strides = array<i32>} : memref<2x128x128xf32, #tpu.memory_space<vmem>>, vector<16xf32>,
      %select_n3A_256 = arith.select %gt3A_183, %get3A_250, %get3A_255 : vector<16xi1>, vector<16xf32>
      %swap3A_257 = arith.constant 0 : i32
      %swap3A_258 = arith.index_cast %swap3A_257 : i32 to index
      %swap3A_259 = arith.index_cast %scan3A_180 : i32 to index
      %swap3A_260 = arith.constant 64 : index
      %swap3A_261 = tpu.vector_load %arg15[%swap3A_258, %swap3A_259, %swap3A_260] {strides = array<i32>} : memref<2x128x128xf32, #tpu.memory_space<vmem>>, vector<16xf32>,
      tpu.vector_store %arg15[%swap3A_258, %swap3A_259, %swap3A_260], %select_n3A_256 {strides = array<i32>} : memref<2x128x128xf32, #tpu.memory_space<vmem>>, vector<16xf32>,
      %get3A_262 = arith.constant 0 : i32
      %get3A_263 = arith.index_cast %get3A_262 : i32 to index
      %get3A_264 = arith.index_cast %scan3A_180 : i32 to index
      %get3A_265 = arith.constant 80 : index
      %get3A_266 = tpu.vector_load %arg15[%get3A_263, %get3A_264, %get3A_265] {strides = array<i32>} : memref<2x128x128xf32, #tpu.memory_space<vmem>>, vector<16xf32>,
      %get3A_267 = arith.constant 1 : i32
      %get3A_268 = arith.index_cast %get3A_267 : i32 to index
      %get3A_269 = arith.index_cast %scan3A_180 : i32 to index
      %get3A_270 = arith.constant 80 : index
      %get3A_271 = tpu.vector_load %arg15[%get3A_268, %get3A_269, %get3A_270] {strides = array<i32>} : memref<2x128x128xf32, #tpu.memory_space<vmem>>, vector<16xf32>,
      %select_n3A_272 = arith.select %gt3A_183, %get3A_266, %get3A_271 : vector<16xi1>, vector<16xf32>
      %swap3A_273 = arith.constant 0 : i32
      %swap3A_274 = arith.index_cast %swap3A_273 : i32 to index
      %swap3A_275 = arith.index_cast %scan3A_180 : i32 to index
      %swap3A_276 = arith.constant 80 : index
      %swap3A_277 = tpu.vector_load %arg15[%swap3A_274, %swap3A_275, %swap3A_276] {strides = array<i32>} : memref<2x128x128xf32, #tpu.memory_space<vmem>>, vector<16xf32>,
      tpu.vector_store %arg15[%swap3A_274, %swap3A_275, %swap3A_276], %select_n3A_272 {strides = array<i32>} : memref<2x128x128xf32, #tpu.memory_space<vmem>>, vector<16xf32>,
      %get3A_278 = arith.constant 0 : i32
      %get3A_279 = arith.index_cast %get3A_278 : i32 to index
      %get3A_280 = arith.index_cast %scan3A_180 : i32 to index
      %get3A_281 = arith.constant 96 : index
      %get3A_282 = tpu.vector_load %arg15[%get3A_279, %get3A_280, %get3A_281] {strides = array<i32>} : memref<2x128x128xf32, #tpu.memory_space<vmem>>, vector<16xf32>,
      %get3A_283 = arith.constant 1 : i32
      %get3A_284 = arith.index_cast %get3A_283 : i32 to index
      %get3A_285 = arith.index_cast %scan3A_180 : i32 to index
      %get3A_286 = arith.constant 96 : index
      %get3A_287 = tpu.vector_load %arg15[%get3A_284, %get3A_285, %get3A_286] {strides = array<i32>} : memref<2x128x128xf32, #tpu.memory_space<vmem>>, vector<16xf32>,
      %select_n3A_288 = arith.select %gt3A_183, %get3A_282, %get3A_287 : vector<16xi1>, vector<16xf32>
      %swap3A_289 = arith.constant 0 : i32
      %swap3A_290 = arith.index_cast %swap3A_289 : i32 to index
      %swap3A_291 = arith.index_cast %scan3A_180 : i32 to index
      %swap3A_292 = arith.constant 96 : index
      %swap3A_293 = tpu.vector_load %arg15[%swap3A_290, %swap3A_291, %swap3A_292] {strides = array<i32>} : memref<2x128x128xf32, #tpu.memory_space<vmem>>, vector<16xf32>,
      tpu.vector_store %arg15[%swap3A_290, %swap3A_291, %swap3A_292], %select_n3A_288 {strides = array<i32>} : memref<2x128x128xf32, #tpu.memory_space<vmem>>, vector<16xf32>,
      %get3A_294 = arith.constant 0 : i32
      %get3A_295 = arith.index_cast %get3A_294 : i32 to index
      %get3A_296 = arith.index_cast %scan3A_180 : i32 to index
      %get3A_297 = arith.constant 112 : index
      %get3A_298 = tpu.vector_load %arg15[%get3A_295, %get3A_296, %get3A_297] {strides = array<i32>} : memref<2x128x128xf32, #tpu.memory_space<vmem>>, vector<16xf32>,
      %get3A_299 = arith.constant 1 : i32
      %get3A_300 = arith.index_cast %get3A_299 : i32 to index
      %get3A_301 = arith.index_cast %scan3A_180 : i32 to index
      %get3A_302 = arith.constant 112 : index
      %get3A_303 = tpu.vector_load %arg15[%get3A_300, %get3A_301, %get3A_302] {strides = array<i32>} : memref<2x128x128xf32, #tpu.memory_space<vmem>>, vector<16xf32>,
      %select_n3A_304 = arith.select %gt3A_183, %get3A_298, %get3A_303 : vector<16xi1>, vector<16xf32>
      %swap3A_305 = arith.constant 0 : i32
      %swap3A_306 = arith.index_cast %swap3A_305 : i32 to index
      %swap3A_307 = arith.index_cast %scan3A_180 : i32 to index
      %swap3A_308 = arith.constant 112 : index
      %swap3A_309 = tpu.vector_load %arg15[%swap3A_306, %swap3A_307, %swap3A_308] {strides = array<i32>} : memref<2x128x128xf32, #tpu.memory_space<vmem>>, vector<16xf32>,
      tpu.vector_store %arg15[%swap3A_306, %swap3A_307, %swap3A_308], %select_n3A_304 {strides = array<i32>} : memref<2x128x128xf32, #tpu.memory_space<vmem>>, vector<16xf32>,
    }
    %scan3A_153 = arith.constant 128 : i32
    %add3A_154 = arith.addi %mul3A_1, %add3A_145 : i32
    %run_scoped3A_155 = arith.constant 0 : i32
    "tpu.region"() ({
      %run_scoped3A_180 = tpu.sem_alloc : memref<!tpu.dma_semaphore, #tpu.memory_space<semaphore_mem>>
      %dma_start3A = arith.constant 0 : i32
      %dma_start3A_181 = arith.constant 0 : i32
      %dma_start3A_182 = tpu.memref_slice %arg15[%run_scoped3A_155, %dma_start3A, %dma_start3A_181] : memref<2x128x128xf32, #tpu.memory_space<vmem>> -> memref<1x128x128xf32, #tpu.memory_space<vmem>>
      %dma_start3A_183 = tpu.memref_squeeze %dma_start3A_182 : memref<1x128x128xf32, #tpu.memory_space<vmem>> -> memref<128x128xf32, #tpu.memory_space<vmem>>
      %dma_start3A_184 = arith.constant 0 : i32
      %dma_start3A_185 = tpu.memref_slice %arg8[%add3A_154, %dma_start3A_184] : memref<20224x128xf32, #tpu.memory_space<hbm>> -> memref<128x128xf32, #tpu.memory_space<hbm>>
      %dma_start3A_186 = arith.constant 0 : i32
      %dma_start3A_187 = tpu.memref_slice %arg8[%add3A_154, %dma_start3A_186] : memref<20224x128xf32, #tpu.memory_space<hbm>> -> memref<128x128xf32, #tpu.memory_space<hbm>>
      %dma_start3A_188 = arith.constant 0 : i32
      %dma_start3A_189 = arith.constant 0 : i32
      %dma_start3A_190 = tpu.memref_slice %arg15[%run_scoped3A_155, %dma_start3A_188, %dma_start3A_189] : memref<2x128x128xf32, #tpu.memory_space<vmem>> -> memref<1x128x128xf32, #tpu.memory_space<vmem>>
      %dma_start3A_191 = tpu.memref_squeeze %dma_start3A_190 : memref<1x128x128xf32, #tpu.memory_space<vmem>> -> memref<128x128xf32, #tpu.memory_space<vmem>>
      tpu.enqueue_dma source(%dma_start3A_191 : memref<128x128xf32, #tpu.memory_space<vmem>>) target(%dma_start3A_187 : memref<128x128xf32, #tpu.memory_space<hbm>>) target_semaphore(%run_scoped3A_180 : memref<!tpu.dma_semaphore, #tpu.memory_space<semaphore_mem>>)
      %dma_wait3A = arith.constant 0 : i32
      %dma_wait3A_192 = arith.constant 0 : i32
      %dma_wait3A_193 = tpu.memref_slice %arg15[%run_scoped3A_155, %dma_wait3A, %dma_wait3A_192] : memref<2x128x128xf32, #tpu.memory_space<vmem>> -> memref<1x128x128xf32, #tpu.memory_space<vmem>>
      %dma_wait3A_194 = tpu.memref_squeeze %dma_wait3A_193 : memref<1x128x128xf32, #tpu.memory_space<vmem>> -> memref<128x128xf32, #tpu.memory_space<vmem>>
      %dma_wait3A_195 = arith.constant 0 : i32
      %dma_wait3A_196 = tpu.memref_slice %arg8[%add3A_154, %dma_wait3A_195] : memref<20224x128xf32, #tpu.memory_space<hbm>> -> memref<128x128xf32, #tpu.memory_space<hbm>>
      %dma_wait3A_197 = arith.constant 0 : i32
      %dma_wait3A_198 = tpu.memref_slice %arg8[%add3A_154, %dma_wait3A_197] : memref<20224x128xf32, #tpu.memory_space<hbm>> -> memref<128x128xf32, #tpu.memory_space<hbm>>
      %dma_wait3A_199 = arith.constant 0 : i32
      %dma_wait3A_200 = arith.constant 0 : i32
      %dma_wait3A_201 = tpu.memref_slice %arg15[%run_scoped3A_155, %dma_wait3A_199, %dma_wait3A_200] : memref<2x128x128xf32, #tpu.memory_space<vmem>> -> memref<1x128x128xf32, #tpu.memory_space<vmem>>
      %dma_wait3A_202 = tpu.memref_squeeze %dma_wait3A_201 : memref<1x128x128xf32, #tpu.memory_space<vmem>> -> memref<128x128xf32, #tpu.memory_space<vmem>>
      tpu.wait_dma2 semaphore(%run_scoped3A_180 : memref<!tpu.dma_semaphore, #tpu.memory_space<semaphore_mem>>) src(%dma_wait3A_202 : memref<128x128xf32, #tpu.memory_space<vmem>>) dst(%dma_wait3A_198 : memref<128x128xf32, #tpu.memory_space<hbm>>)
      tpu.yield
    }) : () -> ()
    %mul3A_156 = arith.constant 632 : i32
    %mul3A_157 = arith.muli %arg1, %mul3A_156 : i32
    %add3A_158 = arith.constant 384 : i32
    %add3A_159 = arith.addi %mul3A_157, %add3A_158 : i32
    %run_scoped3A_160 = arith.constant 0 : i32
    "tpu.region"() ({
      %run_scoped3A_180 = tpu.sem_alloc : memref<!tpu.dma_semaphore, #tpu.memory_space<semaphore_mem>>
      %dma_start3A = arith.constant 0 : i32
      %dma_start3A_181 = arith.constant 0 : i32
      %dma_start3A_182 = tpu.memref_slice %arg15[%run_scoped3A_160, %dma_start3A, %dma_start3A_181] : memref<2x128x128xf32, #tpu.memory_space<vmem>> -> memref<1x128x128xf32, #tpu.memory_space<vmem>>
      %dma_start3A_183 = tpu.memref_squeeze %dma_start3A_182 : memref<1x128x128xf32, #tpu.memory_space<vmem>> -> memref<128x128xf32, #tpu.memory_space<vmem>>
      %dma_start3A_184 = arith.constant 0 : i32
      %dma_start3A_185 = tpu.memref_slice %arg9[%add3A_159, %dma_start3A_184] : memref<10112x128xf32, #tpu.memory_space<vmem_shared>> -> memref<128x128xf32, #tpu.memory_space<vmem_shared>>
      %dma_start3A_186 = arith.constant 0 : i32
      %dma_start3A_187 = arith.constant 0 : i32
      %dma_start3A_188 = tpu.memref_slice %arg15[%run_scoped3A_160, %dma_start3A_186, %dma_start3A_187] : memref<2x128x128xf32, #tpu.memory_space<vmem>> -> memref<1x128x128xf32, #tpu.memory_space<vmem>>
      %dma_start3A_189 = tpu.memref_squeeze %dma_start3A_188 : memref<1x128x128xf32, #tpu.memory_space<vmem>> -> memref<128x128xf32, #tpu.memory_space<vmem>>
      %dma_start3A_190 = arith.constant 0 : i32
      %dma_start3A_191 = tpu.memref_slice %arg9[%add3A_159, %dma_start3A_190] : memref<10112x128xf32, #tpu.memory_space<vmem_shared>> -> memref<128x128xf32, #tpu.memory_space<vmem_shared>>
      tpu.enqueue_dma source(%dma_start3A_191 : memref<128x128xf32, #tpu.memory_space<vmem_shared>>) target(%dma_start3A_189 : memref<128x128xf32, #tpu.memory_space<vmem>>) target_semaphore(%run_scoped3A_180 : memref<!tpu.dma_semaphore, #tpu.memory_space<semaphore_mem>>)
      %dma_wait3A = arith.constant 0 : i32
      %dma_wait3A_192 = arith.constant 0 : i32
      %dma_wait3A_193 = tpu.memref_slice %arg15[%run_scoped3A_160, %dma_wait3A, %dma_wait3A_192] : memref<2x128x128xf32, #tpu.memory_space<vmem>> -> memref<1x128x128xf32, #tpu.memory_space<vmem>>
      %dma_wait3A_194 = tpu.memref_squeeze %dma_wait3A_193 : memref<1x128x128xf32, #tpu.memory_space<vmem>> -> memref<128x128xf32, #tpu.memory_space<vmem>>
      %dma_wait3A_195 = arith.constant 0 : i32
      %dma_wait3A_196 = tpu.memref_slice %arg9[%add3A_159, %dma_wait3A_195] : memref<10112x128xf32, #tpu.memory_space<vmem_shared>> -> memref<128x128xf32, #tpu.memory_space<vmem_shared>>
      %dma_wait3A_197 = arith.constant 0 : i32
      %dma_wait3A_198 = arith.constant 0 : i32
      %dma_wait3A_199 = tpu.memref_slice %arg15[%run_scoped3A_160, %dma_wait3A_197, %dma_wait3A_198] : memref<2x128x128xf32, #tpu.memory_space<vmem>> -> memref<1x128x128xf32, #tpu.memory_space<vmem>>
      %dma_wait3A_200 = tpu.memref_squeeze %dma_wait3A_199 : memref<1x128x128xf32, #tpu.memory_space<vmem>> -> memref<128x128xf32, #tpu.memory_space<vmem>>
      %dma_wait3A_201 = arith.constant 0 : i32
      %dma_wait3A_202 = tpu.memref_slice %arg9[%add3A_159, %dma_wait3A_201] : memref<10112x128xf32, #tpu.memory_space<vmem_shared>> -> memref<128x128xf32, #tpu.memory_space<vmem_shared>>
      tpu.wait_dma2 semaphore(%run_scoped3A_180 : memref<!tpu.dma_semaphore, #tpu.memory_space<semaphore_mem>>) src(%dma_wait3A_202 : memref<128x128xf32, #tpu.memory_space<vmem_shared>>) dst(%dma_wait3A_200 : memref<128x128xf32, #tpu.memory_space<vmem>>)
      tpu.yield
    }) : () -> ()
    %add3A_161 = arith.addi %mul3A_1, %add3A_159 : i32
    %run_scoped3A_162 = arith.constant 1 : i32
    "tpu.region"() ({
      %run_scoped3A_180 = tpu.sem_alloc : memref<!tpu.dma_semaphore, #tpu.memory_space<semaphore_mem>>
      %dma_start3A = arith.constant 0 : i32
      %dma_start3A_181 = arith.constant 0 : i32
      %dma_start3A_182 = tpu.memref_slice %arg15[%run_scoped3A_162, %dma_start3A, %dma_start3A_181] : memref<2x128x128xf32, #tpu.memory_space<vmem>> -> memref<1x128x128xf32, #tpu.memory_space<vmem>>
      %dma_start3A_183 = tpu.memref_squeeze %dma_start3A_182 : memref<1x128x128xf32, #tpu.memory_space<vmem>> -> memref<128x128xf32, #tpu.memory_space<vmem>>
      %dma_start3A_184 = arith.constant 0 : i32
      %dma_start3A_185 = tpu.memref_slice %arg3[%add3A_161, %dma_start3A_184] : memref<20224x128xf32, #tpu.memory_space<hbm>> -> memref<128x128xf32, #tpu.memory_space<hbm>>
      %dma_start3A_186 = arith.constant 0 : i32
      %dma_start3A_187 = arith.constant 0 : i32
      %dma_start3A_188 = tpu.memref_slice %arg15[%run_scoped3A_162, %dma_start3A_186, %dma_start3A_187] : memref<2x128x128xf32, #tpu.memory_space<vmem>> -> memref<1x128x128xf32, #tpu.memory_space<vmem>>
      %dma_start3A_189 = tpu.memref_squeeze %dma_start3A_188 : memref<1x128x128xf32, #tpu.memory_space<vmem>> -> memref<128x128xf32, #tpu.memory_space<vmem>>
      %dma_start3A_190 = arith.constant 0 : i32
      %dma_start3A_191 = tpu.memref_slice %arg3[%add3A_161, %dma_start3A_190] : memref<20224x128xf32, #tpu.memory_space<hbm>> -> memref<128x128xf32, #tpu.memory_space<hbm>>
      tpu.enqueue_dma source(%dma_start3A_191 : memref<128x128xf32, #tpu.memory_space<hbm>>) target(%dma_start3A_189 : memref<128x128xf32, #tpu.memory_space<vmem>>) target_semaphore(%run_scoped3A_180 : memref<!tpu.dma_semaphore, #tpu.memory_space<semaphore_mem>>)
      %dma_wait3A = arith.constant 0 : i32
      %dma_wait3A_192 = arith.constant 0 : i32
      %dma_wait3A_193 = tpu.memref_slice %arg15[%run_scoped3A_162, %dma_wait3A, %dma_wait3A_192] : memref<2x128x128xf32, #tpu.memory_space<vmem>> -> memref<1x128x128xf32, #tpu.memory_space<vmem>>
      %dma_wait3A_194 = tpu.memref_squeeze %dma_wait3A_193 : memref<1x128x128xf32, #tpu.memory_space<vmem>> -> memref<128x128xf32, #tpu.memory_space<vmem>>
      %dma_wait3A_195 = arith.constant 0 : i32
      %dma_wait3A_196 = tpu.memref_slice %arg3[%add3A_161, %dma_wait3A_195] : memref<20224x128xf32, #tpu.memory_space<hbm>> -> memref<128x128xf32, #tpu.memory_space<hbm>>
      %dma_wait3A_197 = arith.constant 0 : i32
      %dma_wait3A_198 = arith.constant 0 : i32
      %dma_wait3A_199 = tpu.memref_slice %arg15[%run_scoped3A_162, %dma_wait3A_197, %dma_wait3A_198] : memref<2x128x128xf32, #tpu.memory_space<vmem>> -> memref<1x128x128xf32, #tpu.memory_space<vmem>>
      %dma_wait3A_200 = tpu.memref_squeeze %dma_wait3A_199 : memref<1x128x128xf32, #tpu.memory_space<vmem>> -> memref<128x128xf32, #tpu.memory_space<vmem>>
      %dma_wait3A_201 = arith.constant 0 : i32
      %dma_wait3A_202 = tpu.memref_slice %arg3[%add3A_161, %dma_wait3A_201] : memref<20224x128xf32, #tpu.memory_space<hbm>> -> memref<128x128xf32, #tpu.memory_space<hbm>>
      tpu.wait_dma2 semaphore(%run_scoped3A_180 : memref<!tpu.dma_semaphore, #tpu.memory_space<semaphore_mem>>) src(%dma_wait3A_202 : memref<128x128xf32, #tpu.memory_space<hbm>>) dst(%dma_wait3A_200 : memref<128x128xf32, #tpu.memory_space<vmem>>)
      tpu.yield
    }) : () -> ()
    "tpu.region"() ({
      %run_scoped3A_180 = tpu.sem_alloc : memref<!tpu.dma_semaphore, #tpu.memory_space<semaphore_mem>>
      %dma_start3A = arith.constant 0 : i32
      %dma_start3A_181 = tpu.memref_slice %arg20[%dma_start3A] : memref<128xf32, #tpu.memory_space<vmem>> -> memref<128xf32, #tpu.memory_space<vmem>>
      %dma_start3A_182 = tpu.memref_slice %arg10[%add3A_159] : memref<10112xf32, #tpu.memory_space<vmem_shared>> -> memref<128xf32, #tpu.memory_space<vmem_shared>>
      %dma_start3A_183 = arith.constant 0 : i32
      %dma_start3A_184 = tpu.memref_slice %arg20[%dma_start3A_183] : memref<128xf32, #tpu.memory_space<vmem>> -> memref<128xf32, #tpu.memory_space<vmem>>
      %dma_start3A_185 = tpu.memref_slice %arg10[%add3A_159] : memref<10112xf32, #tpu.memory_space<vmem_shared>> -> memref<128xf32, #tpu.memory_space<vmem_shared>>
      tpu.enqueue_dma source(%dma_start3A_185 : memref<128xf32, #tpu.memory_space<vmem_shared>>) target(%dma_start3A_184 : memref<128xf32, #tpu.memory_space<vmem>>) target_semaphore(%run_scoped3A_180 : memref<!tpu.dma_semaphore, #tpu.memory_space<semaphore_mem>>)
      %dma_wait3A = arith.constant 0 : i32
      %dma_wait3A_186 = tpu.memref_slice %arg20[%dma_wait3A] : memref<128xf32, #tpu.memory_space<vmem>> -> memref<128xf32, #tpu.memory_space<vmem>>
      %dma_wait3A_187 = tpu.memref_slice %arg10[%add3A_159] : memref<10112xf32, #tpu.memory_space<vmem_shared>> -> memref<128xf32, #tpu.memory_space<vmem_shared>>
      %dma_wait3A_188 = arith.constant 0 : i32
      %dma_wait3A_189 = tpu.memref_slice %arg20[%dma_wait3A_188] : memref<128xf32, #tpu.memory_space<vmem>> -> memref<128xf32, #tpu.memory_space<vmem>>
      %dma_wait3A_190 = tpu.memref_slice %arg10[%add3A_159] : memref<10112xf32, #tpu.memory_space<vmem_shared>> -> memref<128xf32, #tpu.memory_space<vmem_shared>>
      tpu.wait_dma2 semaphore(%run_scoped3A_180 : memref<!tpu.dma_semaphore, #tpu.memory_space<semaphore_mem>>) src(%dma_wait3A_190 : memref<128xf32, #tpu.memory_space<vmem_shared>>) dst(%dma_wait3A_189 : memref<128xf32, #tpu.memory_space<vmem>>)
      tpu.yield
    }) : () -> ()
    %scan3A_163 = arith.constant 0 : i32
    %scan3A_164 = arith.constant 128 : i32
    %scan3A_165 = arith.addi %scan3A_163, %scan3A_164 : i32
    %scan3A_166 = arith.constant 1 : i32
    scf.for %scan3A_180 = %scan3A_163 to %scan3A_165 step %scan3A_166  : i32 {
      %broadcast_in_dim3A_181 = vector.broadcast %scan3A_180 : i32 to vector<16xi32>
      %gather3A = tpu.vector_load_idx %arg20[%broadcast_in_dim3A_181] : memref<128xf32, #tpu.memory_space<vmem>>[vector<16xi32>], vector<16xf32>,
      %gt3A = arith.constant 0.000000e+00 : f32
      %gt3A_182 = vector.broadcast %gt3A : f32 to vector<16xf32>
      %gt3A_183 = arith.cmpf ogt, %gather3A, %gt3A_182 : vector<16xf32>
      %get3A = arith.constant 0 : i32
      %get3A_184 = arith.index_cast %get3A : i32 to index
      %get3A_185 = arith.index_cast %scan3A_180 : i32 to index
      %get3A_186 = arith.constant 0 : index
      %get3A_187 = tpu.vector_load %arg15[%get3A_184, %get3A_185, %get3A_186] {strides = array<i32>} : memref<2x128x128xf32, #tpu.memory_space<vmem>>, vector<16xf32>,
      %get3A_188 = arith.constant 1 : i32
      %get3A_189 = arith.index_cast %get3A_188 : i32 to index
      %get3A_190 = arith.index_cast %scan3A_180 : i32 to index
      %get3A_191 = arith.constant 0 : index
      %get3A_192 = tpu.vector_load %arg15[%get3A_189, %get3A_190, %get3A_191] {strides = array<i32>} : memref<2x128x128xf32, #tpu.memory_space<vmem>>, vector<16xf32>,
      %select_n3A = arith.select %gt3A_183, %get3A_187, %get3A_192 : vector<16xi1>, vector<16xf32>
      %swap3A_193 = arith.constant 0 : i32
      %swap3A_194 = arith.index_cast %swap3A_193 : i32 to index
      %swap3A_195 = arith.index_cast %scan3A_180 : i32 to index
      %swap3A_196 = arith.constant 0 : index
      %swap3A_197 = tpu.vector_load %arg15[%swap3A_194, %swap3A_195, %swap3A_196] {strides = array<i32>} : memref<2x128x128xf32, #tpu.memory_space<vmem>>, vector<16xf32>,
      tpu.vector_store %arg15[%swap3A_194, %swap3A_195, %swap3A_196], %select_n3A {strides = array<i32>} : memref<2x128x128xf32, #tpu.memory_space<vmem>>, vector<16xf32>,
      %get3A_198 = arith.constant 0 : i32
      %get3A_199 = arith.index_cast %get3A_198 : i32 to index
      %get3A_200 = arith.index_cast %scan3A_180 : i32 to index
      %get3A_201 = arith.constant 16 : index
      %get3A_202 = tpu.vector_load %arg15[%get3A_199, %get3A_200, %get3A_201] {strides = array<i32>} : memref<2x128x128xf32, #tpu.memory_space<vmem>>, vector<16xf32>,
      %get3A_203 = arith.constant 1 : i32
      %get3A_204 = arith.index_cast %get3A_203 : i32 to index
      %get3A_205 = arith.index_cast %scan3A_180 : i32 to index
      %get3A_206 = arith.constant 16 : index
      %get3A_207 = tpu.vector_load %arg15[%get3A_204, %get3A_205, %get3A_206] {strides = array<i32>} : memref<2x128x128xf32, #tpu.memory_space<vmem>>, vector<16xf32>,
      %select_n3A_208 = arith.select %gt3A_183, %get3A_202, %get3A_207 : vector<16xi1>, vector<16xf32>
      %swap3A_209 = arith.constant 0 : i32
      %swap3A_210 = arith.index_cast %swap3A_209 : i32 to index
      %swap3A_211 = arith.index_cast %scan3A_180 : i32 to index
      %swap3A_212 = arith.constant 16 : index
      %swap3A_213 = tpu.vector_load %arg15[%swap3A_210, %swap3A_211, %swap3A_212] {strides = array<i32>} : memref<2x128x128xf32, #tpu.memory_space<vmem>>, vector<16xf32>,
      tpu.vector_store %arg15[%swap3A_210, %swap3A_211, %swap3A_212], %select_n3A_208 {strides = array<i32>} : memref<2x128x128xf32, #tpu.memory_space<vmem>>, vector<16xf32>,
      %get3A_214 = arith.constant 0 : i32
      %get3A_215 = arith.index_cast %get3A_214 : i32 to index
      %get3A_216 = arith.index_cast %scan3A_180 : i32 to index
      %get3A_217 = arith.constant 32 : index
      %get3A_218 = tpu.vector_load %arg15[%get3A_215, %get3A_216, %get3A_217] {strides = array<i32>} : memref<2x128x128xf32, #tpu.memory_space<vmem>>, vector<16xf32>,
      %get3A_219 = arith.constant 1 : i32
      %get3A_220 = arith.index_cast %get3A_219 : i32 to index
      %get3A_221 = arith.index_cast %scan3A_180 : i32 to index
      %get3A_222 = arith.constant 32 : index
      %get3A_223 = tpu.vector_load %arg15[%get3A_220, %get3A_221, %get3A_222] {strides = array<i32>} : memref<2x128x128xf32, #tpu.memory_space<vmem>>, vector<16xf32>,
      %select_n3A_224 = arith.select %gt3A_183, %get3A_218, %get3A_223 : vector<16xi1>, vector<16xf32>
      %swap3A_225 = arith.constant 0 : i32
      %swap3A_226 = arith.index_cast %swap3A_225 : i32 to index
      %swap3A_227 = arith.index_cast %scan3A_180 : i32 to index
      %swap3A_228 = arith.constant 32 : index
      %swap3A_229 = tpu.vector_load %arg15[%swap3A_226, %swap3A_227, %swap3A_228] {strides = array<i32>} : memref<2x128x128xf32, #tpu.memory_space<vmem>>, vector<16xf32>,
      tpu.vector_store %arg15[%swap3A_226, %swap3A_227, %swap3A_228], %select_n3A_224 {strides = array<i32>} : memref<2x128x128xf32, #tpu.memory_space<vmem>>, vector<16xf32>,
      %get3A_230 = arith.constant 0 : i32
      %get3A_231 = arith.index_cast %get3A_230 : i32 to index
      %get3A_232 = arith.index_cast %scan3A_180 : i32 to index
      %get3A_233 = arith.constant 48 : index
      %get3A_234 = tpu.vector_load %arg15[%get3A_231, %get3A_232, %get3A_233] {strides = array<i32>} : memref<2x128x128xf32, #tpu.memory_space<vmem>>, vector<16xf32>,
      %get3A_235 = arith.constant 1 : i32
      %get3A_236 = arith.index_cast %get3A_235 : i32 to index
      %get3A_237 = arith.index_cast %scan3A_180 : i32 to index
      %get3A_238 = arith.constant 48 : index
      %get3A_239 = tpu.vector_load %arg15[%get3A_236, %get3A_237, %get3A_238] {strides = array<i32>} : memref<2x128x128xf32, #tpu.memory_space<vmem>>, vector<16xf32>,
      %select_n3A_240 = arith.select %gt3A_183, %get3A_234, %get3A_239 : vector<16xi1>, vector<16xf32>
      %swap3A_241 = arith.constant 0 : i32
      %swap3A_242 = arith.index_cast %swap3A_241 : i32 to index
      %swap3A_243 = arith.index_cast %scan3A_180 : i32 to index
      %swap3A_244 = arith.constant 48 : index
      %swap3A_245 = tpu.vector_load %arg15[%swap3A_242, %swap3A_243, %swap3A_244] {strides = array<i32>} : memref<2x128x128xf32, #tpu.memory_space<vmem>>, vector<16xf32>,
      tpu.vector_store %arg15[%swap3A_242, %swap3A_243, %swap3A_244], %select_n3A_240 {strides = array<i32>} : memref<2x128x128xf32, #tpu.memory_space<vmem>>, vector<16xf32>,
      %get3A_246 = arith.constant 0 : i32
      %get3A_247 = arith.index_cast %get3A_246 : i32 to index
      %get3A_248 = arith.index_cast %scan3A_180 : i32 to index
      %get3A_249 = arith.constant 64 : index
      %get3A_250 = tpu.vector_load %arg15[%get3A_247, %get3A_248, %get3A_249] {strides = array<i32>} : memref<2x128x128xf32, #tpu.memory_space<vmem>>, vector<16xf32>,
      %get3A_251 = arith.constant 1 : i32
      %get3A_252 = arith.index_cast %get3A_251 : i32 to index
      %get3A_253 = arith.index_cast %scan3A_180 : i32 to index
      %get3A_254 = arith.constant 64 : index
      %get3A_255 = tpu.vector_load %arg15[%get3A_252, %get3A_253, %get3A_254] {strides = array<i32>} : memref<2x128x128xf32, #tpu.memory_space<vmem>>, vector<16xf32>,
      %select_n3A_256 = arith.select %gt3A_183, %get3A_250, %get3A_255 : vector<16xi1>, vector<16xf32>
      %swap3A_257 = arith.constant 0 : i32
      %swap3A_258 = arith.index_cast %swap3A_257 : i32 to index
      %swap3A_259 = arith.index_cast %scan3A_180 : i32 to index
      %swap3A_260 = arith.constant 64 : index
      %swap3A_261 = tpu.vector_load %arg15[%swap3A_258, %swap3A_259, %swap3A_260] {strides = array<i32>} : memref<2x128x128xf32, #tpu.memory_space<vmem>>, vector<16xf32>,
      tpu.vector_store %arg15[%swap3A_258, %swap3A_259, %swap3A_260], %select_n3A_256 {strides = array<i32>} : memref<2x128x128xf32, #tpu.memory_space<vmem>>, vector<16xf32>,
      %get3A_262 = arith.constant 0 : i32
      %get3A_263 = arith.index_cast %get3A_262 : i32 to index
      %get3A_264 = arith.index_cast %scan3A_180 : i32 to index
      %get3A_265 = arith.constant 80 : index
      %get3A_266 = tpu.vector_load %arg15[%get3A_263, %get3A_264, %get3A_265] {strides = array<i32>} : memref<2x128x128xf32, #tpu.memory_space<vmem>>, vector<16xf32>,
      %get3A_267 = arith.constant 1 : i32
      %get3A_268 = arith.index_cast %get3A_267 : i32 to index
      %get3A_269 = arith.index_cast %scan3A_180 : i32 to index
      %get3A_270 = arith.constant 80 : index
      %get3A_271 = tpu.vector_load %arg15[%get3A_268, %get3A_269, %get3A_270] {strides = array<i32>} : memref<2x128x128xf32, #tpu.memory_space<vmem>>, vector<16xf32>,
      %select_n3A_272 = arith.select %gt3A_183, %get3A_266, %get3A_271 : vector<16xi1>, vector<16xf32>
      %swap3A_273 = arith.constant 0 : i32
      %swap3A_274 = arith.index_cast %swap3A_273 : i32 to index
      %swap3A_275 = arith.index_cast %scan3A_180 : i32 to index
      %swap3A_276 = arith.constant 80 : index
      %swap3A_277 = tpu.vector_load %arg15[%swap3A_274, %swap3A_275, %swap3A_276] {strides = array<i32>} : memref<2x128x128xf32, #tpu.memory_space<vmem>>, vector<16xf32>,
      tpu.vector_store %arg15[%swap3A_274, %swap3A_275, %swap3A_276], %select_n3A_272 {strides = array<i32>} : memref<2x128x128xf32, #tpu.memory_space<vmem>>, vector<16xf32>,
      %get3A_278 = arith.constant 0 : i32
      %get3A_279 = arith.index_cast %get3A_278 : i32 to index
      %get3A_280 = arith.index_cast %scan3A_180 : i32 to index
      %get3A_281 = arith.constant 96 : index
      %get3A_282 = tpu.vector_load %arg15[%get3A_279, %get3A_280, %get3A_281] {strides = array<i32>} : memref<2x128x128xf32, #tpu.memory_space<vmem>>, vector<16xf32>,
      %get3A_283 = arith.constant 1 : i32
      %get3A_284 = arith.index_cast %get3A_283 : i32 to index
      %get3A_285 = arith.index_cast %scan3A_180 : i32 to index
      %get3A_286 = arith.constant 96 : index
      %get3A_287 = tpu.vector_load %arg15[%get3A_284, %get3A_285, %get3A_286] {strides = array<i32>} : memref<2x128x128xf32, #tpu.memory_space<vmem>>, vector<16xf32>,
      %select_n3A_288 = arith.select %gt3A_183, %get3A_282, %get3A_287 : vector<16xi1>, vector<16xf32>
      %swap3A_289 = arith.constant 0 : i32
      %swap3A_290 = arith.index_cast %swap3A_289 : i32 to index
      %swap3A_291 = arith.index_cast %scan3A_180 : i32 to index
      %swap3A_292 = arith.constant 96 : index
      %swap3A_293 = tpu.vector_load %arg15[%swap3A_290, %swap3A_291, %swap3A_292] {strides = array<i32>} : memref<2x128x128xf32, #tpu.memory_space<vmem>>, vector<16xf32>,
      tpu.vector_store %arg15[%swap3A_290, %swap3A_291, %swap3A_292], %select_n3A_288 {strides = array<i32>} : memref<2x128x128xf32, #tpu.memory_space<vmem>>, vector<16xf32>,
      %get3A_294 = arith.constant 0 : i32
      %get3A_295 = arith.index_cast %get3A_294 : i32 to index
      %get3A_296 = arith.index_cast %scan3A_180 : i32 to index
      %get3A_297 = arith.constant 112 : index
      %get3A_298 = tpu.vector_load %arg15[%get3A_295, %get3A_296, %get3A_297] {strides = array<i32>} : memref<2x128x128xf32, #tpu.memory_space<vmem>>, vector<16xf32>,
      %get3A_299 = arith.constant 1 : i32
      %get3A_300 = arith.index_cast %get3A_299 : i32 to index
      %get3A_301 = arith.index_cast %scan3A_180 : i32 to index
      %get3A_302 = arith.constant 112 : index
      %get3A_303 = tpu.vector_load %arg15[%get3A_300, %get3A_301, %get3A_302] {strides = array<i32>} : memref<2x128x128xf32, #tpu.memory_space<vmem>>, vector<16xf32>,
      %select_n3A_304 = arith.select %gt3A_183, %get3A_298, %get3A_303 : vector<16xi1>, vector<16xf32>
      %swap3A_305 = arith.constant 0 : i32
      %swap3A_306 = arith.index_cast %swap3A_305 : i32 to index
      %swap3A_307 = arith.index_cast %scan3A_180 : i32 to index
      %swap3A_308 = arith.constant 112 : index
      %swap3A_309 = tpu.vector_load %arg15[%swap3A_306, %swap3A_307, %swap3A_308] {strides = array<i32>} : memref<2x128x128xf32, #tpu.memory_space<vmem>>, vector<16xf32>,
      tpu.vector_store %arg15[%swap3A_306, %swap3A_307, %swap3A_308], %select_n3A_304 {strides = array<i32>} : memref<2x128x128xf32, #tpu.memory_space<vmem>>, vector<16xf32>,
    }
    %scan3A_167 = arith.constant 128 : i32
    %add3A_168 = arith.addi %mul3A_1, %add3A_159 : i32
    %run_scoped3A_169 = arith.constant 0 : i32
    "tpu.region"() ({
      %run_scoped3A_180 = tpu.sem_alloc : memref<!tpu.dma_semaphore, #tpu.memory_space<semaphore_mem>>
      %dma_start3A = arith.constant 0 : i32
      %dma_start3A_181 = arith.constant 0 : i32
      %dma_start3A_182 = tpu.memref_slice %arg15[%run_scoped3A_169, %dma_start3A, %dma_start3A_181] : memref<2x128x128xf32, #tpu.memory_space<vmem>> -> memref<1x128x128xf32, #tpu.memory_space<vmem>>
      %dma_start3A_183 = tpu.memref_squeeze %dma_start3A_182 : memref<1x128x128xf32, #tpu.memory_space<vmem>> -> memref<128x128xf32, #tpu.memory_space<vmem>>
      %dma_start3A_184 = arith.constant 0 : i32
      %dma_start3A_185 = tpu.memref_slice %arg8[%add3A_168, %dma_start3A_184] : memref<20224x128xf32, #tpu.memory_space<hbm>> -> memref<128x128xf32, #tpu.memory_space<hbm>>
      %dma_start3A_186 = arith.constant 0 : i32
      %dma_start3A_187 = tpu.memref_slice %arg8[%add3A_168, %dma_start3A_186] : memref<20224x128xf32, #tpu.memory_space<hbm>> -> memref<128x128xf32, #tpu.memory_space<hbm>>
      %dma_start3A_188 = arith.constant 0 : i32
      %dma_start3A_189 = arith.constant 0 : i32
      %dma_start3A_190 = tpu.memref_slice %arg15[%run_scoped3A_169, %dma_start3A_188, %dma_start3A_189] : memref<2x128x128xf32, #tpu.memory_space<vmem>> -> memref<1x128x128xf32, #tpu.memory_space<vmem>>
      %dma_start3A_191 = tpu.memref_squeeze %dma_start3A_190 : memref<1x128x128xf32, #tpu.memory_space<vmem>> -> memref<128x128xf32, #tpu.memory_space<vmem>>
      tpu.enqueue_dma source(%dma_start3A_191 : memref<128x128xf32, #tpu.memory_space<vmem>>) target(%dma_start3A_187 : memref<128x128xf32, #tpu.memory_space<hbm>>) target_semaphore(%run_scoped3A_180 : memref<!tpu.dma_semaphore, #tpu.memory_space<semaphore_mem>>)
      %dma_wait3A = arith.constant 0 : i32
      %dma_wait3A_192 = arith.constant 0 : i32
      %dma_wait3A_193 = tpu.memref_slice %arg15[%run_scoped3A_169, %dma_wait3A, %dma_wait3A_192] : memref<2x128x128xf32, #tpu.memory_space<vmem>> -> memref<1x128x128xf32, #tpu.memory_space<vmem>>
      %dma_wait3A_194 = tpu.memref_squeeze %dma_wait3A_193 : memref<1x128x128xf32, #tpu.memory_space<vmem>> -> memref<128x128xf32, #tpu.memory_space<vmem>>
      %dma_wait3A_195 = arith.constant 0 : i32
      %dma_wait3A_196 = tpu.memref_slice %arg8[%add3A_168, %dma_wait3A_195] : memref<20224x128xf32, #tpu.memory_space<hbm>> -> memref<128x128xf32, #tpu.memory_space<hbm>>
      %dma_wait3A_197 = arith.constant 0 : i32
      %dma_wait3A_198 = tpu.memref_slice %arg8[%add3A_168, %dma_wait3A_197] : memref<20224x128xf32, #tpu.memory_space<hbm>> -> memref<128x128xf32, #tpu.memory_space<hbm>>
      %dma_wait3A_199 = arith.constant 0 : i32
      %dma_wait3A_200 = arith.constant 0 : i32
      %dma_wait3A_201 = tpu.memref_slice %arg15[%run_scoped3A_169, %dma_wait3A_199, %dma_wait3A_200] : memref<2x128x128xf32, #tpu.memory_space<vmem>> -> memref<1x128x128xf32, #tpu.memory_space<vmem>>
      %dma_wait3A_202 = tpu.memref_squeeze %dma_wait3A_201 : memref<1x128x128xf32, #tpu.memory_space<vmem>> -> memref<128x128xf32, #tpu.memory_space<vmem>>
      tpu.wait_dma2 semaphore(%run_scoped3A_180 : memref<!tpu.dma_semaphore, #tpu.memory_space<semaphore_mem>>) src(%dma_wait3A_202 : memref<128x128xf32, #tpu.memory_space<vmem>>) dst(%dma_wait3A_198 : memref<128x128xf32, #tpu.memory_space<hbm>>)
      tpu.yield
    }) : () -> ()
    %lt3A_170 = arith.constant 15 : i32
    %lt3A_171 = arith.cmpi slt, %arg1, %lt3A_170 : i32
    %convert_element_type3A_172 = arith.extui %lt3A_171 : i1 to i32
    %cond3A_173 = arith.constant 0 : i32
    %cond3A_174 = arith.cmpi ne, %convert_element_type3A_172, %cond3A_173 : i32
    scf.if %cond3A_174 {
      %mul3A_180 = arith.constant 632 : i32
      %mul3A_181 = arith.muli %arg1, %mul3A_180 : i32
      %add3A_182 = arith.constant 512 : i32
      %add3A_183 = arith.addi %mul3A_181, %add3A_182 : i32
      %run_scoped3A_184 = arith.constant 0 : i32
      "tpu.region"() ({
        %run_scoped3A_194 = tpu.sem_alloc : memref<!tpu.dma_semaphore, #tpu.memory_space<semaphore_mem>>
        %dma_start3A = arith.constant 0 : i32
        %dma_start3A_195 = arith.constant 0 : i32
        %dma_start3A_196 = tpu.memref_slice %arg15[%run_scoped3A_184, %dma_start3A, %dma_start3A_195] : memref<2x128x128xf32, #tpu.memory_space<vmem>> -> memref<1x120x128xf32, #tpu.memory_space<vmem>>
        %dma_start3A_197 = tpu.memref_squeeze %dma_start3A_196 : memref<1x120x128xf32, #tpu.memory_space<vmem>> -> memref<120x128xf32, #tpu.memory_space<vmem>>
        %dma_start3A_198 = arith.constant 0 : i32
        %dma_start3A_199 = tpu.memref_slice %arg9[%add3A_183, %dma_start3A_198] : memref<10112x128xf32, #tpu.memory_space<vmem_shared>> -> memref<120x128xf32, #tpu.memory_space<vmem_shared>>
        %dma_start3A_200 = arith.constant 0 : i32
        %dma_start3A_201 = arith.constant 0 : i32
        %dma_start3A_202 = tpu.memref_slice %arg15[%run_scoped3A_184, %dma_start3A_200, %dma_start3A_201] : memref<2x128x128xf32, #tpu.memory_space<vmem>> -> memref<1x120x128xf32, #tpu.memory_space<vmem>>
        %dma_start3A_203 = tpu.memref_squeeze %dma_start3A_202 : memref<1x120x128xf32, #tpu.memory_space<vmem>> -> memref<120x128xf32, #tpu.memory_space<vmem>>
        %dma_start3A_204 = arith.constant 0 : i32
        %dma_start3A_205 = tpu.memref_slice %arg9[%add3A_183, %dma_start3A_204] : memref<10112x128xf32, #tpu.memory_space<vmem_shared>> -> memref<120x128xf32, #tpu.memory_space<vmem_shared>>
        tpu.enqueue_dma source(%dma_start3A_205 : memref<120x128xf32, #tpu.memory_space<vmem_shared>>) target(%dma_start3A_203 : memref<120x128xf32, #tpu.memory_space<vmem>>) target_semaphore(%run_scoped3A_194 : memref<!tpu.dma_semaphore, #tpu.memory_space<semaphore_mem>>)
        %dma_wait3A = arith.constant 0 : i32
        %dma_wait3A_206 = arith.constant 0 : i32
        %dma_wait3A_207 = tpu.memref_slice %arg15[%run_scoped3A_184, %dma_wait3A, %dma_wait3A_206] : memref<2x128x128xf32, #tpu.memory_space<vmem>> -> memref<1x120x128xf32, #tpu.memory_space<vmem>>
        %dma_wait3A_208 = tpu.memref_squeeze %dma_wait3A_207 : memref<1x120x128xf32, #tpu.memory_space<vmem>> -> memref<120x128xf32, #tpu.memory_space<vmem>>
        %dma_wait3A_209 = arith.constant 0 : i32
        %dma_wait3A_210 = tpu.memref_slice %arg9[%add3A_183, %dma_wait3A_209] : memref<10112x128xf32, #tpu.memory_space<vmem_shared>> -> memref<120x128xf32, #tpu.memory_space<vmem_shared>>
        %dma_wait3A_211 = arith.constant 0 : i32
        %dma_wait3A_212 = arith.constant 0 : i32
        %dma_wait3A_213 = tpu.memref_slice %arg15[%run_scoped3A_184, %dma_wait3A_211, %dma_wait3A_212] : memref<2x128x128xf32, #tpu.memory_space<vmem>> -> memref<1x120x128xf32, #tpu.memory_space<vmem>>
        %dma_wait3A_214 = tpu.memref_squeeze %dma_wait3A_213 : memref<1x120x128xf32, #tpu.memory_space<vmem>> -> memref<120x128xf32, #tpu.memory_space<vmem>>
        %dma_wait3A_215 = arith.constant 0 : i32
        %dma_wait3A_216 = tpu.memref_slice %arg9[%add3A_183, %dma_wait3A_215] : memref<10112x128xf32, #tpu.memory_space<vmem_shared>> -> memref<120x128xf32, #tpu.memory_space<vmem_shared>>
        tpu.wait_dma2 semaphore(%run_scoped3A_194 : memref<!tpu.dma_semaphore, #tpu.memory_space<semaphore_mem>>) src(%dma_wait3A_216 : memref<120x128xf32, #tpu.memory_space<vmem_shared>>) dst(%dma_wait3A_214 : memref<120x128xf32, #tpu.memory_space<vmem>>)
        tpu.yield
      }) : () -> ()
      %add3A_185 = arith.addi %mul3A_1, %add3A_183 : i32
      %run_scoped3A_186 = arith.constant 1 : i32
      "tpu.region"() ({
        %run_scoped3A_194 = tpu.sem_alloc : memref<!tpu.dma_semaphore, #tpu.memory_space<semaphore_mem>>
        %dma_start3A = arith.constant 0 : i32
        %dma_start3A_195 = arith.constant 0 : i32
        %dma_start3A_196 = tpu.memref_slice %arg15[%run_scoped3A_186, %dma_start3A, %dma_start3A_195] : memref<2x128x128xf32, #tpu.memory_space<vmem>> -> memref<1x120x128xf32, #tpu.memory_space<vmem>>
        %dma_start3A_197 = tpu.memref_squeeze %dma_start3A_196 : memref<1x120x128xf32, #tpu.memory_space<vmem>> -> memref<120x128xf32, #tpu.memory_space<vmem>>
        %dma_start3A_198 = arith.constant 0 : i32
        %dma_start3A_199 = tpu.memref_slice %arg3[%add3A_185, %dma_start3A_198] : memref<20224x128xf32, #tpu.memory_space<hbm>> -> memref<120x128xf32, #tpu.memory_space<hbm>>
        %dma_start3A_200 = arith.constant 0 : i32
        %dma_start3A_201 = arith.constant 0 : i32
        %dma_start3A_202 = tpu.memref_slice %arg15[%run_scoped3A_186, %dma_start3A_200, %dma_start3A_201] : memref<2x128x128xf32, #tpu.memory_space<vmem>> -> memref<1x120x128xf32, #tpu.memory_space<vmem>>
        %dma_start3A_203 = tpu.memref_squeeze %dma_start3A_202 : memref<1x120x128xf32, #tpu.memory_space<vmem>> -> memref<120x128xf32, #tpu.memory_space<vmem>>
        %dma_start3A_204 = arith.constant 0 : i32
        %dma_start3A_205 = tpu.memref_slice %arg3[%add3A_185, %dma_start3A_204] : memref<20224x128xf32, #tpu.memory_space<hbm>> -> memref<120x128xf32, #tpu.memory_space<hbm>>
        tpu.enqueue_dma source(%dma_start3A_205 : memref<120x128xf32, #tpu.memory_space<hbm>>) target(%dma_start3A_203 : memref<120x128xf32, #tpu.memory_space<vmem>>) target_semaphore(%run_scoped3A_194 : memref<!tpu.dma_semaphore, #tpu.memory_space<semaphore_mem>>)
        %dma_wait3A = arith.constant 0 : i32
        %dma_wait3A_206 = arith.constant 0 : i32
        %dma_wait3A_207 = tpu.memref_slice %arg15[%run_scoped3A_186, %dma_wait3A, %dma_wait3A_206] : memref<2x128x128xf32, #tpu.memory_space<vmem>> -> memref<1x120x128xf32, #tpu.memory_space<vmem>>
        %dma_wait3A_208 = tpu.memref_squeeze %dma_wait3A_207 : memref<1x120x128xf32, #tpu.memory_space<vmem>> -> memref<120x128xf32, #tpu.memory_space<vmem>>
        %dma_wait3A_209 = arith.constant 0 : i32
        %dma_wait3A_210 = tpu.memref_slice %arg3[%add3A_185, %dma_wait3A_209] : memref<20224x128xf32, #tpu.memory_space<hbm>> -> memref<120x128xf32, #tpu.memory_space<hbm>>
        %dma_wait3A_211 = arith.constant 0 : i32
        %dma_wait3A_212 = arith.constant 0 : i32
        %dma_wait3A_213 = tpu.memref_slice %arg15[%run_scoped3A_186, %dma_wait3A_211, %dma_wait3A_212] : memref<2x128x128xf32, #tpu.memory_space<vmem>> -> memref<1x120x128xf32, #tpu.memory_space<vmem>>
        %dma_wait3A_214 = tpu.memref_squeeze %dma_wait3A_213 : memref<1x120x128xf32, #tpu.memory_space<vmem>> -> memref<120x128xf32, #tpu.memory_space<vmem>>
        %dma_wait3A_215 = arith.constant 0 : i32
        %dma_wait3A_216 = tpu.memref_slice %arg3[%add3A_185, %dma_wait3A_215] : memref<20224x128xf32, #tpu.memory_space<hbm>> -> memref<120x128xf32, #tpu.memory_space<hbm>>
        tpu.wait_dma2 semaphore(%run_scoped3A_194 : memref<!tpu.dma_semaphore, #tpu.memory_space<semaphore_mem>>) src(%dma_wait3A_216 : memref<120x128xf32, #tpu.memory_space<hbm>>) dst(%dma_wait3A_214 : memref<120x128xf32, #tpu.memory_space<vmem>>)
        tpu.yield
      }) : () -> ()
      "tpu.region"() ({
        %run_scoped3A_194 = tpu.sem_alloc : memref<!tpu.dma_semaphore, #tpu.memory_space<semaphore_mem>>
        %dma_start3A = arith.constant 0 : i32
        %dma_start3A_195 = tpu.memref_slice %arg20[%dma_start3A] : memref<128xf32, #tpu.memory_space<vmem>> -> memref<120xf32, #tpu.memory_space<vmem>>
        %dma_start3A_196 = tpu.memref_slice %arg10[%add3A_183] : memref<10112xf32, #tpu.memory_space<vmem_shared>> -> memref<120xf32, #tpu.memory_space<vmem_shared>>
        %dma_start3A_197 = arith.constant 0 : i32
        %dma_start3A_198 = tpu.memref_slice %arg20[%dma_start3A_197] : memref<128xf32, #tpu.memory_space<vmem>> -> memref<120xf32, #tpu.memory_space<vmem>>
        %dma_start3A_199 = tpu.memref_slice %arg10[%add3A_183] : memref<10112xf32, #tpu.memory_space<vmem_shared>> -> memref<120xf32, #tpu.memory_space<vmem_shared>>
        tpu.enqueue_dma source(%dma_start3A_199 : memref<120xf32, #tpu.memory_space<vmem_shared>>) target(%dma_start3A_198 : memref<120xf32, #tpu.memory_space<vmem>>) target_semaphore(%run_scoped3A_194 : memref<!tpu.dma_semaphore, #tpu.memory_space<semaphore_mem>>)
        %dma_wait3A = arith.constant 0 : i32
        %dma_wait3A_200 = tpu.memref_slice %arg20[%dma_wait3A] : memref<128xf32, #tpu.memory_space<vmem>> -> memref<120xf32, #tpu.memory_space<vmem>>
        %dma_wait3A_201 = tpu.memref_slice %arg10[%add3A_183] : memref<10112xf32, #tpu.memory_space<vmem_shared>> -> memref<120xf32, #tpu.memory_space<vmem_shared>>
        %dma_wait3A_202 = arith.constant 0 : i32
        %dma_wait3A_203 = tpu.memref_slice %arg20[%dma_wait3A_202] : memref<128xf32, #tpu.memory_space<vmem>> -> memref<120xf32, #tpu.memory_space<vmem>>
        %dma_wait3A_204 = tpu.memref_slice %arg10[%add3A_183] : memref<10112xf32, #tpu.memory_space<vmem_shared>> -> memref<120xf32, #tpu.memory_space<vmem_shared>>
        tpu.wait_dma2 semaphore(%run_scoped3A_194 : memref<!tpu.dma_semaphore, #tpu.memory_space<semaphore_mem>>) src(%dma_wait3A_204 : memref<120xf32, #tpu.memory_space<vmem_shared>>) dst(%dma_wait3A_203 : memref<120xf32, #tpu.memory_space<vmem>>)
        tpu.yield
      }) : () -> ()
      %scan3A_187 = arith.constant 0 : i32
      %scan3A_188 = arith.constant 120 : i32
      %scan3A_189 = arith.addi %scan3A_187, %scan3A_188 : i32
      %scan3A_190 = arith.constant 1 : i32
      scf.for %scan3A_194 = %scan3A_187 to %scan3A_189 step %scan3A_190  : i32 {
        %broadcast_in_dim3A_195 = vector.broadcast %scan3A_194 : i32 to vector<16xi32>
        %gather3A = tpu.vector_load_idx %arg20[%broadcast_in_dim3A_195] : memref<128xf32, #tpu.memory_space<vmem>>[vector<16xi32>], vector<16xf32>,
        %gt3A = arith.constant 0.000000e+00 : f32
        %gt3A_196 = vector.broadcast %gt3A : f32 to vector<16xf32>
        %gt3A_197 = arith.cmpf ogt, %gather3A, %gt3A_196 : vector<16xf32>
        %get3A = arith.constant 0 : i32
        %get3A_198 = arith.index_cast %get3A : i32 to index
        %get3A_199 = arith.index_cast %scan3A_194 : i32 to index
        %get3A_200 = arith.constant 0 : index
        %get3A_201 = tpu.vector_load %arg15[%get3A_198, %get3A_199, %get3A_200] {strides = array<i32>} : memref<2x128x128xf32, #tpu.memory_space<vmem>>, vector<16xf32>,
        %get3A_202 = arith.constant 1 : i32
        %get3A_203 = arith.index_cast %get3A_202 : i32 to index
        %get3A_204 = arith.index_cast %scan3A_194 : i32 to index
        %get3A_205 = arith.constant 0 : index
        %get3A_206 = tpu.vector_load %arg15[%get3A_203, %get3A_204, %get3A_205] {strides = array<i32>} : memref<2x128x128xf32, #tpu.memory_space<vmem>>, vector<16xf32>,
        %select_n3A = arith.select %gt3A_197, %get3A_201, %get3A_206 : vector<16xi1>, vector<16xf32>
        %swap3A_207 = arith.constant 0 : i32
        %swap3A_208 = arith.index_cast %swap3A_207 : i32 to index
        %swap3A_209 = arith.index_cast %scan3A_194 : i32 to index
        %swap3A_210 = arith.constant 0 : index
        %swap3A_211 = tpu.vector_load %arg15[%swap3A_208, %swap3A_209, %swap3A_210] {strides = array<i32>} : memref<2x128x128xf32, #tpu.memory_space<vmem>>, vector<16xf32>,
        tpu.vector_store %arg15[%swap3A_208, %swap3A_209, %swap3A_210], %select_n3A {strides = array<i32>} : memref<2x128x128xf32, #tpu.memory_space<vmem>>, vector<16xf32>,
        %get3A_212 = arith.constant 0 : i32
        %get3A_213 = arith.index_cast %get3A_212 : i32 to index
        %get3A_214 = arith.index_cast %scan3A_194 : i32 to index
        %get3A_215 = arith.constant 16 : index
        %get3A_216 = tpu.vector_load %arg15[%get3A_213, %get3A_214, %get3A_215] {strides = array<i32>} : memref<2x128x128xf32, #tpu.memory_space<vmem>>, vector<16xf32>,
        %get3A_217 = arith.constant 1 : i32
        %get3A_218 = arith.index_cast %get3A_217 : i32 to index
        %get3A_219 = arith.index_cast %scan3A_194 : i32 to index
        %get3A_220 = arith.constant 16 : index
        %get3A_221 = tpu.vector_load %arg15[%get3A_218, %get3A_219, %get3A_220] {strides = array<i32>} : memref<2x128x128xf32, #tpu.memory_space<vmem>>, vector<16xf32>,
        %select_n3A_222 = arith.select %gt3A_197, %get3A_216, %get3A_221 : vector<16xi1>, vector<16xf32>
        %swap3A_223 = arith.constant 0 : i32
        %swap3A_224 = arith.index_cast %swap3A_223 : i32 to index
        %swap3A_225 = arith.index_cast %scan3A_194 : i32 to index
        %swap3A_226 = arith.constant 16 : index
        %swap3A_227 = tpu.vector_load %arg15[%swap3A_224, %swap3A_225, %swap3A_226] {strides = array<i32>} : memref<2x128x128xf32, #tpu.memory_space<vmem>>, vector<16xf32>,
        tpu.vector_store %arg15[%swap3A_224, %swap3A_225, %swap3A_226], %select_n3A_222 {strides = array<i32>} : memref<2x128x128xf32, #tpu.memory_space<vmem>>, vector<16xf32>,
        %get3A_228 = arith.constant 0 : i32
        %get3A_229 = arith.index_cast %get3A_228 : i32 to index
        %get3A_230 = arith.index_cast %scan3A_194 : i32 to index
        %get3A_231 = arith.constant 32 : index
        %get3A_232 = tpu.vector_load %arg15[%get3A_229, %get3A_230, %get3A_231] {strides = array<i32>} : memref<2x128x128xf32, #tpu.memory_space<vmem>>, vector<16xf32>,
        %get3A_233 = arith.constant 1 : i32
        %get3A_234 = arith.index_cast %get3A_233 : i32 to index
        %get3A_235 = arith.index_cast %scan3A_194 : i32 to index
        %get3A_236 = arith.constant 32 : index
        %get3A_237 = tpu.vector_load %arg15[%get3A_234, %get3A_235, %get3A_236] {strides = array<i32>} : memref<2x128x128xf32, #tpu.memory_space<vmem>>, vector<16xf32>,
        %select_n3A_238 = arith.select %gt3A_197, %get3A_232, %get3A_237 : vector<16xi1>, vector<16xf32>
        %swap3A_239 = arith.constant 0 : i32
        %swap3A_240 = arith.index_cast %swap3A_239 : i32 to index
        %swap3A_241 = arith.index_cast %scan3A_194 : i32 to index
        %swap3A_242 = arith.constant 32 : index
        %swap3A_243 = tpu.vector_load %arg15[%swap3A_240, %swap3A_241, %swap3A_242] {strides = array<i32>} : memref<2x128x128xf32, #tpu.memory_space<vmem>>, vector<16xf32>,
        tpu.vector_store %arg15[%swap3A_240, %swap3A_241, %swap3A_242], %select_n3A_238 {strides = array<i32>} : memref<2x128x128xf32, #tpu.memory_space<vmem>>, vector<16xf32>,
        %get3A_244 = arith.constant 0 : i32
        %get3A_245 = arith.index_cast %get3A_244 : i32 to index
        %get3A_246 = arith.index_cast %scan3A_194 : i32 to index
        %get3A_247 = arith.constant 48 : index
        %get3A_248 = tpu.vector_load %arg15[%get3A_245, %get3A_246, %get3A_247] {strides = array<i32>} : memref<2x128x128xf32, #tpu.memory_space<vmem>>, vector<16xf32>,
        %get3A_249 = arith.constant 1 : i32
        %get3A_250 = arith.index_cast %get3A_249 : i32 to index
        %get3A_251 = arith.index_cast %scan3A_194 : i32 to index
        %get3A_252 = arith.constant 48 : index
        %get3A_253 = tpu.vector_load %arg15[%get3A_250, %get3A_251, %get3A_252] {strides = array<i32>} : memref<2x128x128xf32, #tpu.memory_space<vmem>>, vector<16xf32>,
        %select_n3A_254 = arith.select %gt3A_197, %get3A_248, %get3A_253 : vector<16xi1>, vector<16xf32>
        %swap3A_255 = arith.constant 0 : i32
        %swap3A_256 = arith.index_cast %swap3A_255 : i32 to index
        %swap3A_257 = arith.index_cast %scan3A_194 : i32 to index
        %swap3A_258 = arith.constant 48 : index
        %swap3A_259 = tpu.vector_load %arg15[%swap3A_256, %swap3A_257, %swap3A_258] {strides = array<i32>} : memref<2x128x128xf32, #tpu.memory_space<vmem>>, vector<16xf32>,
        tpu.vector_store %arg15[%swap3A_256, %swap3A_257, %swap3A_258], %select_n3A_254 {strides = array<i32>} : memref<2x128x128xf32, #tpu.memory_space<vmem>>, vector<16xf32>,
        %get3A_260 = arith.constant 0 : i32
        %get3A_261 = arith.index_cast %get3A_260 : i32 to index
        %get3A_262 = arith.index_cast %scan3A_194 : i32 to index
        %get3A_263 = arith.constant 64 : index
        %get3A_264 = tpu.vector_load %arg15[%get3A_261, %get3A_262, %get3A_263] {strides = array<i32>} : memref<2x128x128xf32, #tpu.memory_space<vmem>>, vector<16xf32>,
        %get3A_265 = arith.constant 1 : i32
        %get3A_266 = arith.index_cast %get3A_265 : i32 to index
        %get3A_267 = arith.index_cast %scan3A_194 : i32 to index
        %get3A_268 = arith.constant 64 : index
        %get3A_269 = tpu.vector_load %arg15[%get3A_266, %get3A_267, %get3A_268] {strides = array<i32>} : memref<2x128x128xf32, #tpu.memory_space<vmem>>, vector<16xf32>,
        %select_n3A_270 = arith.select %gt3A_197, %get3A_264, %get3A_269 : vector<16xi1>, vector<16xf32>
        %swap3A_271 = arith.constant 0 : i32
        %swap3A_272 = arith.index_cast %swap3A_271 : i32 to index
        %swap3A_273 = arith.index_cast %scan3A_194 : i32 to index
        %swap3A_274 = arith.constant 64 : index
        %swap3A_275 = tpu.vector_load %arg15[%swap3A_272, %swap3A_273, %swap3A_274] {strides = array<i32>} : memref<2x128x128xf32, #tpu.memory_space<vmem>>, vector<16xf32>,
        tpu.vector_store %arg15[%swap3A_272, %swap3A_273, %swap3A_274], %select_n3A_270 {strides = array<i32>} : memref<2x128x128xf32, #tpu.memory_space<vmem>>, vector<16xf32>,
        %get3A_276 = arith.constant 0 : i32
        %get3A_277 = arith.index_cast %get3A_276 : i32 to index
        %get3A_278 = arith.index_cast %scan3A_194 : i32 to index
        %get3A_279 = arith.constant 80 : index
        %get3A_280 = tpu.vector_load %arg15[%get3A_277, %get3A_278, %get3A_279] {strides = array<i32>} : memref<2x128x128xf32, #tpu.memory_space<vmem>>, vector<16xf32>,
        %get3A_281 = arith.constant 1 : i32
        %get3A_282 = arith.index_cast %get3A_281 : i32 to index
        %get3A_283 = arith.index_cast %scan3A_194 : i32 to index
        %get3A_284 = arith.constant 80 : index
        %get3A_285 = tpu.vector_load %arg15[%get3A_282, %get3A_283, %get3A_284] {strides = array<i32>} : memref<2x128x128xf32, #tpu.memory_space<vmem>>, vector<16xf32>,
        %select_n3A_286 = arith.select %gt3A_197, %get3A_280, %get3A_285 : vector<16xi1>, vector<16xf32>
        %swap3A_287 = arith.constant 0 : i32
        %swap3A_288 = arith.index_cast %swap3A_287 : i32 to index
        %swap3A_289 = arith.index_cast %scan3A_194 : i32 to index
        %swap3A_290 = arith.constant 80 : index
        %swap3A_291 = tpu.vector_load %arg15[%swap3A_288, %swap3A_289, %swap3A_290] {strides = array<i32>} : memref<2x128x128xf32, #tpu.memory_space<vmem>>, vector<16xf32>,
        tpu.vector_store %arg15[%swap3A_288, %swap3A_289, %swap3A_290], %select_n3A_286 {strides = array<i32>} : memref<2x128x128xf32, #tpu.memory_space<vmem>>, vector<16xf32>,
        %get3A_292 = arith.constant 0 : i32
        %get3A_293 = arith.index_cast %get3A_292 : i32 to index
        %get3A_294 = arith.index_cast %scan3A_194 : i32 to index
        %get3A_295 = arith.constant 96 : index
        %get3A_296 = tpu.vector_load %arg15[%get3A_293, %get3A_294, %get3A_295] {strides = array<i32>} : memref<2x128x128xf32, #tpu.memory_space<vmem>>, vector<16xf32>,
        %get3A_297 = arith.constant 1 : i32
        %get3A_298 = arith.index_cast %get3A_297 : i32 to index
        %get3A_299 = arith.index_cast %scan3A_194 : i32 to index
        %get3A_300 = arith.constant 96 : index
        %get3A_301 = tpu.vector_load %arg15[%get3A_298, %get3A_299, %get3A_300] {strides = array<i32>} : memref<2x128x128xf32, #tpu.memory_space<vmem>>, vector<16xf32>,
        %select_n3A_302 = arith.select %gt3A_197, %get3A_296, %get3A_301 : vector<16xi1>, vector<16xf32>
        %swap3A_303 = arith.constant 0 : i32
        %swap3A_304 = arith.index_cast %swap3A_303 : i32 to index
        %swap3A_305 = arith.index_cast %scan3A_194 : i32 to index
        %swap3A_306 = arith.constant 96 : index
        %swap3A_307 = tpu.vector_load %arg15[%swap3A_304, %swap3A_305, %swap3A_306] {strides = array<i32>} : memref<2x128x128xf32, #tpu.memory_space<vmem>>, vector<16xf32>,
        tpu.vector_store %arg15[%swap3A_304, %swap3A_305, %swap3A_306], %select_n3A_302 {strides = array<i32>} : memref<2x128x128xf32, #tpu.memory_space<vmem>>, vector<16xf32>,
        %get3A_308 = arith.constant 0 : i32
        %get3A_309 = arith.index_cast %get3A_308 : i32 to index
        %get3A_310 = arith.index_cast %scan3A_194 : i32 to index
        %get3A_311 = arith.constant 112 : index
        %get3A_312 = tpu.vector_load %arg15[%get3A_309, %get3A_310, %get3A_311] {strides = array<i32>} : memref<2x128x128xf32, #tpu.memory_space<vmem>>, vector<16xf32>,
        %get3A_313 = arith.constant 1 : i32
        %get3A_314 = arith.index_cast %get3A_313 : i32 to index
        %get3A_315 = arith.index_cast %scan3A_194 : i32 to index
        %get3A_316 = arith.constant 112 : index
        %get3A_317 = tpu.vector_load %arg15[%get3A_314, %get3A_315, %get3A_316] {strides = array<i32>} : memref<2x128x128xf32, #tpu.memory_space<vmem>>, vector<16xf32>,
        %select_n3A_318 = arith.select %gt3A_197, %get3A_312, %get3A_317 : vector<16xi1>, vector<16xf32>
        %swap3A_319 = arith.constant 0 : i32
        %swap3A_320 = arith.index_cast %swap3A_319 : i32 to index
        %swap3A_321 = arith.index_cast %scan3A_194 : i32 to index
        %swap3A_322 = arith.constant 112 : index
        %swap3A_323 = tpu.vector_load %arg15[%swap3A_320, %swap3A_321, %swap3A_322] {strides = array<i32>} : memref<2x128x128xf32, #tpu.memory_space<vmem>>, vector<16xf32>,
        tpu.vector_store %arg15[%swap3A_320, %swap3A_321, %swap3A_322], %select_n3A_318 {strides = array<i32>} : memref<2x128x128xf32, #tpu.memory_space<vmem>>, vector<16xf32>,
      }
      %scan3A_191 = arith.constant 120 : i32
      %add3A_192 = arith.addi %mul3A_1, %add3A_183 : i32
      %run_scoped3A_193 = arith.constant 0 : i32
      "tpu.region"() ({
        %run_scoped3A_194 = tpu.sem_alloc : memref<!tpu.dma_semaphore, #tpu.memory_space<semaphore_mem>>
        %dma_start3A = arith.constant 0 : i32
        %dma_start3A_195 = arith.constant 0 : i32
        %dma_start3A_196 = tpu.memref_slice %arg15[%run_scoped3A_193, %dma_start3A, %dma_start3A_195] : memref<2x128x128xf32, #tpu.memory_space<vmem>> -> memref<1x120x128xf32, #tpu.memory_space<vmem>>
        %dma_start3A_197 = tpu.memref_squeeze %dma_start3A_196 : memref<1x120x128xf32, #tpu.memory_space<vmem>> -> memref<120x128xf32, #tpu.memory_space<vmem>>
        %dma_start3A_198 = arith.constant 0 : i32
        %dma_start3A_199 = tpu.memref_slice %arg8[%add3A_192, %dma_start3A_198] : memref<20224x128xf32, #tpu.memory_space<hbm>> -> memref<120x128xf32, #tpu.memory_space<hbm>>
        %dma_start3A_200 = arith.constant 0 : i32
        %dma_start3A_201 = tpu.memref_slice %arg8[%add3A_192, %dma_start3A_200] : memref<20224x128xf32, #tpu.memory_space<hbm>> -> memref<120x128xf32, #tpu.memory_space<hbm>>
        %dma_start3A_202 = arith.constant 0 : i32
        %dma_start3A_203 = arith.constant 0 : i32
        %dma_start3A_204 = tpu.memref_slice %arg15[%run_scoped3A_193, %dma_start3A_202, %dma_start3A_203] : memref<2x128x128xf32, #tpu.memory_space<vmem>> -> memref<1x120x128xf32, #tpu.memory_space<vmem>>
        %dma_start3A_205 = tpu.memref_squeeze %dma_start3A_204 : memref<1x120x128xf32, #tpu.memory_space<vmem>> -> memref<120x128xf32, #tpu.memory_space<vmem>>
        tpu.enqueue_dma source(%dma_start3A_205 : memref<120x128xf32, #tpu.memory_space<vmem>>) target(%dma_start3A_201 : memref<120x128xf32, #tpu.memory_space<hbm>>) target_semaphore(%run_scoped3A_194 : memref<!tpu.dma_semaphore, #tpu.memory_space<semaphore_mem>>)
        %dma_wait3A = arith.constant 0 : i32
        %dma_wait3A_206 = arith.constant 0 : i32
        %dma_wait3A_207 = tpu.memref_slice %arg15[%run_scoped3A_193, %dma_wait3A, %dma_wait3A_206] : memref<2x128x128xf32, #tpu.memory_space<vmem>> -> memref<1x120x128xf32, #tpu.memory_space<vmem>>
        %dma_wait3A_208 = tpu.memref_squeeze %dma_wait3A_207 : memref<1x120x128xf32, #tpu.memory_space<vmem>> -> memref<120x128xf32, #tpu.memory_space<vmem>>
        %dma_wait3A_209 = arith.constant 0 : i32
        %dma_wait3A_210 = tpu.memref_slice %arg8[%add3A_192, %dma_wait3A_209] : memref<20224x128xf32, #tpu.memory_space<hbm>> -> memref<120x128xf32, #tpu.memory_space<hbm>>
        %dma_wait3A_211 = arith.constant 0 : i32
        %dma_wait3A_212 = tpu.memref_slice %arg8[%add3A_192, %dma_wait3A_211] : memref<20224x128xf32, #tpu.memory_space<hbm>> -> memref<120x128xf32, #tpu.memory_space<hbm>>
        %dma_wait3A_213 = arith.constant 0 : i32
        %dma_wait3A_214 = arith.constant 0 : i32
        %dma_wait3A_215 = tpu.memref_slice %arg15[%run_scoped3A_193, %dma_wait3A_213, %dma_wait3A_214] : memref<2x128x128xf32, #tpu.memory_space<vmem>> -> memref<1x120x128xf32, #tpu.memory_space<vmem>>
        %dma_wait3A_216 = tpu.memref_squeeze %dma_wait3A_215 : memref<1x120x128xf32, #tpu.memory_space<vmem>> -> memref<120x128xf32, #tpu.memory_space<vmem>>
        tpu.wait_dma2 semaphore(%run_scoped3A_194 : memref<!tpu.dma_semaphore, #tpu.memory_space<semaphore_mem>>) src(%dma_wait3A_216 : memref<120x128xf32, #tpu.memory_space<vmem>>) dst(%dma_wait3A_212 : memref<120x128xf32, #tpu.memory_space<hbm>>)
        tpu.yield
      }) : () -> ()
    } else {
    }
    %eq3A_175 = arith.constant 15 : i32
    %eq3A_176 = arith.cmpi eq, %arg1, %eq3A_175 : i32
    %convert_element_type3A_177 = arith.extui %eq3A_176 : i1 to i32
    %cond3A_178 = arith.constant 0 : i32
    %cond3A_179 = arith.cmpi ne, %convert_element_type3A_177, %cond3A_178 : i32
    scf.if %cond3A_179 {
      %run_scoped3A_180 = arith.constant 0 : i32
      "tpu.region"() ({
        %run_scoped3A_192 = tpu.sem_alloc : memref<!tpu.dma_semaphore, #tpu.memory_space<semaphore_mem>>
        %dma_start3A = arith.constant 0 : i32
        %dma_start3A_193 = arith.constant 0 : i32
        %dma_start3A_194 = tpu.memref_slice %arg15[%run_scoped3A_180, %dma_start3A, %dma_start3A_193] : memref<2x128x128xf32, #tpu.memory_space<vmem>> -> memref<1x8x128xf32, #tpu.memory_space<vmem>>
        %dma_start3A_195 = tpu.memref_squeeze %dma_start3A_194 : memref<1x8x128xf32, #tpu.memory_space<vmem>> -> memref<8x128xf32, #tpu.memory_space<vmem>>
        %dma_start3A_196 = arith.constant 9992 : i32
        %dma_start3A_197 = arith.constant 0 : i32
        %dma_start3A_198 = tpu.memref_slice %arg9[%dma_start3A_196, %dma_start3A_197] : memref<10112x128xf32, #tpu.memory_space<vmem_shared>> -> memref<8x128xf32, #tpu.memory_space<vmem_shared>>
        %dma_start3A_199 = arith.constant 0 : i32
        %dma_start3A_200 = arith.constant 0 : i32
        %dma_start3A_201 = tpu.memref_slice %arg15[%run_scoped3A_180, %dma_start3A_199, %dma_start3A_200] : memref<2x128x128xf32, #tpu.memory_space<vmem>> -> memref<1x8x128xf32, #tpu.memory_space<vmem>>
        %dma_start3A_202 = tpu.memref_squeeze %dma_start3A_201 : memref<1x8x128xf32, #tpu.memory_space<vmem>> -> memref<8x128xf32, #tpu.memory_space<vmem>>
        %dma_start3A_203 = arith.constant 9992 : i32
        %dma_start3A_204 = arith.constant 0 : i32
        %dma_start3A_205 = tpu.memref_slice %arg9[%dma_start3A_203, %dma_start3A_204] : memref<10112x128xf32, #tpu.memory_space<vmem_shared>> -> memref<8x128xf32, #tpu.memory_space<vmem_shared>>
        tpu.enqueue_dma source(%dma_start3A_205 : memref<8x128xf32, #tpu.memory_space<vmem_shared>>) target(%dma_start3A_202 : memref<8x128xf32, #tpu.memory_space<vmem>>) target_semaphore(%run_scoped3A_192 : memref<!tpu.dma_semaphore, #tpu.memory_space<semaphore_mem>>)
        %dma_wait3A = arith.constant 0 : i32
        %dma_wait3A_206 = arith.constant 0 : i32
        %dma_wait3A_207 = tpu.memref_slice %arg15[%run_scoped3A_180, %dma_wait3A, %dma_wait3A_206] : memref<2x128x128xf32, #tpu.memory_space<vmem>> -> memref<1x8x128xf32, #tpu.memory_space<vmem>>
        %dma_wait3A_208 = tpu.memref_squeeze %dma_wait3A_207 : memref<1x8x128xf32, #tpu.memory_space<vmem>> -> memref<8x128xf32, #tpu.memory_space<vmem>>
        %dma_wait3A_209 = arith.constant 9992 : i32
        %dma_wait3A_210 = arith.constant 0 : i32
        %dma_wait3A_211 = tpu.memref_slice %arg9[%dma_wait3A_209, %dma_wait3A_210] : memref<10112x128xf32, #tpu.memory_space<vmem_shared>> -> memref<8x128xf32, #tpu.memory_space<vmem_shared>>
        %dma_wait3A_212 = arith.constant 0 : i32
        %dma_wait3A_213 = arith.constant 0 : i32
        %dma_wait3A_214 = tpu.memref_slice %arg15[%run_scoped3A_180, %dma_wait3A_212, %dma_wait3A_213] : memref<2x128x128xf32, #tpu.memory_space<vmem>> -> memref<1x8x128xf32, #tpu.memory_space<vmem>>
        %dma_wait3A_215 = tpu.memref_squeeze %dma_wait3A_214 : memref<1x8x128xf32, #tpu.memory_space<vmem>> -> memref<8x128xf32, #tpu.memory_space<vmem>>
        %dma_wait3A_216 = arith.constant 9992 : i32
        %dma_wait3A_217 = arith.constant 0 : i32
        %dma_wait3A_218 = tpu.memref_slice %arg9[%dma_wait3A_216, %dma_wait3A_217] : memref<10112x128xf32, #tpu.memory_space<vmem_shared>> -> memref<8x128xf32, #tpu.memory_space<vmem_shared>>
        tpu.wait_dma2 semaphore(%run_scoped3A_192 : memref<!tpu.dma_semaphore, #tpu.memory_space<semaphore_mem>>) src(%dma_wait3A_218 : memref<8x128xf32, #tpu.memory_space<vmem_shared>>) dst(%dma_wait3A_215 : memref<8x128xf32, #tpu.memory_space<vmem>>)
        tpu.yield
      }) : () -> ()
      %add3A_181 = arith.constant 9992 : i32
      %add3A_182 = arith.addi %mul3A_1, %add3A_181 : i32
      %run_scoped3A_183 = arith.constant 1 : i32
      "tpu.region"() ({
        %run_scoped3A_192 = tpu.sem_alloc : memref<!tpu.dma_semaphore, #tpu.memory_space<semaphore_mem>>
        %dma_start3A = arith.constant 0 : i32
        %dma_start3A_193 = arith.constant 0 : i32
        %dma_start3A_194 = tpu.memref_slice %arg15[%run_scoped3A_183, %dma_start3A, %dma_start3A_193] : memref<2x128x128xf32, #tpu.memory_space<vmem>> -> memref<1x8x128xf32, #tpu.memory_space<vmem>>
        %dma_start3A_195 = tpu.memref_squeeze %dma_start3A_194 : memref<1x8x128xf32, #tpu.memory_space<vmem>> -> memref<8x128xf32, #tpu.memory_space<vmem>>
        %dma_start3A_196 = arith.constant 0 : i32
        %dma_start3A_197 = tpu.memref_slice %arg3[%add3A_182, %dma_start3A_196] : memref<20224x128xf32, #tpu.memory_space<hbm>> -> memref<8x128xf32, #tpu.memory_space<hbm>>
        %dma_start3A_198 = arith.constant 0 : i32
        %dma_start3A_199 = arith.constant 0 : i32
        %dma_start3A_200 = tpu.memref_slice %arg15[%run_scoped3A_183, %dma_start3A_198, %dma_start3A_199] : memref<2x128x128xf32, #tpu.memory_space<vmem>> -> memref<1x8x128xf32, #tpu.memory_space<vmem>>
        %dma_start3A_201 = tpu.memref_squeeze %dma_start3A_200 : memref<1x8x128xf32, #tpu.memory_space<vmem>> -> memref<8x128xf32, #tpu.memory_space<vmem>>
        %dma_start3A_202 = arith.constant 0 : i32
        %dma_start3A_203 = tpu.memref_slice %arg3[%add3A_182, %dma_start3A_202] : memref<20224x128xf32, #tpu.memory_space<hbm>> -> memref<8x128xf32, #tpu.memory_space<hbm>>
        tpu.enqueue_dma source(%dma_start3A_203 : memref<8x128xf32, #tpu.memory_space<hbm>>) target(%dma_start3A_201 : memref<8x128xf32, #tpu.memory_space<vmem>>) target_semaphore(%run_scoped3A_192 : memref<!tpu.dma_semaphore, #tpu.memory_space<semaphore_mem>>)
        %dma_wait3A = arith.constant 0 : i32
        %dma_wait3A_204 = arith.constant 0 : i32
        %dma_wait3A_205 = tpu.memref_slice %arg15[%run_scoped3A_183, %dma_wait3A, %dma_wait3A_204] : memref<2x128x128xf32, #tpu.memory_space<vmem>> -> memref<1x8x128xf32, #tpu.memory_space<vmem>>
        %dma_wait3A_206 = tpu.memref_squeeze %dma_wait3A_205 : memref<1x8x128xf32, #tpu.memory_space<vmem>> -> memref<8x128xf32, #tpu.memory_space<vmem>>
        %dma_wait3A_207 = arith.constant 0 : i32
        %dma_wait3A_208 = tpu.memref_slice %arg3[%add3A_182, %dma_wait3A_207] : memref<20224x128xf32, #tpu.memory_space<hbm>> -> memref<8x128xf32, #tpu.memory_space<hbm>>
        %dma_wait3A_209 = arith.constant 0 : i32
        %dma_wait3A_210 = arith.constant 0 : i32
        %dma_wait3A_211 = tpu.memref_slice %arg15[%run_scoped3A_183, %dma_wait3A_209, %dma_wait3A_210] : memref<2x128x128xf32, #tpu.memory_space<vmem>> -> memref<1x8x128xf32, #tpu.memory_space<vmem>>
        %dma_wait3A_212 = tpu.memref_squeeze %dma_wait3A_211 : memref<1x8x128xf32, #tpu.memory_space<vmem>> -> memref<8x128xf32, #tpu.memory_space<vmem>>
        %dma_wait3A_213 = arith.constant 0 : i32
        %dma_wait3A_214 = tpu.memref_slice %arg3[%add3A_182, %dma_wait3A_213] : memref<20224x128xf32, #tpu.memory_space<hbm>> -> memref<8x128xf32, #tpu.memory_space<hbm>>
        tpu.wait_dma2 semaphore(%run_scoped3A_192 : memref<!tpu.dma_semaphore, #tpu.memory_space<semaphore_mem>>) src(%dma_wait3A_214 : memref<8x128xf32, #tpu.memory_space<hbm>>) dst(%dma_wait3A_212 : memref<8x128xf32, #tpu.memory_space<vmem>>)
        tpu.yield
      }) : () -> ()
      "tpu.region"() ({
        %run_scoped3A_192 = tpu.sem_alloc : memref<!tpu.dma_semaphore, #tpu.memory_space<semaphore_mem>>
        %dma_start3A = arith.constant 0 : i32
        %dma_start3A_193 = tpu.memref_slice %arg20[%dma_start3A] : memref<128xf32, #tpu.memory_space<vmem>> -> memref<8xf32, #tpu.memory_space<vmem>>
        %dma_start3A_194 = arith.constant 9992 : i32
        %dma_start3A_195 = tpu.memref_slice %arg10[%dma_start3A_194] : memref<10112xf32, #tpu.memory_space<vmem_shared>> -> memref<8xf32, #tpu.memory_space<vmem_shared>>
        %dma_start3A_196 = arith.constant 0 : i32
        %dma_start3A_197 = tpu.memref_slice %arg20[%dma_start3A_196] : memref<128xf32, #tpu.memory_space<vmem>> -> memref<8xf32, #tpu.memory_space<vmem>>
        %dma_start3A_198 = arith.constant 9992 : i32
        %dma_start3A_199 = tpu.memref_slice %arg10[%dma_start3A_198] : memref<10112xf32, #tpu.memory_space<vmem_shared>> -> memref<8xf32, #tpu.memory_space<vmem_shared>>
        tpu.enqueue_dma source(%dma_start3A_199 : memref<8xf32, #tpu.memory_space<vmem_shared>>) target(%dma_start3A_197 : memref<8xf32, #tpu.memory_space<vmem>>) target_semaphore(%run_scoped3A_192 : memref<!tpu.dma_semaphore, #tpu.memory_space<semaphore_mem>>)
        %dma_wait3A = arith.constant 0 : i32
        %dma_wait3A_200 = tpu.memref_slice %arg20[%dma_wait3A] : memref<128xf32, #tpu.memory_space<vmem>> -> memref<8xf32, #tpu.memory_space<vmem>>
        %dma_wait3A_201 = arith.constant 9992 : i32
        %dma_wait3A_202 = tpu.memref_slice %arg10[%dma_wait3A_201] : memref<10112xf32, #tpu.memory_space<vmem_shared>> -> memref<8xf32, #tpu.memory_space<vmem_shared>>
        %dma_wait3A_203 = arith.constant 0 : i32
        %dma_wait3A_204 = tpu.memref_slice %arg20[%dma_wait3A_203] : memref<128xf32, #tpu.memory_space<vmem>> -> memref<8xf32, #tpu.memory_space<vmem>>
        %dma_wait3A_205 = arith.constant 9992 : i32
        %dma_wait3A_206 = tpu.memref_slice %arg10[%dma_wait3A_205] : memref<10112xf32, #tpu.memory_space<vmem_shared>> -> memref<8xf32, #tpu.memory_space<vmem_shared>>
        tpu.wait_dma2 semaphore(%run_scoped3A_192 : memref<!tpu.dma_semaphore, #tpu.memory_space<semaphore_mem>>) src(%dma_wait3A_206 : memref<8xf32, #tpu.memory_space<vmem_shared>>) dst(%dma_wait3A_204 : memref<8xf32, #tpu.memory_space<vmem>>)
        tpu.yield
      }) : () -> ()
      %scan3A_184 = arith.constant 0 : i32
      %scan3A_185 = arith.constant 8 : i32
      %scan3A_186 = arith.addi %scan3A_184, %scan3A_185 : i32
      %scan3A_187 = arith.constant 1 : i32
      scf.for %scan3A_192 = %scan3A_184 to %scan3A_186 step %scan3A_187  : i32 {
        %broadcast_in_dim3A_193 = vector.broadcast %scan3A_192 : i32 to vector<16xi32>
        %gather3A = tpu.vector_load_idx %arg20[%broadcast_in_dim3A_193] : memref<128xf32, #tpu.memory_space<vmem>>[vector<16xi32>], vector<16xf32>,
        %gt3A = arith.constant 0.000000e+00 : f32
        %gt3A_194 = vector.broadcast %gt3A : f32 to vector<16xf32>
        %gt3A_195 = arith.cmpf ogt, %gather3A, %gt3A_194 : vector<16xf32>
        %get3A = arith.constant 0 : i32
        %get3A_196 = arith.index_cast %get3A : i32 to index
        %get3A_197 = arith.index_cast %scan3A_192 : i32 to index
        %get3A_198 = arith.constant 0 : index
        %get3A_199 = tpu.vector_load %arg15[%get3A_196, %get3A_197, %get3A_198] {strides = array<i32>} : memref<2x128x128xf32, #tpu.memory_space<vmem>>, vector<16xf32>,
        %get3A_200 = arith.constant 1 : i32
        %get3A_201 = arith.index_cast %get3A_200 : i32 to index
        %get3A_202 = arith.index_cast %scan3A_192 : i32 to index
        %get3A_203 = arith.constant 0 : index
        %get3A_204 = tpu.vector_load %arg15[%get3A_201, %get3A_202, %get3A_203] {strides = array<i32>} : memref<2x128x128xf32, #tpu.memory_space<vmem>>, vector<16xf32>,
        %select_n3A = arith.select %gt3A_195, %get3A_199, %get3A_204 : vector<16xi1>, vector<16xf32>
        %swap3A_205 = arith.constant 0 : i32
        %swap3A_206 = arith.index_cast %swap3A_205 : i32 to index
        %swap3A_207 = arith.index_cast %scan3A_192 : i32 to index
        %swap3A_208 = arith.constant 0 : index
        %swap3A_209 = tpu.vector_load %arg15[%swap3A_206, %swap3A_207, %swap3A_208] {strides = array<i32>} : memref<2x128x128xf32, #tpu.memory_space<vmem>>, vector<16xf32>,
        tpu.vector_store %arg15[%swap3A_206, %swap3A_207, %swap3A_208], %select_n3A {strides = array<i32>} : memref<2x128x128xf32, #tpu.memory_space<vmem>>, vector<16xf32>,
        %get3A_210 = arith.constant 0 : i32
        %get3A_211 = arith.index_cast %get3A_210 : i32 to index
        %get3A_212 = arith.index_cast %scan3A_192 : i32 to index
        %get3A_213 = arith.constant 16 : index
        %get3A_214 = tpu.vector_load %arg15[%get3A_211, %get3A_212, %get3A_213] {strides = array<i32>} : memref<2x128x128xf32, #tpu.memory_space<vmem>>, vector<16xf32>,
        %get3A_215 = arith.constant 1 : i32
        %get3A_216 = arith.index_cast %get3A_215 : i32 to index
        %get3A_217 = arith.index_cast %scan3A_192 : i32 to index
        %get3A_218 = arith.constant 16 : index
        %get3A_219 = tpu.vector_load %arg15[%get3A_216, %get3A_217, %get3A_218] {strides = array<i32>} : memref<2x128x128xf32, #tpu.memory_space<vmem>>, vector<16xf32>,
        %select_n3A_220 = arith.select %gt3A_195, %get3A_214, %get3A_219 : vector<16xi1>, vector<16xf32>
        %swap3A_221 = arith.constant 0 : i32
        %swap3A_222 = arith.index_cast %swap3A_221 : i32 to index
        %swap3A_223 = arith.index_cast %scan3A_192 : i32 to index
        %swap3A_224 = arith.constant 16 : index
        %swap3A_225 = tpu.vector_load %arg15[%swap3A_222, %swap3A_223, %swap3A_224] {strides = array<i32>} : memref<2x128x128xf32, #tpu.memory_space<vmem>>, vector<16xf32>,
        tpu.vector_store %arg15[%swap3A_222, %swap3A_223, %swap3A_224], %select_n3A_220 {strides = array<i32>} : memref<2x128x128xf32, #tpu.memory_space<vmem>>, vector<16xf32>,
        %get3A_226 = arith.constant 0 : i32
        %get3A_227 = arith.index_cast %get3A_226 : i32 to index
        %get3A_228 = arith.index_cast %scan3A_192 : i32 to index
        %get3A_229 = arith.constant 32 : index
        %get3A_230 = tpu.vector_load %arg15[%get3A_227, %get3A_228, %get3A_229] {strides = array<i32>} : memref<2x128x128xf32, #tpu.memory_space<vmem>>, vector<16xf32>,
        %get3A_231 = arith.constant 1 : i32
        %get3A_232 = arith.index_cast %get3A_231 : i32 to index
        %get3A_233 = arith.index_cast %scan3A_192 : i32 to index
        %get3A_234 = arith.constant 32 : index
        %get3A_235 = tpu.vector_load %arg15[%get3A_232, %get3A_233, %get3A_234] {strides = array<i32>} : memref<2x128x128xf32, #tpu.memory_space<vmem>>, vector<16xf32>,
        %select_n3A_236 = arith.select %gt3A_195, %get3A_230, %get3A_235 : vector<16xi1>, vector<16xf32>
        %swap3A_237 = arith.constant 0 : i32
        %swap3A_238 = arith.index_cast %swap3A_237 : i32 to index
        %swap3A_239 = arith.index_cast %scan3A_192 : i32 to index
        %swap3A_240 = arith.constant 32 : index
        %swap3A_241 = tpu.vector_load %arg15[%swap3A_238, %swap3A_239, %swap3A_240] {strides = array<i32>} : memref<2x128x128xf32, #tpu.memory_space<vmem>>, vector<16xf32>,
        tpu.vector_store %arg15[%swap3A_238, %swap3A_239, %swap3A_240], %select_n3A_236 {strides = array<i32>} : memref<2x128x128xf32, #tpu.memory_space<vmem>>, vector<16xf32>,
        %get3A_242 = arith.constant 0 : i32
        %get3A_243 = arith.index_cast %get3A_242 : i32 to index
        %get3A_244 = arith.index_cast %scan3A_192 : i32 to index
        %get3A_245 = arith.constant 48 : index
        %get3A_246 = tpu.vector_load %arg15[%get3A_243, %get3A_244, %get3A_245] {strides = array<i32>} : memref<2x128x128xf32, #tpu.memory_space<vmem>>, vector<16xf32>,
        %get3A_247 = arith.constant 1 : i32
        %get3A_248 = arith.index_cast %get3A_247 : i32 to index
        %get3A_249 = arith.index_cast %scan3A_192 : i32 to index
        %get3A_250 = arith.constant 48 : index
        %get3A_251 = tpu.vector_load %arg15[%get3A_248, %get3A_249, %get3A_250] {strides = array<i32>} : memref<2x128x128xf32, #tpu.memory_space<vmem>>, vector<16xf32>,
        %select_n3A_252 = arith.select %gt3A_195, %get3A_246, %get3A_251 : vector<16xi1>, vector<16xf32>
        %swap3A_253 = arith.constant 0 : i32
        %swap3A_254 = arith.index_cast %swap3A_253 : i32 to index
        %swap3A_255 = arith.index_cast %scan3A_192 : i32 to index
        %swap3A_256 = arith.constant 48 : index
        %swap3A_257 = tpu.vector_load %arg15[%swap3A_254, %swap3A_255, %swap3A_256] {strides = array<i32>} : memref<2x128x128xf32, #tpu.memory_space<vmem>>, vector<16xf32>,
        tpu.vector_store %arg15[%swap3A_254, %swap3A_255, %swap3A_256], %select_n3A_252 {strides = array<i32>} : memref<2x128x128xf32, #tpu.memory_space<vmem>>, vector<16xf32>,
        %get3A_258 = arith.constant 0 : i32
        %get3A_259 = arith.index_cast %get3A_258 : i32 to index
        %get3A_260 = arith.index_cast %scan3A_192 : i32 to index
        %get3A_261 = arith.constant 64 : index
        %get3A_262 = tpu.vector_load %arg15[%get3A_259, %get3A_260, %get3A_261] {strides = array<i32>} : memref<2x128x128xf32, #tpu.memory_space<vmem>>, vector<16xf32>,
        %get3A_263 = arith.constant 1 : i32
        %get3A_264 = arith.index_cast %get3A_263 : i32 to index
        %get3A_265 = arith.index_cast %scan3A_192 : i32 to index
        %get3A_266 = arith.constant 64 : index
        %get3A_267 = tpu.vector_load %arg15[%get3A_264, %get3A_265, %get3A_266] {strides = array<i32>} : memref<2x128x128xf32, #tpu.memory_space<vmem>>, vector<16xf32>,
        %select_n3A_268 = arith.select %gt3A_195, %get3A_262, %get3A_267 : vector<16xi1>, vector<16xf32>
        %swap3A_269 = arith.constant 0 : i32
        %swap3A_270 = arith.index_cast %swap3A_269 : i32 to index
        %swap3A_271 = arith.index_cast %scan3A_192 : i32 to index
        %swap3A_272 = arith.constant 64 : index
        %swap3A_273 = tpu.vector_load %arg15[%swap3A_270, %swap3A_271, %swap3A_272] {strides = array<i32>} : memref<2x128x128xf32, #tpu.memory_space<vmem>>, vector<16xf32>,
        tpu.vector_store %arg15[%swap3A_270, %swap3A_271, %swap3A_272], %select_n3A_268 {strides = array<i32>} : memref<2x128x128xf32, #tpu.memory_space<vmem>>, vector<16xf32>,
        %get3A_274 = arith.constant 0 : i32
        %get3A_275 = arith.index_cast %get3A_274 : i32 to index
        %get3A_276 = arith.index_cast %scan3A_192 : i32 to index
        %get3A_277 = arith.constant 80 : index
        %get3A_278 = tpu.vector_load %arg15[%get3A_275, %get3A_276, %get3A_277] {strides = array<i32>} : memref<2x128x128xf32, #tpu.memory_space<vmem>>, vector<16xf32>,
        %get3A_279 = arith.constant 1 : i32
        %get3A_280 = arith.index_cast %get3A_279 : i32 to index
        %get3A_281 = arith.index_cast %scan3A_192 : i32 to index
        %get3A_282 = arith.constant 80 : index
        %get3A_283 = tpu.vector_load %arg15[%get3A_280, %get3A_281, %get3A_282] {strides = array<i32>} : memref<2x128x128xf32, #tpu.memory_space<vmem>>, vector<16xf32>,
        %select_n3A_284 = arith.select %gt3A_195, %get3A_278, %get3A_283 : vector<16xi1>, vector<16xf32>
        %swap3A_285 = arith.constant 0 : i32
        %swap3A_286 = arith.index_cast %swap3A_285 : i32 to index
        %swap3A_287 = arith.index_cast %scan3A_192 : i32 to index
        %swap3A_288 = arith.constant 80 : index
        %swap3A_289 = tpu.vector_load %arg15[%swap3A_286, %swap3A_287, %swap3A_288] {strides = array<i32>} : memref<2x128x128xf32, #tpu.memory_space<vmem>>, vector<16xf32>,
        tpu.vector_store %arg15[%swap3A_286, %swap3A_287, %swap3A_288], %select_n3A_284 {strides = array<i32>} : memref<2x128x128xf32, #tpu.memory_space<vmem>>, vector<16xf32>,
        %get3A_290 = arith.constant 0 : i32
        %get3A_291 = arith.index_cast %get3A_290 : i32 to index
        %get3A_292 = arith.index_cast %scan3A_192 : i32 to index
        %get3A_293 = arith.constant 96 : index
        %get3A_294 = tpu.vector_load %arg15[%get3A_291, %get3A_292, %get3A_293] {strides = array<i32>} : memref<2x128x128xf32, #tpu.memory_space<vmem>>, vector<16xf32>,
        %get3A_295 = arith.constant 1 : i32
        %get3A_296 = arith.index_cast %get3A_295 : i32 to index
        %get3A_297 = arith.index_cast %scan3A_192 : i32 to index
        %get3A_298 = arith.constant 96 : index
        %get3A_299 = tpu.vector_load %arg15[%get3A_296, %get3A_297, %get3A_298] {strides = array<i32>} : memref<2x128x128xf32, #tpu.memory_space<vmem>>, vector<16xf32>,
        %select_n3A_300 = arith.select %gt3A_195, %get3A_294, %get3A_299 : vector<16xi1>, vector<16xf32>
        %swap3A_301 = arith.constant 0 : i32
        %swap3A_302 = arith.index_cast %swap3A_301 : i32 to index
        %swap3A_303 = arith.index_cast %scan3A_192 : i32 to index
        %swap3A_304 = arith.constant 96 : index
        %swap3A_305 = tpu.vector_load %arg15[%swap3A_302, %swap3A_303, %swap3A_304] {strides = array<i32>} : memref<2x128x128xf32, #tpu.memory_space<vmem>>, vector<16xf32>,
        tpu.vector_store %arg15[%swap3A_302, %swap3A_303, %swap3A_304], %select_n3A_300 {strides = array<i32>} : memref<2x128x128xf32, #tpu.memory_space<vmem>>, vector<16xf32>,
        %get3A_306 = arith.constant 0 : i32
        %get3A_307 = arith.index_cast %get3A_306 : i32 to index
        %get3A_308 = arith.index_cast %scan3A_192 : i32 to index
        %get3A_309 = arith.constant 112 : index
        %get3A_310 = tpu.vector_load %arg15[%get3A_307, %get3A_308, %get3A_309] {strides = array<i32>} : memref<2x128x128xf32, #tpu.memory_space<vmem>>, vector<16xf32>,
        %get3A_311 = arith.constant 1 : i32
        %get3A_312 = arith.index_cast %get3A_311 : i32 to index
        %get3A_313 = arith.index_cast %scan3A_192 : i32 to index
        %get3A_314 = arith.constant 112 : index
        %get3A_315 = tpu.vector_load %arg15[%get3A_312, %get3A_313, %get3A_314] {strides = array<i32>} : memref<2x128x128xf32, #tpu.memory_space<vmem>>, vector<16xf32>,
        %select_n3A_316 = arith.select %gt3A_195, %get3A_310, %get3A_315 : vector<16xi1>, vector<16xf32>
        %swap3A_317 = arith.constant 0 : i32
        %swap3A_318 = arith.index_cast %swap3A_317 : i32 to index
        %swap3A_319 = arith.index_cast %scan3A_192 : i32 to index
        %swap3A_320 = arith.constant 112 : index
        %swap3A_321 = tpu.vector_load %arg15[%swap3A_318, %swap3A_319, %swap3A_320] {strides = array<i32>} : memref<2x128x128xf32, #tpu.memory_space<vmem>>, vector<16xf32>,
        tpu.vector_store %arg15[%swap3A_318, %swap3A_319, %swap3A_320], %select_n3A_316 {strides = array<i32>} : memref<2x128x128xf32, #tpu.memory_space<vmem>>, vector<16xf32>,
      }
      %scan3A_188 = arith.constant 8 : i32
      %add3A_189 = arith.constant 9992 : i32
      %add3A_190 = arith.addi %mul3A_1, %add3A_189 : i32
      %run_scoped3A_191 = arith.constant 0 : i32
      "tpu.region"() ({
        %run_scoped3A_192 = tpu.sem_alloc : memref<!tpu.dma_semaphore, #tpu.memory_space<semaphore_mem>>
        %dma_start3A = arith.constant 0 : i32
        %dma_start3A_193 = arith.constant 0 : i32
        %dma_start3A_194 = tpu.memref_slice %arg15[%run_scoped3A_191, %dma_start3A, %dma_start3A_193] : memref<2x128x128xf32, #tpu.memory_space<vmem>> -> memref<1x8x128xf32, #tpu.memory_space<vmem>>
        %dma_start3A_195 = tpu.memref_squeeze %dma_start3A_194 : memref<1x8x128xf32, #tpu.memory_space<vmem>> -> memref<8x128xf32, #tpu.memory_space<vmem>>
        %dma_start3A_196 = arith.constant 0 : i32
        %dma_start3A_197 = tpu.memref_slice %arg8[%add3A_190, %dma_start3A_196] : memref<20224x128xf32, #tpu.memory_space<hbm>> -> memref<8x128xf32, #tpu.memory_space<hbm>>
        %dma_start3A_198 = arith.constant 0 : i32
        %dma_start3A_199 = tpu.memref_slice %arg8[%add3A_190, %dma_start3A_198] : memref<20224x128xf32, #tpu.memory_space<hbm>> -> memref<8x128xf32, #tpu.memory_space<hbm>>
        %dma_start3A_200 = arith.constant 0 : i32
        %dma_start3A_201 = arith.constant 0 : i32
        %dma_start3A_202 = tpu.memref_slice %arg15[%run_scoped3A_191, %dma_start3A_200, %dma_start3A_201] : memref<2x128x128xf32, #tpu.memory_space<vmem>> -> memref<1x8x128xf32, #tpu.memory_space<vmem>>
        %dma_start3A_203 = tpu.memref_squeeze %dma_start3A_202 : memref<1x8x128xf32, #tpu.memory_space<vmem>> -> memref<8x128xf32, #tpu.memory_space<vmem>>
        tpu.enqueue_dma source(%dma_start3A_203 : memref<8x128xf32, #tpu.memory_space<vmem>>) target(%dma_start3A_199 : memref<8x128xf32, #tpu.memory_space<hbm>>) target_semaphore(%run_scoped3A_192 : memref<!tpu.dma_semaphore, #tpu.memory_space<semaphore_mem>>)
        %dma_wait3A = arith.constant 0 : i32
        %dma_wait3A_204 = arith.constant 0 : i32
        %dma_wait3A_205 = tpu.memref_slice %arg15[%run_scoped3A_191, %dma_wait3A, %dma_wait3A_204] : memref<2x128x128xf32, #tpu.memory_space<vmem>> -> memref<1x8x128xf32, #tpu.memory_space<vmem>>
        %dma_wait3A_206 = tpu.memref_squeeze %dma_wait3A_205 : memref<1x8x128xf32, #tpu.memory_space<vmem>> -> memref<8x128xf32, #tpu.memory_space<vmem>>
        %dma_wait3A_207 = arith.constant 0 : i32
        %dma_wait3A_208 = tpu.memref_slice %arg8[%add3A_190, %dma_wait3A_207] : memref<20224x128xf32, #tpu.memory_space<hbm>> -> memref<8x128xf32, #tpu.memory_space<hbm>>
        %dma_wait3A_209 = arith.constant 0 : i32
        %dma_wait3A_210 = tpu.memref_slice %arg8[%add3A_190, %dma_wait3A_209] : memref<20224x128xf32, #tpu.memory_space<hbm>> -> memref<8x128xf32, #tpu.memory_space<hbm>>
        %dma_wait3A_211 = arith.constant 0 : i32
        %dma_wait3A_212 = arith.constant 0 : i32
        %dma_wait3A_213 = tpu.memref_slice %arg15[%run_scoped3A_191, %dma_wait3A_211, %dma_wait3A_212] : memref<2x128x128xf32, #tpu.memory_space<vmem>> -> memref<1x8x128xf32, #tpu.memory_space<vmem>>
        %dma_wait3A_214 = tpu.memref_squeeze %dma_wait3A_213 : memref<1x8x128xf32, #tpu.memory_space<vmem>> -> memref<8x128xf32, #tpu.memory_space<vmem>>
        tpu.wait_dma2 semaphore(%run_scoped3A_192 : memref<!tpu.dma_semaphore, #tpu.memory_space<semaphore_mem>>) src(%dma_wait3A_214 : memref<8x128xf32, #tpu.memory_space<vmem>>) dst(%dma_wait3A_210 : memref<8x128xf32, #tpu.memory_space<hbm>>)
        tpu.yield
      }) : () -> ()
    } else {
    }
    return
  }
}

module attributes {stable_mosaic.version = 14 : i64} {
  func.func @_scores_body(%arg0: memref<10000x256xf32, #tpu.memory_space<vmem>>, %arg1: memref<10000x256xf32, #tpu.memory_space<vmem>>, %arg2: memref<1x512xf32, #tpu.memory_space<vmem>>, %arg3: memref<10000xf32, #tpu.memory_space<vmem>>, %arg4: memref<10000xf32, #tpu.memory_space<vmem>>) attributes {dimension_semantics = [], scalar_prefetch = 0 : i64, scratch_operands = 0 : i64, tpu.core_type = #tpu.core_type<tc>} {
    %get3A = arith.constant 0 : index
    %get3A_0 = arith.constant 0 : index
    %get3A_1 = vector.load %arg2[%get3A, %get3A_0] : memref<1x512xf32, #tpu.memory_space<vmem>>, vector<1x512xf32>
    %get3A_2 = vector.shape_cast %get3A_1 : vector<1x512xf32> to vector<512xf32>
    %get3A_3 = arith.constant 0 : index
    %get3A_4 = arith.constant 0 : index
    %get3A_5 = vector.load %arg0[%get3A_3, %get3A_4] : memref<10000x256xf32, #tpu.memory_space<vmem>>, vector<10000x256xf32>
    %slice3A = vector.extract_strided_slice %get3A_2 {offsets = [0], sizes = [256], strides = [1]} : vector<512xf32> to vector<256xf32>
    %dot_general3A = arith.constant dense<0.000000e+00> : vector<10000xf32>
    %dot_general3A_6 = tpu.matmul %get3A_5, %slice3A, %dot_general3A {dimension_numbers = #tpu.dot_dimension_numbers<[1], [0], [0], [], [0, 0], [], []>, transpose_lhs_hint = false} : vector<10000x256xf32>, vector<256xf32>, vector<10000xf32> -> vector<10000xf32>
    %swap3A = arith.constant 0 : index
    %swap3A_7 = vector.load %arg3[%swap3A] : memref<10000xf32, #tpu.memory_space<vmem>>, vector<10000xf32>
    tpu.vector_store %arg3[%swap3A], %dot_general3A_6 {strides = array<i32>} : memref<10000xf32, #tpu.memory_space<vmem>>, vector<10000xf32>,
    %get3A_8 = arith.constant 0 : index
    %get3A_9 = arith.constant 0 : index
    %get3A_10 = vector.load %arg1[%get3A_8, %get3A_9] : memref<10000x256xf32, #tpu.memory_space<vmem>>, vector<10000x256xf32>
    %slice3A_11 = vector.extract_strided_slice %get3A_2 {offsets = [256], sizes = [256], strides = [1]} : vector<512xf32> to vector<256xf32>
    %dot_general3A_12 = arith.constant dense<0.000000e+00> : vector<10000xf32>
    %dot_general3A_13 = tpu.matmul %get3A_10, %slice3A_11, %dot_general3A_12 {dimension_numbers = #tpu.dot_dimension_numbers<[1], [0], [0], [], [0, 0], [], []>, transpose_lhs_hint = false} : vector<10000x256xf32>, vector<256xf32>, vector<10000xf32> -> vector<10000xf32>
    %swap3A_14 = arith.constant 0 : index
    %swap3A_15 = vector.load %arg4[%swap3A_14] : memref<10000xf32, #tpu.memory_space<vmem>>, vector<10000xf32>
    tpu.vector_store %arg4[%swap3A_14], %dot_general3A_13 {strides = array<i32>} : memref<10000xf32, #tpu.memory_space<vmem>>, vector<10000xf32>,
    return
  }
}

</mosaic_0001>

<sc_bundles>
// kernel: kernel.4.cloned.1.call-start
scs
__scs_entry_jumppad:
0x0: {  	(pc) =	sbr.rel $0x88, $3  }
0x1: {  	(tag) =	ssettag $0x0;
	lr =	simm.s32 $0x1  }
0x2: {  	[smem:$0x3F9D] =	sst lr;
	_ =	strace $0xD0000000  }
0x3: {  	_ = 	snop  }
0x4: {  	_ = 	snop  }
0x5: {  	_ = 	snop  }
0x6: {  	_ = 	snop  }
0x7: {  	_ = 	snop  }
__scs_overlays_trampoline_lowered:
0x8: {  	[smem:$0x3FAC] =	sst s0  }
0x9: {  	[smem:$0x3FAD] =	sst s1  }
0xa: {  	[smem:$0x3FAE] =	sst s2  }
0xb: {  	[smem:$0x3FAF] =	sst s3  }
0xc: {  	[smem:$0x3FB0] =	sst s4  }
0xd: {  	[smem:$0x3FB1] =	sst s5  }
0xe: {  	[smem:$0x3FB2] =	sst s6  }
0xf: {  	[smem:$0x3FB3] =	sst s7  }
0x10: {  	[smem:$0x3FB4] =	sst s8  }
0x11: {  	[smem:$0x3FB5] =	sst s9;
	s0 =	simm.s32 @!p0 $0x0  }
0x12: {  	s1 =	sld [smem:$0x3F9B];
	s0 =	simm.s32 @p0 $0x1  }
0x13: {  	[smem:$0x3FB6] =	sst s0;
	s0 =	simm.s32 @!p1 $0x0  }
0x14: {  	s2 =	sld [smem:$0x3F9A];
	s0 =	simm.s32 @p1 $0x1  }
0x15: {  	[smem:$0x3FB7] =	sst s0;
	s0 =	simm.s32 @!p2 $0x0  }
0x16: {  	s3 =	sld [smem:$0x3FDB];
	s0 =	simm.s32 @p2 $0x1  }
0x17: {  	s4 =	simm.s32 $0x1BF5;
	[smem:$0x3FB9] =	sst s0  }
0x18: {  	s0 =	sld [smem:$0x3F9C];
	_ =	swait.ge [sflag:s4], $0x0  }
0x19: {  	s7 =	sld [smem:$0x3F9D]  }
0x1a: {  	s8 =	sadd.s32 $0xFFFFE003, lr  }
0x1b: {  	s9 =	sadd.s32 $0xFFFFFEF7, lr;
	s5 =	simm.s32 $0xFFFFFFFF;
	p2 =	slt.u32 s8, $0xFFFFF086  }
0x1c: {  	p1 =	slt.u32 s9, $0xF7A;
	s5 =	simm.s32 @!p2 $0x0  }
0x1d: {  	s5 =	simm.s32 @p1 $0x1;
	p0 =	seq.s32 s7, s2  }
0x1e: {  	s7 =	smul.u32 @!p0 $0xF7A, s2;
	p2 =	seq.s32 @!p0 s5, $0x0  }
0x1f: {  	s9 =	smul.u32 $0xF7A, s1;
	s8 =	simm.s32 @!p0 $0x1BF5;
	p2 =	por !p2, p0  }
0x20: {  	[sflag:s8] =	ssyncset.s32 @!p0 $0xFFFFF086;
	s6 =	sadd.s32 @!p0 s3, s7;
	s7 =	simm.s32 @!p0 $0x108  }
0x21: {  	s3 =	sadd.s32 s3, s9;
	s6 =	sadd.s32 @!p0 $0x88, s6;
	s7 =	simm.s32 @p2 $0x1082  }
0x22: {  	[simem:s7], [sflag:s8] =	dma.local @!p0 [hbm:s6], $0xF7A  }
0x23: {  	s9 =	sor.u32 $0xD0000000, s2;
	s6 =	simm.s32 $0x108;
	_ =	swait.ge @!p0 [sflag:s8], $0x0  }
0x24: {  	s3 =	sadd.s32 $0x88, s3;
	s6 =	simm.s32 @!p1 $0x1082;
	[sflag:s4] =	ssyncset.s32 $0xFFFFF086  }
0x25: {  	[simem:s6], [sflag:s4] =	dma.local [hbm:s3], $0xF7A  }
0x26: {  	[smem:$0x3F9D] =	sst s1;
	(tag) =	ssettag s2;
	_ =	strace s9  }
0x27: {  	s1 =	sld [smem:$0x3FAD]  }
0x28: {  	s2 =	sld [smem:$0x3FAE]  }
0x29: {  	s4 =	sld [smem:$0x3FB0]  }
0x2a: {  	p0 =	seq.s32 s5, $0x0;
	s5 =	sld [smem:$0x3FB1]  }
0x2b: {  	s6 =	sld [smem:$0x3FB2]  }
0x2c: {  	s7 =	sld [smem:$0x3FB3]  }
0x2d: {  	s3 =	simm.s32 $0x108;
	s8 =	sld [smem:$0x3FB4]  }
0x2e: {  	s3 =	simm.s32 @!p0 $0x1082;
	s9 =	sld [smem:$0x3FB5]  }
0x2f: {  	lr =	sadd.s32 s0, s3;
	s0 =	sld [smem:$0x3FAC]  }
0x30: {  	s3 =	sld [smem:$0x3FAF]  }
0x31: {  	[smem:$0x3FB8] =	sst s10  }
0x32: {  	s10 =	sld [smem:$0x3FB6];
	_ =	sdelay $0x3  }
0x33: {  	p0 =	seq.s32 s10, $0x1;
	s10 =	sld [smem:$0x3FB8];
	_ =	sdelay $0x3  }
0x34: {  	[smem:$0x3FB8] =	sst s10  }
0x35: {  	s10 =	sld [smem:$0x3FB7];
	_ =	sdelay $0x3  }
0x36: {  	p1 =	seq.s32 s10, $0x1;
	s10 =	sld [smem:$0x3FB8];
	_ =	sdelay $0x3  }
0x37: {  	[smem:$0x3FB8] =	sst s10  }
0x38: {  	s10 =	sld [smem:$0x3FB9]  }
0x39: {  	_ = 	snop;
	(pc) =	sbr.ind lr, $3  }
0x3a: {  	_ = 	snop  }
0x3b: {  	_ = 	snop  }
0x3c: {  	p2 =	seq.s32 s10, $0x1;
	s10 =	sld [smem:$0x3FB8]  }
0x3d: {  	_ =	shalt  }
0x3e: {  	_ =	shalt  }
0x3f: {  	_ =	shalt  }
0x40: {  	_ =	shalt  }
0x41: {  	_ =	shalt  }
0x42: {  	_ =	shalt  }
0x43: {  	_ =	shalt  }
0x44: {  	_ =	shalt  }
0x45: {  	_ =	shalt  }
0x46: {  	_ =	shalt  }
0x47: {  	_ =	shalt  }
0x48: {  	_ =	shalt  }
0x49: {  	_ =	shalt  }
0x4a: {  	_ =	shalt  }
0x4b: {  	_ =	shalt  }
0x4c: {  	_ =	shalt  }
0x4d: {  	_ =	shalt  }
0x4e: {  	_ =	shalt  }
0x4f: {  	_ =	shalt  }
0x50: {  	_ =	shalt  }
0x51: {  	_ =	shalt  }
0x52: {  	_ =	shalt  }
0x53: {  	_ =	shalt  }
0x54: {  	_ =	shalt  }
0x55: {  	_ =	shalt  }
0x56: {  	_ =	shalt  }
0x57: {  	_ =	shalt  }
0x58: {  	_ =	shalt  }
0x59: {  	_ =	shalt  }
0x5a: {  	_ =	shalt  }
0x5b: {  	_ =	shalt  }
0x5c: {  	_ =	shalt  }
0x5d: {  	_ =	shalt  }
0x5e: {  	_ =	shalt  }
0x5f: {  	_ =	shalt  }
0x60: {  	_ =	shalt  }
0x61: {  	_ =	shalt  }
0x62: {  	_ =	shalt  }
0x63: {  	_ =	shalt  }
0x64: {  	_ =	shalt  }
0x65: {  	_ =	shalt  }
0x66: {  	_ =	shalt  }
0x67: {  	_ =	shalt  }
0x68: {  	_ =	shalt  }
0x69: {  	_ =	shalt  }
0x6a: {  	_ =	shalt  }
0x6b: {  	_ =	shalt  }
0x6c: {  	_ =	shalt  }
0x6d: {  	_ =	shalt  }
0x6e: {  	_ =	shalt  }
0x6f: {  	_ =	shalt  }
0x70: {  	_ =	shalt  }
0x71: {  	_ =	shalt  }
0x72: {  	_ =	shalt  }
0x73: {  	_ =	shalt  }
0x74: {  	_ =	shalt  }
0x75: {  	_ =	shalt  }
0x76: {  	_ =	shalt  }
0x77: {  	_ =	shalt  }
0x78: {  	_ =	shalt  }
0x79: {  	_ =	shalt  }
0x7a: {  	_ =	shalt  }
0x7b: {  	_ =	shalt  }
0x7c: {  	_ =	shalt  }
0x7d: {  	_ =	shalt  }
0x7e: {  	_ =	shalt  }
0x7f: {  	_ =	shalt  }
0x80: {  	_ =	shalt  }
0x81: {  	_ =	shalt  }
0x82: {  	_ =	shalt  }
0x83: {  	_ =	shalt  }
0x84: {  	_ =	shalt  }
0x85: {  	_ =	shalt  }
0x86: {  	_ =	shalt  }
0x87: {  	_ =	shalt  }
.Lfunc_end0:
.L_simem_size_0:
called_computation_lowered:
.L_overlay_start_0:
0x88: {  	s2 =	sld [smem:$0x3FD9]  }
0x89: {  	s3 =	sld [smem:$0x3FFE];
	_ =	sdelay $0x1  }
0x8a: {  	s1 =	srdreg.scid  }
0x8b: {  	s0 =	sand.u32 $0x1, s1  }
0x8c: {  	s16 =	sshll.u32 s0, $0xA;
	s2 =	sadd.s32 s3, s2  }
0x8d: {  	s2 =	sadd.s32 s2, s16  }
0x8e: {  	[smem:$0x3FC4] =	sst s2  }
0x8f: {  	_ = 	snop  }
0x90: {  	(tm) =	ssettm $0x1  }
0x91: {  	s17 =	sld [smem:$0x3FFB];
	_ =	sdelay $0x3  }
0x92: {  	_ =	strace s17  }
0x93: {  	s2 =	sld [smem:$0x3FFC];
	_ =	sdelay $0x3  }
0x94: {  	_ =	strace s2  }
0x95: {  	s2 =	sld [smem:$0x3FFD];
	_ =	sdelay $0x3  }
0x96: {  	_ =	strace s2  }
0x97: {  	_ =	strace $0x8FFFFFFF  }
0x98: {  	s18 =	sld [smem:$0x3FDB];
	_ =	sdelay $0x1  }
0x99: {  	s19 =	simm.s32 $_scs_section_size  }
0x9a: {  	s4 =	simm.s32 $_size__tile_overlayer_lowered;
	s5 =	simm.s32 $_tile_overlayer_lowered  }
0x9b: {  	s22 =	simm.s32 $0x1BFF;
	s21 =	sshll.u32 s5, $0x1;
	s2 =	sadd.s32 s19, s18  }
0x9c: {  	s6 =	simm.s32 $0x0;
	s20 =	sshll.u32 s4, $0x1;
	s4 =	sadd.s32 s21, s2  }
0x9d: {  	[timem:s6], [sflag:s22] =	dma.local [hbm:s4], s20  }
0x9e: {  	_ =	swait.ge [sflag:s22], s20  }
0x9f: {  	s3 =	ssub.s32 $0x0, s20;
	[sflag:s22] =	ssyncset.done $0x0  }
0xa0: {  	[sflag:s22] =	ssyncadd.s32 s3;
	_ =	sdelay $0x1  }
0xa1: {  	s23 =	simm.s32 $0x1B8B  }
0xa2: {  	_ =	swait.ge [sflag:s23], $0x1  }
0xa3: {  	[sflag:s23] =	ssyncset.done $0x0  }
0xa4: {  	s25 =	simm.s32 $0x1B8E;
	s24 =	sld [smem:$0x3FFE];
	[sflag:s23] =	ssyncadd.s32 $0xFFFFFFFF  }
0xa5: {  	s26 =	simm.s32 $execute0_lowered;
	[smem:$0x3FD2] =	sst s25  }
0xa6: {  	s4 =	sshll.u32 s26, $0x1;
	_ =	strace $0x80000046;
	[dreg:$0x1] =	wrdreg $0xFFFFFFFF  }
0xa7: {  	s28 =	simm.s32 $_size_execute0_lowered;
	s2 =	sadd.s32 s2, s4;
	[dreg:$0x0] =	wrdreg $0x0  }
0xa8: {  	s4 =	sshll.u32 s28, $0x1;
	[dreg:$0x2] =	wrdreg s2  }
0xa9: {  	[dreg:$0x3] =	wrdreg s4  }
0xaa: {  	[dreg:$0x4] =	wrdreg $0xC0  }
0xab: {  	_ =	task [dreg:s6], $0x5FFFF  }
0xac: {  	[dreg:$0x1] =	wrdreg $0xFFFFFFFF  }
0xad: {  	[dreg:$0x0] =	wrdreg $0x60  }
0xae: {  	[dreg:$0x2] =	wrdreg s24  }
0xaf: {  	[dreg:$0x3] =	wrdreg $0x0  }
0xb0: {  	[dreg:$0x4] =	wrdreg $0x13C000  }
0xb1: {  	[dreg:$0x5] =	wrdreg $0x13E780  }
0xb2: {  	[dreg:$0x6] =	wrdreg $0x140F00  }
0xb3: {  	[dreg:$0x7] =	wrdreg $0x9  }
0xb4: {  	_ =	task.clear_ibuf [dreg:s6], $0x8FFFF;
	_ =	strace $0x90000046  }
0xb5: {  	s29 =	simm.s32 $0x9;
	_ =	strace $0x80000048  }
0xb6: {  	_ =	swait.ge [sflag:s29], $0x1  }
0xb7: {  	[sflag:s29] =	ssyncadd.s32 $0xFFFFFFFF  }
0xb8: {  	_ =	strace $0x90000048  }
0xb9: {  	_ =	sfence  }
0xba: {  	s30 =	sld [smem:$0x0];
	_ =	sdelay $0x2  }
0xbb: {  	s31 =	sshll.u32 s1, $0xD;
	s1 =	sshrl.u32 s1, $0x2  }
0xbc: {  	s3 =	sand.u32 $0x4000, s31;
	s1 =	sadd.s32 s1, s30  }
0xbd: {  	s0 =	sor.u32 s3, s0;
	s1 =	sshll.u32 s1, $0x11  }
0xbe: {  	s0 =	sor.u32 s1, s0  }
0xbf: {  	s0 =	sadd.s32 $0x8F2B, s0  }
0xc0: {  	[sflag:s0] =	ssyncadd.remote.s32 $0x1  }
0xc1: {  	_ =	sfence.sel $0xFFFF  }
0xc2: {  	[dreg:$0x0] =	wrdreg $0xFFFFFFFF;
	(pc) =	sbr.abs _section_cstart, $3  }
0xc3: {  	[dreg:$0x1] =	wrdreg $0xFFFFFFFF  }
0xc4: {  	_ =	task.clear_ibuf [dreg:s6], $0x2FFFF;
	_ =	strace $0x9FFFFFFF  }
0xc5: {  	(tm) =	ssettm $0x7FFFFFFF  }
tec
execute0_lowered:
.L_overlay_start_1:
0x0: {  	(tag) =	ssettag $0x1  }
0x1: {  	s0 =	srdreg.scid  }
0x2: {  	s26 =	stileid.u32;
	s7 =	rddreg [dreg:$0x0]  }
0x3: {  	s28 =	rddreg [dreg:$0x2];
	s0 =	sand.u32 $0x1, s0;
	s2 =	smul.u32 $0x3E8, s26  }
0x4: {  	s30 =	rddreg [dreg:$0x3];
	s3 =	sadd.s32 $0x29600, s7;
	s1 =	ssub.s32 $0x2, s0  }
0x5: {  	s4 =	sadd.s32 $0x29C00, s7;
	s5 =	sshrl.u32 s1, $0x1;
	s14 =	sshrl.u32 s2, $0x3  }
0x6: {  	s6 =	sadd.s32 $0x80, s2;
	s1 =	ssub.s32 s1, s5;
	s8 =	sadd.s32 s3, s14  }
0x7: {  	s15 =	sshrl.u32 s6, $0x3;
	s5 =	sadd.s32 s4, s14;
	[dreg:$0x6] =	wrdreg s8  }
0x8: {  	s13 =	sadd.s32 $0x100, s2;
	[dreg:$0x7] =	wrdreg s5;
	s16 =	sadd.s32 s3, s15  }
0x9: {  	s17 =	sshrl.u32 s13, $0x3;
	s8 =	sadd.s32 s4, s15;
	[dreg:$0x8] =	wrdreg s16  }
0xa: {  	s14 =	sadd.s32 $0x180, s2;
	s18 =	sadd.s32 s3, s17;
	[dreg:$0x9] =	wrdreg s8  }
0xb: {  	s5 =	sadd.s32 s4, s17;
	s19 =	sshrl.u32 s14, $0x3;
	[dreg:$0xa] =	wrdreg s18  }
0xc: {  	s15 =	sadd.s32 $0x200, s2;
	s17 =	simm.s32 $0x0;
	[dreg:$0xb] =	wrdreg s5  }
0xd: {  	s20 =	sadd.s32 s3, s19;
	s21 =	sshrl.u32 s15, $0x3;
	[smem:$0x7FF] =	sst s17  }
0xe: {  	s16 =	sadd.s32 $0x280, s2;
	s5 =	sadd.s32 s4, s19;
	[dreg:$0xc] =	wrdreg s20  }
0xf: {  	s18 =	sadd.s32 $0x300, s2;
	[dreg:$0xd] =	wrdreg s5;
	s22 =	sadd.s32 s3, s21  }
0x10: {  	s23 =	sshrl.u32 s16, $0x3;
	s8 =	sadd.s32 s4, s21;
	[dreg:$0xe] =	wrdreg s22  }
0x11: {  	s19 =	sadd.s32 $0x380, s2;
	[dreg:$0xf] =	wrdreg s8;
	s24 =	sadd.s32 s3, s23  }
0x12: {  	s25 =	sshrl.u32 s18, $0x3;
	s5 =	sadd.s32 s4, s23;
	[dreg:$0x10] =	wrdreg s24  }
0x13: {  	s10 =	sshrl.u32 s19, $0x3;
	s9 =	sadd.s32 s3, s25;
	[dreg:$0x11] =	wrdreg s5  }
0x14: {  	s3 =	sadd.s32 s3, s10;
	[dreg:$0x12] =	wrdreg s9  }
0x15: {  	s8 =	smul.u32 $0x278, s26;
	s5 =	sadd.s32 s4, s25;
	[dreg:$0x14] =	wrdreg s3  }
0x16: {  	s11 =	sadd.s32 s4, s10;
	[dreg:$0x13] =	wrdreg s5;
	s5 =	smul.u32 $0x2780, s0  }
0x17: {  	s1 =	smax.u32 s1, $0x1;
	s10 =	sadd.s32 $0x34200, s7;
	[dreg:$0x15] =	wrdreg s11  }
0x18: {  	s9 =	sadd.s32 $0x80, s8;
	s0 =	smul.u32 $0x13C000, s0;
	s12 =	sadd.s32 s8, s5  }
0x19: {  	s11 =	sadd.s32 $0xD2200, s7;
	s20 =	sadd.s32 s5, s9;
	s3 =	sshll.u32 s12, $0x4  }
0x1a: {  	s0 =	sshrl.u32 s0, $0x3;
	s4 =	sshll.u32 s20, $0x4;
	s20 =	sadd.s32 s10, s3  }
0x1b: {  	s12 =	sadd.s32 $0x100, s8;
	s3 =	sadd.s32 s11, s3;
	[dreg:$0x16] =	wrdreg s20  }
0x1c: {  	s21 =	sadd.s32 s10, s4;
	s22 =	sadd.s32 s5, s12;
	[dreg:$0x17] =	wrdreg s3  }
0x1d: {  	s4 =	sadd.s32 s11, s4;
	[dreg:$0x18] =	wrdreg s21;
	s3 =	sshll.u32 s22, $0x4  }
0x1e: {  	[dreg:$0x19] =	wrdreg s4;
	s20 =	sadd.s32 $0x180, s8;
	s23 =	sadd.s32 s10, s3  }
0x1f: {  	s3 =	sadd.s32 s11, s3;
	s24 =	sadd.s32 s5, s20;
	[dreg:$0x1a] =	wrdreg s23  }
0x20: {  	s21 =	sadd.s32 $0x200, s8;
	[dreg:$0x1b] =	wrdreg s3;
	s3 =	sshll.u32 s24, $0x4  }
0x21: {  	s22 =	sadd.s32 s5, s21;
	s24 =	rddreg [dreg:$0x1];
	s25 =	sadd.s32 s10, s3  }
0x22: {  	s23 =	sshll.u32 s22, $0x4;
	s3 =	sadd.s32 s11, s3;
	[dreg:$0x1c] =	wrdreg s25  }
0x23: {  	s8 =	sadd.s32 s8, s28;
	s4 =	sadd.s32 s10, s23;
	[dreg:$0x1d] =	wrdreg s3  }
0x24: {  	[dreg:$0x1e] =	wrdreg s4;
	s3 =	sadd.s32 s11, s23;
	s25 =	sadd.s32 $0x27080, s0  }
0x25: {  	s0 =	rddreg [dreg:$0x4];
	s23 =	smul.u32 $0x4F000, s26;
	s4 =	sadd.s32 $0x2A200, s7  }
0x26: {  	[dreg:$0x1f] =	wrdreg s3;
	s22 =	sadd.s32 s10, s25;
	s3 =	sadd.s32 s11, s25  }
0x27: {  	s11 =	sshll.u32 s9, $0x7;
	s10 =	sadd.s32 s12, s28;
	[smem:$0x7DD] =	sst s22  }
0x28: {  	[smem:$0x7DE] =	sst s3;
	s22 =	smul.u32 $0x500, s26;
	s25 =	sshrl.u32 s23, $0x2  }
0x29: {  	s3 =	sadd.s32 $0x83200, s7;
	_ =	strace $0x80000047;
	s29 =	sadd.s32 s25, s24  }
0x2a: {  	[smem:$0x7DF] =	sst s8;
	s25 =	sshll.u32 s12, $0x7;
	s8 =	sadd.s32 s9, s28  }
0x2b: {  	s12 =	sadd.s32 s20, s28;
	[smem:$0x7F9] =	sst s1;
	s23 =	sadd.s32 s22, s7  }
0x2c: {  	s7 =	sadd.s32 s11, s24;
	s9 =	sadd.s32 s25, s24;
	[smem:$0x7FD] =	sst s29  }
0x2d: {  	s25 =	sshll.u32 s21, $0x7;
	s21 =	sadd.s32 s21, s28;
	[smem:$0x7E0] =	sst s7  }
0x2e: {  	s7 =	sshll.u32 s20, $0x7;
	s20 =	sadd.s32 s25, s24;
	[smem:$0x7E2] =	sst s21  }
0x2f: {  	s25 =	sadd.s32 s2, s30;
	[smem:$0x7E1] =	sst s20  }
0x30: {  	s2 =	sadd.s32 s2, s0;
	[smem:$0x7E3] =	sst s25  }
0x31: {  	s21 =	sadd.s32 s6, s0;
	[smem:$0x7E4] =	sst s2  }
0x32: {  	s20 =	sadd.s32 s6, s30;
	[smem:$0x7E6] =	sst s21  }
0x33: {  	s25 =	sadd.s32 s13, s30;
	[smem:$0x7E5] =	sst s20  }
0x34: {  	s6 =	sadd.s32 s13, s0;
	[smem:$0x7E7] =	sst s25  }
0x35: {  	s11 =	sadd.s32 s7, s24;
	s7 =	sadd.s32 s14, s30;
	[smem:$0x7E8] =	sst s6  }
0x36: {  	s13 =	sadd.s32 s14, s0;
	[smem:$0x7E9] =	sst s7  }
0x37: {  	s14 =	sadd.s32 s15, s30;
	[smem:$0x7EA] =	sst s13  }
0x38: {  	s21 =	sadd.s32 s16, s30;
	[smem:$0x7EB] =	sst s14  }
0x39: {  	s20 =	sadd.s32 s15, s0;
	[smem:$0x7ED] =	sst s21  }
0x3a: {  	s7 =	sadd.s32 s16, s0;
	[smem:$0x7EC] =	sst s20  }
0x3b: {  	s13 =	sadd.s32 s18, s30;
	[smem:$0x7EE] =	sst s7  }
0x3c: {  	s14 =	sadd.s32 s18, s0;
	[smem:$0x7EF] =	sst s13  }
0x3d: {  	s31 =	simm.s32 $0x0;
	s15 =	sadd.s32 s19, s30;
	[smem:$0x7F0] =	sst s14  }
0x3e: {  	p0 =	sgt.u32 s26, $0x9;
	s16 =	sadd.s32 s19, s0;
	[smem:$0x7F1] =	sst s15  }
0x3f: {  	p1 =	seq.s32 s26, $0xF;
	s18 =	sadd.s32 $0x2F200, s23;
	[smem:$0x7F2] =	sst s16  }
0x40: {  	p2 =	sne.s32 s26, $0xA;
	s19 =	sadd.s32 s4, s22;
	[smem:$0x7F3] =	sst s18  }
0x41: {  	s25 =	smul.u32 $0x2800, s26;
	s23 =	sadd.s32 $0x2710, s0;
	[smem:$0x7F4] =	sst s19  }
0x42: {  	s1 =	simm.s32 $0x1FB68;
	s19 =	smul.u32 $0x50, s26;
	[smem:$0x7FA] =	sst s23  }
0x43: {  	s26 =	sadd.s32 $0x2708, s28;
	s23 =	simm.s32 $0x1FCE8;
	s2 =	sshrl.u32 s25, $0x3  }
0x44: {  	s25 =	sadd.s32 $0x138400, s24;
	[smem:$0x7FC] =	sst s26;
	s2 =	sadd.s32 s4, s2  }
0x45: {  	s15 =	simm.s32 $0x1BB68;
	[smem:$0x7FB] =	sst s25;
	s20 =	sadd.s32 $0x100, s2  }
.Ltmp0:
0x46: {  	s21 =	sadd.s32 $0x200, s2;
	[smem:$0x7F5] =	sst s20;
	(pc) =	sbr.rel .LBB2_1-.Ltmp0, $4  }
0x47: {  	s16 =	simm.s32 $0x1FDE8;
	s22 =	sadd.s32 $0x300, s2;
	[smem:$0x7F6] =	sst s21  }
0x48: {  	s26 =	simm.s32 $0x80;
	s2 =	sadd.s32 $0x400, s2;
	[smem:$0x7F7] =	sst s22  }
0x49: {  	s25 =	simm.s32 $0x16B68;
	[smem:$0x7F8] =	sst s2;
	s20 =	simm.s32 $0x17B68  }
0x4a: {  	v1 =	vimm.f32 $0.0e+00;
	v0 =	vmov s5;
	s21 =	simm.s32 $0x3;
	s22 =	simm.s32 $0x1FD68;
	s2 =	simm.s32 $0x1FBE8  }
.LBB2_37:
0x4b: {  	s5 =	sld [smem:$0x7F9];
	_ =	sdelay $0x1  }
0x4c: {  	s31 =	sadd.s32 $0x1, s31  }
0x4d: {  	p3 =	sne.s32 s31, s5  }
.Ltmp1:
0x4e: {  	_ = 	snop;
	(pc) =	sbr.rel @!p3 .LBB2_38-.Ltmp1, $1  }
0x4f: {  	_ =	sdelay $0x3  }
.LBB2_1:
0x50: {  	s5 =	simm.s32 $0x0;
	s6 =	simm.s32 $0x200  }
.LBB2_2:
0x51: {  	p3 =	sne.s32 s6, $0xFE00;
	[tilespmem:s5+$0x17BD8] =	vst v1  }
0x52: {  	[tilespmem:s5+$0x17B68] =	vst v1  }
0x53: {  	[tilespmem:s5+$0x17B78] =	vst v1  }
.Ltmp2:
0x54: {  	[tilespmem:s5+$0x17B88] =	vst v1;
	(pc) =	sbr.rel @p3 .LBB2_2-.Ltmp2, $4  }
0x55: {  	[tilespmem:s5+$0x17B98] =	vst v1  }
0x56: {  	[tilespmem:s5+$0x17BA8] =	vst v1  }
0x57: {  	[tilespmem:s5+$0x17BB8] =	vst v1  }
0x58: {  	[tilespmem:s5+$0x17BC8] =	vst v1;
	s5 =	sshra.s32 s6, $0x2;
	s6 =	sadd.s32 $0x200, s6  }
0x59: {  	[tilespmem:s5+$0x17BD8] =	vst v1  }
0x5a: {  	[tilespmem:s5+$0x17B68] =	vst v1  }
0x5b: {  	[tilespmem:s5+$0x17B78] =	vst v1  }
0x5c: {  	[tilespmem:s5+$0x17B88] =	vst v1  }
0x5d: {  	[tilespmem:s5+$0x17B98] =	vst v1  }
0x5e: {  	[tilespmem:s5+$0x17BA8] =	vst v1  }
0x5f: {  	[tilespmem:s5+$0x17BB8] =	vst v1  }
0x60: {  	[tilespmem:s5+$0x17BC8] =	vst v1  }
0x61: {  	[tilespmem:$0x1FD68] =	vst v1  }
0x62: {  	[tilespmem:$0x1FD78] =	vst v1  }
0x63: {  	[tilespmem:$0x1FD88] =	vst v1  }
0x64: {  	[tilespmem:$0x1FD98] =	vst v1  }
0x65: {  	[tilespmem:$0x1FDA8] =	vst v1  }
0x66: {  	[tilespmem:$0x1FDB8] =	vst v1  }
0x67: {  	[tilespmem:$0x1FDC8] =	vst v1  }
0x68: {  	[tilespmem:$0x1FDD8] =	vst v1  }
0x69: {  	[spmem:s29] =	stream.linear.scatter [tilespmem:s20], [sflag:$0x3], $0x4000, $0x38;
	[tilespmem:$0x1FEE8] =	vst v63  }
0x6a: {  	_ =	swait.ge [sflag:s21], $0x4000  }
0x6b: {  	s13 =	sld [smem:$0x7DF]  }
0x6c: {  	[sflag:s21] =	ssyncset.done $0x0  }
0x6d: {  	[sflag:s21] =	ssyncadd.s32 $0xFFFFC000  }
0x6e: {  	[spmem:s13] =	stream.linear.scatter [tilespmem:s22], [sflag:$0x3], $0x80, $0x38;
	[tilespmem:$0x1FEE8] =	vst v63  }
0x6f: {  	_ =	swait.ge [sflag:s21], $0x80  }
0x70: {  	s14 =	sld [smem:$0x7E0]  }
0x71: {  	[sflag:s21] =	ssyncset.done $0x0  }
0x72: {  	[sflag:s21] =	ssyncadd.s32 $0xFFFFFF80  }
0x73: {  	[spmem:s14] =	stream.linear.scatter [tilespmem:s20], [sflag:$0x3], $0x4000, $0x38;
	[tilespmem:$0x1FEE8] =	vst v63  }
0x74: {  	_ =	swait.ge [sflag:s21], $0x4000  }
0x75: {  	[sflag:s21] =	ssyncset.done $0x0  }
0x76: {  	[sflag:s21] =	ssyncadd.s32 $0xFFFFC000  }
0x77: {  	[spmem:s8] =	stream.linear.scatter [tilespmem:s22], [sflag:$0x3], $0x80, $0x38;
	[tilespmem:$0x1FEE8] =	vst v63  }
0x78: {  	_ =	swait.ge [sflag:s21], $0x80  }
0x79: {  	[sflag:s21] =	ssyncset.done $0x0  }
0x7a: {  	[sflag:s21] =	ssyncadd.s32 $0xFFFFFF80  }
0x7b: {  	[spmem:s9] =	stream.linear.scatter [tilespmem:s20], [sflag:$0x3], $0x4000, $0x38;
	[tilespmem:$0x1FEE8] =	vst v63  }
0x7c: {  	_ =	swait.ge [sflag:s21], $0x4000  }
0x7d: {  	[sflag:s21] =	ssyncset.done $0x0  }
0x7e: {  	[sflag:s21] =	ssyncadd.s32 $0xFFFFC000  }
0x7f: {  	[spmem:s10] =	stream.linear.scatter [tilespmem:s22], [sflag:$0x3], $0x80, $0x38;
	[tilespmem:$0x1FEE8] =	vst v63  }
0x80: {  	_ =	swait.ge [sflag:s21], $0x80  }
0x81: {  	[sflag:s21] =	ssyncset.done $0x0  }
0x82: {  	[sflag:s21] =	ssyncadd.s32 $0xFFFFFF80  }
0x83: {  	[spmem:s11] =	stream.linear.scatter [tilespmem:s20], [sflag:$0x3], $0x4000, $0x38;
	[tilespmem:$0x1FEE8] =	vst v63  }
0x84: {  	_ =	swait.ge [sflag:s21], $0x4000  }
0x85: {  	[sflag:s21] =	ssyncset.done $0x0  }
0x86: {  	[sflag:s21] =	ssyncadd.s32 $0xFFFFC000  }
0x87: {  	[spmem:s12] =	stream.linear.scatter [tilespmem:s22], [sflag:$0x3], $0x80, $0x38;
	[tilespmem:$0x1FEE8] =	vst v63  }
0x88: {  	_ =	swait.ge [sflag:s21], $0x80  }
0x89: {  	s18 =	sld [smem:$0x7E1]  }
0x8a: {  	[sflag:s21] =	ssyncset.done $0x0  }
0x8b: {  	[sflag:s21] =	ssyncadd.s32 $0xFFFFFF80  }
0x8c: {  	[spmem:s18] =	stream.linear.scatter [tilespmem:s20], [sflag:$0x3], $0x3C00, $0x38;
	[tilespmem:$0x1FEE8] =	vst v63  }
0x8d: {  	_ =	swait.ge [sflag:s21], $0x3C00  }
0x8e: {  	s29 =	sld [smem:$0x7E2]  }
0x8f: {  	[sflag:s21] =	ssyncset.done $0x0  }
.Ltmp3:
0x90: {  	[sflag:s21] =	ssyncadd.s32 $0xFFFFC400;
	(pc) =	sbr.rel @p0 .LBB2_5-.Ltmp3, $4  }
0x91: {  	[spmem:s29] =	stream.linear.scatter [tilespmem:s22], [sflag:$0x3], $0x78, $0x38;
	[tilespmem:$0x1FEE8] =	vst v63  }
0x92: {  	_ =	swait.ge [sflag:s21], $0x78  }
0x93: {  	[sflag:s21] =	ssyncset.done $0x0  }
0x94: {  	[sflag:s21] =	ssyncadd.s32 $0xFFFFFF88  }
0x95: {  	s5 =	rddreg [dreg:$0x6]  }
0x96: {  	[tilespmem:s23], [sflag:$0x3] =	stream.linear.gather [hbm4b:s5+s17], $0x80, $0x38;
	[tilespmem:$0x1FEE8] =	vst v63  }
0x97: {  	_ =	swait.ge [sflag:s21], $0x80  }
0x98: {  	s29 =	sld [smem:$0x7E3]  }
0x99: {  	[sflag:s21] =	ssyncset.done $0x0  }
0x9a: {  	[sflag:s21] =	ssyncadd.s32 $0xFFFFFF80  }
0x9b: {  	[spmem:s29] =	stream.linear.scatter [tilespmem:s23], [sflag:$0x3], $0x80, $0x38;
	[tilespmem:$0x1FEE8] =	vst v63  }
0x9c: {  	_ =	swait.ge [sflag:s21], $0x80  }
0x9d: {  	[sflag:s21] =	ssyncset.done $0x0  }
0x9e: {  	s6 =	rddreg [dreg:$0x7];
	[sflag:s21] =	ssyncadd.s32 $0xFFFFFF80  }
0x9f: {  	[tilespmem:s23], [sflag:$0x3] =	stream.linear.gather [hbm4b:s6+s17], $0x80, $0x38;
	[tilespmem:$0x1FEE8] =	vst v63  }
0xa0: {  	_ =	swait.ge [sflag:s21], $0x80  }
0xa1: {  	s7 =	sld [smem:$0x7E4]  }
0xa2: {  	[sflag:s21] =	ssyncset.done $0x0  }
0xa3: {  	[sflag:s21] =	ssyncadd.s32 $0xFFFFFF80  }
0xa4: {  	[spmem:s7] =	stream.linear.scatter [tilespmem:s23], [sflag:$0x3], $0x80, $0x38;
	[tilespmem:$0x1FEE8] =	vst v63  }
0xa5: {  	_ =	swait.ge [sflag:s21], $0x80  }
0xa6: {  	[sflag:s21] =	ssyncset.done $0x0  }
0xa7: {  	s13 =	rddreg [dreg:$0x8];
	[sflag:s21] =	ssyncadd.s32 $0xFFFFFF80  }
0xa8: {  	[tilespmem:s23], [sflag:$0x3] =	stream.linear.gather [hbm4b:s13+s17], $0x80, $0x38;
	[tilespmem:$0x1FEE8] =	vst v63  }
0xa9: {  	_ =	swait.ge [sflag:s21], $0x80  }
0xaa: {  	s14 =	sld [smem:$0x7E5]  }
0xab: {  	[sflag:s21] =	ssyncset.done $0x0  }
0xac: {  	[sflag:s21] =	ssyncadd.s32 $0xFFFFFF80  }
0xad: {  	[spmem:s14] =	stream.linear.scatter [tilespmem:s23], [sflag:$0x3], $0x80, $0x38;
	[tilespmem:$0x1FEE8] =	vst v63  }
0xae: {  	_ =	swait.ge [sflag:s21], $0x80  }
0xaf: {  	[sflag:s21] =	ssyncset.done $0x0  }
0xb0: {  	s18 =	rddreg [dreg:$0x9];
	[sflag:s21] =	ssyncadd.s32 $0xFFFFFF80  }
0xb1: {  	[tilespmem:s23], [sflag:$0x3] =	stream.linear.gather [hbm4b:s18+s17], $0x80, $0x38;
	[tilespmem:$0x1FEE8] =	vst v63  }
0xb2: {  	_ =	swait.ge [sflag:s21], $0x80  }
0xb3: {  	s29 =	sld [smem:$0x7E6]  }
0xb4: {  	[sflag:s21] =	ssyncset.done $0x0  }
0xb5: {  	[sflag:s21] =	ssyncadd.s32 $0xFFFFFF80  }
0xb6: {  	[spmem:s29] =	stream.linear.scatter [tilespmem:s23], [sflag:$0x3], $0x80, $0x38;
	[tilespmem:$0x1FEE8] =	vst v63  }
0xb7: {  	_ =	swait.ge [sflag:s21], $0x80  }
0xb8: {  	[sflag:s21] =	ssyncset.done $0x0  }
0xb9: {  	s6 =	rddreg [dreg:$0xa];
	[sflag:s21] =	ssyncadd.s32 $0xFFFFFF80  }
0xba: {  	[tilespmem:s23], [sflag:$0x3] =	stream.linear.gather [hbm4b:s6+s17], $0x80, $0x38;
	[tilespmem:$0x1FEE8] =	vst v63  }
0xbb: {  	_ =	swait.ge [sflag:s21], $0x80  }
0xbc: {  	s7 =	sld [smem:$0x7E7]  }
0xbd: {  	[sflag:s21] =	ssyncset.done $0x0  }
0xbe: {  	[sflag:s21] =	ssyncadd.s32 $0xFFFFFF80  }
0xbf: {  	[spmem:s7] =	stream.linear.scatter [tilespmem:s23], [sflag:$0x3], $0x80, $0x38;
	[tilespmem:$0x1FEE8] =	vst v63  }
0xc0: {  	_ =	swait.ge [sflag:s21], $0x80  }
0xc1: {  	[sflag:s21] =	ssyncset.done $0x0  }
0xc2: {  	s13 =	rddreg [dreg:$0xb];
	[sflag:s21] =	ssyncadd.s32 $0xFFFFFF80  }
0xc3: {  	[tilespmem:s23], [sflag:$0x3] =	stream.linear.gather [hbm4b:s13+s17], $0x80, $0x38;
	[tilespmem:$0x1FEE8] =	vst v63  }
0xc4: {  	_ =	swait.ge [sflag:s21], $0x80  }
0xc5: {  	s14 =	sld [smem:$0x7E8]  }
0xc6: {  	[sflag:s21] =	ssyncset.done $0x0  }
0xc7: {  	[sflag:s21] =	ssyncadd.s32 $0xFFFFFF80  }
0xc8: {  	[spmem:s14] =	stream.linear.scatter [tilespmem:s23], [sflag:$0x3], $0x80, $0x38;
	[tilespmem:$0x1FEE8] =	vst v63  }
0xc9: {  	_ =	swait.ge [sflag:s21], $0x80  }
0xca: {  	[sflag:s21] =	ssyncset.done $0x0  }
0xcb: {  	s18 =	rddreg [dreg:$0xc];
	[sflag:s21] =	ssyncadd.s32 $0xFFFFFF80  }
0xcc: {  	[tilespmem:s23], [sflag:$0x3] =	stream.linear.gather [hbm4b:s18+s17], $0x80, $0x38;
	[tilespmem:$0x1FEE8] =	vst v63  }
0xcd: {  	_ =	swait.ge [sflag:s21], $0x80  }
0xce: {  	s29 =	sld [smem:$0x7E9]  }
0xcf: {  	[sflag:s21] =	ssyncset.done $0x0  }
0xd0: {  	[sflag:s21] =	ssyncadd.s32 $0xFFFFFF80  }
0xd1: {  	[spmem:s29] =	stream.linear.scatter [tilespmem:s23], [sflag:$0x3], $0x80, $0x38;
	[tilespmem:$0x1FEE8] =	vst v63  }
0xd2: {  	_ =	swait.ge [sflag:s21], $0x80  }
0xd3: {  	[sflag:s21] =	ssyncset.done $0x0  }
0xd4: {  	s6 =	rddreg [dreg:$0xd];
	[sflag:s21] =	ssyncadd.s32 $0xFFFFFF80  }
0xd5: {  	[tilespmem:s23], [sflag:$0x3] =	stream.linear.gather [hbm4b:s6+s17], $0x80, $0x38;
	[tilespmem:$0x1FEE8] =	vst v63  }
0xd6: {  	_ =	swait.ge [sflag:s21], $0x80  }
0xd7: {  	s7 =	sld [smem:$0x7EA]  }
0xd8: {  	[sflag:s21] =	ssyncset.done $0x0  }
0xd9: {  	[sflag:s21] =	ssyncadd.s32 $0xFFFFFF80  }
0xda: {  	[spmem:s7] =	stream.linear.scatter [tilespmem:s23], [sflag:$0x3], $0x80, $0x38;
	[tilespmem:$0x1FEE8] =	vst v63  }
0xdb: {  	_ =	swait.ge [sflag:s21], $0x80  }
0xdc: {  	[sflag:s21] =	ssyncset.done $0x0  }
0xdd: {  	s13 =	rddreg [dreg:$0xe];
	[sflag:s21] =	ssyncadd.s32 $0xFFFFFF80  }
0xde: {  	[tilespmem:s23], [sflag:$0x3] =	stream.linear.gather [hbm4b:s13+s17], $0x80, $0x38;
	[tilespmem:$0x1FEE8] =	vst v63  }
0xdf: {  	_ =	swait.ge [sflag:s21], $0x80  }
0xe0: {  	s14 =	sld [smem:$0x7EB]  }
0xe1: {  	[sflag:s21] =	ssyncset.done $0x0  }
0xe2: {  	[sflag:s21] =	ssyncadd.s32 $0xFFFFFF80  }
0xe3: {  	[spmem:s14] =	stream.linear.scatter [tilespmem:s23], [sflag:$0x3], $0x80, $0x38;
	[tilespmem:$0x1FEE8] =	vst v63  }
0xe4: {  	_ =	swait.ge [sflag:s21], $0x80  }
0xe5: {  	[sflag:s21] =	ssyncset.done $0x0  }
0xe6: {  	s18 =	rddreg [dreg:$0xf];
	[sflag:s21] =	ssyncadd.s32 $0xFFFFFF80  }
0xe7: {  	[tilespmem:s23], [sflag:$0x3] =	stream.linear.gather [hbm4b:s18+s17], $0x80, $0x38;
	[tilespmem:$0x1FEE8] =	vst v63  }
0xe8: {  	_ =	swait.ge [sflag:s21], $0x80  }
0xe9: {  	s29 =	sld [smem:$0x7EC]  }
0xea: {  	[sflag:s21] =	ssyncset.done $0x0  }
0xeb: {  	[sflag:s21] =	ssyncadd.s32 $0xFFFFFF80  }
0xec: {  	[spmem:s29] =	stream.linear.scatter [tilespmem:s23], [sflag:$0x3], $0x80, $0x38;
	[tilespmem:$0x1FEE8] =	vst v63  }
0xed: {  	_ =	swait.ge [sflag:s21], $0x80  }
0xee: {  	[sflag:s21] =	ssyncset.done $0x0  }
0xef: {  	s6 =	rddreg [dreg:$0x10];
	[sflag:s21] =	ssyncadd.s32 $0xFFFFFF80  }
0xf0: {  	[tilespmem:s23], [sflag:$0x3] =	stream.linear.gather [hbm4b:s6+s17], $0x80, $0x38;
	[tilespmem:$0x1FEE8] =	vst v63  }
0xf1: {  	_ =	swait.ge [sflag:s21], $0x80  }
0xf2: {  	s7 =	sld [smem:$0x7ED]  }
0xf3: {  	[sflag:s21] =	ssyncset.done $0x0  }
0xf4: {  	[sflag:s21] =	ssyncadd.s32 $0xFFFFFF80  }
0xf5: {  	[spmem:s7] =	stream.linear.scatter [tilespmem:s23], [sflag:$0x3], $0x80, $0x38;
	[tilespmem:$0x1FEE8] =	vst v63  }
0xf6: {  	_ =	swait.ge [sflag:s21], $0x80  }
0xf7: {  	[sflag:s21] =	ssyncset.done $0x0  }
0xf8: {  	s13 =	rddreg [dreg:$0x11];
	[sflag:s21] =	ssyncadd.s32 $0xFFFFFF80  }
0xf9: {  	[tilespmem:s23], [sflag:$0x3] =	stream.linear.gather [hbm4b:s13+s17], $0x80, $0x38;
	[tilespmem:$0x1FEE8] =	vst v63  }
0xfa: {  	_ =	swait.ge [sflag:s21], $0x80  }
0xfb: {  	s14 =	sld [smem:$0x7EE]  }
0xfc: {  	[sflag:s21] =	ssyncset.done $0x0  }
0xfd: {  	[sflag:s21] =	ssyncadd.s32 $0xFFFFFF80  }
0xfe: {  	[spmem:s14] =	stream.linear.scatter [tilespmem:s23], [sflag:$0x3], $0x80, $0x38;
	[tilespmem:$0x1FEE8] =	vst v63  }
0xff: {  	_ =	swait.ge [sflag:s21], $0x80  }
0x100: {  	[sflag:s21] =	ssyncset.done $0x0  }
0x101: {  	s18 =	rddreg [dreg:$0x12];
	[sflag:s21] =	ssyncadd.s32 $0xFFFFFF80  }
0x102: {  	[tilespmem:s23], [sflag:$0x3] =	stream.linear.gather [hbm4b:s18+s17], $0x80, $0x38;
	[tilespmem:$0x1FEE8] =	vst v63  }
0x103: {  	_ =	swait.ge [sflag:s21], $0x80  }
0x104: {  	s29 =	sld [smem:$0x7EF]  }
0x105: {  	[sflag:s21] =	ssyncset.done $0x0  }
0x106: {  	[sflag:s21] =	ssyncadd.s32 $0xFFFFFF80  }
0x107: {  	[spmem:s29] =	stream.linear.scatter [tilespmem:s23], [sflag:$0x3], $0x80, $0x38;
	[tilespmem:$0x1FEE8] =	vst v63  }
0x108: {  	_ =	swait.ge [sflag:s21], $0x80  }
0x109: {  	[sflag:s21] =	ssyncset.done $0x0  }
0x10a: {  	s6 =	rddreg [dreg:$0x13];
	[sflag:s21] =	ssyncadd.s32 $0xFFFFFF80  }
0x10b: {  	[tilespmem:s23], [sflag:$0x3] =	stream.linear.gather [hbm4b:s6+s17], $0x80, $0x38;
	[tilespmem:$0x1FEE8] =	vst v63  }
0x10c: {  	_ =	swait.ge [sflag:s21], $0x80  }
0x10d: {  	s7 =	sld [smem:$0x7F0]  }
0x10e: {  	[sflag:s21] =	ssyncset.done $0x0  }
0x10f: {  	[sflag:s21] =	ssyncadd.s32 $0xFFFFFF80  }
0x110: {  	[spmem:s7] =	stream.linear.scatter [tilespmem:s23], [sflag:$0x3], $0x80, $0x38;
	[tilespmem:$0x1FEE8] =	vst v63  }
0x111: {  	_ =	swait.ge [sflag:s21], $0x80  }
0x112: {  	[sflag:s21] =	ssyncset.done $0x0  }
0x113: {  	s13 =	rddreg [dreg:$0x14];
	[sflag:s21] =	ssyncadd.s32 $0xFFFFFF80  }
0x114: {  	[tilespmem:s23], [sflag:$0x3] =	stream.linear.gather [hbm4b:s13+s17], $0x68, $0x38;
	[tilespmem:$0x1FEE8] =	vst v63  }
0x115: {  	_ =	swait.ge [sflag:s21], $0x68  }
0x116: {  	s14 =	sld [smem:$0x7F1]  }
0x117: {  	[sflag:s21] =	ssyncset.done $0x0  }
0x118: {  	[sflag:s21] =	ssyncadd.s32 $0xFFFFFF98  }
0x119: {  	[spmem:s14] =	stream.linear.scatter [tilespmem:s23], [sflag:$0x3], $0x68, $0x38;
	[tilespmem:$0x1FEE8] =	vst v63  }
0x11a: {  	_ =	swait.ge [sflag:s21], $0x68  }
0x11b: {  	[sflag:s21] =	ssyncset.done $0x0  }
0x11c: {  	s18 =	rddreg [dreg:$0x15];
	[sflag:s21] =	ssyncadd.s32 $0xFFFFFF98  }
0x11d: {  	[tilespmem:s23], [sflag:$0x3] =	stream.linear.gather [hbm4b:s18+s17], $0x68, $0x38;
	[tilespmem:$0x1FEE8] =	vst v63  }
0x11e: {  	_ =	swait.ge [sflag:s21], $0x68  }
0x11f: {  	s29 =	sld [smem:$0x7F2]  }
0x120: {  	[sflag:s21] =	ssyncset.done $0x0  }
.Ltmp4:
0x121: {  	[sflag:s21] =	ssyncadd.s32 $0xFFFFFF98;
	(pc) =	sbr.rel .LBB2_6-.Ltmp4, $4  }
0x122: {  	[spmem:s29] =	stream.linear.scatter [tilespmem:s23], [sflag:$0x3], $0x68, $0x38;
	[tilespmem:$0x1FEE8] =	vst v63  }
0x123: {  	_ =	swait.ge [sflag:s21], $0x68  }
0x124: {  	[sflag:s21] =	ssyncset.done $0x0  }
0x125: {  	[sflag:s21] =	ssyncadd.s32 $0xFFFFFF98  }
.LBB2_5:
0x126: {  	s6 =	sld [smem:$0x7FA];
	_ =	sdelay $0x1  }
0x127: {  	s5 =	simm.s32 @!p2 $0x1FD68  }
0x128: {  	[spmem:s6] =	stream.linear.scatter @!p2 [tilespmem:s5], [sflag:$0x3], $0x10, $0x38;
	[tilespmem:$0x1FEE8] =	vst v63  }
0x129: {  	s5 =	simm.s32 @!p2 $0x3  }
0x12a: {  	_ =	swait.ge @!p2 [sflag:s5], $0x10  }
0x12b: {  	[sflag:s5] =	ssyncset.done @!p2 $0x0  }
0x12c: {  	[sflag:s5] =	ssyncadd.s32 @!p2 $0xFFFFFFF0  }
.LBB2_6:
0x12d: {  	s6 =	sld [smem:$0x7F3];
	_ =	sdelay $0x1  }
0x12e: {  	s5 =	simm.s32 $0x0;
	s7 =	simm.s32 $0x14368  }
0x12f: {  	[tilespmem:s7], [sflag:$0x3] =	stream.linear.gather [hbm4b:s6+s5], $0x2800, $0x38;
	[tilespmem:$0x1FEE8] =	vst v63  }
0x130: {  	_ =	swait.ge [sflag:s21], $0x2800  }
0x131: {  	[sflag:s21] =	ssyncset.done $0x0  }
0x132: {  	[sflag:s21] =	ssyncadd.s32 $0xFFFFD800  }
0x133: {  	[bflag:$0x0] =	sbarrier.arrive $0xFFFF  }
0x134: {  	s14 =	sld [smem:$0x7F4];
	_ =	sdelay $0x2  }
0x135: {  	[tilespmem:s25], [sflag:$0x3] =	stream.linear.gather [hbm4b:s14+s5], $0x800, $0x38;
	[tilespmem:$0x1FEE8] =	vst v63  }
0x136: {  	_ =	swait.ge [sflag:s21], $0x800  }
0x137: {  	[sflag:s21] =	ssyncset.done $0x0  }
0x138: {  	s18 =	simm.s32 $0x16B68;
	[sflag:s21] =	ssyncadd.s32 $0xFFFFF800  }
0x139: {  	[tilespmem:s1], [sflag:$0x3] =	stream.indirect.gather [spmem:s30], $0x1, s18, s26, $0xb8;
	[tilespmem:$0x1FEE8] =	vst v63  }
0x13a: {  	_ =	swait.ge [sflag:s21], $0x80  }
0x13b: {  	[sflag:s21] =	ssyncset.done $0x0  }
0x13c: {  	s29 =	simm.s32 $0x14368;
	[sflag:s21] =	ssyncadd.s32 $0xFFFFFF80  }
0x13d: {  	[tilespmem:s2], [sflag:$0x3] =	stream.indirect.gather [spmem:s0], $0x1, s29, s26, $0xb8;
	[tilespmem:$0x1FEE8] =	vst v63  }
0x13e: {  	_ =	swait.ge [sflag:s21], $0x80  }
0x13f: {  	[sflag:s21] =	ssyncset.done $0x0  }
0x140: {  	[sflag:s21] =	ssyncadd.s32 $0xFFFFFF80  }
0x141: {  	v3 =	vld [tilespmem:$0x1FB88]  }
0x142: {  	v4 =	vld [tilespmem:$0x1FC08]  }
0x143: {  	v5 =	vld [tilespmem:$0x1FC58]  }
0x144: {  	v7 =	vld [tilespmem:$0x1FBD8]  }
0x145: {  	v9 =	vld [tilespmem:$0x1FC18]  }
0x146: {  	v12 =	vld [tilespmem:$0x1FB98]  }
0x147: {  	v6 =	vld [tilespmem:$0x1FB68]  }
0x148: {  	v8 =	vld [tilespmem:$0x1FC38]  }
0x149: {  	v2 =	vld [tilespmem:$0x1FB78];
	v5 =	vadd.f32 v5, v7  }
0x14a: {  	v11 =	vld [tilespmem:$0x1FBB8]  }
0x14b: {  	v10 =	vld [tilespmem:$0x1FBE8];
	v12 =	vadd.f32 v9, v12;
	v14 =	vmul.f32 $9.999999770e-03, v5  }
0x14c: {  	v7 =	vld [tilespmem:$0x1FBA8]  }
0x14d: {  	s13 =	simm.s32 $0x200;
	v9 =	vld [tilespmem:$0x1FC28];
	v13 =	vmul.f32 $9.999999770e-03, v12;
	v5 =	vmax.f32 v5, v14  }
.LBB2_7:
0x14e: {  	p3 =	sne.s32 s13, $0x1E00;
	v14 =	vld [tilespmem:$0x1FC48];
	s5 =	smov.u32 s13;
	s13 =	sadd.s32 $0x200, s13  }
0x14f: {  	v12 =	vmax.f32 v12, v13;
	v8 =	vadd.f32 v8, v11;
	v11 =	vld [tilespmem:$0x1FBC8]  }
0x150: {  	v3 =	vadd.f32 v4, v3;
	v6 =	vadd.f32 v10, v6;
	v4 =	vmul.f32 $1.442695020e+00, v12  }
0x151: {  	v10 =	vld [tilespmem:$0x1FBF8];
	v12 =	vmul.f32 $9.999999770e-03, v8  }
0x152: {  	v13 =	vmul.f32 $9.999999770e-03, v6;
	v7 =	vadd.f32 v9, v7;
	(erf) = vpow2.f32 v4  }
0x153: {  	v4 =	vmul.f32 $9.999999770e-03, v3;
	v8 =	vmax.f32 v8, v12  }
0x154: {  	v5 =	vmul.f32 $1.442695020e+00, v5;
	v6 =	vmax.f32 v6, v13;
	v9 =	vadd.f32 v14, v11  }
0x155: {  	v3 =	vmax.f32 v3, v4;
	v4 =	vmul.f32 $9.999999770e-03, v7;
	v8 =	vmul.f32 $1.442695020e+00, v8  }
0x156: {  	v3 =	vmul.f32 $1.442695020e+00, v3;
	v2 =	vadd.f32 v10, v2;
	v10 =	vmul.f32 $9.999999770e-03, v9  }
0x157: {  	v6 =	vmul.f32 $1.442695020e+00, v6;
	v4 =	vmax.f32 v7, v4;
	(erf) = vpow2.f32 v8  }
0x158: {  	v4 =	vmul.f32 $1.442695020e+00, v4;
	v7 =	vmax.f32 v9, v10;
	(erf) = vpow2.f32 v3  }
0x159: {  	v8 =	vmul.f32 $9.999999770e-03, v2;
	v7 =	vmul.f32 $1.442695020e+00, v7  }
0x15a: {  	(erf) = vpow2.f32 v6  }
0x15b: {  	v2 =	vmax.f32 v2, v8;
	v3 =	vpop (erf);
	(erf) = vpow2.f32 v4  }
0x15c: {  	v2 =	vmul.f32 $1.442695020e+00, v2;
	[tilespmem:$0x1FD18] =	vst v3;
	(erf) = vpow2.f32 v7  }
0x15d: {  	(erf) = vpow2.f32 v5  }
0x15e: {  	(erf) = vpow2.f32 v2;
	_ =	sdelay $0x1  }
0x15f: {  	v2 =	vpop (erf)  }
0x160: {  	[tilespmem:$0x1FD38] =	vst v2;
	v2 =	vpop (erf)  }
0x161: {  	[tilespmem:$0x1FD08] =	vst v2  }
0x162: {  	v2 =	vpop (erf)  }
0x163: {  	[tilespmem:$0x1FCE8] =	vst v2;
	v2 =	vpop (erf)  }
0x164: {  	[tilespmem:$0x1FD28] =	vst v2;
	v2 =	vpop (erf)  }
0x165: {  	[tilespmem:$0x1FD48] =	vst v2;
	v2 =	vpop (erf)  }
0x166: {  	[tilespmem:$0x1FD58] =	vst v2;
	v2 =	vpop (erf)  }
0x167: {  	[tilespmem:$0x1FCF8] =	vst v2  }
0x168: {  	[spmem:s28] =	stream.indirect.scatter.add.f32 [tilespmem:s23], [sflag:$0x3], $0x1, s29, s26, $0xb8;
	[tilespmem:$0x1FEE8] =	vst v63  }
0x169: {  	_ =	swait.ge [sflag:s21], $0x80  }
0x16a: {  	s5 =	sshra.s32 s5, $0x2;
	[sflag:s21] =	ssyncset.done $0x0  }
0x16b: {  	s6 =	sadd.s32 $0x16B68, s5;
	[sflag:s21] =	ssyncadd.s32 $0xFFFFFF80  }
0x16c: {  	[tilespmem:s1], [sflag:$0x3] =	stream.indirect.gather [spmem:s30], $0x1, s6, s26, $0xb8;
	[tilespmem:$0x1FEE8] =	vst v63  }
0x16d: {  	_ =	swait.ge [sflag:s21], $0x80  }
0x16e: {  	[sflag:s21] =	ssyncset.done $0x0  }
0x16f: {  	s29 =	sadd.s32 $0x14368, s5;
	[sflag:s21] =	ssyncadd.s32 $0xFFFFFF80  }
0x170: {  	[tilespmem:s2], [sflag:$0x3] =	stream.indirect.gather [spmem:s0], $0x1, s29, s26, $0xb8;
	[tilespmem:$0x1FEE8] =	vst v63  }
0x171: {  	_ =	swait.ge [sflag:s21], $0x80  }
0x172: {  	[sflag:s21] =	ssyncset.done $0x0  }
0x173: {  	[sflag:s21] =	ssyncadd.s32 $0xFFFFFF80  }
0x174: {  	v3 =	vld [tilespmem:$0x1FB88]  }
0x175: {  	v4 =	vld [tilespmem:$0x1FC08]  }
0x176: {  	v5 =	vld [tilespmem:$0x1FC58]  }
0x177: {  	v7 =	vld [tilespmem:$0x1FBD8]  }
0x178: {  	v9 =	vld [tilespmem:$0x1FC18]  }
0x179: {  	v12 =	vld [tilespmem:$0x1FB98]  }
0x17a: {  	v6 =	vld [tilespmem:$0x1FB68]  }
0x17b: {  	v8 =	vld [tilespmem:$0x1FC38]  }
.Ltmp5:
0x17c: {  	v2 =	vld [tilespmem:$0x1FB78];
	v5 =	vadd.f32 v5, v7;
	(pc) =	sbr.rel @p3 .LBB2_7-.Ltmp5, $4  }
0x17d: {  	v11 =	vld [tilespmem:$0x1FBB8]  }
0x17e: {  	v10 =	vld [tilespmem:$0x1FBE8];
	v12 =	vadd.f32 v9, v12;
	v14 =	vmul.f32 $9.999999770e-03, v5  }
0x17f: {  	v7 =	vld [tilespmem:$0x1FBA8]  }
0x180: {  	v13 =	vmul.f32 $9.999999770e-03, v12;
	v9 =	vld [tilespmem:$0x1FC28];
	v5 =	vmax.f32 v5, v14  }
0x181: {  	_ = 	snop  }
0x182: {  	v14 =	vld [tilespmem:$0x1FC48]  }
0x183: {  	v12 =	vmax.f32 v12, v13;
	v8 =	vadd.f32 v8, v11;
	v11 =	vld [tilespmem:$0x1FBC8];
	v6 =	vadd.f32 v10, v6  }
0x184: {  	v3 =	vadd.f32 v4, v3;
	v4 =	vmul.f32 $1.442695020e+00, v12;
	v10 =	vld [tilespmem:$0x1FBF8]  }
0x185: {  	v12 =	vmul.f32 $9.999999770e-03, v8;
	v13 =	vmul.f32 $9.999999770e-03, v6  }
0x186: {  	v7 =	vadd.f32 v9, v7;
	v9 =	vmul.f32 $9.999999770e-03, v3  }
0x187: {  	(erf) = vpow2.f32 v4;
	v4 =	vmax.f32 v8, v12;
	v6 =	vmax.f32 v6, v13  }
0x188: {  	v8 =	vadd.f32 v14, v11;
	v3 =	vmax.f32 v3, v9;
	v9 =	vmul.f32 $9.999999770e-03, v7  }
0x189: {  	v4 =	vmul.f32 $1.442695020e+00, v4;
	v2 =	vadd.f32 v10, v2;
	v3 =	vmul.f32 $1.442695020e+00, v3  }
0x18a: {  	v6 =	vmul.f32 $1.442695020e+00, v6;
	v10 =	vmul.f32 $9.999999770e-03, v8;
	v7 =	vmax.f32 v7, v9  }
0x18b: {  	(erf) = vpow2.f32 v4;
	v4 =	vmul.f32 $1.442695020e+00, v7  }
0x18c: {  	(erf) = vpow2.f32 v3;
	v3 =	vmul.f32 $9.999999770e-03, v2;
	v7 =	vmax.f32 v8, v10  }
0x18d: {  	(erf) = vpow2.f32 v6;
	v7 =	vmul.f32 $1.442695020e+00, v7  }
0x18e: {  	v5 =	vmul.f32 $1.442695020e+00, v5;
	v2 =	vmax.f32 v2, v3;
	(erf) = vpow2.f32 v4  }
0x18f: {  	v2 =	vmul.f32 $1.442695020e+00, v2;
	(erf) = vpow2.f32 v7  }
0x190: {  	(erf) = vpow2.f32 v5  }
0x191: {  	(erf) = vpow2.f32 v2;
	_ =	sdelay $0x1  }
0x192: {  	v2 =	vpop (erf)  }
0x193: {  	[tilespmem:$0x1FD18] =	vst v2;
	v2 =	vpop (erf)  }
0x194: {  	[tilespmem:$0x1FD38] =	vst v2;
	v2 =	vpop (erf)  }
0x195: {  	[tilespmem:$0x1FD08] =	vst v2;
	v2 =	vpop (erf)  }
0x196: {  	[tilespmem:$0x1FCE8] =	vst v2;
	v2 =	vpop (erf)  }
0x197: {  	[tilespmem:$0x1FD28] =	vst v2;
	v2 =	vpop (erf)  }
0x198: {  	[tilespmem:$0x1FD48] =	vst v2;
	v2 =	vpop (erf)  }
0x199: {  	[tilespmem:$0x1FD58] =	vst v2;
	v2 =	vpop (erf)  }
0x19a: {  	[tilespmem:$0x1FCF8] =	vst v2  }
0x19b: {  	[spmem:s28] =	stream.indirect.scatter.add.f32 [tilespmem:s23], [sflag:$0x3], $0x1, s29, s26, $0xb8;
	[tilespmem:$0x1FEE8] =	vst v63  }
0x19c: {  	_ =	swait.ge [sflag:s21], $0x80  }
0x19d: {  	s6 =	sld [smem:$0x7F5]  }
0x19e: {  	[sflag:s21] =	ssyncset.done $0x0  }
0x19f: {  	s5 =	simm.s32 $0x0;
	[sflag:s21] =	ssyncadd.s32 $0xFFFFFF80  }
0x1a0: {  	[tilespmem:s25], [sflag:$0x3] =	stream.linear.gather [hbm4b:s6+s5], $0x800, $0x38;
	[tilespmem:$0x1FEE8] =	vst v63  }
0x1a1: {  	_ =	swait.ge [sflag:s21], $0x800  }
0x1a2: {  	[sflag:s21] =	ssyncset.done $0x0  }
0x1a3: {  	s18 =	simm.s32 $0x16B68;
	[sflag:s21] =	ssyncadd.s32 $0xFFFFF800  }
0x1a4: {  	[tilespmem:s1], [sflag:$0x3] =	stream.indirect.gather [spmem:s30], $0x1, s18, s26, $0xb8;
	[tilespmem:$0x1FEE8] =	vst v63  }
0x1a5: {  	_ =	swait.ge [sflag:s21], $0x80  }
0x1a6: {  	[sflag:s21] =	ssyncset.done $0x0  }
0x1a7: {  	s29 =	simm.s32 $0x14B68;
	[sflag:s21] =	ssyncadd.s32 $0xFFFFFF80  }
0x1a8: {  	[tilespmem:s2], [sflag:$0x3] =	stream.indirect.gather [spmem:s0], $0x1, s29, s26, $0xb8;
	[tilespmem:$0x1FEE8] =	vst v63  }
0x1a9: {  	_ =	swait.ge [sflag:s21], $0x80  }
0x1aa: {  	[sflag:s21] =	ssyncset.done $0x0  }
0x1ab: {  	[sflag:s21] =	ssyncadd.s32 $0xFFFFFF80  }
0x1ac: {  	v3 =	vld [tilespmem:$0x1FB88]  }
0x1ad: {  	v4 =	vld [tilespmem:$0x1FC08]  }
0x1ae: {  	v5 =	vld [tilespmem:$0x1FC58]  }
0x1af: {  	v7 =	vld [tilespmem:$0x1FBD8]  }
0x1b0: {  	v9 =	vld [tilespmem:$0x1FC18]  }
0x1b1: {  	v12 =	vld [tilespmem:$0x1FB98]  }
0x1b2: {  	v6 =	vld [tilespmem:$0x1FB68]  }
0x1b3: {  	v8 =	vld [tilespmem:$0x1FC38]  }
0x1b4: {  	v2 =	vld [tilespmem:$0x1FB78];
	v5 =	vadd.f32 v5, v7  }
0x1b5: {  	v11 =	vld [tilespmem:$0x1FBB8]  }
0x1b6: {  	v10 =	vld [tilespmem:$0x1FBE8];
	v12 =	vadd.f32 v9, v12;
	v14 =	vmul.f32 $9.999999770e-03, v5  }
0x1b7: {  	v7 =	vld [tilespmem:$0x1FBA8]  }
0x1b8: {  	s13 =	simm.s32 $0x200;
	v9 =	vld [tilespmem:$0x1FC28];
	v13 =	vmul.f32 $9.999999770e-03, v12;
	v5 =	vmax.f32 v5, v14  }
.LBB2_9:
0x1b9: {  	p3 =	sne.s32 s13, $0x1E00;
	v14 =	vld [tilespmem:$0x1FC48];
	s5 =	smov.u32 s13;
	s13 =	sadd.s32 $0x200, s13  }
0x1ba: {  	v12 =	vmax.f32 v12, v13;
	v8 =	vadd.f32 v8, v11;
	v11 =	vld [tilespmem:$0x1FBC8]  }
0x1bb: {  	v3 =	vadd.f32 v4, v3;
	v6 =	vadd.f32 v10, v6;
	v4 =	vmul.f32 $1.442695020e+00, v12  }
0x1bc: {  	v10 =	vld [tilespmem:$0x1FBF8];
	v12 =	vmul.f32 $9.999999770e-03, v8  }
0x1bd: {  	v13 =	vmul.f32 $9.999999770e-03, v6;
	v7 =	vadd.f32 v9, v7;
	(erf) = vpow2.f32 v4  }
0x1be: {  	v4 =	vmul.f32 $9.999999770e-03, v3;
	v8 =	vmax.f32 v8, v12  }
0x1bf: {  	v5 =	vmul.f32 $1.442695020e+00, v5;
	v6 =	vmax.f32 v6, v13;
	v9 =	vadd.f32 v14, v11  }
0x1c0: {  	v3 =	vmax.f32 v3, v4;
	v4 =	vmul.f32 $9.999999770e-03, v7;
	v8 =	vmul.f32 $1.442695020e+00, v8  }
0x1c1: {  	v3 =	vmul.f32 $1.442695020e+00, v3;
	v2 =	vadd.f32 v10, v2;
	v10 =	vmul.f32 $9.999999770e-03, v9  }
0x1c2: {  	v6 =	vmul.f32 $1.442695020e+00, v6;
	v4 =	vmax.f32 v7, v4;
	(erf) = vpow2.f32 v8  }
0x1c3: {  	v4 =	vmul.f32 $1.442695020e+00, v4;
	v7 =	vmax.f32 v9, v10;
	(erf) = vpow2.f32 v3  }
0x1c4: {  	v8 =	vmul.f32 $9.999999770e-03, v2;
	v7 =	vmul.f32 $1.442695020e+00, v7  }
0x1c5: {  	(erf) = vpow2.f32 v6  }
0x1c6: {  	v2 =	vmax.f32 v2, v8;
	v3 =	vpop (erf);
	(erf) = vpow2.f32 v4  }
0x1c7: {  	v2 =	vmul.f32 $1.442695020e+00, v2;
	[tilespmem:$0x1FD18] =	vst v3;
	(erf) = vpow2.f32 v7  }
0x1c8: {  	(erf) = vpow2.f32 v5  }
0x1c9: {  	(erf) = vpow2.f32 v2;
	_ =	sdelay $0x1  }
0x1ca: {  	v2 =	vpop (erf)  }
0x1cb: {  	[tilespmem:$0x1FD38] =	vst v2;
	v2 =	vpop (erf)  }
0x1cc: {  	[tilespmem:$0x1FD08] =	vst v2  }
0x1cd: {  	v2 =	vpop (erf)  }
0x1ce: {  	[tilespmem:$0x1FCE8] =	vst v2;
	v2 =	vpop (erf)  }
0x1cf: {  	[tilespmem:$0x1FD28] =	vst v2;
	v2 =	vpop (erf)  }
0x1d0: {  	[tilespmem:$0x1FD48] =	vst v2;
	v2 =	vpop (erf)  }
0x1d1: {  	[tilespmem:$0x1FD58] =	vst v2;
	v2 =	vpop (erf)  }
0x1d2: {  	[tilespmem:$0x1FCF8] =	vst v2  }
0x1d3: {  	[spmem:s28] =	stream.indirect.scatter.add.f32 [tilespmem:s23], [sflag:$0x3], $0x1, s29, s26, $0xb8;
	[tilespmem:$0x1FEE8] =	vst v63  }
0x1d4: {  	_ =	swait.ge [sflag:s21], $0x80  }
0x1d5: {  	s5 =	sshra.s32 s5, $0x2;
	[sflag:s21] =	ssyncset.done $0x0  }
0x1d6: {  	s6 =	sadd.s32 $0x16B68, s5;
	[sflag:s21] =	ssyncadd.s32 $0xFFFFFF80  }
0x1d7: {  	[tilespmem:s1], [sflag:$0x3] =	stream.indirect.gather [spmem:s30], $0x1, s6, s26, $0xb8;
	[tilespmem:$0x1FEE8] =	vst v63  }
0x1d8: {  	_ =	swait.ge [sflag:s21], $0x80  }
0x1d9: {  	[sflag:s21] =	ssyncset.done $0x0  }
0x1da: {  	s29 =	sadd.s32 $0x14B68, s5;
	[sflag:s21] =	ssyncadd.s32 $0xFFFFFF80  }
0x1db: {  	[tilespmem:s2], [sflag:$0x3] =	stream.indirect.gather [spmem:s0], $0x1, s29, s26, $0xb8;
	[tilespmem:$0x1FEE8] =	vst v63  }
0x1dc: {  	_ =	swait.ge [sflag:s21], $0x80  }
0x1dd: {  	[sflag:s21] =	ssyncset.done $0x0  }
0x1de: {  	[sflag:s21] =	ssyncadd.s32 $0xFFFFFF80  }
0x1df: {  	v3 =	vld [tilespmem:$0x1FB88]  }
0x1e0: {  	v4 =	vld [tilespmem:$0x1FC08]  }
0x1e1: {  	v5 =	vld [tilespmem:$0x1FC58]  }
0x1e2: {  	v7 =	vld [tilespmem:$0x1FBD8]  }
0x1e3: {  	v9 =	vld [tilespmem:$0x1FC18]  }
0x1e4: {  	v12 =	vld [tilespmem:$0x1FB98]  }
0x1e5: {  	v6 =	vld [tilespmem:$0x1FB68]  }
0x1e6: {  	v8 =	vld [tilespmem:$0x1FC38]  }
.Ltmp6:
0x1e7: {  	v2 =	vld [tilespmem:$0x1FB78];
	v5 =	vadd.f32 v5, v7;
	(pc) =	sbr.rel @p3 .LBB2_9-.Ltmp6, $4  }
0x1e8: {  	v11 =	vld [tilespmem:$0x1FBB8]  }
0x1e9: {  	v10 =	vld [tilespmem:$0x1FBE8];
	v12 =	vadd.f32 v9, v12;
	v14 =	vmul.f32 $9.999999770e-03, v5  }
0x1ea: {  	v7 =	vld [tilespmem:$0x1FBA8]  }
0x1eb: {  	v13 =	vmul.f32 $9.999999770e-03, v12;
	v9 =	vld [tilespmem:$0x1FC28];
	v5 =	vmax.f32 v5, v14  }
0x1ec: {  	_ = 	snop  }
0x1ed: {  	v14 =	vld [tilespmem:$0x1FC48]  }
0x1ee: {  	v12 =	vmax.f32 v12, v13;
	v8 =	vadd.f32 v8, v11;
	v11 =	vld [tilespmem:$0x1FBC8];
	v6 =	vadd.f32 v10, v6  }
0x1ef: {  	v3 =	vadd.f32 v4, v3;
	v4 =	vmul.f32 $1.442695020e+00, v12;
	v10 =	vld [tilespmem:$0x1FBF8]  }
0x1f0: {  	v12 =	vmul.f32 $9.999999770e-03, v8;
	v13 =	vmul.f32 $9.999999770e-03, v6  }
0x1f1: {  	v7 =	vadd.f32 v9, v7;
	v9 =	vmul.f32 $9.999999770e-03, v3  }
0x1f2: {  	(erf) = vpow2.f32 v4;
	v4 =	vmax.f32 v8, v12;
	v6 =	vmax.f32 v6, v13  }
0x1f3: {  	v8 =	vadd.f32 v14, v11;
	v3 =	vmax.f32 v3, v9;
	v9 =	vmul.f32 $9.999999770e-03, v7  }
0x1f4: {  	v4 =	vmul.f32 $1.442695020e+00, v4;
	v2 =	vadd.f32 v10, v2;
	v3 =	vmul.f32 $1.442695020e+00, v3  }
0x1f5: {  	v6 =	vmul.f32 $1.442695020e+00, v6;
	v10 =	vmul.f32 $9.999999770e-03, v8;
	v7 =	vmax.f32 v7, v9  }
0x1f6: {  	(erf) = vpow2.f32 v4;
	v4 =	vmul.f32 $1.442695020e+00, v7  }
0x1f7: {  	(erf) = vpow2.f32 v3;
	v3 =	vmul.f32 $9.999999770e-03, v2;
	v7 =	vmax.f32 v8, v10  }
0x1f8: {  	(erf) = vpow2.f32 v6;
	v7 =	vmul.f32 $1.442695020e+00, v7  }
0x1f9: {  	v5 =	vmul.f32 $1.442695020e+00, v5;
	v2 =	vmax.f32 v2, v3;
	(erf) = vpow2.f32 v4  }
0x1fa: {  	v2 =	vmul.f32 $1.442695020e+00, v2;
	(erf) = vpow2.f32 v7  }
0x1fb: {  	(erf) = vpow2.f32 v5  }
0x1fc: {  	(erf) = vpow2.f32 v2;
	_ =	sdelay $0x1  }
0x1fd: {  	v2 =	vpop (erf)  }
0x1fe: {  	[tilespmem:$0x1FD18] =	vst v2;
	v2 =	vpop (erf)  }
0x1ff: {  	[tilespmem:$0x1FD38] =	vst v2;
	v2 =	vpop (erf)  }
0x200: {  	[tilespmem:$0x1FD08] =	vst v2;
	v2 =	vpop (erf)  }
0x201: {  	[tilespmem:$0x1FCE8] =	vst v2;
	v2 =	vpop (erf)  }
0x202: {  	[tilespmem:$0x1FD28] =	vst v2;
	v2 =	vpop (erf)  }
0x203: {  	[tilespmem:$0x1FD48] =	vst v2;
	v2 =	vpop (erf)  }
0x204: {  	[tilespmem:$0x1FD58] =	vst v2;
	v2 =	vpop (erf)  }
0x205: {  	[tilespmem:$0x1FCF8] =	vst v2  }
0x206: {  	[spmem:s28] =	stream.indirect.scatter.add.f32 [tilespmem:s23], [sflag:$0x3], $0x1, s29, s26, $0xb8;
	[tilespmem:$0x1FEE8] =	vst v63  }
0x207: {  	_ =	swait.ge [sflag:s21], $0x80  }
0x208: {  	s6 =	sld [smem:$0x7F6]  }
0x209: {  	[sflag:s21] =	ssyncset.done $0x0  }
0x20a: {  	s5 =	simm.s32 $0x0;
	[sflag:s21] =	ssyncadd.s32 $0xFFFFFF80  }
0x20b: {  	[tilespmem:s25], [sflag:$0x3] =	stream.linear.gather [hbm4b:s6+s5], $0x800, $0x38;
	[tilespmem:$0x1FEE8] =	vst v63  }
0x20c: {  	_ =	swait.ge [sflag:s21], $0x800  }
0x20d: {  	[sflag:s21] =	ssyncset.done $0x0  }
0x20e: {  	s18 =	simm.s32 $0x16B68;
	[sflag:s21] =	ssyncadd.s32 $0xFFFFF800  }
0x20f: {  	[tilespmem:s1], [sflag:$0x3] =	stream.indirect.gather [spmem:s30], $0x1, s18, s26, $0xb8;
	[tilespmem:$0x1FEE8] =	vst v63  }
0x210: {  	_ =	swait.ge [sflag:s21], $0x80  }
0x211: {  	[sflag:s21] =	ssyncset.done $0x0  }
0x212: {  	s29 =	simm.s32 $0x15368;
	[sflag:s21] =	ssyncadd.s32 $0xFFFFFF80  }
0x213: {  	[tilespmem:s2], [sflag:$0x3] =	stream.indirect.gather [spmem:s0], $0x1, s29, s26, $0xb8;
	[tilespmem:$0x1FEE8] =	vst v63  }
0x214: {  	_ =	swait.ge [sflag:s21], $0x80  }
0x215: {  	[sflag:s21] =	ssyncset.done $0x0  }
0x216: {  	[sflag:s21] =	ssyncadd.s32 $0xFFFFFF80  }
0x217: {  	v3 =	vld [tilespmem:$0x1FB88]  }
0x218: {  	v4 =	vld [tilespmem:$0x1FC08]  }
0x219: {  	v5 =	vld [tilespmem:$0x1FC58]  }
0x21a: {  	v7 =	vld [tilespmem:$0x1FBD8]  }
0x21b: {  	v9 =	vld [tilespmem:$0x1FC18]  }
0x21c: {  	v12 =	vld [tilespmem:$0x1FB98]  }
0x21d: {  	v6 =	vld [tilespmem:$0x1FB68]  }
0x21e: {  	v8 =	vld [tilespmem:$0x1FC38]  }
0x21f: {  	v2 =	vld [tilespmem:$0x1FB78];
	v5 =	vadd.f32 v5, v7  }
0x220: {  	v11 =	vld [tilespmem:$0x1FBB8]  }
0x221: {  	v10 =	vld [tilespmem:$0x1FBE8];
	v12 =	vadd.f32 v9, v12;
	v14 =	vmul.f32 $9.999999770e-03, v5  }
0x222: {  	v7 =	vld [tilespmem:$0x1FBA8]  }
0x223: {  	s13 =	simm.s32 $0x200;
	v9 =	vld [tilespmem:$0x1FC28];
	v13 =	vmul.f32 $9.999999770e-03, v12;
	v5 =	vmax.f32 v5, v14  }
.LBB2_11:
0x224: {  	p3 =	sne.s32 s13, $0x1E00;
	v14 =	vld [tilespmem:$0x1FC48];
	s5 =	smov.u32 s13;
	s13 =	sadd.s32 $0x200, s13  }
0x225: {  	v12 =	vmax.f32 v12, v13;
	v8 =	vadd.f32 v8, v11;
	v11 =	vld [tilespmem:$0x1FBC8]  }
0x226: {  	v3 =	vadd.f32 v4, v3;
	v6 =	vadd.f32 v10, v6;
	v4 =	vmul.f32 $1.442695020e+00, v12  }
0x227: {  	v10 =	vld [tilespmem:$0x1FBF8];
	v12 =	vmul.f32 $9.999999770e-03, v8  }
0x228: {  	v13 =	vmul.f32 $9.999999770e-03, v6;
	v7 =	vadd.f32 v9, v7;
	(erf) = vpow2.f32 v4  }
0x229: {  	v4 =	vmul.f32 $9.999999770e-03, v3;
	v8 =	vmax.f32 v8, v12  }
0x22a: {  	v5 =	vmul.f32 $1.442695020e+00, v5;
	v6 =	vmax.f32 v6, v13;
	v9 =	vadd.f32 v14, v11  }
0x22b: {  	v3 =	vmax.f32 v3, v4;
	v4 =	vmul.f32 $9.999999770e-03, v7;
	v8 =	vmul.f32 $1.442695020e+00, v8  }
0x22c: {  	v3 =	vmul.f32 $1.442695020e+00, v3;
	v2 =	vadd.f32 v10, v2;
	v10 =	vmul.f32 $9.999999770e-03, v9  }
0x22d: {  	v6 =	vmul.f32 $1.442695020e+00, v6;
	v4 =	vmax.f32 v7, v4;
	(erf) = vpow2.f32 v8  }
0x22e: {  	v4 =	vmul.f32 $1.442695020e+00, v4;
	v7 =	vmax.f32 v9, v10;
	(erf) = vpow2.f32 v3  }
0x22f: {  	v8 =	vmul.f32 $9.999999770e-03, v2;
	v7 =	vmul.f32 $1.442695020e+00, v7  }
0x230: {  	(erf) = vpow2.f32 v6  }
0x231: {  	v2 =	vmax.f32 v2, v8;
	v3 =	vpop (erf);
	(erf) = vpow2.f32 v4  }
0x232: {  	v2 =	vmul.f32 $1.442695020e+00, v2;
	[tilespmem:$0x1FD18] =	vst v3;
	(erf) = vpow2.f32 v7  }
0x233: {  	(erf) = vpow2.f32 v5  }
0x234: {  	(erf) = vpow2.f32 v2;
	_ =	sdelay $0x1  }
0x235: {  	v2 =	vpop (erf)  }
0x236: {  	[tilespmem:$0x1FD38] =	vst v2;
	v2 =	vpop (erf)  }
0x237: {  	[tilespmem:$0x1FD08] =	vst v2  }
0x238: {  	v2 =	vpop (erf)  }
0x239: {  	[tilespmem:$0x1FCE8] =	vst v2;
	v2 =	vpop (erf)  }
0x23a: {  	[tilespmem:$0x1FD28] =	vst v2;
	v2 =	vpop (erf)  }
0x23b: {  	[tilespmem:$0x1FD48] =	vst v2;
	v2 =	vpop (erf)  }
0x23c: {  	[tilespmem:$0x1FD58] =	vst v2;
	v2 =	vpop (erf)  }
0x23d: {  	[tilespmem:$0x1FCF8] =	vst v2  }
0x23e: {  	[spmem:s28] =	stream.indirect.scatter.add.f32 [tilespmem:s23], [sflag:$0x3], $0x1, s29, s26, $0xb8;
	[tilespmem:$0x1FEE8] =	vst v63  }
0x23f: {  	_ =	swait.ge [sflag:s21], $0x80  }
0x240: {  	s5 =	sshra.s32 s5, $0x2;
	[sflag:s21] =	ssyncset.done $0x0  }
0x241: {  	s6 =	sadd.s32 $0x16B68, s5;
	[sflag:s21] =	ssyncadd.s32 $0xFFFFFF80  }
0x242: {  	[tilespmem:s1], [sflag:$0x3] =	stream.indirect.gather [spmem:s30], $0x1, s6, s26, $0xb8;
	[tilespmem:$0x1FEE8] =	vst v63  }
0x243: {  	_ =	swait.ge [sflag:s21], $0x80  }
0x244: {  	[sflag:s21] =	ssyncset.done $0x0  }
0x245: {  	s29 =	sadd.s32 $0x15368, s5;
	[sflag:s21] =	ssyncadd.s32 $0xFFFFFF80  }
0x246: {  	[tilespmem:s2], [sflag:$0x3] =	stream.indirect.gather [spmem:s0], $0x1, s29, s26, $0xb8;
	[tilespmem:$0x1FEE8] =	vst v63  }
0x247: {  	_ =	swait.ge [sflag:s21], $0x80  }
0x248: {  	[sflag:s21] =	ssyncset.done $0x0  }
0x249: {  	[sflag:s21] =	ssyncadd.s32 $0xFFFFFF80  }
0x24a: {  	v3 =	vld [tilespmem:$0x1FB88]  }
0x24b: {  	v4 =	vld [tilespmem:$0x1FC08]  }
0x24c: {  	v5 =	vld [tilespmem:$0x1FC58]  }
0x24d: {  	v7 =	vld [tilespmem:$0x1FBD8]  }
0x24e: {  	v9 =	vld [tilespmem:$0x1FC18]  }
0x24f: {  	v12 =	vld [tilespmem:$0x1FB98]  }
0x250: {  	v6 =	vld [tilespmem:$0x1FB68]  }
0x251: {  	v8 =	vld [tilespmem:$0x1FC38]  }
.Ltmp7:
0x252: {  	v2 =	vld [tilespmem:$0x1FB78];
	v5 =	vadd.f32 v5, v7;
	(pc) =	sbr.rel @p3 .LBB2_11-.Ltmp7, $4  }
0x253: {  	v11 =	vld [tilespmem:$0x1FBB8]  }
0x254: {  	v10 =	vld [tilespmem:$0x1FBE8];
	v12 =	vadd.f32 v9, v12;
	v14 =	vmul.f32 $9.999999770e-03, v5  }
0x255: {  	v7 =	vld [tilespmem:$0x1FBA8]  }
0x256: {  	v13 =	vmul.f32 $9.999999770e-03, v12;
	v9 =	vld [tilespmem:$0x1FC28];
	v5 =	vmax.f32 v5, v14  }
0x257: {  	_ = 	snop  }
0x258: {  	v14 =	vld [tilespmem:$0x1FC48]  }
0x259: {  	v12 =	vmax.f32 v12, v13;
	v8 =	vadd.f32 v8, v11;
	v11 =	vld [tilespmem:$0x1FBC8];
	v6 =	vadd.f32 v10, v6  }
0x25a: {  	v3 =	vadd.f32 v4, v3;
	v4 =	vmul.f32 $1.442695020e+00, v12;
	v10 =	vld [tilespmem:$0x1FBF8]  }
0x25b: {  	v12 =	vmul.f32 $9.999999770e-03, v8;
	v13 =	vmul.f32 $9.999999770e-03, v6  }
0x25c: {  	v7 =	vadd.f32 v9, v7;
	v9 =	vmul.f32 $9.999999770e-03, v3  }
0x25d: {  	(erf) = vpow2.f32 v4;
	v4 =	vmax.f32 v8, v12;
	v6 =	vmax.f32 v6, v13  }
0x25e: {  	v8 =	vadd.f32 v14, v11;
	v3 =	vmax.f32 v3, v9;
	v9 =	vmul.f32 $9.999999770e-03, v7  }
0x25f: {  	v4 =	vmul.f32 $1.442695020e+00, v4;
	v2 =	vadd.f32 v10, v2;
	v3 =	vmul.f32 $1.442695020e+00, v3  }
0x260: {  	v6 =	vmul.f32 $1.442695020e+00, v6;
	v10 =	vmul.f32 $9.999999770e-03, v8;
	v7 =	vmax.f32 v7, v9  }
0x261: {  	(erf) = vpow2.f32 v4;
	v4 =	vmul.f32 $1.442695020e+00, v7  }
0x262: {  	(erf) = vpow2.f32 v3;
	v3 =	vmul.f32 $9.999999770e-03, v2;
	v7 =	vmax.f32 v8, v10  }
0x263: {  	(erf) = vpow2.f32 v6;
	v7 =	vmul.f32 $1.442695020e+00, v7  }
0x264: {  	v5 =	vmul.f32 $1.442695020e+00, v5;
	v2 =	vmax.f32 v2, v3;
	(erf) = vpow2.f32 v4  }
0x265: {  	v2 =	vmul.f32 $1.442695020e+00, v2;
	(erf) = vpow2.f32 v7  }
0x266: {  	(erf) = vpow2.f32 v5  }
0x267: {  	(erf) = vpow2.f32 v2;
	_ =	sdelay $0x1  }
0x268: {  	v2 =	vpop (erf)  }
0x269: {  	[tilespmem:$0x1FD18] =	vst v2;
	v2 =	vpop (erf)  }
0x26a: {  	[tilespmem:$0x1FD38] =	vst v2;
	v2 =	vpop (erf)  }
0x26b: {  	[tilespmem:$0x1FD08] =	vst v2;
	v2 =	vpop (erf)  }
0x26c: {  	[tilespmem:$0x1FCE8] =	vst v2;
	v2 =	vpop (erf)  }
0x26d: {  	[tilespmem:$0x1FD28] =	vst v2;
	v2 =	vpop (erf)  }
0x26e: {  	[tilespmem:$0x1FD48] =	vst v2;
	v2 =	vpop (erf)  }
0x26f: {  	[tilespmem:$0x1FD58] =	vst v2;
	v2 =	vpop (erf)  }
0x270: {  	[tilespmem:$0x1FCF8] =	vst v2  }
0x271: {  	[spmem:s28] =	stream.indirect.scatter.add.f32 [tilespmem:s23], [sflag:$0x3], $0x1, s29, s26, $0xb8;
	[tilespmem:$0x1FEE8] =	vst v63  }
0x272: {  	_ =	swait.ge [sflag:s21], $0x80  }
0x273: {  	s6 =	sld [smem:$0x7F7]  }
0x274: {  	[sflag:s21] =	ssyncset.done $0x0  }
0x275: {  	s5 =	simm.s32 $0x0;
	[sflag:s21] =	ssyncadd.s32 $0xFFFFFF80  }
0x276: {  	[tilespmem:s25], [sflag:$0x3] =	stream.linear.gather [hbm4b:s6+s5], $0x800, $0x38;
	[tilespmem:$0x1FEE8] =	vst v63  }
0x277: {  	_ =	swait.ge [sflag:s21], $0x800  }
0x278: {  	[sflag:s21] =	ssyncset.done $0x0  }
0x279: {  	s18 =	simm.s32 $0x16B68;
	[sflag:s21] =	ssyncadd.s32 $0xFFFFF800  }
0x27a: {  	[tilespmem:s1], [sflag:$0x3] =	stream.indirect.gather [spmem:s30], $0x1, s18, s26, $0xb8;
	[tilespmem:$0x1FEE8] =	vst v63  }
0x27b: {  	_ =	swait.ge [sflag:s21], $0x80  }
0x27c: {  	[sflag:s21] =	ssyncset.done $0x0  }
0x27d: {  	s29 =	simm.s32 $0x15B68;
	[sflag:s21] =	ssyncadd.s32 $0xFFFFFF80  }
0x27e: {  	[tilespmem:s2], [sflag:$0x3] =	stream.indirect.gather [spmem:s0], $0x1, s29, s26, $0xb8;
	[tilespmem:$0x1FEE8] =	vst v63  }
0x27f: {  	_ =	swait.ge [sflag:s21], $0x80  }
0x280: {  	[sflag:s21] =	ssyncset.done $0x0  }
0x281: {  	[sflag:s21] =	ssyncadd.s32 $0xFFFFFF80  }
0x282: {  	v3 =	vld [tilespmem:$0x1FB88]  }
0x283: {  	v4 =	vld [tilespmem:$0x1FC08]  }
0x284: {  	v5 =	vld [tilespmem:$0x1FC58]  }
0x285: {  	v7 =	vld [tilespmem:$0x1FBD8]  }
0x286: {  	v9 =	vld [tilespmem:$0x1FC18]  }
0x287: {  	v12 =	vld [tilespmem:$0x1FB98]  }
0x288: {  	v6 =	vld [tilespmem:$0x1FB68]  }
0x289: {  	v8 =	vld [tilespmem:$0x1FC38]  }
0x28a: {  	v2 =	vld [tilespmem:$0x1FB78];
	v5 =	vadd.f32 v5, v7  }
0x28b: {  	v11 =	vld [tilespmem:$0x1FBB8]  }
0x28c: {  	v10 =	vld [tilespmem:$0x1FBE8];
	v12 =	vadd.f32 v9, v12;
	v14 =	vmul.f32 $9.999999770e-03, v5  }
0x28d: {  	v7 =	vld [tilespmem:$0x1FBA8]  }
0x28e: {  	s13 =	simm.s32 $0x200;
	v9 =	vld [tilespmem:$0x1FC28];
	v13 =	vmul.f32 $9.999999770e-03, v12;
	v5 =	vmax.f32 v5, v14  }
.LBB2_13:
0x28f: {  	p3 =	sne.s32 s13, $0x1E00;
	v14 =	vld [tilespmem:$0x1FC48];
	s5 =	smov.u32 s13;
	s13 =	sadd.s32 $0x200, s13  }
0x290: {  	v12 =	vmax.f32 v12, v13;
	v8 =	vadd.f32 v8, v11;
	v11 =	vld [tilespmem:$0x1FBC8]  }
0x291: {  	v3 =	vadd.f32 v4, v3;
	v6 =	vadd.f32 v10, v6;
	v4 =	vmul.f32 $1.442695020e+00, v12  }
0x292: {  	v10 =	vld [tilespmem:$0x1FBF8];
	v12 =	vmul.f32 $9.999999770e-03, v8  }
0x293: {  	v13 =	vmul.f32 $9.999999770e-03, v6;
	v7 =	vadd.f32 v9, v7;
	(erf) = vpow2.f32 v4  }
0x294: {  	v4 =	vmul.f32 $9.999999770e-03, v3;
	v8 =	vmax.f32 v8, v12  }
0x295: {  	v5 =	vmul.f32 $1.442695020e+00, v5;
	v6 =	vmax.f32 v6, v13;
	v9 =	vadd.f32 v14, v11  }
0x296: {  	v3 =	vmax.f32 v3, v4;
	v4 =	vmul.f32 $9.999999770e-03, v7;
	v8 =	vmul.f32 $1.442695020e+00, v8  }
0x297: {  	v3 =	vmul.f32 $1.442695020e+00, v3;
	v2 =	vadd.f32 v10, v2;
	v10 =	vmul.f32 $9.999999770e-03, v9  }
0x298: {  	v6 =	vmul.f32 $1.442695020e+00, v6;
	v4 =	vmax.f32 v7, v4;
	(erf) = vpow2.f32 v8  }
0x299: {  	v4 =	vmul.f32 $1.442695020e+00, v4;
	v7 =	vmax.f32 v9, v10;
	(erf) = vpow2.f32 v3  }
0x29a: {  	v8 =	vmul.f32 $9.999999770e-03, v2;
	v7 =	vmul.f32 $1.442695020e+00, v7  }
0x29b: {  	(erf) = vpow2.f32 v6  }
0x29c: {  	v2 =	vmax.f32 v2, v8;
	v3 =	vpop (erf);
	(erf) = vpow2.f32 v4  }
0x29d: {  	v2 =	vmul.f32 $1.442695020e+00, v2;
	[tilespmem:$0x1FD18] =	vst v3;
	(erf) = vpow2.f32 v7  }
0x29e: {  	(erf) = vpow2.f32 v5  }
0x29f: {  	(erf) = vpow2.f32 v2;
	_ =	sdelay $0x1  }
0x2a0: {  	v2 =	vpop (erf)  }
0x2a1: {  	[tilespmem:$0x1FD38] =	vst v2;
	v2 =	vpop (erf)  }
0x2a2: {  	[tilespmem:$0x1FD08] =	vst v2  }
0x2a3: {  	v2 =	vpop (erf)  }
0x2a4: {  	[tilespmem:$0x1FCE8] =	vst v2;
	v2 =	vpop (erf)  }
0x2a5: {  	[tilespmem:$0x1FD28] =	vst v2;
	v2 =	vpop (erf)  }
0x2a6: {  	[tilespmem:$0x1FD48] =	vst v2;
	v2 =	vpop (erf)  }
0x2a7: {  	[tilespmem:$0x1FD58] =	vst v2;
	v2 =	vpop (erf)  }
0x2a8: {  	[tilespmem:$0x1FCF8] =	vst v2  }
0x2a9: {  	[spmem:s28] =	stream.indirect.scatter.add.f32 [tilespmem:s23], [sflag:$0x3], $0x1, s29, s26, $0xb8;
	[tilespmem:$0x1FEE8] =	vst v63  }
0x2aa: {  	_ =	swait.ge [sflag:s21], $0x80  }
0x2ab: {  	s5 =	sshra.s32 s5, $0x2;
	[sflag:s21] =	ssyncset.done $0x0  }
0x2ac: {  	s6 =	sadd.s32 $0x16B68, s5;
	[sflag:s21] =	ssyncadd.s32 $0xFFFFFF80  }
0x2ad: {  	[tilespmem:s1], [sflag:$0x3] =	stream.indirect.gather [spmem:s30], $0x1, s6, s26, $0xb8;
	[tilespmem:$0x1FEE8] =	vst v63  }
0x2ae: {  	_ =	swait.ge [sflag:s21], $0x80  }
0x2af: {  	[sflag:s21] =	ssyncset.done $0x0  }
0x2b0: {  	s29 =	sadd.s32 $0x15B68, s5;
	[sflag:s21] =	ssyncadd.s32 $0xFFFFFF80  }
0x2b1: {  	[tilespmem:s2], [sflag:$0x3] =	stream.indirect.gather [spmem:s0], $0x1, s29, s26, $0xb8;
	[tilespmem:$0x1FEE8] =	vst v63  }
0x2b2: {  	_ =	swait.ge [sflag:s21], $0x80  }
0x2b3: {  	[sflag:s21] =	ssyncset.done $0x0  }
0x2b4: {  	[sflag:s21] =	ssyncadd.s32 $0xFFFFFF80  }
0x2b5: {  	v3 =	vld [tilespmem:$0x1FB88]  }
0x2b6: {  	v4 =	vld [tilespmem:$0x1FC08]  }
0x2b7: {  	v5 =	vld [tilespmem:$0x1FC58]  }
0x2b8: {  	v7 =	vld [tilespmem:$0x1FBD8]  }
0x2b9: {  	v9 =	vld [tilespmem:$0x1FC18]  }
0x2ba: {  	v12 =	vld [tilespmem:$0x1FB98]  }
0x2bb: {  	v6 =	vld [tilespmem:$0x1FB68]  }
0x2bc: {  	v8 =	vld [tilespmem:$0x1FC38]  }
.Ltmp8:
0x2bd: {  	v2 =	vld [tilespmem:$0x1FB78];
	v5 =	vadd.f32 v5, v7;
	(pc) =	sbr.rel @p3 .LBB2_13-.Ltmp8, $4  }
0x2be: {  	v11 =	vld [tilespmem:$0x1FBB8]  }
0x2bf: {  	v10 =	vld [tilespmem:$0x1FBE8];
	v12 =	vadd.f32 v9, v12;
	v14 =	vmul.f32 $9.999999770e-03, v5  }
0x2c0: {  	v7 =	vld [tilespmem:$0x1FBA8]  }
0x2c1: {  	v13 =	vmul.f32 $9.999999770e-03, v12;
	v9 =	vld [tilespmem:$0x1FC28];
	v5 =	vmax.f32 v5, v14  }
0x2c2: {  	_ = 	snop  }
0x2c3: {  	v14 =	vld [tilespmem:$0x1FC48]  }
0x2c4: {  	v12 =	vmax.f32 v12, v13;
	v8 =	vadd.f32 v8, v11;
	v11 =	vld [tilespmem:$0x1FBC8];
	v6 =	vadd.f32 v10, v6  }
0x2c5: {  	v3 =	vadd.f32 v4, v3;
	v4 =	vmul.f32 $1.442695020e+00, v12;
	v10 =	vld [tilespmem:$0x1FBF8]  }
0x2c6: {  	v12 =	vmul.f32 $9.999999770e-03, v8;
	v13 =	vmul.f32 $9.999999770e-03, v6  }
0x2c7: {  	v7 =	vadd.f32 v9, v7;
	v9 =	vmul.f32 $9.999999770e-03, v3  }
0x2c8: {  	(erf) = vpow2.f32 v4;
	v4 =	vmax.f32 v8, v12;
	v6 =	vmax.f32 v6, v13  }
0x2c9: {  	v8 =	vadd.f32 v14, v11;
	v3 =	vmax.f32 v3, v9;
	v9 =	vmul.f32 $9.999999770e-03, v7  }
0x2ca: {  	v4 =	vmul.f32 $1.442695020e+00, v4;
	v2 =	vadd.f32 v10, v2;
	v3 =	vmul.f32 $1.442695020e+00, v3  }
0x2cb: {  	v6 =	vmul.f32 $1.442695020e+00, v6;
	v10 =	vmul.f32 $9.999999770e-03, v8;
	v7 =	vmax.f32 v7, v9  }
0x2cc: {  	(erf) = vpow2.f32 v4;
	v4 =	vmul.f32 $1.442695020e+00, v7  }
0x2cd: {  	(erf) = vpow2.f32 v3;
	v3 =	vmul.f32 $9.999999770e-03, v2;
	v7 =	vmax.f32 v8, v10  }
0x2ce: {  	(erf) = vpow2.f32 v6;
	v7 =	vmul.f32 $1.442695020e+00, v7  }
0x2cf: {  	v5 =	vmul.f32 $1.442695020e+00, v5;
	v2 =	vmax.f32 v2, v3;
	(erf) = vpow2.f32 v4  }
0x2d0: {  	v2 =	vmul.f32 $1.442695020e+00, v2;
	(erf) = vpow2.f32 v7  }
0x2d1: {  	(erf) = vpow2.f32 v5  }
0x2d2: {  	(erf) = vpow2.f32 v2;
	_ =	sdelay $0x1  }
0x2d3: {  	v2 =	vpop (erf)  }
0x2d4: {  	[tilespmem:$0x1FD18] =	vst v2;
	v2 =	vpop (erf)  }
0x2d5: {  	[tilespmem:$0x1FD38] =	vst v2;
	v2 =	vpop (erf)  }
0x2d6: {  	[tilespmem:$0x1FD08] =	vst v2;
	v2 =	vpop (erf)  }
0x2d7: {  	[tilespmem:$0x1FCE8] =	vst v2;
	v2 =	vpop (erf)  }
0x2d8: {  	[tilespmem:$0x1FD28] =	vst v2;
	v2 =	vpop (erf)  }
0x2d9: {  	[tilespmem:$0x1FD48] =	vst v2;
	v2 =	vpop (erf)  }
0x2da: {  	[tilespmem:$0x1FD58] =	vst v2;
	v2 =	vpop (erf)  }
0x2db: {  	[tilespmem:$0x1FCF8] =	vst v2  }
0x2dc: {  	[spmem:s28] =	stream.indirect.scatter.add.f32 [tilespmem:s23], [sflag:$0x3], $0x1, s29, s26, $0xb8;
	[tilespmem:$0x1FEE8] =	vst v63  }
0x2dd: {  	_ =	swait.ge [sflag:s21], $0x80  }
0x2de: {  	s6 =	sld [smem:$0x7F8]  }
0x2df: {  	[sflag:s21] =	ssyncset.done $0x0  }
0x2e0: {  	s5 =	simm.s32 $0x0;
	[sflag:s21] =	ssyncadd.s32 $0xFFFFFF80  }
0x2e1: {  	[tilespmem:s25], [sflag:$0x3] =	stream.linear.gather [hbm4b:s6+s5], $0x800, $0x38;
	[tilespmem:$0x1FEE8] =	vst v63  }
0x2e2: {  	_ =	swait.ge [sflag:s21], $0x800  }
0x2e3: {  	[sflag:s21] =	ssyncset.done $0x0  }
0x2e4: {  	s18 =	simm.s32 $0x16B68;
	[sflag:s21] =	ssyncadd.s32 $0xFFFFF800  }
0x2e5: {  	[tilespmem:s1], [sflag:$0x3] =	stream.indirect.gather [spmem:s30], $0x1, s18, s26, $0xb8;
	[tilespmem:$0x1FEE8] =	vst v63  }
0x2e6: {  	_ =	swait.ge [sflag:s21], $0x80  }
0x2e7: {  	[sflag:s21] =	ssyncset.done $0x0  }
0x2e8: {  	s29 =	simm.s32 $0x16368;
	[sflag:s21] =	ssyncadd.s32 $0xFFFFFF80  }
0x2e9: {  	[tilespmem:s2], [sflag:$0x3] =	stream.indirect.gather [spmem:s0], $0x1, s29, s26, $0xb8;
	[tilespmem:$0x1FEE8] =	vst v63  }
0x2ea: {  	_ =	swait.ge [sflag:s21], $0x80  }
0x2eb: {  	[sflag:s21] =	ssyncset.done $0x0  }
0x2ec: {  	[sflag:s21] =	ssyncadd.s32 $0xFFFFFF80  }
0x2ed: {  	v3 =	vld [tilespmem:$0x1FB88]  }
0x2ee: {  	v4 =	vld [tilespmem:$0x1FC08]  }
0x2ef: {  	v5 =	vld [tilespmem:$0x1FC58]  }
0x2f0: {  	v7 =	vld [tilespmem:$0x1FBD8]  }
0x2f1: {  	v9 =	vld [tilespmem:$0x1FC18]  }
0x2f2: {  	v12 =	vld [tilespmem:$0x1FB98]  }
0x2f3: {  	v6 =	vld [tilespmem:$0x1FB68]  }
0x2f4: {  	v8 =	vld [tilespmem:$0x1FC38]  }
0x2f5: {  	v2 =	vld [tilespmem:$0x1FB78];
	v5 =	vadd.f32 v5, v7  }
0x2f6: {  	v11 =	vld [tilespmem:$0x1FBB8]  }
0x2f7: {  	v10 =	vld [tilespmem:$0x1FBE8];
	v12 =	vadd.f32 v9, v12;
	v14 =	vmul.f32 $9.999999770e-03, v5  }
0x2f8: {  	v7 =	vld [tilespmem:$0x1FBA8]  }
0x2f9: {  	s13 =	simm.s32 $0x200;
	v9 =	vld [tilespmem:$0x1FC28];
	v13 =	vmul.f32 $9.999999770e-03, v12;
	v5 =	vmax.f32 v5, v14  }
.LBB2_15:
0x2fa: {  	p3 =	sne.s32 s13, $0x1E00;
	v14 =	vld [tilespmem:$0x1FC48];
	s5 =	smov.u32 s13;
	s13 =	sadd.s32 $0x200, s13  }
0x2fb: {  	v12 =	vmax.f32 v12, v13;
	v8 =	vadd.f32 v8, v11;
	v11 =	vld [tilespmem:$0x1FBC8]  }
0x2fc: {  	v3 =	vadd.f32 v4, v3;
	v6 =	vadd.f32 v10, v6;
	v4 =	vmul.f32 $1.442695020e+00, v12  }
0x2fd: {  	v10 =	vld [tilespmem:$0x1FBF8];
	v12 =	vmul.f32 $9.999999770e-03, v8  }
0x2fe: {  	v13 =	vmul.f32 $9.999999770e-03, v6;
	v7 =	vadd.f32 v9, v7;
	(erf) = vpow2.f32 v4  }
0x2ff: {  	v4 =	vmul.f32 $9.999999770e-03, v3;
	v8 =	vmax.f32 v8, v12  }
0x300: {  	v5 =	vmul.f32 $1.442695020e+00, v5;
	v6 =	vmax.f32 v6, v13;
	v9 =	vadd.f32 v14, v11  }
0x301: {  	v3 =	vmax.f32 v3, v4;
	v4 =	vmul.f32 $9.999999770e-03, v7;
	v8 =	vmul.f32 $1.442695020e+00, v8  }
0x302: {  	v3 =	vmul.f32 $1.442695020e+00, v3;
	v2 =	vadd.f32 v10, v2;
	v10 =	vmul.f32 $9.999999770e-03, v9  }
0x303: {  	v6 =	vmul.f32 $1.442695020e+00, v6;
	v4 =	vmax.f32 v7, v4;
	(erf) = vpow2.f32 v8  }
0x304: {  	v4 =	vmul.f32 $1.442695020e+00, v4;
	v7 =	vmax.f32 v9, v10;
	(erf) = vpow2.f32 v3  }
0x305: {  	v8 =	vmul.f32 $9.999999770e-03, v2;
	v7 =	vmul.f32 $1.442695020e+00, v7  }
0x306: {  	(erf) = vpow2.f32 v6  }
0x307: {  	v2 =	vmax.f32 v2, v8;
	v3 =	vpop (erf);
	(erf) = vpow2.f32 v4  }
0x308: {  	v2 =	vmul.f32 $1.442695020e+00, v2;
	[tilespmem:$0x1FD18] =	vst v3;
	(erf) = vpow2.f32 v7  }
0x309: {  	(erf) = vpow2.f32 v5  }
0x30a: {  	(erf) = vpow2.f32 v2;
	_ =	sdelay $0x1  }
0x30b: {  	v2 =	vpop (erf)  }
0x30c: {  	[tilespmem:$0x1FD38] =	vst v2;
	v2 =	vpop (erf)  }
0x30d: {  	[tilespmem:$0x1FD08] =	vst v2  }
0x30e: {  	v2 =	vpop (erf)  }
0x30f: {  	[tilespmem:$0x1FCE8] =	vst v2;
	v2 =	vpop (erf)  }
0x310: {  	[tilespmem:$0x1FD28] =	vst v2;
	v2 =	vpop (erf)  }
0x311: {  	[tilespmem:$0x1FD48] =	vst v2;
	v2 =	vpop (erf)  }
0x312: {  	[tilespmem:$0x1FD58] =	vst v2;
	v2 =	vpop (erf)  }
0x313: {  	[tilespmem:$0x1FCF8] =	vst v2  }
0x314: {  	[spmem:s28] =	stream.indirect.scatter.add.f32 [tilespmem:s23], [sflag:$0x3], $0x1, s29, s26, $0xb8;
	[tilespmem:$0x1FEE8] =	vst v63  }
0x315: {  	_ =	swait.ge [sflag:s21], $0x80  }
0x316: {  	s5 =	sshra.s32 s5, $0x2;
	[sflag:s21] =	ssyncset.done $0x0  }
0x317: {  	s6 =	sadd.s32 $0x16B68, s5;
	[sflag:s21] =	ssyncadd.s32 $0xFFFFFF80  }
0x318: {  	[tilespmem:s1], [sflag:$0x3] =	stream.indirect.gather [spmem:s30], $0x1, s6, s26, $0xb8;
	[tilespmem:$0x1FEE8] =	vst v63  }
0x319: {  	_ =	swait.ge [sflag:s21], $0x80  }
0x31a: {  	[sflag:s21] =	ssyncset.done $0x0  }
0x31b: {  	s29 =	sadd.s32 $0x16368, s5;
	[sflag:s21] =	ssyncadd.s32 $0xFFFFFF80  }
0x31c: {  	[tilespmem:s2], [sflag:$0x3] =	stream.indirect.gather [spmem:s0], $0x1, s29, s26, $0xb8;
	[tilespmem:$0x1FEE8] =	vst v63  }
0x31d: {  	_ =	swait.ge [sflag:s21], $0x80  }
0x31e: {  	[sflag:s21] =	ssyncset.done $0x0  }
0x31f: {  	[sflag:s21] =	ssyncadd.s32 $0xFFFFFF80  }
0x320: {  	v3 =	vld [tilespmem:$0x1FB88]  }
0x321: {  	v4 =	vld [tilespmem:$0x1FC08]  }
0x322: {  	v5 =	vld [tilespmem:$0x1FC58]  }
0x323: {  	v7 =	vld [tilespmem:$0x1FBD8]  }
0x324: {  	v9 =	vld [tilespmem:$0x1FC18]  }
0x325: {  	v12 =	vld [tilespmem:$0x1FB98]  }
0x326: {  	v6 =	vld [tilespmem:$0x1FB68]  }
0x327: {  	v8 =	vld [tilespmem:$0x1FC38]  }
.Ltmp9:
0x328: {  	v2 =	vld [tilespmem:$0x1FB78];
	v5 =	vadd.f32 v5, v7;
	(pc) =	sbr.rel @p3 .LBB2_15-.Ltmp9, $4  }
0x329: {  	v11 =	vld [tilespmem:$0x1FBB8]  }
0x32a: {  	v10 =	vld [tilespmem:$0x1FBE8];
	v12 =	vadd.f32 v9, v12;
	v14 =	vmul.f32 $9.999999770e-03, v5  }
0x32b: {  	v7 =	vld [tilespmem:$0x1FBA8]  }
0x32c: {  	v13 =	vmul.f32 $9.999999770e-03, v12;
	v9 =	vld [tilespmem:$0x1FC28];
	v5 =	vmax.f32 v5, v14  }
0x32d: {  	v14 =	vld [tilespmem:$0x1FC48]  }
0x32e: {  	v52 =	vld [tilespmem:$0x1FBC8]  }
0x32f: {  	v3 =	vadd.f32 v4, v3;
	v54 =	vld [tilespmem:$0x1FBF8];
	v12 =	vmax.f32 v12, v13;
	v8 =	vadd.f32 v8, v11  }
0x330: {  	v6 =	vadd.f32 v10, v6;
	v53 =	vmul.f32 $1.442695020e+00, v12  }
0x331: {  	v57 =	vmul.f32 $9.999999770e-03, v3;
	v55 =	vmul.f32 $9.999999770e-03, v8  }
0x332: {  	v56 =	vmul.f32 $9.999999770e-03, v6;
	v7 =	vadd.f32 v9, v7  }
0x333: {  	(erf) = vpow2.f32 v53;
	v3 =	vmax.f32 v3, v57;
	v58 =	vmax.f32 v8, v55  }
0x334: {  	v59 =	vadd.f32 v14, v52;
	v2 =	vadd.f32 v54, v2;
	v60 =	vmul.f32 $9.999999770e-03, v7  }
0x335: {  	v3 =	vmul.f32 $1.442695020e+00, v3;
	v6 =	vmax.f32 v6, v56;
	v4 =	vmul.f32 $1.442695020e+00, v58  }
0x336: {  	v61 =	vmul.f32 $9.999999770e-03, v59;
	v6 =	vmul.f32 $1.442695020e+00, v6;
	v7 =	vmax.f32 v7, v60  }
0x337: {  	(erf) = vpow2.f32 v4;
	v62 =	vmul.f32 $1.442695020e+00, v7  }
0x338: {  	v63 =	vmax.f32 v59, v61;
	(erf) = vpow2.f32 v3;
	v3 =	vmul.f32 $9.999999770e-03, v2  }
0x339: {  	v7 =	vmul.f32 $1.442695020e+00, v63;
	(erf) = vpow2.f32 v6  }
0x33a: {  	v5 =	vmul.f32 $1.442695020e+00, v5;
	v2 =	vmax.f32 v2, v3;
	(erf) = vpow2.f32 v62  }
0x33b: {  	v2 =	vmul.f32 $1.442695020e+00, v2;
	(erf) = vpow2.f32 v7  }
0x33c: {  	(erf) = vpow2.f32 v5  }
0x33d: {  	(erf) = vpow2.f32 v2;
	_ =	sdelay $0x1  }
0x33e: {  	v2 =	vpop (erf)  }
0x33f: {  	[tilespmem:$0x1FD18] =	vst v2;
	v2 =	vpop (erf)  }
0x340: {  	[tilespmem:$0x1FD38] =	vst v2;
	v2 =	vpop (erf)  }
0x341: {  	[tilespmem:$0x1FD08] =	vst v2;
	v2 =	vpop (erf)  }
0x342: {  	[tilespmem:$0x1FCE8] =	vst v2;
	v2 =	vpop (erf)  }
0x343: {  	[tilespmem:$0x1FD28] =	vst v2;
	v2 =	vpop (erf)  }
0x344: {  	[tilespmem:$0x1FD48] =	vst v2;
	v2 =	vpop (erf)  }
0x345: {  	[tilespmem:$0x1FD58] =	vst v2;
	v2 =	vpop (erf)  }
0x346: {  	[tilespmem:$0x1FCF8] =	vst v2  }
0x347: {  	[spmem:s28] =	stream.indirect.scatter.add.f32 [tilespmem:s23], [sflag:$0x3], $0x1, s29, s26, $0xb8;
	[tilespmem:$0x1FEE8] =	vst v63  }
.Ltmp10:
0x348: {  	_ =	swait.ge [sflag:s21], $0x80;
	(pc) =	sbr.rel .LBB2_17-.Ltmp10, $4  }
0x349: {  	[sflag:s21] =	ssyncset.done $0x0  }
0x34a: {  	[sflag:s21] =	ssyncadd.s32 $0xFFFFFF80  }
0x34b: {  	[bflag:$0x0] =	sbarrier.arrive $0xFFFF  }
0x34c: {  	p3 =	por $0x1, $0x1;
	s29 =	simm.s32 $0x0  }
.LBB2_21:
0x34d: {  	p4 =	sne.s32 s13, $0x51  }
.Ltmp11:
0x34e: {  	_ = 	snop;
	(pc) =	sbr.rel @!p4 .LBB2_22-.Ltmp11, $2  }
0x34f: {  	_ =	sdelay $0x2  }
0x350: {  	p3 =	por !p3, !p3;
	s29 =	smov.u32 s13  }
.LBB2_17:
0x351: {  	p4 =	seq.s32 s29, $0x50  }
0x352: {  	s5 =	sand.u32 @!p4 $0xF, s29  }
0x353: {  	p6 =	seq.s32 @!p4 s5, $0x0  }
0x354: {  	p5 =	por !p6, p4  }
0x355: {  	s5 =	sshll.u32 @!p5 s29, $0x7;
	s6 =	sadd.s32 @!p5 s19, s29  }
0x356: {  	s5 =	sand.u32 @!p5 $0x800, s5;
	s6 =	sshll.u32 @!p5 s6, $0x4  }
0x357: {  	s13 =	simm.s32 @!p5 $0x0;
	s5 =	sadd.s32 @!p5 $0x16B68, s5;
	s6 =	sadd.s32 @!p5 s4, s6  }
0x358: {  	[tilespmem:s5], [sflag:$0x4] =	stream.linear.gather @!p5 [hbm4b:s6+s13], $0x800, $0x38;
	[tilespmem:$0x1FEE8] =	vst v63  }
0x359: {  	s5 =	simm.s32 @!p5 $0x4  }
0x35a: {  	p6 =	por p6, p4;
	s6 =	sshll.u32 @!p4 s29, $0x7;
	_ =	swait.ge @!p5 [sflag:s5], $0x800  }
0x35b: {  	s13 =	simm.s32 @!p4 $0x80;
	s14 =	sand.u32 @!p4 $0xF80, s6;
	[sflag:s5] =	ssyncset.done @!p5 $0x0  }
0x35c: {  	s18 =	sadd.s32 @!p4 $0x16B68, s14;
	[sflag:s5] =	ssyncadd.s32 @!p5 $0xFFFFF800;
	s5 =	simm.s32 @!p4 $0x1FB68  }
0x35d: {  	[tilespmem:s5], [sflag:$0x4] =	stream.indirect.gather @!p4 [spmem:s30], $0x1, s18, s13, $0xb8;
	[tilespmem:$0x1FEE8] =	vst v63  }
0x35e: {  	s7 =	simm.s32 @!p4 $0x4;
	s6 =	sshll.u32 @!p6 s29, $0x9;
	s5 =	sshll.u32 @!p5 s29, $0x9  }
0x35f: {  	s5 =	smov.u32 @p5 s6;
	_ =	swait.ge @!p4 [sflag:s7], $0x80  }
0x360: {  	[sflag:s7] =	ssyncset.done @!p4 $0x0;
	s5 =	sshrl.u32 @!p4 s5, $0x2  }
0x361: {  	s6 =	simm.s32 @!p4 $0x1FBE8;
	[sflag:s7] =	ssyncadd.s32 @!p4 $0xFFFFFF80;
	s5 =	sadd.s32 @!p4 $0x14368, s5  }
0x362: {  	[tilespmem:s6], [sflag:$0x4] =	stream.indirect.gather @!p4 [spmem:s0], $0x1, s5, s13, $0xb8;
	[tilespmem:$0x1FEE8] =	vst v63  }
0x363: {  	_ =	swait.ge @!p4 [sflag:s7], $0x80  }
0x364: {  	[sflag:s7] =	ssyncset.done @!p4 $0x0  }
0x365: {  	s6 =	simm.s32 @!p4 $0x1FC68;
	[sflag:s7] =	ssyncadd.s32 @!p4 $0xFFFFFF80  }
0x366: {  	[tilespmem:s6], [sflag:$0x4] =	stream.indirect.gather @!p4 [spmem:s28], $0x1, s5, s13, $0xb8;
	[tilespmem:$0x1FEE8] =	vst v63  }
0x367: {  	_ =	swait.ge @!p4 [sflag:s7], $0x80  }
0x368: {  	[sflag:s7] =	ssyncset.done @!p4 $0x0  }
0x369: {  	[sflag:s7] =	ssyncadd.s32 @!p4 $0xFFFFFF80  }
0x36a: {  	v2 =	vld @!p4 [tilespmem:s14+$0x16B68];
	_ =	sdelay $0x4  }
0x36b: {  	v2 =	vadd.s32 @!p4 v0, v2  }
0x36c: {  	[tilespmem:s14+$0x16B68] =	vst @!p4 v2  }
0x36d: {  	v2 =	vld @!p4 [tilespmem:$0x1FB68]  }
0x36e: {  	v3 =	vld @!p4 [tilespmem:$0x1FBE8];
	_ =	sdelay $0x4  }
0x36f: {  	v2 =	vadd.f32 @!p4 v3, v2;
	_ =	sdelay $0x1  }
0x370: {  	v3 =	vmul.f32 @!p4 $9.999999770e-03, v2  }
0x371: {  	v4 =	vld @!p4 [tilespmem:$0x1FC68]  }
0x372: {  	v2 =	vmax.f32 @!p4 v2, v3  }
0x373: {  	v2 =	vmul.f32 @!p4 $1.442695020e+00, v2;
	_ =	sdelay $0x1  }
0x374: {  	(erf) = vpow2.f32 @!p4 v2  }
0x375: {  	(erf) = vrcp.f32 @!p4 v4;
	_ =	sdelay $0x7  }
0x376: {  	v2 =	vpop @!p4 (erf)  }
0x377: {  	v3 =	vpop @!p4 (erf)  }
0x378: {  	s5 =	sand.u32 $0x1, s29;
	v2 =	vmul.f32 @!p4 v2, v3  }
0x379: {  	s6 =	sshll.u32 @!p4 s5, $0x7  }
0x37a: {  	[tilespmem:s6+$0x1FDE8] =	vst @!p4 v2  }
0x37b: {  	v2 =	vld @!p4 [tilespmem:s14+$0x16B78];
	_ =	sdelay $0x4  }
0x37c: {  	v2 =	vadd.s32 @!p4 v0, v2  }
0x37d: {  	[tilespmem:s14+$0x16B78] =	vst @!p4 v2  }
0x37e: {  	v2 =	vld @!p4 [tilespmem:$0x1FB78]  }
0x37f: {  	v3 =	vld @!p4 [tilespmem:$0x1FBF8];
	_ =	sdelay $0x4  }
0x380: {  	v2 =	vadd.f32 @!p4 v3, v2;
	_ =	sdelay $0x1  }
0x381: {  	v3 =	vmul.f32 @!p4 $9.999999770e-03, v2  }
0x382: {  	v4 =	vld @!p4 [tilespmem:$0x1FC78]  }
0x383: {  	v2 =	vmax.f32 @!p4 v2, v3  }
0x384: {  	v2 =	vmul.f32 @!p4 $1.442695020e+00, v2;
	_ =	sdelay $0x1  }
0x385: {  	(erf) = vpow2.f32 @!p4 v2  }
0x386: {  	(erf) = vrcp.f32 @!p4 v4;
	_ =	sdelay $0x7  }
0x387: {  	v2 =	vpop @!p4 (erf)  }
0x388: {  	v3 =	vpop @!p4 (erf)  }
0x389: {  	v2 =	vmul.f32 @!p4 v2, v3;
	_ =	sdelay $0x1  }
0x38a: {  	[tilespmem:s6+$0x1FDF8] =	vst @!p4 v2  }
0x38b: {  	v2 =	vld @!p4 [tilespmem:s14+$0x16B88];
	_ =	sdelay $0x4  }
0x38c: {  	v2 =	vadd.s32 @!p4 v0, v2  }
0x38d: {  	[tilespmem:s14+$0x16B88] =	vst @!p4 v2  }
0x38e: {  	v2 =	vld @!p4 [tilespmem:$0x1FB88]  }
0x38f: {  	v3 =	vld @!p4 [tilespmem:$0x1FC08];
	_ =	sdelay $0x4  }
0x390: {  	v2 =	vadd.f32 @!p4 v3, v2;
	_ =	sdelay $0x1  }
0x391: {  	v3 =	vmul.f32 @!p4 $9.999999770e-03, v2  }
0x392: {  	v4 =	vld @!p4 [tilespmem:$0x1FC88]  }
0x393: {  	v2 =	vmax.f32 @!p4 v2, v3  }
0x394: {  	v2 =	vmul.f32 @!p4 $1.442695020e+00, v2;
	_ =	sdelay $0x1  }
0x395: {  	(erf) = vpow2.f32 @!p4 v2  }
0x396: {  	(erf) = vrcp.f32 @!p4 v4;
	_ =	sdelay $0x7  }
0x397: {  	v2 =	vpop @!p4 (erf)  }
0x398: {  	v3 =	vpop @!p4 (erf)  }
0x399: {  	v2 =	vmul.f32 @!p4 v2, v3;
	_ =	sdelay $0x1  }
0x39a: {  	[tilespmem:s6+$0x1FE08] =	vst @!p4 v2  }
0x39b: {  	v2 =	vld @!p4 [tilespmem:s14+$0x16B98];
	_ =	sdelay $0x4  }
0x39c: {  	v2 =	vadd.s32 @!p4 v0, v2  }
0x39d: {  	[tilespmem:s14+$0x16B98] =	vst @!p4 v2  }
0x39e: {  	v2 =	vld @!p4 [tilespmem:$0x1FB98]  }
0x39f: {  	v3 =	vld @!p4 [tilespmem:$0x1FC18];
	_ =	sdelay $0x4  }
0x3a0: {  	v2 =	vadd.f32 @!p4 v3, v2;
	_ =	sdelay $0x1  }
0x3a1: {  	v3 =	vmul.f32 @!p4 $9.999999770e-03, v2  }
0x3a2: {  	v4 =	vld @!p4 [tilespmem:$0x1FC98]  }
0x3a3: {  	v2 =	vmax.f32 @!p4 v2, v3  }
0x3a4: {  	v2 =	vmul.f32 @!p4 $1.442695020e+00, v2;
	_ =	sdelay $0x1  }
0x3a5: {  	(erf) = vpow2.f32 @!p4 v2  }
0x3a6: {  	(erf) = vrcp.f32 @!p4 v4;
	_ =	sdelay $0x7  }
0x3a7: {  	v2 =	vpop @!p4 (erf)  }
0x3a8: {  	v3 =	vpop @!p4 (erf)  }
0x3a9: {  	v2 =	vmul.f32 @!p4 v2, v3;
	_ =	sdelay $0x1  }
0x3aa: {  	[tilespmem:s6+$0x1FE18] =	vst @!p4 v2  }
0x3ab: {  	v2 =	vld @!p4 [tilespmem:s14+$0x16BA8];
	_ =	sdelay $0x4  }
0x3ac: {  	v2 =	vadd.s32 @!p4 v0, v2  }
0x3ad: {  	[tilespmem:s14+$0x16BA8] =	vst @!p4 v2  }
0x3ae: {  	v2 =	vld @!p4 [tilespmem:$0x1FBA8]  }
0x3af: {  	v3 =	vld @!p4 [tilespmem:$0x1FC28];
	_ =	sdelay $0x4  }
0x3b0: {  	v2 =	vadd.f32 @!p4 v3, v2;
	_ =	sdelay $0x1  }
0x3b1: {  	v3 =	vmul.f32 @!p4 $9.999999770e-03, v2  }
0x3b2: {  	v4 =	vld @!p4 [tilespmem:$0x1FCA8]  }
0x3b3: {  	v2 =	vmax.f32 @!p4 v2, v3  }
0x3b4: {  	v2 =	vmul.f32 @!p4 $1.442695020e+00, v2;
	_ =	sdelay $0x1  }
0x3b5: {  	(erf) = vpow2.f32 @!p4 v2  }
0x3b6: {  	(erf) = vrcp.f32 @!p4 v4;
	_ =	sdelay $0x7  }
0x3b7: {  	v2 =	vpop @!p4 (erf)  }
0x3b8: {  	v3 =	vpop @!p4 (erf)  }
0x3b9: {  	v2 =	vmul.f32 @!p4 v2, v3;
	_ =	sdelay $0x1  }
0x3ba: {  	[tilespmem:s6+$0x1FE28] =	vst @!p4 v2  }
0x3bb: {  	v2 =	vld @!p4 [tilespmem:s14+$0x16BB8];
	_ =	sdelay $0x4  }
0x3bc: {  	v2 =	vadd.s32 @!p4 v0, v2  }
0x3bd: {  	[tilespmem:s14+$0x16BB8] =	vst @!p4 v2  }
0x3be: {  	v2 =	vld @!p4 [tilespmem:$0x1FBB8]  }
0x3bf: {  	v3 =	vld @!p4 [tilespmem:$0x1FC38];
	_ =	sdelay $0x4  }
0x3c0: {  	v2 =	vadd.f32 @!p4 v3, v2;
	_ =	sdelay $0x1  }
0x3c1: {  	v3 =	vmul.f32 @!p4 $9.999999770e-03, v2  }
0x3c2: {  	v4 =	vld @!p4 [tilespmem:$0x1FCB8]  }
0x3c3: {  	v2 =	vmax.f32 @!p4 v2, v3  }
0x3c4: {  	v2 =	vmul.f32 @!p4 $1.442695020e+00, v2;
	_ =	sdelay $0x1  }
0x3c5: {  	(erf) = vpow2.f32 @!p4 v2  }
0x3c6: {  	(erf) = vrcp.f32 @!p4 v4;
	_ =	sdelay $0x7  }
0x3c7: {  	v2 =	vpop @!p4 (erf)  }
0x3c8: {  	v3 =	vpop @!p4 (erf)  }
0x3c9: {  	v2 =	vmul.f32 @!p4 v2, v3;
	_ =	sdelay $0x1  }
0x3ca: {  	[tilespmem:s6+$0x1FE38] =	vst @!p4 v2  }
0x3cb: {  	v2 =	vld @!p4 [tilespmem:s14+$0x16BC8];
	_ =	sdelay $0x4  }
0x3cc: {  	v2 =	vadd.s32 @!p4 v0, v2  }
0x3cd: {  	[tilespmem:s14+$0x16BC8] =	vst @!p4 v2  }
0x3ce: {  	v2 =	vld @!p4 [tilespmem:$0x1FBC8]  }
0x3cf: {  	v3 =	vld @!p4 [tilespmem:$0x1FC48];
	_ =	sdelay $0x4  }
0x3d0: {  	v2 =	vadd.f32 @!p4 v3, v2;
	_ =	sdelay $0x1  }
0x3d1: {  	v3 =	vmul.f32 @!p4 $9.999999770e-03, v2  }
0x3d2: {  	v4 =	vld @!p4 [tilespmem:$0x1FCC8]  }
0x3d3: {  	v2 =	vmax.f32 @!p4 v2, v3  }
0x3d4: {  	v2 =	vmul.f32 @!p4 $1.442695020e+00, v2;
	_ =	sdelay $0x1  }
0x3d5: {  	(erf) = vpow2.f32 @!p4 v2  }
0x3d6: {  	(erf) = vrcp.f32 @!p4 v4;
	_ =	sdelay $0x7  }
0x3d7: {  	v2 =	vpop @!p4 (erf)  }
0x3d8: {  	v3 =	vpop @!p4 (erf)  }
0x3d9: {  	v2 =	vmul.f32 @!p4 v2, v3;
	_ =	sdelay $0x1  }
0x3da: {  	[tilespmem:s6+$0x1FE48] =	vst @!p4 v2  }
0x3db: {  	v2 =	vld @!p4 [tilespmem:s14+$0x16BD8];
	_ =	sdelay $0x4  }
0x3dc: {  	v2 =	vadd.s32 @!p4 v0, v2  }
0x3dd: {  	[tilespmem:s14+$0x16BD8] =	vst @!p4 v2  }
0x3de: {  	v2 =	vld @!p4 [tilespmem:$0x1FBD8]  }
0x3df: {  	v3 =	vld @!p4 [tilespmem:$0x1FC58];
	_ =	sdelay $0x4  }
0x3e0: {  	v2 =	vadd.f32 @!p4 v3, v2;
	_ =	sdelay $0x1  }
0x3e1: {  	v3 =	vmul.f32 @!p4 $9.999999770e-03, v2  }
0x3e2: {  	v4 =	vld @!p4 [tilespmem:$0x1FCD8]  }
0x3e3: {  	v2 =	vmax.f32 @!p4 v2, v3  }
0x3e4: {  	v2 =	vmul.f32 @!p4 $1.442695020e+00, v2;
	_ =	sdelay $0x1  }
0x3e5: {  	(erf) = vpow2.f32 @!p4 v2  }
0x3e6: {  	(erf) = vrcp.f32 @!p4 v4;
	_ =	sdelay $0x7  }
0x3e7: {  	v2 =	vpop @!p4 (erf)  }
0x3e8: {  	v3 =	vpop @!p4 (erf)  }
0x3e9: {  	v2 =	vmul.f32 @!p4 v2, v3  }
0x3ea: {  	s7 =	sshll.u32 @!p4 s5, $0xE  }
0x3eb: {  	p5 =	seq.s32 @!p4 s29, $0x0;
	s5 =	sadd.s32 @!p4 $0x1, s5;
	[tilespmem:s6+$0x1FE58] =	vst @!p4 v2;
	s6 =	sadd.s32 @!p4 $0x17B68, s7  }
0x3ec: {  	[tilespmem:s6], [sflag:s5] =	stream.indirect.gather @!p4 [hbm4b:s3+s13], $0x80, s18, s13, $0xb8;
	[tilespmem:$0x1FEE8] =	vst v63  }
0x3ed: {  	p4 =	por p4, !p5  }
.Ltmp12:
0x3ee: {  	_ = 	snop;
	(pc) =	sbr.rel @!p4 .LBB2_21-.Ltmp12, $2  }
0x3ef: {  	_ =	sdelay $0x2  }
0x3f0: {  	s13 =	sadd.s32 $0x1, s29  }
0x3f1: {  	s5 =	sand.u32 $0x1, s13;
	s6 =	simm.s32 $0x0  }
0x3f2: {  	s7 =	sshll.u32 s5, $0x7;
	v3 =	vmov s6  }
0x3f3: {  	v2 =	vmov s7;
	v3 =	vand.u32 $0x7F, v3  }
0x3f4: {  	s6 =	simm.s32 $0x1;
	s18 =	sadd.s32 $0x1, s5;
	v3 =	vadd.s32 v2, v3  }
0x3f5: {  	s6 =	simm.s32 @!p3 $0x0;
	_ =	swait.ge [sflag:s18], $0x4000;
	v3 =	vbroadcast v3, $0x0  }
0x3f6: {  	s6 =	sshll.u32 s6, $0xE;
	[sflag:s18] =	ssyncset.done $0x0  }
0x3f7: {  	s6 =	sadd.s32 $0x17BA8, s6;
	[sflag:s18] =	ssyncadd.s32 $0xFFFFC000  }
0x3f8: {  	v7 =	vld [tilespmem:s6+$0x30]  }
0x3f9: {  	v10 =	vld [tilespmem:s6+$0x10]  }
0x3fa: {  	v8 =	vld [tilespmem:s6+$0xFFFFFFC0]  }
0x3fb: {  	v4 =	vld.idx.msk [tilespmem:v3+s16+$0x0], $0xffff  }
0x3fc: {  	v13 =	vld [tilespmem:s6+$0xFFFFFFE0]  }
0x3fd: {  	v5 =	vld [tilespmem:s6+$0x20]  }
0x3fe: {  	v6 =	vld [tilespmem:s6+$0xFFFFFFD0]  }
0x3ff: {  	v3 =	vld [tilespmem:s6+$0xFFFFFFF0]  }
0x400: {  	v11 =	vmul.f32 v7, v4;
	v7 =	vld [tilespmem:s6+$0x0]  }
0x401: {  	s14 =	simm.s32 $0x1;
	s5 =	sshll.u32 s5, $0xE;
	v9 =	vmul.f32 v8, v4  }
0x402: {  	v12 =	vmov s14;
	s5 =	sadd.s32 $0x17B68, s5;
	s18 =	simm.s32 $0x2;
	s14 =	smov.u32 s6;
	v8 =	vmul.f32 v13, v4;
	v10 =	vmul.f32 v10, v4  }
.LBB2_19:
0x403: {  	p4 =	sne.s32 s18, $0x7F  }
0x404: {  	v12 =	vand.u32 $0x7F, v12;
	v6 =	vmul.f32 v6, v4;
	v5 =	vmul.f32 v5, v4;
	[tilespmem:s6+$0x30] =	vst v11;
	s14 =	sadd.s32 $0x80, s14;
	s7 =	smov.u32 s18;
	s18 =	sadd.s32 $0x1, s18  }
0x405: {  	v11 =	vadd.s32 v2, v12;
	[tilespmem:s6+$0xFFFFFFC0] =	vst v9;
	v9 =	vmul.f32 v3, v4;
	v4 =	vmul.f32 v7, v4  }
0x406: {  	v7 =	vbroadcast v11, $0x0;
	[tilespmem:s6+$0x10] =	vst v10  }
0x407: {  	[tilespmem:s6+$0xFFFFFFE0] =	vst v8  }
0x408: {  	v3 =	vld [tilespmem:s14+$0xFFFFFFF0];
	[tilespmem:s6+$0xFFFFFFF0] =	vst v9  }
0x409: {  	v8 =	vld [tilespmem:s14+$0x30];
	[tilespmem:s6+$0x0] =	vst v4  }
0x40a: {  	v10 =	vld [tilespmem:s14+$0x10];
	[tilespmem:s6+$0x20] =	vst v5  }
0x40b: {  	v9 =	vld [tilespmem:s14+$0xFFFFFFC0];
	[tilespmem:s6+$0xFFFFFFD0] =	vst v6;
	s6 =	smov.u32 s14  }
0x40c: {  	v4 =	vld.idx.msk [tilespmem:v7+s16+$0x0], $0xffff  }
0x40d: {  	v13 =	vld [tilespmem:s14+$0xFFFFFFE0]  }
0x40e: {  	v5 =	vld [tilespmem:s14+$0x20]  }
.Ltmp13:
0x40f: {  	v6 =	vld [tilespmem:s14+$0xFFFFFFD0];
	(pc) =	sbr.rel @p4 .LBB2_19-.Ltmp13, $3  }
0x410: {  	v7 =	vld [tilespmem:s14+$0x0];
	_ =	sdelay $0x1  }
0x411: {  	v9 =	vmul.f32 v9, v4;
	v11 =	vmul.f32 v8, v4  }
0x412: {  	v12 =	vmov s7;
	v10 =	vmul.f32 v10, v4;
	v8 =	vmul.f32 v13, v4  }
0x413: {  	[tilespmem:s6+$0x30] =	vst v11;
	v56 =	vand.u32 $0x7F, v12  }
0x414: {  	[tilespmem:s6+$0xFFFFFFC0] =	vst v9;
	v2 =	vadd.s32 v2, v56  }
0x415: {  	v3 =	vmul.f32 v3, v4;
	[tilespmem:s6+$0x10] =	vst v10;
	v2 =	vbroadcast v2, $0x0  }
0x416: {  	s7 =	sadd.s32 $0x80, s14;
	[tilespmem:s6+$0xFFFFFFE0] =	vst v8;
	v7 =	vmul.f32 v7, v4  }
0x417: {  	v57 =	vmul.f32 v6, v4;
	v8 =	vld [tilespmem:s7+$0xFFFFFFF0];
	[tilespmem:s6+$0xFFFFFFF0] =	vst v3  }
0x418: {  	v5 =	vmul.f32 v5, v4;
	v3 =	vld [tilespmem:s7+$0x30];
	[tilespmem:s6+$0x0] =	vst v7  }
0x419: {  	v59 =	vld [tilespmem:s7+$0xFFFFFFC0];
	[tilespmem:s6+$0xFFFFFFD0] =	vst v57  }
0x41a: {  	v58 =	vld [tilespmem:s7+$0x10];
	[tilespmem:s6+$0x20] =	vst v5  }
0x41b: {  	v2 =	vld.idx.msk [tilespmem:v2+s16+$0x0], $0xffff;
	_ =	sdelay $0x3  }
0x41c: {  	v4 =	vld [tilespmem:s7+$0xFFFFFFE0]  }
0x41d: {  	v7 =	vld [tilespmem:s7+$0x0];
	v3 =	vmul.f32 v3, v2  }
0x41e: {  	v60 =	vld [tilespmem:s7+$0x20];
	v5 =	vmul.f32 v59, v2  }
0x41f: {  	v61 =	vld [tilespmem:s7+$0xFFFFFFD0];
	v6 =	vmul.f32 v58, v2;
	[tilespmem:s7+$0x30] =	vst v3  }
0x420: {  	v62 =	vmul.f32 v8, v2;
	[tilespmem:s7+$0xFFFFFFC0] =	vst v5  }
0x421: {  	v3 =	vmul.f32 v4, v2;
	[tilespmem:s7+$0x10] =	vst v6  }
0x422: {  	v63 =	vmul.f32 v7, v2;
	[tilespmem:s7+$0xFFFFFFF0] =	vst v62  }
0x423: {  	[tilespmem:s7+$0xFFFFFFE0] =	vst v3;
	v3 =	vmul.f32 v60, v2  }
0x424: {  	s29 =	sshll.u32 s29, $0x7;
	[tilespmem:s7+$0x0] =	vst v63;
	v2 =	vmul.f32 v61, v2  }
0x425: {  	s6 =	sand.u32 $0x3FFFFF80, s29;
	[tilespmem:s7+$0x20] =	vst v3  }
.Ltmp14:
0x426: {  	s6 =	sadd.s32 $0x142E8, s6;
	[tilespmem:s7+$0xFFFFFFD0] =	vst v2;
	(pc) =	sbr.rel .LBB2_21-.Ltmp14, $4  }
0x427: {  	[spmem:s24] =	stream.indirect.scatter.add.f32 [tilespmem:s5], [sflag:$0x3], $0x80, s6, s26, $0xb8;
	[tilespmem:$0x1FEE8] =	vst v63  }
0x428: {  	_ =	swait.ge [sflag:s21], $0x4000  }
0x429: {  	[sflag:s21] =	ssyncset.done $0x0  }
0x42a: {  	[sflag:s21] =	ssyncadd.s32 $0xFFFFC000  }
.LBB2_22:
0x42b: {  	[bflag:$0x0] =	sbarrier.arrive $0xFFFF  }
0x42c: {  	s29 =	sld [smem:$0x7FD];
	_ =	sdelay $0x2  }
0x42d: {  	[tilespmem:s20], [sflag:$0x3] =	stream.linear.gather [spmem:s29], $0x4000, $0x38;
	[tilespmem:$0x1FEE8] =	vst v63  }
0x42e: {  	_ =	swait.ge [sflag:s21], $0x4000  }
0x42f: {  	[sflag:s21] =	ssyncset.done $0x0  }
0x430: {  	s6 =	simm.s32 $0x0;
	s5 =	rddreg [dreg:$0x16];
	[sflag:s21] =	ssyncadd.s32 $0xFFFFC000  }
0x431: {  	[tilespmem:s15], [sflag:$0x3] =	stream.linear.gather [hbm4b:s5+s6], $0x4000, $0x38;
	[tilespmem:$0x1FEE8] =	vst v63  }
0x432: {  	_ =	swait.ge [sflag:s21], $0x4000  }
0x433: {  	s18 =	sld [smem:$0x7DF]  }
0x434: {  	[sflag:s21] =	ssyncset.done $0x0  }
0x435: {  	[sflag:s21] =	ssyncadd.s32 $0xFFFFC000  }
0x436: {  	[tilespmem:s22], [sflag:$0x3] =	stream.linear.gather [spmem:s18], $0x80, $0x38;
	[tilespmem:$0x1FEE8] =	vst v63  }
0x437: {  	_ =	swait.ge [sflag:s21], $0x80  }
0x438: {  	[sflag:s21] =	ssyncset.done $0x0  }
0x439: {  	s5 =	simm.s32 $0x0;
	[sflag:s21] =	ssyncadd.s32 $0xFFFFFF80  }
0x43a: {  	v6 =	vld [tilespmem:s5+$0x1BBC8]  }
0x43b: {  	v3 =	vld [tilespmem:s5+$0x1BBB8]  }
0x43c: {  	v4 =	vld [tilespmem:s5+$0x1BBD8]  }
0x43d: {  	v2 =	vld [tilespmem:s5+$0x1BB98]  }
0x43e: {  	v8 =	vld [tilespmem:s5+$0x1BBA8]  }
0x43f: {  	v7 =	vld [tilespmem:s5+$0x17B68]  }
0x440: {  	v9 =	vld [tilespmem:s5+$0x17BC8]  }
0x441: {  	v13 =	vmov s6;
	v5 =	vld [tilespmem:s5+$0x1BB78]  }
0x442: {  	v11 =	vld [tilespmem:s5+$0x1BB88]  }
0x443: {  	v10 =	vld [tilespmem:s5+$0x17BA8]  }
0x444: {  	v12 =	vld [tilespmem:s5+$0x17BB8]  }
0x445: {  	v15 =	vld [tilespmem:s5+$0x1BB68]  }
0x446: {  	v17 =	vld.idx.msk [tilespmem:v13+s22+$0x0], $0xffff  }
0x447: {  	v13 =	vld [tilespmem:s5+$0x17B78]  }
0x448: {  	v14 =	vld [tilespmem:s5+$0x17BD8]  }
0x449: {  	s13 =	simm.s32 $0x1;
	s6 =	simm.s32 $0x200;
	v16 =	vld [tilespmem:s5+$0x17B88]  }
.LBB2_23:
0x44a: {  	v18 =	vmov s13;
	s7 =	sshra.s32 s6, $0x2;
	p3 =	sne.s32 s6, $0xFE00;
	s6 =	sadd.s32 $0x200, s6;
	v19 =	vld [tilespmem:s5+$0x17B98]  }
0x44b: {  	v20 =	vld [tilespmem:s7+$0x1BBC8]  }
0x44c: {  	v21 =	vld [tilespmem:s7+$0x1BBB8]  }
0x44d: {  	vm0 =	vgt.f32 v17, $0.0e+00;
	v22 =	vld [tilespmem:s7+$0x1BBD8]  }
0x44e: {  	v7 =	vsel vm0, v7, v15;
	v9 =	vsel vm0, v9, v6;
	v17 =	vld [tilespmem:s7+$0x1BB98];
	v15 =	vsel vm0, v16, v11  }
0x44f: {  	v13 =	vsel vm0, v13, v5;
	v5 =	vsel vm0, v12, v3;
	v12 =	vsel vm0, v14, v4;
	v16 =	vld [tilespmem:s7+$0x1BBA8];
	[tilespmem:s5+$0x17B68] =	vst v7  }
0x450: {  	v14 =	vsel vm0, v19, v2;
	v2 =	vsel vm0, v10, v8;
	v7 =	vld [tilespmem:s7+$0x17B68];
	[tilespmem:s5+$0x17BC8] =	vst v9;
	v6 =	vmov v20  }
0x451: {  	v9 =	vld [tilespmem:s7+$0x17BC8];
	[tilespmem:s5+$0x17BB8] =	vst v5;
	v3 =	vmov v21  }
0x452: {  	v5 =	vld [tilespmem:s7+$0x1BB78];
	[tilespmem:s5+$0x17BA8] =	vst v2;
	v4 =	vmov v22  }
0x453: {  	v11 =	vld [tilespmem:s7+$0x1BB88];
	[tilespmem:s5+$0x17BD8] =	vst v12;
	v2 =	vmov v17  }
0x454: {  	v10 =	vld [tilespmem:s7+$0x17BA8];
	[tilespmem:s5+$0x17B88] =	vst v15;
	v8 =	vmov v16  }
0x455: {  	v12 =	vld [tilespmem:s7+$0x17BB8];
	[tilespmem:s5+$0x17B98] =	vst v14  }
.Ltmp15:
0x456: {  	v15 =	vld [tilespmem:s7+$0x1BB68];
	[tilespmem:s5+$0x17B78] =	vst v13;
	s5 =	smov.u32 s7;
	(pc) =	sbr.rel @p3 .LBB2_23-.Ltmp15, $4  }
0x457: {  	v17 =	vld.idx.msk [tilespmem:v18+s22+$0x0], $0xffff  }
0x458: {  	v13 =	vld [tilespmem:s5+$0x17B78]  }
0x459: {  	v14 =	vld [tilespmem:s5+$0x17BD8]  }
0x45a: {  	s13 =	sadd.s32 $0x1, s13;
	v16 =	vld [tilespmem:s5+$0x17B88]  }
0x45b: {  	_ = 	snop  }
0x45c: {  	vm0 =	vgt.f32 v17, $0.0e+00  }
0x45d: {  	v7 =	vsel vm0, v7, v15  }
0x45e: {  	v6 =	vsel vm0, v9, v6;
	[tilespmem:s5+$0x17B68] =	vst v7  }
0x45f: {  	v17 =	vld [tilespmem:s5+$0x17B98];
	v3 =	vsel vm0, v12, v3;
	[tilespmem:s5+$0x17BC8] =	vst v6  }
0x460: {  	v6 =	vsel vm0, v10, v8;
	[tilespmem:s5+$0x17BB8] =	vst v3  }
0x461: {  	v3 =	vsel vm0, v14, v4;
	[tilespmem:s5+$0x17BA8] =	vst v6  }
0x462: {  	v4 =	vsel vm0, v16, v11;
	[tilespmem:s5+$0x17BD8] =	vst v3  }
0x463: {  	v3 =	vsel vm0, v13, v5;
	[tilespmem:s5+$0x17B88] =	vst v4  }
0x464: {  	[tilespmem:s5+$0x17B78] =	vst v3;
	v2 =	vsel vm0, v17, v2  }
0x465: {  	s6 =	simm.s32 $0x0;
	s13 =	rddreg [dreg:$0x17];
	[tilespmem:s5+$0x17B98] =	vst v2  }
0x466: {  	[hbm4b:s13+s6] =	stream.linear.scatter [tilespmem:s20], [sflag:$0x3], $0x4000, $0x38;
	[tilespmem:$0x1FEE8] =	vst v63  }
0x467: {  	_ =	swait.ge [sflag:s21], $0x4000  }
0x468: {  	s14 =	sld [smem:$0x7E0]  }
0x469: {  	[sflag:s21] =	ssyncset.done $0x0  }
0x46a: {  	[sflag:s21] =	ssyncadd.s32 $0xFFFFC000  }
0x46b: {  	[tilespmem:s20], [sflag:$0x3] =	stream.linear.gather [spmem:s14], $0x4000, $0x38;
	[tilespmem:$0x1FEE8] =	vst v63  }
0x46c: {  	_ =	swait.ge [sflag:s21], $0x4000  }
0x46d: {  	[sflag:s21] =	ssyncset.done $0x0  }
0x46e: {  	s18 =	rddreg [dreg:$0x18];
	[sflag:s21] =	ssyncadd.s32 $0xFFFFC000  }
0x46f: {  	[tilespmem:s15], [sflag:$0x3] =	stream.linear.gather [hbm4b:s18+s6], $0x4000, $0x38;
	[tilespmem:$0x1FEE8] =	vst v63  }
0x470: {  	_ =	swait.ge [sflag:s21], $0x4000  }
0x471: {  	[sflag:s21] =	ssyncset.done $0x0  }
0x472: {  	[sflag:s21] =	ssyncadd.s32 $0xFFFFC000  }
0x473: {  	[tilespmem:s22], [sflag:$0x3] =	stream.linear.gather [spmem:s8], $0x80, $0x38;
	[tilespmem:$0x1FEE8] =	vst v63  }
0x474: {  	_ =	swait.ge [sflag:s21], $0x80  }
0x475: {  	[sflag:s21] =	ssyncset.done $0x0  }
0x476: {  	s5 =	simm.s32 $0x0;
	[sflag:s21] =	ssyncadd.s32 $0xFFFFFF80  }
0x477: {  	v6 =	vld [tilespmem:s5+$0x1BBC8]  }
0x478: {  	v3 =	vld [tilespmem:s5+$0x1BBB8]  }
0x479: {  	v4 =	vld [tilespmem:s5+$0x1BBD8]  }
0x47a: {  	v2 =	vld [tilespmem:s5+$0x1BB98]  }
0x47b: {  	v8 =	vld [tilespmem:s5+$0x1BBA8]  }
0x47c: {  	v7 =	vld [tilespmem:s5+$0x17B68]  }
0x47d: {  	v9 =	vld [tilespmem:s5+$0x17BC8]  }
0x47e: {  	v13 =	vmov s6;
	v5 =	vld [tilespmem:s5+$0x1BB78]  }
0x47f: {  	v11 =	vld [tilespmem:s5+$0x1BB88]  }
0x480: {  	v10 =	vld [tilespmem:s5+$0x17BA8]  }
0x481: {  	v12 =	vld [tilespmem:s5+$0x17BB8]  }
0x482: {  	v15 =	vld [tilespmem:s5+$0x1BB68]  }
0x483: {  	v17 =	vld.idx.msk [tilespmem:v13+s22+$0x0], $0xffff  }
0x484: {  	v13 =	vld [tilespmem:s5+$0x17B78]  }
0x485: {  	v14 =	vld [tilespmem:s5+$0x17BD8]  }
0x486: {  	s13 =	simm.s32 $0x1;
	s6 =	simm.s32 $0x200;
	v16 =	vld [tilespmem:s5+$0x17B88]  }
.LBB2_25:
0x487: {  	v18 =	vmov s13;
	s7 =	sshra.s32 s6, $0x2;
	p3 =	sne.s32 s6, $0xFE00;
	s6 =	sadd.s32 $0x200, s6;
	v19 =	vld [tilespmem:s5+$0x17B98]  }
0x488: {  	v20 =	vld [tilespmem:s7+$0x1BBC8]  }
0x489: {  	v21 =	vld [tilespmem:s7+$0x1BBB8]  }
0x48a: {  	vm0 =	vgt.f32 v17, $0.0e+00;
	v22 =	vld [tilespmem:s7+$0x1BBD8]  }
0x48b: {  	v7 =	vsel vm0, v7, v15;
	v9 =	vsel vm0, v9, v6;
	v17 =	vld [tilespmem:s7+$0x1BB98];
	v15 =	vsel vm0, v16, v11  }
0x48c: {  	v13 =	vsel vm0, v13, v5;
	v5 =	vsel vm0, v12, v3;
	v12 =	vsel vm0, v14, v4;
	v16 =	vld [tilespmem:s7+$0x1BBA8];
	[tilespmem:s5+$0x17B68] =	vst v7  }
0x48d: {  	v14 =	vsel vm0, v19, v2;
	v2 =	vsel vm0, v10, v8;
	v7 =	vld [tilespmem:s7+$0x17B68];
	[tilespmem:s5+$0x17BC8] =	vst v9;
	v6 =	vmov v20  }
0x48e: {  	v9 =	vld [tilespmem:s7+$0x17BC8];
	[tilespmem:s5+$0x17BB8] =	vst v5;
	v3 =	vmov v21  }
0x48f: {  	v5 =	vld [tilespmem:s7+$0x1BB78];
	[tilespmem:s5+$0x17BA8] =	vst v2;
	v4 =	vmov v22  }
0x490: {  	v11 =	vld [tilespmem:s7+$0x1BB88];
	[tilespmem:s5+$0x17BD8] =	vst v12;
	v2 =	vmov v17  }
0x491: {  	v10 =	vld [tilespmem:s7+$0x17BA8];
	[tilespmem:s5+$0x17B88] =	vst v15;
	v8 =	vmov v16  }
0x492: {  	v12 =	vld [tilespmem:s7+$0x17BB8];
	[tilespmem:s5+$0x17B98] =	vst v14  }
.Ltmp16:
0x493: {  	v15 =	vld [tilespmem:s7+$0x1BB68];
	[tilespmem:s5+$0x17B78] =	vst v13;
	s5 =	smov.u32 s7;
	(pc) =	sbr.rel @p3 .LBB2_25-.Ltmp16, $4  }
0x494: {  	v17 =	vld.idx.msk [tilespmem:v18+s22+$0x0], $0xffff  }
0x495: {  	v13 =	vld [tilespmem:s5+$0x17B78]  }
0x496: {  	v14 =	vld [tilespmem:s5+$0x17BD8]  }
0x497: {  	s13 =	sadd.s32 $0x1, s13;
	v16 =	vld [tilespmem:s5+$0x17B88]  }
0x498: {  	_ = 	snop  }
0x499: {  	vm0 =	vgt.f32 v17, $0.0e+00  }
0x49a: {  	v7 =	vsel vm0, v7, v15  }
0x49b: {  	v6 =	vsel vm0, v9, v6;
	[tilespmem:s5+$0x17B68] =	vst v7  }
0x49c: {  	v17 =	vld [tilespmem:s5+$0x17B98];
	v3 =	vsel vm0, v12, v3;
	[tilespmem:s5+$0x17BC8] =	vst v6  }
0x49d: {  	v6 =	vsel vm0, v10, v8;
	[tilespmem:s5+$0x17BB8] =	vst v3  }
0x49e: {  	v3 =	vsel vm0, v14, v4;
	[tilespmem:s5+$0x17BA8] =	vst v6  }
0x49f: {  	v4 =	vsel vm0, v16, v11;
	[tilespmem:s5+$0x17BD8] =	vst v3  }
0x4a0: {  	v3 =	vsel vm0, v13, v5;
	[tilespmem:s5+$0x17B88] =	vst v4  }
0x4a1: {  	[tilespmem:s5+$0x17B78] =	vst v3;
	v2 =	vsel vm0, v17, v2  }
0x4a2: {  	s6 =	simm.s32 $0x0;
	s14 =	rddreg [dreg:$0x19];
	[tilespmem:s5+$0x17B98] =	vst v2  }
0x4a3: {  	[hbm4b:s14+s6] =	stream.linear.scatter [tilespmem:s20], [sflag:$0x3], $0x4000, $0x38;
	[tilespmem:$0x1FEE8] =	vst v63  }
0x4a4: {  	_ =	swait.ge [sflag:s21], $0x4000  }
0x4a5: {  	[sflag:s21] =	ssyncset.done $0x0  }
0x4a6: {  	[sflag:s21] =	ssyncadd.s32 $0xFFFFC000  }
0x4a7: {  	[tilespmem:s20], [sflag:$0x3] =	stream.linear.gather [spmem:s9], $0x4000, $0x38;
	[tilespmem:$0x1FEE8] =	vst v63  }
0x4a8: {  	_ =	swait.ge [sflag:s21], $0x4000  }
0x4a9: {  	[sflag:s21] =	ssyncset.done $0x0  }
0x4aa: {  	s18 =	rddreg [dreg:$0x1a];
	[sflag:s21] =	ssyncadd.s32 $0xFFFFC000  }
0x4ab: {  	[tilespmem:s15], [sflag:$0x3] =	stream.linear.gather [hbm4b:s18+s6], $0x4000, $0x38;
	[tilespmem:$0x1FEE8] =	vst v63  }
0x4ac: {  	_ =	swait.ge [sflag:s21], $0x4000  }
0x4ad: {  	[sflag:s21] =	ssyncset.done $0x0  }
0x4ae: {  	[sflag:s21] =	ssyncadd.s32 $0xFFFFC000  }
0x4af: {  	[tilespmem:s22], [sflag:$0x3] =	stream.linear.gather [spmem:s10], $0x80, $0x38;
	[tilespmem:$0x1FEE8] =	vst v63  }
0x4b0: {  	_ =	swait.ge [sflag:s21], $0x80  }
0x4b1: {  	[sflag:s21] =	ssyncset.done $0x0  }
0x4b2: {  	s5 =	simm.s32 $0x0;
	[sflag:s21] =	ssyncadd.s32 $0xFFFFFF80  }
0x4b3: {  	v6 =	vld [tilespmem:s5+$0x1BBC8]  }
0x4b4: {  	v3 =	vld [tilespmem:s5+$0x1BBB8]  }
0x4b5: {  	v4 =	vld [tilespmem:s5+$0x1BBD8]  }
0x4b6: {  	v2 =	vld [tilespmem:s5+$0x1BB98]  }
0x4b7: {  	v8 =	vld [tilespmem:s5+$0x1BBA8]  }
0x4b8: {  	v7 =	vld [tilespmem:s5+$0x17B68]  }
0x4b9: {  	v9 =	vld [tilespmem:s5+$0x17BC8]  }
0x4ba: {  	v13 =	vmov s6;
	v5 =	vld [tilespmem:s5+$0x1BB78]  }
0x4bb: {  	v11 =	vld [tilespmem:s5+$0x1BB88]  }
0x4bc: {  	v10 =	vld [tilespmem:s5+$0x17BA8]  }
0x4bd: {  	v12 =	vld [tilespmem:s5+$0x17BB8]  }
0x4be: {  	v15 =	vld [tilespmem:s5+$0x1BB68]  }
0x4bf: {  	v17 =	vld.idx.msk [tilespmem:v13+s22+$0x0], $0xffff  }
0x4c0: {  	v13 =	vld [tilespmem:s5+$0x17B78]  }
0x4c1: {  	v14 =	vld [tilespmem:s5+$0x17BD8]  }
0x4c2: {  	s13 =	simm.s32 $0x1;
	s6 =	simm.s32 $0x200;
	v16 =	vld [tilespmem:s5+$0x17B88]  }
.LBB2_27:
0x4c3: {  	v18 =	vmov s13;
	s7 =	sshra.s32 s6, $0x2;
	p3 =	sne.s32 s6, $0xFE00;
	s6 =	sadd.s32 $0x200, s6;
	v19 =	vld [tilespmem:s5+$0x17B98]  }
0x4c4: {  	v20 =	vld [tilespmem:s7+$0x1BBC8]  }
0x4c5: {  	v21 =	vld [tilespmem:s7+$0x1BBB8]  }
0x4c6: {  	vm0 =	vgt.f32 v17, $0.0e+00;
	v22 =	vld [tilespmem:s7+$0x1BBD8]  }
0x4c7: {  	v7 =	vsel vm0, v7, v15;
	v9 =	vsel vm0, v9, v6;
	v17 =	vld [tilespmem:s7+$0x1BB98];
	v15 =	vsel vm0, v16, v11  }
0x4c8: {  	v13 =	vsel vm0, v13, v5;
	v5 =	vsel vm0, v12, v3;
	v12 =	vsel vm0, v14, v4;
	v16 =	vld [tilespmem:s7+$0x1BBA8];
	[tilespmem:s5+$0x17B68] =	vst v7  }
0x4c9: {  	v14 =	vsel vm0, v19, v2;
	v2 =	vsel vm0, v10, v8;
	v7 =	vld [tilespmem:s7+$0x17B68];
	[tilespmem:s5+$0x17BC8] =	vst v9;
	v6 =	vmov v20  }
0x4ca: {  	v9 =	vld [tilespmem:s7+$0x17BC8];
	[tilespmem:s5+$0x17BB8] =	vst v5;
	v3 =	vmov v21  }
0x4cb: {  	v5 =	vld [tilespmem:s7+$0x1BB78];
	[tilespmem:s5+$0x17BA8] =	vst v2;
	v4 =	vmov v22  }
0x4cc: {  	v11 =	vld [tilespmem:s7+$0x1BB88];
	[tilespmem:s5+$0x17BD8] =	vst v12;
	v2 =	vmov v17  }
0x4cd: {  	v10 =	vld [tilespmem:s7+$0x17BA8];
	[tilespmem:s5+$0x17B88] =	vst v15;
	v8 =	vmov v16  }
0x4ce: {  	v12 =	vld [tilespmem:s7+$0x17BB8];
	[tilespmem:s5+$0x17B98] =	vst v14  }
.Ltmp17:
0x4cf: {  	v15 =	vld [tilespmem:s7+$0x1BB68];
	[tilespmem:s5+$0x17B78] =	vst v13;
	s5 =	smov.u32 s7;
	(pc) =	sbr.rel @p3 .LBB2_27-.Ltmp17, $4  }
0x4d0: {  	v17 =	vld.idx.msk [tilespmem:v18+s22+$0x0], $0xffff  }
0x4d1: {  	v13 =	vld [tilespmem:s5+$0x17B78]  }
0x4d2: {  	v14 =	vld [tilespmem:s5+$0x17BD8]  }
0x4d3: {  	s13 =	sadd.s32 $0x1, s13;
	v16 =	vld [tilespmem:s5+$0x17B88]  }
0x4d4: {  	_ = 	snop  }
0x4d5: {  	vm0 =	vgt.f32 v17, $0.0e+00  }
0x4d6: {  	v7 =	vsel vm0, v7, v15  }
0x4d7: {  	v6 =	vsel vm0, v9, v6;
	[tilespmem:s5+$0x17B68] =	vst v7  }
0x4d8: {  	v17 =	vld [tilespmem:s5+$0x17B98];
	v3 =	vsel vm0, v12, v3;
	[tilespmem:s5+$0x17BC8] =	vst v6  }
0x4d9: {  	v6 =	vsel vm0, v10, v8;
	[tilespmem:s5+$0x17BB8] =	vst v3  }
0x4da: {  	v3 =	vsel vm0, v14, v4;
	[tilespmem:s5+$0x17BA8] =	vst v6  }
0x4db: {  	v4 =	vsel vm0, v16, v11;
	[tilespmem:s5+$0x17BD8] =	vst v3  }
0x4dc: {  	v3 =	vsel vm0, v13, v5;
	[tilespmem:s5+$0x17B88] =	vst v4  }
0x4dd: {  	[tilespmem:s5+$0x17B78] =	vst v3;
	v2 =	vsel vm0, v17, v2  }
0x4de: {  	s6 =	simm.s32 $0x0;
	s14 =	rddreg [dreg:$0x1b];
	[tilespmem:s5+$0x17B98] =	vst v2  }
0x4df: {  	[hbm4b:s14+s6] =	stream.linear.scatter [tilespmem:s20], [sflag:$0x3], $0x4000, $0x38;
	[tilespmem:$0x1FEE8] =	vst v63  }
0x4e0: {  	_ =	swait.ge [sflag:s21], $0x4000  }
0x4e1: {  	[sflag:s21] =	ssyncset.done $0x0  }
0x4e2: {  	[sflag:s21] =	ssyncadd.s32 $0xFFFFC000  }
0x4e3: {  	[tilespmem:s20], [sflag:$0x3] =	stream.linear.gather [spmem:s11], $0x4000, $0x38;
	[tilespmem:$0x1FEE8] =	vst v63  }
0x4e4: {  	_ =	swait.ge [sflag:s21], $0x4000  }
0x4e5: {  	[sflag:s21] =	ssyncset.done $0x0  }
0x4e6: {  	s18 =	rddreg [dreg:$0x1c];
	[sflag:s21] =	ssyncadd.s32 $0xFFFFC000  }
0x4e7: {  	[tilespmem:s15], [sflag:$0x3] =	stream.linear.gather [hbm4b:s18+s6], $0x4000, $0x38;
	[tilespmem:$0x1FEE8] =	vst v63  }
0x4e8: {  	_ =	swait.ge [sflag:s21], $0x4000  }
0x4e9: {  	[sflag:s21] =	ssyncset.done $0x0  }
0x4ea: {  	[sflag:s21] =	ssyncadd.s32 $0xFFFFC000  }
0x4eb: {  	[tilespmem:s22], [sflag:$0x3] =	stream.linear.gather [spmem:s12], $0x80, $0x38;
	[tilespmem:$0x1FEE8] =	vst v63  }
0x4ec: {  	_ =	swait.ge [sflag:s21], $0x80  }
0x4ed: {  	[sflag:s21] =	ssyncset.done $0x0  }
0x4ee: {  	s5 =	simm.s32 $0x0;
	[sflag:s21] =	ssyncadd.s32 $0xFFFFFF80  }
0x4ef: {  	v6 =	vld [tilespmem:s5+$0x1BBC8]  }
0x4f0: {  	v3 =	vld [tilespmem:s5+$0x1BBB8]  }
0x4f1: {  	v4 =	vld [tilespmem:s5+$0x1BBD8]  }
0x4f2: {  	v2 =	vld [tilespmem:s5+$0x1BB98]  }
0x4f3: {  	v8 =	vld [tilespmem:s5+$0x1BBA8]  }
0x4f4: {  	v7 =	vld [tilespmem:s5+$0x17B68]  }
0x4f5: {  	v9 =	vld [tilespmem:s5+$0x17BC8]  }
0x4f6: {  	v13 =	vmov s6;
	v5 =	vld [tilespmem:s5+$0x1BB78]  }
0x4f7: {  	v11 =	vld [tilespmem:s5+$0x1BB88]  }
0x4f8: {  	v10 =	vld [tilespmem:s5+$0x17BA8]  }
0x4f9: {  	v12 =	vld [tilespmem:s5+$0x17BB8]  }
0x4fa: {  	v15 =	vld [tilespmem:s5+$0x1BB68]  }
0x4fb: {  	v17 =	vld.idx.msk [tilespmem:v13+s22+$0x0], $0xffff  }
0x4fc: {  	v13 =	vld [tilespmem:s5+$0x17B78]  }
0x4fd: {  	v14 =	vld [tilespmem:s5+$0x17BD8]  }
0x4fe: {  	s13 =	simm.s32 $0x1;
	s6 =	simm.s32 $0x200;
	v16 =	vld [tilespmem:s5+$0x17B88]  }
.LBB2_29:
0x4ff: {  	v18 =	vmov s13;
	s7 =	sshra.s32 s6, $0x2;
	p3 =	sne.s32 s6, $0xFE00;
	s6 =	sadd.s32 $0x200, s6;
	v19 =	vld [tilespmem:s5+$0x17B98]  }
0x500: {  	v20 =	vld [tilespmem:s7+$0x1BBC8]  }
0x501: {  	v21 =	vld [tilespmem:s7+$0x1BBB8]  }
0x502: {  	vm0 =	vgt.f32 v17, $0.0e+00;
	v22 =	vld [tilespmem:s7+$0x1BBD8]  }
0x503: {  	v7 =	vsel vm0, v7, v15;
	v9 =	vsel vm0, v9, v6;
	v17 =	vld [tilespmem:s7+$0x1BB98];
	v15 =	vsel vm0, v16, v11  }
0x504: {  	v13 =	vsel vm0, v13, v5;
	v5 =	vsel vm0, v12, v3;
	v12 =	vsel vm0, v14, v4;
	v16 =	vld [tilespmem:s7+$0x1BBA8];
	[tilespmem:s5+$0x17B68] =	vst v7  }
0x505: {  	v14 =	vsel vm0, v19, v2;
	v2 =	vsel vm0, v10, v8;
	v7 =	vld [tilespmem:s7+$0x17B68];
	[tilespmem:s5+$0x17BC8] =	vst v9;
	v6 =	vmov v20  }
0x506: {  	v9 =	vld [tilespmem:s7+$0x17BC8];
	[tilespmem:s5+$0x17BB8] =	vst v5;
	v3 =	vmov v21  }
0x507: {  	v5 =	vld [tilespmem:s7+$0x1BB78];
	[tilespmem:s5+$0x17BA8] =	vst v2;
	v4 =	vmov v22  }
0x508: {  	v11 =	vld [tilespmem:s7+$0x1BB88];
	[tilespmem:s5+$0x17BD8] =	vst v12;
	v2 =	vmov v17  }
0x509: {  	v10 =	vld [tilespmem:s7+$0x17BA8];
	[tilespmem:s5+$0x17B88] =	vst v15;
	v8 =	vmov v16  }
0x50a: {  	v12 =	vld [tilespmem:s7+$0x17BB8];
	[tilespmem:s5+$0x17B98] =	vst v14  }
.Ltmp18:
0x50b: {  	v15 =	vld [tilespmem:s7+$0x1BB68];
	[tilespmem:s5+$0x17B78] =	vst v13;
	s5 =	smov.u32 s7;
	(pc) =	sbr.rel @p3 .LBB2_29-.Ltmp18, $4  }
0x50c: {  	v17 =	vld.idx.msk [tilespmem:v18+s22+$0x0], $0xffff  }
0x50d: {  	v13 =	vld [tilespmem:s5+$0x17B78]  }
0x50e: {  	v14 =	vld [tilespmem:s5+$0x17BD8]  }
0x50f: {  	s13 =	sadd.s32 $0x1, s13;
	v16 =	vld [tilespmem:s5+$0x17B88]  }
0x510: {  	_ = 	snop  }
0x511: {  	vm0 =	vgt.f32 v17, $0.0e+00  }
0x512: {  	v7 =	vsel vm0, v7, v15  }
0x513: {  	v6 =	vsel vm0, v9, v6;
	[tilespmem:s5+$0x17B68] =	vst v7  }
0x514: {  	v61 =	vld [tilespmem:s5+$0x17B98];
	v3 =	vsel vm0, v12, v3;
	[tilespmem:s5+$0x17BC8] =	vst v6  }
0x515: {  	v62 =	vsel vm0, v10, v8;
	[tilespmem:s5+$0x17BB8] =	vst v3  }
0x516: {  	v3 =	vsel vm0, v14, v4;
	[tilespmem:s5+$0x17BA8] =	vst v62  }
0x517: {  	v63 =	vsel vm0, v16, v11;
	[tilespmem:s5+$0x17BD8] =	vst v3  }
0x518: {  	v3 =	vsel vm0, v13, v5;
	[tilespmem:s5+$0x17B88] =	vst v63  }
0x519: {  	v2 =	vsel vm0, v61, v2;
	[tilespmem:s5+$0x17B78] =	vst v3  }
.Ltmp19:
0x51a: {  	s18 =	rddreg [dreg:$0x1d];
	[tilespmem:s5+$0x17B98] =	vst v2;
	(pc) =	sbr.rel @!p1 .LBB2_31-.Ltmp19, $4  }
0x51b: {  	[hbm4b:s18+s17] =	stream.linear.scatter [tilespmem:s20], [sflag:$0x3], $0x4000, $0x38;
	[tilespmem:$0x1FEE8] =	vst v63  }
0x51c: {  	_ =	swait.ge [sflag:s21], $0x4000  }
0x51d: {  	[sflag:s21] =	ssyncset.done $0x0  }
0x51e: {  	[sflag:s21] =	ssyncadd.s32 $0xFFFFC000  }
0x51f: {  	s5 =	sld [smem:$0x7FB];
	_ =	sdelay $0x2  }
0x520: {  	[tilespmem:s20], [sflag:$0x3] =	stream.linear.gather [spmem:s5], $0x400, $0x38;
	[tilespmem:$0x1FEE8] =	vst v63  }
0x521: {  	_ =	swait.ge [sflag:s21], $0x400  }
0x522: {  	s14 =	sld [smem:$0x7DD]  }
0x523: {  	[sflag:s21] =	ssyncset.done $0x0  }
0x524: {  	s6 =	simm.s32 $0x0;
	[sflag:s21] =	ssyncadd.s32 $0xFFFFFC00  }
0x525: {  	[tilespmem:s15], [sflag:$0x3] =	stream.linear.gather [hbm4b:s14+s6], $0x400, $0x38;
	[tilespmem:$0x1FEE8] =	vst v63  }
0x526: {  	_ =	swait.ge [sflag:s21], $0x400  }
0x527: {  	s18 =	sld [smem:$0x7FC]  }
0x528: {  	[sflag:s21] =	ssyncset.done $0x0  }
0x529: {  	[sflag:s21] =	ssyncadd.s32 $0xFFFFFC00  }
0x52a: {  	[tilespmem:s22], [sflag:$0x3] =	stream.linear.gather [spmem:s18], $0x8, $0x38;
	[tilespmem:$0x1FEE8] =	vst v63  }
0x52b: {  	_ =	swait.ge [sflag:s21], $0x8  }
0x52c: {  	[sflag:s21] =	ssyncset.done $0x0  }
0x52d: {  	s5 =	simm.s32 $0x0;
	[sflag:s21] =	ssyncadd.s32 $0xFFFFFFF8  }
0x52e: {  	v6 =	vld [tilespmem:s5+$0x1BBC8]  }
0x52f: {  	v3 =	vld [tilespmem:s5+$0x1BBB8]  }
0x530: {  	v4 =	vld [tilespmem:s5+$0x1BBD8]  }
0x531: {  	v2 =	vld [tilespmem:s5+$0x1BB98]  }
0x532: {  	v8 =	vld [tilespmem:s5+$0x1BBA8]  }
0x533: {  	v7 =	vld [tilespmem:s5+$0x17B68]  }
0x534: {  	v9 =	vld [tilespmem:s5+$0x17BC8]  }
0x535: {  	v13 =	vmov s6;
	v5 =	vld [tilespmem:s5+$0x1BB78]  }
0x536: {  	v11 =	vld [tilespmem:s5+$0x1BB88]  }
0x537: {  	v10 =	vld [tilespmem:s5+$0x17BA8]  }
0x538: {  	v12 =	vld [tilespmem:s5+$0x17BB8]  }
0x539: {  	v15 =	vld [tilespmem:s5+$0x1BB68]  }
0x53a: {  	v17 =	vld.idx.msk [tilespmem:v13+s22+$0x0], $0xffff  }
0x53b: {  	v13 =	vld [tilespmem:s5+$0x17B78]  }
0x53c: {  	v14 =	vld [tilespmem:s5+$0x17BD8]  }
0x53d: {  	s13 =	simm.s32 $0x1;
	s6 =	simm.s32 $0x200;
	v16 =	vld [tilespmem:s5+$0x17B88]  }
.LBB2_35:
0x53e: {  	v18 =	vmov s13;
	s7 =	sshra.s32 s6, $0x2;
	p3 =	sne.s32 s6, $0xE00;
	s6 =	sadd.s32 $0x200, s6;
	v19 =	vld [tilespmem:s5+$0x17B98]  }
0x53f: {  	v20 =	vld [tilespmem:s7+$0x1BBC8]  }
0x540: {  	v21 =	vld [tilespmem:s7+$0x1BBB8]  }
0x541: {  	vm0 =	vgt.f32 v17, $0.0e+00;
	v22 =	vld [tilespmem:s7+$0x1BBD8]  }
0x542: {  	v7 =	vsel vm0, v7, v15;
	v9 =	vsel vm0, v9, v6;
	v17 =	vld [tilespmem:s7+$0x1BB98];
	v15 =	vsel vm0, v16, v11  }
0x543: {  	v13 =	vsel vm0, v13, v5;
	v5 =	vsel vm0, v12, v3;
	v12 =	vsel vm0, v14, v4;
	v16 =	vld [tilespmem:s7+$0x1BBA8];
	[tilespmem:s5+$0x17B68] =	vst v7  }
0x544: {  	v14 =	vsel vm0, v19, v2;
	v2 =	vsel vm0, v10, v8;
	v7 =	vld [tilespmem:s7+$0x17B68];
	[tilespmem:s5+$0x17BC8] =	vst v9;
	v6 =	vmov v20  }
0x545: {  	v9 =	vld [tilespmem:s7+$0x17BC8];
	[tilespmem:s5+$0x17BB8] =	vst v5;
	v3 =	vmov v21  }
0x546: {  	v5 =	vld [tilespmem:s7+$0x1BB78];
	[tilespmem:s5+$0x17BA8] =	vst v2;
	v4 =	vmov v22  }
0x547: {  	v11 =	vld [tilespmem:s7+$0x1BB88];
	[tilespmem:s5+$0x17BD8] =	vst v12;
	v2 =	vmov v17  }
0x548: {  	v10 =	vld [tilespmem:s7+$0x17BA8];
	[tilespmem:s5+$0x17B88] =	vst v15;
	v8 =	vmov v16  }
0x549: {  	v12 =	vld [tilespmem:s7+$0x17BB8];
	[tilespmem:s5+$0x17B98] =	vst v14  }
.Ltmp20:
0x54a: {  	v15 =	vld [tilespmem:s7+$0x1BB68];
	[tilespmem:s5+$0x17B78] =	vst v13;
	s5 =	smov.u32 s7;
	(pc) =	sbr.rel @p3 .LBB2_35-.Ltmp20, $4  }
0x54b: {  	v17 =	vld.idx.msk [tilespmem:v18+s22+$0x0], $0xffff  }
0x54c: {  	v13 =	vld [tilespmem:s5+$0x17B78]  }
0x54d: {  	v14 =	vld [tilespmem:s5+$0x17BD8]  }
0x54e: {  	s13 =	sadd.s32 $0x1, s13;
	v16 =	vld [tilespmem:s5+$0x17B88]  }
0x54f: {  	_ = 	snop  }
0x550: {  	vm0 =	vgt.f32 v17, $0.0e+00  }
0x551: {  	v7 =	vsel vm0, v7, v15  }
0x552: {  	v6 =	vsel vm0, v9, v6;
	[tilespmem:s5+$0x17B68] =	vst v7  }
0x553: {  	v61 =	vld [tilespmem:s5+$0x17B98];
	v3 =	vsel vm0, v12, v3;
	[tilespmem:s5+$0x17BC8] =	vst v6  }
0x554: {  	v62 =	vsel vm0, v10, v8;
	[tilespmem:s5+$0x17BB8] =	vst v3  }
0x555: {  	v3 =	vsel vm0, v14, v4;
	[tilespmem:s5+$0x17BA8] =	vst v62  }
0x556: {  	v63 =	vsel vm0, v16, v11;
	[tilespmem:s5+$0x17BD8] =	vst v3  }
0x557: {  	s18 =	sld [smem:$0x7DE];
	v3 =	vsel vm0, v13, v5;
	[tilespmem:s5+$0x17B88] =	vst v63  }
0x558: {  	v2 =	vsel vm0, v61, v2;
	[tilespmem:s5+$0x17B78] =	vst v3  }
.Ltmp21:
0x559: {  	[tilespmem:s5+$0x17B98] =	vst v2;
	(pc) =	sbr.rel .LBB2_37-.Ltmp21, $4  }
0x55a: {  	[hbm4b:s18+s17] =	stream.linear.scatter [tilespmem:s20], [sflag:$0x3], $0x400, $0x38;
	[tilespmem:$0x1FEE8] =	vst v63  }
0x55b: {  	_ =	swait.ge [sflag:s21], $0x400  }
0x55c: {  	[sflag:s21] =	ssyncset.done $0x0  }
0x55d: {  	[sflag:s21] =	ssyncadd.s32 $0xFFFFFC00  }
.LBB2_31:
0x55e: {  	s5 =	sld [smem:$0x7E1];
	_ =	sdelay $0x2  }
0x55f: {  	[tilespmem:s20], [sflag:$0x3] =	stream.linear.gather [spmem:s5], $0x3C00, $0x38;
	[tilespmem:$0x1FEE8] =	vst v63  }
0x560: {  	_ =	swait.ge [sflag:s21], $0x3C00  }
0x561: {  	[sflag:s21] =	ssyncset.done $0x0  }
0x562: {  	s6 =	simm.s32 $0x0;
	s14 =	rddreg [dreg:$0x1e];
	[sflag:s21] =	ssyncadd.s32 $0xFFFFC400  }
0x563: {  	[tilespmem:s15], [sflag:$0x3] =	stream.linear.gather [hbm4b:s14+s6], $0x3C00, $0x38;
	[tilespmem:$0x1FEE8] =	vst v63  }
0x564: {  	_ =	swait.ge [sflag:s21], $0x3C00  }
0x565: {  	s18 =	sld [smem:$0x7E2]  }
0x566: {  	[sflag:s21] =	ssyncset.done $0x0  }
0x567: {  	[sflag:s21] =	ssyncadd.s32 $0xFFFFC400  }
0x568: {  	[tilespmem:s22], [sflag:$0x3] =	stream.linear.gather [spmem:s18], $0x78, $0x38;
	[tilespmem:$0x1FEE8] =	vst v63  }
0x569: {  	_ =	swait.ge [sflag:s21], $0x78  }
0x56a: {  	[sflag:s21] =	ssyncset.done $0x0  }
0x56b: {  	s5 =	simm.s32 $0x0;
	[sflag:s21] =	ssyncadd.s32 $0xFFFFFF88  }
0x56c: {  	v6 =	vld [tilespmem:s5+$0x1BBC8]  }
0x56d: {  	v3 =	vld [tilespmem:s5+$0x1BBB8]  }
0x56e: {  	v4 =	vld [tilespmem:s5+$0x1BBD8]  }
0x56f: {  	v2 =	vld [tilespmem:s5+$0x1BB98]  }
0x570: {  	v8 =	vld [tilespmem:s5+$0x1BBA8]  }
0x571: {  	v7 =	vld [tilespmem:s5+$0x17B68]  }
0x572: {  	v9 =	vld [tilespmem:s5+$0x17BC8]  }
0x573: {  	v13 =	vmov s6;
	v5 =	vld [tilespmem:s5+$0x1BB78]  }
0x574: {  	v11 =	vld [tilespmem:s5+$0x1BB88]  }
0x575: {  	v10 =	vld [tilespmem:s5+$0x17BA8]  }
0x576: {  	v12 =	vld [tilespmem:s5+$0x17BB8]  }
0x577: {  	v15 =	vld [tilespmem:s5+$0x1BB68]  }
0x578: {  	v17 =	vld.idx.msk [tilespmem:v13+s22+$0x0], $0xffff  }
0x579: {  	v13 =	vld [tilespmem:s5+$0x17B78]  }
0x57a: {  	v14 =	vld [tilespmem:s5+$0x17BD8]  }
0x57b: {  	s13 =	simm.s32 $0x1;
	s6 =	simm.s32 $0x200;
	v16 =	vld [tilespmem:s5+$0x17B88]  }
.LBB2_32:
0x57c: {  	v18 =	vmov s13;
	s7 =	sshra.s32 s6, $0x2;
	p3 =	sne.s32 s6, $0xEE00;
	s6 =	sadd.s32 $0x200, s6;
	v19 =	vld [tilespmem:s5+$0x17B98]  }
0x57d: {  	v20 =	vld [tilespmem:s7+$0x1BBC8]  }
0x57e: {  	v21 =	vld [tilespmem:s7+$0x1BBB8]  }
0x57f: {  	vm0 =	vgt.f32 v17, $0.0e+00;
	v22 =	vld [tilespmem:s7+$0x1BBD8]  }
0x580: {  	v7 =	vsel vm0, v7, v15;
	v9 =	vsel vm0, v9, v6;
	v17 =	vld [tilespmem:s7+$0x1BB98];
	v15 =	vsel vm0, v16, v11  }
0x581: {  	v13 =	vsel vm0, v13, v5;
	v5 =	vsel vm0, v12, v3;
	v12 =	vsel vm0, v14, v4;
	v16 =	vld [tilespmem:s7+$0x1BBA8];
	[tilespmem:s5+$0x17B68] =	vst v7  }
0x582: {  	v14 =	vsel vm0, v19, v2;
	v2 =	vsel vm0, v10, v8;
	v7 =	vld [tilespmem:s7+$0x17B68];
	[tilespmem:s5+$0x17BC8] =	vst v9;
	v6 =	vmov v20  }
0x583: {  	v9 =	vld [tilespmem:s7+$0x17BC8];
	[tilespmem:s5+$0x17BB8] =	vst v5;
	v3 =	vmov v21  }
0x584: {  	v5 =	vld [tilespmem:s7+$0x1BB78];
	[tilespmem:s5+$0x17BA8] =	vst v2;
	v4 =	vmov v22  }
0x585: {  	v11 =	vld [tilespmem:s7+$0x1BB88];
	[tilespmem:s5+$0x17BD8] =	vst v12;
	v2 =	vmov v17  }
0x586: {  	v10 =	vld [tilespmem:s7+$0x17BA8];
	[tilespmem:s5+$0x17B88] =	vst v15;
	v8 =	vmov v16  }
0x587: {  	v12 =	vld [tilespmem:s7+$0x17BB8];
	[tilespmem:s5+$0x17B98] =	vst v14  }
.Ltmp22:
0x588: {  	v15 =	vld [tilespmem:s7+$0x1BB68];
	[tilespmem:s5+$0x17B78] =	vst v13;
	s5 =	smov.u32 s7;
	(pc) =	sbr.rel @p3 .LBB2_32-.Ltmp22, $4  }
0x589: {  	v17 =	vld.idx.msk [tilespmem:v18+s22+$0x0], $0xffff  }
0x58a: {  	v13 =	vld [tilespmem:s5+$0x17B78]  }
0x58b: {  	v14 =	vld [tilespmem:s5+$0x17BD8]  }
0x58c: {  	s13 =	sadd.s32 $0x1, s13;
	v16 =	vld [tilespmem:s5+$0x17B88]  }
0x58d: {  	_ = 	snop  }
0x58e: {  	vm0 =	vgt.f32 v17, $0.0e+00  }
0x58f: {  	v7 =	vsel vm0, v7, v15  }
0x590: {  	v6 =	vsel vm0, v9, v6;
	[tilespmem:s5+$0x17B68] =	vst v7  }
0x591: {  	v61 =	vld [tilespmem:s5+$0x17B98];
	v3 =	vsel vm0, v12, v3;
	[tilespmem:s5+$0x17BC8] =	vst v6  }
0x592: {  	v62 =	vsel vm0, v10, v8;
	[tilespmem:s5+$0x17BB8] =	vst v3  }
0x593: {  	v3 =	vsel vm0, v14, v4;
	[tilespmem:s5+$0x17BA8] =	vst v62  }
0x594: {  	v63 =	vsel vm0, v16, v11;
	[tilespmem:s5+$0x17BD8] =	vst v3  }
0x595: {  	v3 =	vsel vm0, v13, v5;
	[tilespmem:s5+$0x17B88] =	vst v63  }
0x596: {  	v2 =	vsel vm0, v61, v2;
	[tilespmem:s5+$0x17B78] =	vst v3  }
.Ltmp23:
0x597: {  	s18 =	rddreg [dreg:$0x1f];
	[tilespmem:s5+$0x17B98] =	vst v2;
	(pc) =	sbr.rel .LBB2_37-.Ltmp23, $4  }
0x598: {  	[hbm4b:s18+s17] =	stream.linear.scatter [tilespmem:s20], [sflag:$0x3], $0x3C00, $0x38;
	[tilespmem:$0x1FEE8] =	vst v63  }
0x599: {  	_ =	swait.ge [sflag:s21], $0x3C00  }
0x59a: {  	[sflag:s21] =	ssyncset.done $0x0  }
0x59b: {  	[sflag:s21] =	ssyncadd.s32 $0xFFFFC400  }
.LBB2_38:
0x59c: {  	_ =	sfence.sel $0x180000  }
0x59d: {  	[bflag:$0x0] =	sbarrier.arrive $0xFFFF  }
0x59e: {  	_ =	strace $0x90000047  }
0x59f: {  	s0 =	stileid.u32;
	[bflag:$0x2] =	sbarrier.arrive $0xFFFF  }
0x5a0: {  	p0 =	sne.s32 s0, $0x0;
	s0 =	rddreg [dreg:$0x5]  }
0x5a1: {  	s0 =	sadd.s32 @!p0 $0x100000, s0  }
0x5a2: {  	[sflag:s0] =	ssyncadd.tile.s32 @!p0 $0x1;
	_ =	shalt  }
.Lfunc_end2:
_tile_overlayer_lowered:
.L_overlay_start_2:
0x5a3: {  	(tag) =	ssettag $0x2  }
0x5a4: {  	s0 =	rddreg [dreg:$0x0];
	s2 =	stileid.u32  }
0x5a5: {  	s1 =	rddreg [dreg:$0x1];
	p0 =	sne.s32 s2, $0x0  }
0x5a6: {  	s3 =	rddreg [dreg:$0x2];
	[bflag:$0x3] =	sbarrier.arrive $0xFFFF;
	s2 =	simm.s32 @!p0 $0x1C03  }
0x5a7: {  	[timem:s3], [sflag:s2] =	dma.local @!p0 [hbm:s0], s1  }
0x5a8: {  	s0 =	simm.s32 @!p0 $0x3  }
0x5a9: {  	_ =	swait.ge @!p0 [sflag:s0], s1  }
0x5aa: {  	s1 =	ssub.s32 @!p0 $0x0, s1;
	[sflag:s0] =	ssyncset.done @!p0 $0x0  }
0x5ab: {  	[sflag:s0] =	ssyncadd.s32 @!p0 s1  }
0x5ac: {  	[bflag:$0x3] =	sbarrier.arrive $0xFFFF  }
0x5ad: {  	_ =	shalt  }

</sc_bundles>
